<compile_context>
chip_gen: v7x
topology: tpu7x:2x2x1
jax: 0.10.2.dev20260603
libtpu: 0.0.44.dev20260713+nightly
codegen_flags: <defaults>
</compile_context>

<pallas_src>
import functools

import jax
import jax.numpy as jnp
from jax import lax
from jax.experimental import pallas as pl
from jax.experimental.pallas import tpu as pltpu
from jax.experimental.pallas import tpu_sc as plsc

B, L = 16384, 200
N = B * L
NW = 32
QB = 4096
NQ = (B // QB) * L
UNITS_W = NQ // NW
NIN = 3

_mesh = plsc.VectorSubcoreMesh(core_axis_name="c", subcore_axis_name="s")


@functools.partial(
    pl.kernel,
    mesh=_mesh,
    compiler_params=pltpu.CompilerParams(
        needs_layout_passes=False,
    ),
    out_type=jax.ShapeDtypeStruct((N,), jnp.float32),
    scratch_types=[
        pltpu.VMEM((16,), jnp.float32),
        pltpu.VMEM((1, QB), jnp.int32),
        pltpu.VMEM((1, QB), jnp.int32),
        pltpu.VMEM((1, QB), jnp.int32),
        pltpu.VMEM((QB,), jnp.float32),
        pltpu.VMEM((QB,), jnp.float32),
        pltpu.VMEM((QB,), jnp.float32),
        pltpu.SemaphoreType.DMA,
        pltpu.SemaphoreType.DMA,
        pltpu.SemaphoreType.DMA,
        pltpu.SemaphoreType.DMA,
        pltpu.SemaphoreType.DMA,
        pltpu.SemaphoreType.DMA,
    ],
)
def _lookup(xt_hbm, tab_hbm, out_hbm, tab_v, idx0, idx1, idx2,
            out0, out1, out2,
            si0, si1, si2, so0, so1, so2):
    wid = lax.axis_index("s") * 2 + lax.axis_index("c")
    q0 = wid * UNITS_W
    idx_bufs = (idx0, idx1, idx2)
    out_bufs = (out0, out1, out2)
    si = (si0, si1, si2)
    so = (so0, so1, so2)

    pltpu.sync_copy(tab_hbm, tab_v)

    NB = B // QB

    def unit_coords(u):
        q = q0 + u
        return q // NB, (q % NB) * QB

    in_handles = [None] * NIN
    out_handles = [None] * 3

    def start_in(u):
        r = u % NIN
        lq, bq = unit_coords(u)
        in_handles[r] = pltpu.async_copy(
            xt_hbm.at[pl.ds(lq, 1), pl.ds(bq, QB)], idx_bufs[r], si[r]
        )

    for u in range(min(NIN - 1, UNITS_W)):
        start_in(u)
    for u in range(UNITS_W):
        r = u % NIN
        b = u % 3
        if u + NIN - 1 < UNITS_W:
            start_in(u + NIN - 1)
        in_handles[r].wait()
        if u >= 3:
            out_handles[b].wait()
        ib = idx_bufs[r]
        ob = out_bufs[b]

        @plsc.parallel_loop(0, QB, step=16, unroll=8)
        def _win(i, ib=ib, ob=ob):
            iv = ib[0, pl.ds(i, 16)]
            ob[pl.ds(i, 16)] = plsc.load_gather(tab_v, [iv])

        lq, bq = unit_coords(u)
        out_handles[b] = pltpu.async_copy(
            ob, out_hbm.at[pl.ds(lq * B + bq, QB)], so[b]
        )
    for h in out_handles:
        h.wait()


def kernel(x, table):
    tab16 = jnp.pad(table.reshape(11), (0, 5))
    flat = _lookup(x.T, tab16)
    return flat.reshape(L, B, 1).transpose(1, 0, 2)

# --- scband reference (transcript-rebuilt; emitter-appended) ---
"""Pipeline reference for scband-scale-net-16716012716327 (READ-ONLY COPY).

The authoritative reference and input builder live on the scoring server;
editing this copy changes nothing except your own understanding.
"""

import jax, jax.numpy as jnp
import numpy as np


def setup_inputs(seed: int = 0) -> dict:
    key = jax.random.key(seed)
    k1, k2 = jax.random.split(key)
    x = jax.random.randint(k1, (16384, 200), 0, 11, dtype=jnp.int64 if jax.config.jax_enable_x64 else jnp.int32)
    # nn.Embedding(11, 1) weight, default init N(0,1)
    table = jax.random.normal(k2, (11, 1), dtype=jnp.float32)
    return {"x": x, "table": table}


def reference(x, table):
    # Faithful translation of: x = self.embedding(x.long())
    out = jnp.take(table, x.astype(jnp.int32), axis=0)  # [B, L, 1]
    return out

if __name__ == "__main__":
    import jax
    _d = setup_inputs()
    print(jax.jit(kernel)(*tuple(_d.values())))

</pallas_src>

<mosaic_0001>
#map = affine_map<(d0, d1) -> (0, 0)>
#map1 = affine_map<(d0, d1) -> (0)>
module attributes {stable_mosaic.version = 14 : i64} {
  func.func @_lookup(%arg0: i32, %arg1: i32, %arg2: memref<200x16384xi32, #tpu.memory_space<hbm>>, %arg3: memref<16xf32, #tpu.memory_space<hbm>>, %arg4: memref<3276800xf32, #tpu.memory_space<hbm>>, %arg5: memref<16xf32, #tpu.memory_space<vmem>>, %arg6: memref<1x4096xi32, #tpu.memory_space<vmem>>, %arg7: memref<1x4096xi32, #tpu.memory_space<vmem>>, %arg8: memref<1x4096xi32, #tpu.memory_space<vmem>>, %arg9: memref<4096xf32, #tpu.memory_space<vmem>>, %arg10: memref<4096xf32, #tpu.memory_space<vmem>>, %arg11: memref<4096xf32, #tpu.memory_space<vmem>>, %arg12: memref<!tpu.dma_semaphore, #tpu.memory_space<semaphore_mem>>, %arg13: memref<!tpu.dma_semaphore, #tpu.memory_space<semaphore_mem>>, %arg14: memref<!tpu.dma_semaphore, #tpu.memory_space<semaphore_mem>>, %arg15: memref<!tpu.dma_semaphore, #tpu.memory_space<semaphore_mem>>, %arg16: memref<!tpu.dma_semaphore, #tpu.memory_space<semaphore_mem>>, %arg17: memref<!tpu.dma_semaphore, #tpu.memory_space<semaphore_mem>>) attributes {dimension_semantics = [#tpu.dimension_semantics<core_parallel>, #tpu.dimension_semantics<subcore_parallel>], iteration_bounds = array<i64: 2, 16>, scalar_prefetch = 0 : i64, scratch_operands = 13 : i64, tpu.core_type = #tpu.core_type<sc_vector_subcore>, window_params = [{transform_indices = #map}, {transform_indices = #map1}, {transform_indices = #map1}]} {
    %mul3A = arith.constant 2 : i32
    %mul3A_0 = arith.muli %arg1, %mul3A : i32
    %add3A = arith.addi %mul3A_0, %arg0 : i32
    %mul3A_1 = arith.constant 25 : i32
    %mul3A_2 = arith.muli %add3A, %mul3A_1 : i32
    "tpu.region"() ({
      %run_scoped3A = tpu.sem_alloc : memref<!tpu.dma_semaphore, #tpu.memory_space<semaphore_mem>>
      tpu.enqueue_dma source(%arg3 : memref<16xf32, #tpu.memory_space<hbm>>) target(%arg5 : memref<16xf32, #tpu.memory_space<vmem>>) target_semaphore(%run_scoped3A : memref<!tpu.dma_semaphore, #tpu.memory_space<semaphore_mem>>)
      tpu.wait_dma2 semaphore(%run_scoped3A : memref<!tpu.dma_semaphore, #tpu.memory_space<semaphore_mem>>) src(%arg3 : memref<16xf32, #tpu.memory_space<hbm>>) dst(%arg5 : memref<16xf32, #tpu.memory_space<vmem>>)
      tpu.yield
    }) : () -> ()
    %add3A_3 = arith.constant 0 : i32
    %add3A_4 = arith.addi %mul3A_2, %add3A_3 : i32
    %jit3A = arith.constant 4 : i32
    %div3A = arith.divsi %add3A_4, %jit3A : i32
    %sign3A = arith.constant 0 : i32
    %sign3A_5 = arith.cmpi sgt, %add3A_4, %sign3A : i32
    %sign3A_6 = arith.extui %sign3A_5 : i1 to i32
    %sign3A_7 = arith.constant 0 : i32
    %sign3A_8 = arith.cmpi slt, %add3A_4, %sign3A_7 : i32
    %sign3A_9 = arith.extui %sign3A_8 : i1 to i32
    %sign3A_10 = arith.subi %sign3A_6, %sign3A_9 : i32
    %sign3A_11 = arith.constant 0 : i32
    %sign3A_12 = arith.cmpi sgt, %jit3A, %sign3A_11 : i32
    %sign3A_13 = arith.extui %sign3A_12 : i1 to i32
    %sign3A_14 = arith.constant 0 : i32
    %sign3A_15 = arith.cmpi slt, %jit3A, %sign3A_14 : i32
    %sign3A_16 = arith.extui %sign3A_15 : i1 to i32
    %sign3A_17 = arith.subi %sign3A_13, %sign3A_16 : i32
    %ne3A = arith.cmpi ne, %sign3A_10, %sign3A_17 : i32
    %rem3A = arith.remsi %add3A_4, %jit3A : i32
    %ne3A_18 = arith.constant 0 : i32
    %ne3A_19 = arith.cmpi ne, %rem3A, %ne3A_18 : i32
    %and3A = arith.andi %ne3A, %ne3A_19 : i1
    %sub3A = arith.constant 1 : i32
    %sub3A_20 = arith.subi %div3A, %sub3A : i32
    %select_n3A = arith.select %and3A, %sub3A_20, %div3A : i32
    %jit3A_21 = arith.constant 4 : i32
    %eq3A = arith.constant 0 : i32
    %eq3A_22 = arith.cmpi eq, %jit3A_21, %eq3A : i32
    %jit3A_23 = arith.constant 1 : i32
    %select_n3A_24 = arith.select %eq3A_22, %jit3A_23, %jit3A_21 : i32
    %rem3A_25 = arith.remsi %add3A_4, %select_n3A_24 : i32
    %ne3A_26 = arith.constant 0 : i32
    %ne3A_27 = arith.cmpi ne, %rem3A_25, %ne3A_26 : i32
    %lt3A = arith.constant 0 : i32
    %lt3A_28 = arith.cmpi slt, %rem3A_25, %lt3A : i32
    %lt3A_29 = arith.constant 0 : i32
    %lt3A_30 = arith.cmpi slt, %select_n3A_24, %lt3A_29 : i32
    %ne3A_31 = arith.xori %lt3A_28, %lt3A_30 : i1
    %and3A_32 = arith.andi %ne3A_31, %ne3A_27 : i1
    %add3A_33 = arith.addi %rem3A_25, %select_n3A_24 : i32
    %select_n3A_34 = arith.select %and3A_32, %add3A_33, %rem3A_25 : i32
    %mul3A_35 = arith.constant 4096 : i32
    %mul3A_36 = arith.muli %select_n3A_34, %mul3A_35 : i32
    %dma_start3A = tpu.memref_slice %arg2[%select_n3A, %mul3A_36] : memref<200x16384xi32, #tpu.memory_space<hbm>> -> memref<1x4096xi32, #tpu.memory_space<hbm>>
    %dma_start3A_37 = tpu.memref_slice %arg2[%select_n3A, %mul3A_36] : memref<200x16384xi32, #tpu.memory_space<hbm>> -> memref<1x4096xi32, #tpu.memory_space<hbm>>
    tpu.enqueue_dma source(%dma_start3A_37 : memref<1x4096xi32, #tpu.memory_space<hbm>>) target(%arg6 : memref<1x4096xi32, #tpu.memory_space<vmem>>) target_semaphore(%arg12 : memref<!tpu.dma_semaphore, #tpu.memory_space<semaphore_mem>>)
    %add3A_38 = arith.constant 1 : i32
    %add3A_39 = arith.addi %mul3A_2, %add3A_38 : i32
    %jit3A_40 = arith.constant 4 : i32
    %div3A_41 = arith.divsi %add3A_39, %jit3A_40 : i32
    %sign3A_42 = arith.constant 0 : i32
    %sign3A_43 = arith.cmpi sgt, %add3A_39, %sign3A_42 : i32
    %sign3A_44 = arith.extui %sign3A_43 : i1 to i32
    %sign3A_45 = arith.constant 0 : i32
    %sign3A_46 = arith.cmpi slt, %add3A_39, %sign3A_45 : i32
    %sign3A_47 = arith.extui %sign3A_46 : i1 to i32
    %sign3A_48 = arith.subi %sign3A_44, %sign3A_47 : i32
    %sign3A_49 = arith.constant 0 : i32
    %sign3A_50 = arith.cmpi sgt, %jit3A_40, %sign3A_49 : i32
    %sign3A_51 = arith.extui %sign3A_50 : i1 to i32
    %sign3A_52 = arith.constant 0 : i32
    %sign3A_53 = arith.cmpi slt, %jit3A_40, %sign3A_52 : i32
    %sign3A_54 = arith.extui %sign3A_53 : i1 to i32
    %sign3A_55 = arith.subi %sign3A_51, %sign3A_54 : i32
    %ne3A_56 = arith.cmpi ne, %sign3A_48, %sign3A_55 : i32
    %rem3A_57 = arith.remsi %add3A_39, %jit3A_40 : i32
    %ne3A_58 = arith.constant 0 : i32
    %ne3A_59 = arith.cmpi ne, %rem3A_57, %ne3A_58 : i32
    %and3A_60 = arith.andi %ne3A_56, %ne3A_59 : i1
    %sub3A_61 = arith.constant 1 : i32
    %sub3A_62 = arith.subi %div3A_41, %sub3A_61 : i32
    %select_n3A_63 = arith.select %and3A_60, %sub3A_62, %div3A_41 : i32
    %jit3A_64 = arith.constant 4 : i32
    %eq3A_65 = arith.constant 0 : i32
    %eq3A_66 = arith.cmpi eq, %jit3A_64, %eq3A_65 : i32
    %jit3A_67 = arith.constant 1 : i32
    %select_n3A_68 = arith.select %eq3A_66, %jit3A_67, %jit3A_64 : i32
    %rem3A_69 = arith.remsi %add3A_39, %select_n3A_68 : i32
    %ne3A_70 = arith.constant 0 : i32
    %ne3A_71 = arith.cmpi ne, %rem3A_69, %ne3A_70 : i32
    %lt3A_72 = arith.constant 0 : i32
    %lt3A_73 = arith.cmpi slt, %rem3A_69, %lt3A_72 : i32
    %lt3A_74 = arith.constant 0 : i32
    %lt3A_75 = arith.cmpi slt, %select_n3A_68, %lt3A_74 : i32
    %ne3A_76 = arith.xori %lt3A_73, %lt3A_75 : i1
    %and3A_77 = arith.andi %ne3A_76, %ne3A_71 : i1
    %add3A_78 = arith.addi %rem3A_69, %select_n3A_68 : i32
    %select_n3A_79 = arith.select %and3A_77, %add3A_78, %rem3A_69 : i32
    %mul3A_80 = arith.constant 4096 : i32
    %mul3A_81 = arith.muli %select_n3A_79, %mul3A_80 : i32
    %dma_start3A_82 = tpu.memref_slice %arg2[%select_n3A_63, %mul3A_81] : memref<200x16384xi32, #tpu.memory_space<hbm>> -> memref<1x4096xi32, #tpu.memory_space<hbm>>
    %dma_start3A_83 = tpu.memref_slice %arg2[%select_n3A_63, %mul3A_81] : memref<200x16384xi32, #tpu.memory_space<hbm>> -> memref<1x4096xi32, #tpu.memory_space<hbm>>
    tpu.enqueue_dma source(%dma_start3A_83 : memref<1x4096xi32, #tpu.memory_space<hbm>>) target(%arg7 : memref<1x4096xi32, #tpu.memory_space<vmem>>) target_semaphore(%arg13 : memref<!tpu.dma_semaphore, #tpu.memory_space<semaphore_mem>>)
    %add3A_84 = arith.constant 2 : i32
    %add3A_85 = arith.addi %mul3A_2, %add3A_84 : i32
    %jit3A_86 = arith.constant 4 : i32
    %div3A_87 = arith.divsi %add3A_85, %jit3A_86 : i32
    %sign3A_88 = arith.constant 0 : i32
    %sign3A_89 = arith.cmpi sgt, %add3A_85, %sign3A_88 : i32
    %sign3A_90 = arith.extui %sign3A_89 : i1 to i32
    %sign3A_91 = arith.constant 0 : i32
    %sign3A_92 = arith.cmpi slt, %add3A_85, %sign3A_91 : i32
    %sign3A_93 = arith.extui %sign3A_92 : i1 to i32
    %sign3A_94 = arith.subi %sign3A_90, %sign3A_93 : i32
    %sign3A_95 = arith.constant 0 : i32
    %sign3A_96 = arith.cmpi sgt, %jit3A_86, %sign3A_95 : i32
    %sign3A_97 = arith.extui %sign3A_96 : i1 to i32
    %sign3A_98 = arith.constant 0 : i32
    %sign3A_99 = arith.cmpi slt, %jit3A_86, %sign3A_98 : i32
    %sign3A_100 = arith.extui %sign3A_99 : i1 to i32
    %sign3A_101 = arith.subi %sign3A_97, %sign3A_100 : i32
    %ne3A_102 = arith.cmpi ne, %sign3A_94, %sign3A_101 : i32
    %rem3A_103 = arith.remsi %add3A_85, %jit3A_86 : i32
    %ne3A_104 = arith.constant 0 : i32
    %ne3A_105 = arith.cmpi ne, %rem3A_103, %ne3A_104 : i32
    %and3A_106 = arith.andi %ne3A_102, %ne3A_105 : i1
    %sub3A_107 = arith.constant 1 : i32
    %sub3A_108 = arith.subi %div3A_87, %sub3A_107 : i32
    %select_n3A_109 = arith.select %and3A_106, %sub3A_108, %div3A_87 : i32
    %jit3A_110 = arith.constant 4 : i32
    %eq3A_111 = arith.constant 0 : i32
    %eq3A_112 = arith.cmpi eq, %jit3A_110, %eq3A_111 : i32
    %jit3A_113 = arith.constant 1 : i32
    %select_n3A_114 = arith.select %eq3A_112, %jit3A_113, %jit3A_110 : i32
    %rem3A_115 = arith.remsi %add3A_85, %select_n3A_114 : i32
    %ne3A_116 = arith.constant 0 : i32
    %ne3A_117 = arith.cmpi ne, %rem3A_115, %ne3A_116 : i32
    %lt3A_118 = arith.constant 0 : i32
    %lt3A_119 = arith.cmpi slt, %rem3A_115, %lt3A_118 : i32
    %lt3A_120 = arith.constant 0 : i32
    %lt3A_121 = arith.cmpi slt, %select_n3A_114, %lt3A_120 : i32
    %ne3A_122 = arith.xori %lt3A_119, %lt3A_121 : i1
    %and3A_123 = arith.andi %ne3A_122, %ne3A_117 : i1
    %add3A_124 = arith.addi %rem3A_115, %select_n3A_114 : i32
    %select_n3A_125 = arith.select %and3A_123, %add3A_124, %rem3A_115 : i32
    %mul3A_126 = arith.constant 4096 : i32
    %mul3A_127 = arith.muli %select_n3A_125, %mul3A_126 : i32
    %dma_start3A_128 = tpu.memref_slice %arg2[%select_n3A_109, %mul3A_127] : memref<200x16384xi32, #tpu.memory_space<hbm>> -> memref<1x4096xi32, #tpu.memory_space<hbm>>
    %dma_start3A_129 = tpu.memref_slice %arg2[%select_n3A_109, %mul3A_127] : memref<200x16384xi32, #tpu.memory_space<hbm>> -> memref<1x4096xi32, #tpu.memory_space<hbm>>
    tpu.enqueue_dma source(%dma_start3A_129 : memref<1x4096xi32, #tpu.memory_space<hbm>>) target(%arg8 : memref<1x4096xi32, #tpu.memory_space<vmem>>) target_semaphore(%arg14 : memref<!tpu.dma_semaphore, #tpu.memory_space<semaphore_mem>>)
    %dma_wait3A = tpu.memref_slice %arg2[%select_n3A, %mul3A_36] : memref<200x16384xi32, #tpu.memory_space<hbm>> -> memref<1x4096xi32, #tpu.memory_space<hbm>>
    %dma_wait3A_130 = tpu.memref_slice %arg2[%select_n3A, %mul3A_36] : memref<200x16384xi32, #tpu.memory_space<hbm>> -> memref<1x4096xi32, #tpu.memory_space<hbm>>
    tpu.wait_dma2 semaphore(%arg12 : memref<!tpu.dma_semaphore, #tpu.memory_space<semaphore_mem>>) src(%dma_wait3A_130 : memref<1x4096xi32, #tpu.memory_space<hbm>>) dst(%arg6 : memref<1x4096xi32, #tpu.memory_space<vmem>>)
    %parallel_loop3A = arith.constant 0 : i32
    %parallel_loop3A_131 = arith.constant 4096 : i32
    %parallel_loop3A_132 = arith.constant 16 : i32
    scf.for %parallel_loop3A_2540 = %parallel_loop3A to %parallel_loop3A_131 step %parallel_loop3A_132  : i32 {
      %parallel_loop3A_2541 = arith.constant 0 : i32
      %parallel_loop3A_2542 = arith.index_cast %parallel_loop3A_2541 : i32 to index
      %parallel_loop3A_2543 = arith.index_cast %parallel_loop3A_2540 : i32 to index
      %parallel_loop3A_2544 = tpu.vector_load %arg6[%parallel_loop3A_2542, %parallel_loop3A_2543] {strides = array<i32>} : memref<1x4096xi32, #tpu.memory_space<vmem>>, vector<16xi32>,
      %parallel_loop3A_2545 = tpu.vector_load_idx %arg5[%parallel_loop3A_2544] : memref<16xf32, #tpu.memory_space<vmem>>[vector<16xi32>], vector<16xf32>,
      %parallel_loop3A_2546 = arith.index_cast %parallel_loop3A_2540 : i32 to index
      %parallel_loop3A_2547 = tpu.vector_load %arg9[%parallel_loop3A_2546] {strides = array<i32>} : memref<4096xf32, #tpu.memory_space<vmem>>, vector<16xf32>,
      tpu.vector_store %arg9[%parallel_loop3A_2546], %parallel_loop3A_2545 {strides = array<i32>} : memref<4096xf32, #tpu.memory_space<vmem>>, vector<16xf32>,
    } {sc.loop_unroll_factor = 8 : i64, sc.parallel_access}
    %add3A_133 = arith.constant 0 : i32
    %add3A_134 = arith.addi %mul3A_2, %add3A_133 : i32
    %jit3A_135 = arith.constant 4 : i32
    %div3A_136 = arith.divsi %add3A_134, %jit3A_135 : i32
    %sign3A_137 = arith.constant 0 : i32
    %sign3A_138 = arith.cmpi sgt, %add3A_134, %sign3A_137 : i32
    %sign3A_139 = arith.extui %sign3A_138 : i1 to i32
    %sign3A_140 = arith.constant 0 : i32
    %sign3A_141 = arith.cmpi slt, %add3A_134, %sign3A_140 : i32
    %sign3A_142 = arith.extui %sign3A_141 : i1 to i32
    %sign3A_143 = arith.subi %sign3A_139, %sign3A_142 : i32
    %sign3A_144 = arith.constant 0 : i32
    %sign3A_145 = arith.cmpi sgt, %jit3A_135, %sign3A_144 : i32
    %sign3A_146 = arith.extui %sign3A_145 : i1 to i32
    %sign3A_147 = arith.constant 0 : i32
    %sign3A_148 = arith.cmpi slt, %jit3A_135, %sign3A_147 : i32
    %sign3A_149 = arith.extui %sign3A_148 : i1 to i32
    %sign3A_150 = arith.subi %sign3A_146, %sign3A_149 : i32
    %ne3A_151 = arith.cmpi ne, %sign3A_143, %sign3A_150 : i32
    %rem3A_152 = arith.remsi %add3A_134, %jit3A_135 : i32
    %ne3A_153 = arith.constant 0 : i32
    %ne3A_154 = arith.cmpi ne, %rem3A_152, %ne3A_153 : i32
    %and3A_155 = arith.andi %ne3A_151, %ne3A_154 : i1
    %sub3A_156 = arith.constant 1 : i32
    %sub3A_157 = arith.subi %div3A_136, %sub3A_156 : i32
    %select_n3A_158 = arith.select %and3A_155, %sub3A_157, %div3A_136 : i32
    %jit3A_159 = arith.constant 4 : i32
    %eq3A_160 = arith.constant 0 : i32
    %eq3A_161 = arith.cmpi eq, %jit3A_159, %eq3A_160 : i32
    %jit3A_162 = arith.constant 1 : i32
    %select_n3A_163 = arith.select %eq3A_161, %jit3A_162, %jit3A_159 : i32
    %rem3A_164 = arith.remsi %add3A_134, %select_n3A_163 : i32
    %ne3A_165 = arith.constant 0 : i32
    %ne3A_166 = arith.cmpi ne, %rem3A_164, %ne3A_165 : i32
    %lt3A_167 = arith.constant 0 : i32
    %lt3A_168 = arith.cmpi slt, %rem3A_164, %lt3A_167 : i32
    %lt3A_169 = arith.constant 0 : i32
    %lt3A_170 = arith.cmpi slt, %select_n3A_163, %lt3A_169 : i32
    %ne3A_171 = arith.xori %lt3A_168, %lt3A_170 : i1
    %and3A_172 = arith.andi %ne3A_171, %ne3A_166 : i1
    %add3A_173 = arith.addi %rem3A_164, %select_n3A_163 : i32
    %select_n3A_174 = arith.select %and3A_172, %add3A_173, %rem3A_164 : i32
    %mul3A_175 = arith.constant 4096 : i32
    %mul3A_176 = arith.muli %select_n3A_174, %mul3A_175 : i32
    %mul3A_177 = arith.constant 16384 : i32
    %mul3A_178 = arith.muli %select_n3A_158, %mul3A_177 : i32
    %add3A_179 = arith.addi %mul3A_178, %mul3A_176 : i32
    %dma_start3A_180 = tpu.memref_slice %arg4[%add3A_179] : memref<3276800xf32, #tpu.memory_space<hbm>> -> memref<4096xf32, #tpu.memory_space<hbm>>
    %dma_start3A_181 = tpu.memref_slice %arg4[%add3A_179] : memref<3276800xf32, #tpu.memory_space<hbm>> -> memref<4096xf32, #tpu.memory_space<hbm>>
    tpu.enqueue_dma source(%arg9 : memref<4096xf32, #tpu.memory_space<vmem>>) target(%dma_start3A_181 : memref<4096xf32, #tpu.memory_space<hbm>>) target_semaphore(%arg15 : memref<!tpu.dma_semaphore, #tpu.memory_space<semaphore_mem>>)
    %add3A_182 = arith.constant 3 : i32
    %add3A_183 = arith.addi %mul3A_2, %add3A_182 : i32
    %jit3A_184 = arith.constant 4 : i32
    %div3A_185 = arith.divsi %add3A_183, %jit3A_184 : i32
    %sign3A_186 = arith.constant 0 : i32
    %sign3A_187 = arith.cmpi sgt, %add3A_183, %sign3A_186 : i32
    %sign3A_188 = arith.extui %sign3A_187 : i1 to i32
    %sign3A_189 = arith.constant 0 : i32
    %sign3A_190 = arith.cmpi slt, %add3A_183, %sign3A_189 : i32
    %sign3A_191 = arith.extui %sign3A_190 : i1 to i32
    %sign3A_192 = arith.subi %sign3A_188, %sign3A_191 : i32
    %sign3A_193 = arith.constant 0 : i32
    %sign3A_194 = arith.cmpi sgt, %jit3A_184, %sign3A_193 : i32
    %sign3A_195 = arith.extui %sign3A_194 : i1 to i32
    %sign3A_196 = arith.constant 0 : i32
    %sign3A_197 = arith.cmpi slt, %jit3A_184, %sign3A_196 : i32
    %sign3A_198 = arith.extui %sign3A_197 : i1 to i32
    %sign3A_199 = arith.subi %sign3A_195, %sign3A_198 : i32
    %ne3A_200 = arith.cmpi ne, %sign3A_192, %sign3A_199 : i32
    %rem3A_201 = arith.remsi %add3A_183, %jit3A_184 : i32
    %ne3A_202 = arith.constant 0 : i32
    %ne3A_203 = arith.cmpi ne, %rem3A_201, %ne3A_202 : i32
    %and3A_204 = arith.andi %ne3A_200, %ne3A_203 : i1
    %sub3A_205 = arith.constant 1 : i32
    %sub3A_206 = arith.subi %div3A_185, %sub3A_205 : i32
    %select_n3A_207 = arith.select %and3A_204, %sub3A_206, %div3A_185 : i32
    %jit3A_208 = arith.constant 4 : i32
    %eq3A_209 = arith.constant 0 : i32
    %eq3A_210 = arith.cmpi eq, %jit3A_208, %eq3A_209 : i32
    %jit3A_211 = arith.constant 1 : i32
    %select_n3A_212 = arith.select %eq3A_210, %jit3A_211, %jit3A_208 : i32
    %rem3A_213 = arith.remsi %add3A_183, %select_n3A_212 : i32
    %ne3A_214 = arith.constant 0 : i32
    %ne3A_215 = arith.cmpi ne, %rem3A_213, %ne3A_214 : i32
    %lt3A_216 = arith.constant 0 : i32
    %lt3A_217 = arith.cmpi slt, %rem3A_213, %lt3A_216 : i32
    %lt3A_218 = arith.constant 0 : i32
    %lt3A_219 = arith.cmpi slt, %select_n3A_212, %lt3A_218 : i32
    %ne3A_220 = arith.xori %lt3A_217, %lt3A_219 : i1
    %and3A_221 = arith.andi %ne3A_220, %ne3A_215 : i1
    %add3A_222 = arith.addi %rem3A_213, %select_n3A_212 : i32
    %select_n3A_223 = arith.select %and3A_221, %add3A_222, %rem3A_213 : i32
    %mul3A_224 = arith.constant 4096 : i32
    %mul3A_225 = arith.muli %select_n3A_223, %mul3A_224 : i32
    %dma_start3A_226 = tpu.memref_slice %arg2[%select_n3A_207, %mul3A_225] : memref<200x16384xi32, #tpu.memory_space<hbm>> -> memref<1x4096xi32, #tpu.memory_space<hbm>>
    %dma_start3A_227 = tpu.memref_slice %arg2[%select_n3A_207, %mul3A_225] : memref<200x16384xi32, #tpu.memory_space<hbm>> -> memref<1x4096xi32, #tpu.memory_space<hbm>>
    tpu.enqueue_dma source(%dma_start3A_227 : memref<1x4096xi32, #tpu.memory_space<hbm>>) target(%arg6 : memref<1x4096xi32, #tpu.memory_space<vmem>>) target_semaphore(%arg12 : memref<!tpu.dma_semaphore, #tpu.memory_space<semaphore_mem>>)
    %dma_wait3A_228 = tpu.memref_slice %arg2[%select_n3A_63, %mul3A_81] : memref<200x16384xi32, #tpu.memory_space<hbm>> -> memref<1x4096xi32, #tpu.memory_space<hbm>>
    %dma_wait3A_229 = tpu.memref_slice %arg2[%select_n3A_63, %mul3A_81] : memref<200x16384xi32, #tpu.memory_space<hbm>> -> memref<1x4096xi32, #tpu.memory_space<hbm>>
    tpu.wait_dma2 semaphore(%arg13 : memref<!tpu.dma_semaphore, #tpu.memory_space<semaphore_mem>>) src(%dma_wait3A_229 : memref<1x4096xi32, #tpu.memory_space<hbm>>) dst(%arg7 : memref<1x4096xi32, #tpu.memory_space<vmem>>)
    %parallel_loop3A_230 = arith.constant 0 : i32
    %parallel_loop3A_231 = arith.constant 4096 : i32
    %parallel_loop3A_232 = arith.constant 16 : i32
    scf.for %parallel_loop3A_2540 = %parallel_loop3A_230 to %parallel_loop3A_231 step %parallel_loop3A_232  : i32 {
      %parallel_loop3A_2541 = arith.constant 0 : i32
      %parallel_loop3A_2542 = arith.index_cast %parallel_loop3A_2541 : i32 to index
      %parallel_loop3A_2543 = arith.index_cast %parallel_loop3A_2540 : i32 to index
      %parallel_loop3A_2544 = tpu.vector_load %arg7[%parallel_loop3A_2542, %parallel_loop3A_2543] {strides = array<i32>} : memref<1x4096xi32, #tpu.memory_space<vmem>>, vector<16xi32>,
      %parallel_loop3A_2545 = tpu.vector_load_idx %arg5[%parallel_loop3A_2544] : memref<16xf32, #tpu.memory_space<vmem>>[vector<16xi32>], vector<16xf32>,
      %parallel_loop3A_2546 = arith.index_cast %parallel_loop3A_2540 : i32 to index
      %parallel_loop3A_2547 = tpu.vector_load %arg10[%parallel_loop3A_2546] {strides = array<i32>} : memref<4096xf32, #tpu.memory_space<vmem>>, vector<16xf32>,
      tpu.vector_store %arg10[%parallel_loop3A_2546], %parallel_loop3A_2545 {strides = array<i32>} : memref<4096xf32, #tpu.memory_space<vmem>>, vector<16xf32>,
    } {sc.loop_unroll_factor = 8 : i64, sc.parallel_access}
    %add3A_233 = arith.constant 1 : i32
    %add3A_234 = arith.addi %mul3A_2, %add3A_233 : i32
    %jit3A_235 = arith.constant 4 : i32
    %div3A_236 = arith.divsi %add3A_234, %jit3A_235 : i32
    %sign3A_237 = arith.constant 0 : i32
    %sign3A_238 = arith.cmpi sgt, %add3A_234, %sign3A_237 : i32
    %sign3A_239 = arith.extui %sign3A_238 : i1 to i32
    %sign3A_240 = arith.constant 0 : i32
    %sign3A_241 = arith.cmpi slt, %add3A_234, %sign3A_240 : i32
    %sign3A_242 = arith.extui %sign3A_241 : i1 to i32
    %sign3A_243 = arith.subi %sign3A_239, %sign3A_242 : i32
    %sign3A_244 = arith.constant 0 : i32
    %sign3A_245 = arith.cmpi sgt, %jit3A_235, %sign3A_244 : i32
    %sign3A_246 = arith.extui %sign3A_245 : i1 to i32
    %sign3A_247 = arith.constant 0 : i32
    %sign3A_248 = arith.cmpi slt, %jit3A_235, %sign3A_247 : i32
    %sign3A_249 = arith.extui %sign3A_248 : i1 to i32
    %sign3A_250 = arith.subi %sign3A_246, %sign3A_249 : i32
    %ne3A_251 = arith.cmpi ne, %sign3A_243, %sign3A_250 : i32
    %rem3A_252 = arith.remsi %add3A_234, %jit3A_235 : i32
    %ne3A_253 = arith.constant 0 : i32
    %ne3A_254 = arith.cmpi ne, %rem3A_252, %ne3A_253 : i32
    %and3A_255 = arith.andi %ne3A_251, %ne3A_254 : i1
    %sub3A_256 = arith.constant 1 : i32
    %sub3A_257 = arith.subi %div3A_236, %sub3A_256 : i32
    %select_n3A_258 = arith.select %and3A_255, %sub3A_257, %div3A_236 : i32
    %jit3A_259 = arith.constant 4 : i32
    %eq3A_260 = arith.constant 0 : i32
    %eq3A_261 = arith.cmpi eq, %jit3A_259, %eq3A_260 : i32
    %jit3A_262 = arith.constant 1 : i32
    %select_n3A_263 = arith.select %eq3A_261, %jit3A_262, %jit3A_259 : i32
    %rem3A_264 = arith.remsi %add3A_234, %select_n3A_263 : i32
    %ne3A_265 = arith.constant 0 : i32
    %ne3A_266 = arith.cmpi ne, %rem3A_264, %ne3A_265 : i32
    %lt3A_267 = arith.constant 0 : i32
    %lt3A_268 = arith.cmpi slt, %rem3A_264, %lt3A_267 : i32
    %lt3A_269 = arith.constant 0 : i32
    %lt3A_270 = arith.cmpi slt, %select_n3A_263, %lt3A_269 : i32
    %ne3A_271 = arith.xori %lt3A_268, %lt3A_270 : i1
    %and3A_272 = arith.andi %ne3A_271, %ne3A_266 : i1
    %add3A_273 = arith.addi %rem3A_264, %select_n3A_263 : i32
    %select_n3A_274 = arith.select %and3A_272, %add3A_273, %rem3A_264 : i32
    %mul3A_275 = arith.constant 4096 : i32
    %mul3A_276 = arith.muli %select_n3A_274, %mul3A_275 : i32
    %mul3A_277 = arith.constant 16384 : i32
    %mul3A_278 = arith.muli %select_n3A_258, %mul3A_277 : i32
    %add3A_279 = arith.addi %mul3A_278, %mul3A_276 : i32
    %dma_start3A_280 = tpu.memref_slice %arg4[%add3A_279] : memref<3276800xf32, #tpu.memory_space<hbm>> -> memref<4096xf32, #tpu.memory_space<hbm>>
    %dma_start3A_281 = tpu.memref_slice %arg4[%add3A_279] : memref<3276800xf32, #tpu.memory_space<hbm>> -> memref<4096xf32, #tpu.memory_space<hbm>>
    tpu.enqueue_dma source(%arg10 : memref<4096xf32, #tpu.memory_space<vmem>>) target(%dma_start3A_281 : memref<4096xf32, #tpu.memory_space<hbm>>) target_semaphore(%arg16 : memref<!tpu.dma_semaphore, #tpu.memory_space<semaphore_mem>>)
    %add3A_282 = arith.constant 4 : i32
    %add3A_283 = arith.addi %mul3A_2, %add3A_282 : i32
    %jit3A_284 = arith.constant 4 : i32
    %div3A_285 = arith.divsi %add3A_283, %jit3A_284 : i32
    %sign3A_286 = arith.constant 0 : i32
    %sign3A_287 = arith.cmpi sgt, %add3A_283, %sign3A_286 : i32
    %sign3A_288 = arith.extui %sign3A_287 : i1 to i32
    %sign3A_289 = arith.constant 0 : i32
    %sign3A_290 = arith.cmpi slt, %add3A_283, %sign3A_289 : i32
    %sign3A_291 = arith.extui %sign3A_290 : i1 to i32
    %sign3A_292 = arith.subi %sign3A_288, %sign3A_291 : i32
    %sign3A_293 = arith.constant 0 : i32
    %sign3A_294 = arith.cmpi sgt, %jit3A_284, %sign3A_293 : i32
    %sign3A_295 = arith.extui %sign3A_294 : i1 to i32
    %sign3A_296 = arith.constant 0 : i32
    %sign3A_297 = arith.cmpi slt, %jit3A_284, %sign3A_296 : i32
    %sign3A_298 = arith.extui %sign3A_297 : i1 to i32
    %sign3A_299 = arith.subi %sign3A_295, %sign3A_298 : i32
    %ne3A_300 = arith.cmpi ne, %sign3A_292, %sign3A_299 : i32
    %rem3A_301 = arith.remsi %add3A_283, %jit3A_284 : i32
    %ne3A_302 = arith.constant 0 : i32
    %ne3A_303 = arith.cmpi ne, %rem3A_301, %ne3A_302 : i32
    %and3A_304 = arith.andi %ne3A_300, %ne3A_303 : i1
    %sub3A_305 = arith.constant 1 : i32
    %sub3A_306 = arith.subi %div3A_285, %sub3A_305 : i32
    %select_n3A_307 = arith.select %and3A_304, %sub3A_306, %div3A_285 : i32
    %jit3A_308 = arith.constant 4 : i32
    %eq3A_309 = arith.constant 0 : i32
    %eq3A_310 = arith.cmpi eq, %jit3A_308, %eq3A_309 : i32
    %jit3A_311 = arith.constant 1 : i32
    %select_n3A_312 = arith.select %eq3A_310, %jit3A_311, %jit3A_308 : i32
    %rem3A_313 = arith.remsi %add3A_283, %select_n3A_312 : i32
    %ne3A_314 = arith.constant 0 : i32
    %ne3A_315 = arith.cmpi ne, %rem3A_313, %ne3A_314 : i32
    %lt3A_316 = arith.constant 0 : i32
    %lt3A_317 = arith.cmpi slt, %rem3A_313, %lt3A_316 : i32
    %lt3A_318 = arith.constant 0 : i32
    %lt3A_319 = arith.cmpi slt, %select_n3A_312, %lt3A_318 : i32
    %ne3A_320 = arith.xori %lt3A_317, %lt3A_319 : i1
    %and3A_321 = arith.andi %ne3A_320, %ne3A_315 : i1
    %add3A_322 = arith.addi %rem3A_313, %select_n3A_312 : i32
    %select_n3A_323 = arith.select %and3A_321, %add3A_322, %rem3A_313 : i32
    %mul3A_324 = arith.constant 4096 : i32
    %mul3A_325 = arith.muli %select_n3A_323, %mul3A_324 : i32
    %dma_start3A_326 = tpu.memref_slice %arg2[%select_n3A_307, %mul3A_325] : memref<200x16384xi32, #tpu.memory_space<hbm>> -> memref<1x4096xi32, #tpu.memory_space<hbm>>
    %dma_start3A_327 = tpu.memref_slice %arg2[%select_n3A_307, %mul3A_325] : memref<200x16384xi32, #tpu.memory_space<hbm>> -> memref<1x4096xi32, #tpu.memory_space<hbm>>
    tpu.enqueue_dma source(%dma_start3A_327 : memref<1x4096xi32, #tpu.memory_space<hbm>>) target(%arg7 : memref<1x4096xi32, #tpu.memory_space<vmem>>) target_semaphore(%arg13 : memref<!tpu.dma_semaphore, #tpu.memory_space<semaphore_mem>>)
    %dma_wait3A_328 = tpu.memref_slice %arg2[%select_n3A_109, %mul3A_127] : memref<200x16384xi32, #tpu.memory_space<hbm>> -> memref<1x4096xi32, #tpu.memory_space<hbm>>
    %dma_wait3A_329 = tpu.memref_slice %arg2[%select_n3A_109, %mul3A_127] : memref<200x16384xi32, #tpu.memory_space<hbm>> -> memref<1x4096xi32, #tpu.memory_space<hbm>>
    tpu.wait_dma2 semaphore(%arg14 : memref<!tpu.dma_semaphore, #tpu.memory_space<semaphore_mem>>) src(%dma_wait3A_329 : memref<1x4096xi32, #tpu.memory_space<hbm>>) dst(%arg8 : memref<1x4096xi32, #tpu.memory_space<vmem>>)
    %parallel_loop3A_330 = arith.constant 0 : i32
    %parallel_loop3A_331 = arith.constant 4096 : i32
    %parallel_loop3A_332 = arith.constant 16 : i32
    scf.for %parallel_loop3A_2540 = %parallel_loop3A_330 to %parallel_loop3A_331 step %parallel_loop3A_332  : i32 {
      %parallel_loop3A_2541 = arith.constant 0 : i32
      %parallel_loop3A_2542 = arith.index_cast %parallel_loop3A_2541 : i32 to index
      %parallel_loop3A_2543 = arith.index_cast %parallel_loop3A_2540 : i32 to index
      %parallel_loop3A_2544 = tpu.vector_load %arg8[%parallel_loop3A_2542, %parallel_loop3A_2543] {strides = array<i32>} : memref<1x4096xi32, #tpu.memory_space<vmem>>, vector<16xi32>,
      %parallel_loop3A_2545 = tpu.vector_load_idx %arg5[%parallel_loop3A_2544] : memref<16xf32, #tpu.memory_space<vmem>>[vector<16xi32>], vector<16xf32>,
      %parallel_loop3A_2546 = arith.index_cast %parallel_loop3A_2540 : i32 to index
      %parallel_loop3A_2547 = tpu.vector_load %arg11[%parallel_loop3A_2546] {strides = array<i32>} : memref<4096xf32, #tpu.memory_space<vmem>>, vector<16xf32>,
      tpu.vector_store %arg11[%parallel_loop3A_2546], %parallel_loop3A_2545 {strides = array<i32>} : memref<4096xf32, #tpu.memory_space<vmem>>, vector<16xf32>,
    } {sc.loop_unroll_factor = 8 : i64, sc.parallel_access}
    %add3A_333 = arith.constant 2 : i32
    %add3A_334 = arith.addi %mul3A_2, %add3A_333 : i32
    %jit3A_335 = arith.constant 4 : i32
    %div3A_336 = arith.divsi %add3A_334, %jit3A_335 : i32
    %sign3A_337 = arith.constant 0 : i32
    %sign3A_338 = arith.cmpi sgt, %add3A_334, %sign3A_337 : i32
    %sign3A_339 = arith.extui %sign3A_338 : i1 to i32
    %sign3A_340 = arith.constant 0 : i32
    %sign3A_341 = arith.cmpi slt, %add3A_334, %sign3A_340 : i32
    %sign3A_342 = arith.extui %sign3A_341 : i1 to i32
    %sign3A_343 = arith.subi %sign3A_339, %sign3A_342 : i32
    %sign3A_344 = arith.constant 0 : i32
    %sign3A_345 = arith.cmpi sgt, %jit3A_335, %sign3A_344 : i32
    %sign3A_346 = arith.extui %sign3A_345 : i1 to i32
    %sign3A_347 = arith.constant 0 : i32
    %sign3A_348 = arith.cmpi slt, %jit3A_335, %sign3A_347 : i32
    %sign3A_349 = arith.extui %sign3A_348 : i1 to i32
    %sign3A_350 = arith.subi %sign3A_346, %sign3A_349 : i32
    %ne3A_351 = arith.cmpi ne, %sign3A_343, %sign3A_350 : i32
    %rem3A_352 = arith.remsi %add3A_334, %jit3A_335 : i32
    %ne3A_353 = arith.constant 0 : i32
    %ne3A_354 = arith.cmpi ne, %rem3A_352, %ne3A_353 : i32
    %and3A_355 = arith.andi %ne3A_351, %ne3A_354 : i1
    %sub3A_356 = arith.constant 1 : i32
    %sub3A_357 = arith.subi %div3A_336, %sub3A_356 : i32
    %select_n3A_358 = arith.select %and3A_355, %sub3A_357, %div3A_336 : i32
    %jit3A_359 = arith.constant 4 : i32
    %eq3A_360 = arith.constant 0 : i32
    %eq3A_361 = arith.cmpi eq, %jit3A_359, %eq3A_360 : i32
    %jit3A_362 = arith.constant 1 : i32
    %select_n3A_363 = arith.select %eq3A_361, %jit3A_362, %jit3A_359 : i32
    %rem3A_364 = arith.remsi %add3A_334, %select_n3A_363 : i32
    %ne3A_365 = arith.constant 0 : i32
    %ne3A_366 = arith.cmpi ne, %rem3A_364, %ne3A_365 : i32
    %lt3A_367 = arith.constant 0 : i32
    %lt3A_368 = arith.cmpi slt, %rem3A_364, %lt3A_367 : i32
    %lt3A_369 = arith.constant 0 : i32
    %lt3A_370 = arith.cmpi slt, %select_n3A_363, %lt3A_369 : i32
    %ne3A_371 = arith.xori %lt3A_368, %lt3A_370 : i1
    %and3A_372 = arith.andi %ne3A_371, %ne3A_366 : i1
    %add3A_373 = arith.addi %rem3A_364, %select_n3A_363 : i32
    %select_n3A_374 = arith.select %and3A_372, %add3A_373, %rem3A_364 : i32
    %mul3A_375 = arith.constant 4096 : i32
    %mul3A_376 = arith.muli %select_n3A_374, %mul3A_375 : i32
    %mul3A_377 = arith.constant 16384 : i32
    %mul3A_378 = arith.muli %select_n3A_358, %mul3A_377 : i32
    %add3A_379 = arith.addi %mul3A_378, %mul3A_376 : i32
    %dma_start3A_380 = tpu.memref_slice %arg4[%add3A_379] : memref<3276800xf32, #tpu.memory_space<hbm>> -> memref<4096xf32, #tpu.memory_space<hbm>>
    %dma_start3A_381 = tpu.memref_slice %arg4[%add3A_379] : memref<3276800xf32, #tpu.memory_space<hbm>> -> memref<4096xf32, #tpu.memory_space<hbm>>
    tpu.enqueue_dma source(%arg11 : memref<4096xf32, #tpu.memory_space<vmem>>) target(%dma_start3A_381 : memref<4096xf32, #tpu.memory_space<hbm>>) target_semaphore(%arg17 : memref<!tpu.dma_semaphore, #tpu.memory_space<semaphore_mem>>)
    %add3A_382 = arith.constant 5 : i32
    %add3A_383 = arith.addi %mul3A_2, %add3A_382 : i32
    %jit3A_384 = arith.constant 4 : i32
    %div3A_385 = arith.divsi %add3A_383, %jit3A_384 : i32
    %sign3A_386 = arith.constant 0 : i32
    %sign3A_387 = arith.cmpi sgt, %add3A_383, %sign3A_386 : i32
    %sign3A_388 = arith.extui %sign3A_387 : i1 to i32
    %sign3A_389 = arith.constant 0 : i32
    %sign3A_390 = arith.cmpi slt, %add3A_383, %sign3A_389 : i32
    %sign3A_391 = arith.extui %sign3A_390 : i1 to i32
    %sign3A_392 = arith.subi %sign3A_388, %sign3A_391 : i32
    %sign3A_393 = arith.constant 0 : i32
    %sign3A_394 = arith.cmpi sgt, %jit3A_384, %sign3A_393 : i32
    %sign3A_395 = arith.extui %sign3A_394 : i1 to i32
    %sign3A_396 = arith.constant 0 : i32
    %sign3A_397 = arith.cmpi slt, %jit3A_384, %sign3A_396 : i32
    %sign3A_398 = arith.extui %sign3A_397 : i1 to i32
    %sign3A_399 = arith.subi %sign3A_395, %sign3A_398 : i32
    %ne3A_400 = arith.cmpi ne, %sign3A_392, %sign3A_399 : i32
    %rem3A_401 = arith.remsi %add3A_383, %jit3A_384 : i32
    %ne3A_402 = arith.constant 0 : i32
    %ne3A_403 = arith.cmpi ne, %rem3A_401, %ne3A_402 : i32
    %and3A_404 = arith.andi %ne3A_400, %ne3A_403 : i1
    %sub3A_405 = arith.constant 1 : i32
    %sub3A_406 = arith.subi %div3A_385, %sub3A_405 : i32
    %select_n3A_407 = arith.select %and3A_404, %sub3A_406, %div3A_385 : i32
    %jit3A_408 = arith.constant 4 : i32
    %eq3A_409 = arith.constant 0 : i32
    %eq3A_410 = arith.cmpi eq, %jit3A_408, %eq3A_409 : i32
    %jit3A_411 = arith.constant 1 : i32
    %select_n3A_412 = arith.select %eq3A_410, %jit3A_411, %jit3A_408 : i32
    %rem3A_413 = arith.remsi %add3A_383, %select_n3A_412 : i32
    %ne3A_414 = arith.constant 0 : i32
    %ne3A_415 = arith.cmpi ne, %rem3A_413, %ne3A_414 : i32
    %lt3A_416 = arith.constant 0 : i32
    %lt3A_417 = arith.cmpi slt, %rem3A_413, %lt3A_416 : i32
    %lt3A_418 = arith.constant 0 : i32
    %lt3A_419 = arith.cmpi slt, %select_n3A_412, %lt3A_418 : i32
    %ne3A_420 = arith.xori %lt3A_417, %lt3A_419 : i1
    %and3A_421 = arith.andi %ne3A_420, %ne3A_415 : i1
    %add3A_422 = arith.addi %rem3A_413, %select_n3A_412 : i32
    %select_n3A_423 = arith.select %and3A_421, %add3A_422, %rem3A_413 : i32
    %mul3A_424 = arith.constant 4096 : i32
    %mul3A_425 = arith.muli %select_n3A_423, %mul3A_424 : i32
    %dma_start3A_426 = tpu.memref_slice %arg2[%select_n3A_407, %mul3A_425] : memref<200x16384xi32, #tpu.memory_space<hbm>> -> memref<1x4096xi32, #tpu.memory_space<hbm>>
    %dma_start3A_427 = tpu.memref_slice %arg2[%select_n3A_407, %mul3A_425] : memref<200x16384xi32, #tpu.memory_space<hbm>> -> memref<1x4096xi32, #tpu.memory_space<hbm>>
    tpu.enqueue_dma source(%dma_start3A_427 : memref<1x4096xi32, #tpu.memory_space<hbm>>) target(%arg8 : memref<1x4096xi32, #tpu.memory_space<vmem>>) target_semaphore(%arg14 : memref<!tpu.dma_semaphore, #tpu.memory_space<semaphore_mem>>)
    %dma_wait3A_428 = tpu.memref_slice %arg2[%select_n3A_207, %mul3A_225] : memref<200x16384xi32, #tpu.memory_space<hbm>> -> memref<1x4096xi32, #tpu.memory_space<hbm>>
    %dma_wait3A_429 = tpu.memref_slice %arg2[%select_n3A_207, %mul3A_225] : memref<200x16384xi32, #tpu.memory_space<hbm>> -> memref<1x4096xi32, #tpu.memory_space<hbm>>
    tpu.wait_dma2 semaphore(%arg12 : memref<!tpu.dma_semaphore, #tpu.memory_space<semaphore_mem>>) src(%dma_wait3A_429 : memref<1x4096xi32, #tpu.memory_space<hbm>>) dst(%arg6 : memref<1x4096xi32, #tpu.memory_space<vmem>>)
    %dma_wait3A_430 = tpu.memref_slice %arg4[%add3A_179] : memref<3276800xf32, #tpu.memory_space<hbm>> -> memref<4096xf32, #tpu.memory_space<hbm>>
    %dma_wait3A_431 = tpu.memref_slice %arg4[%add3A_179] : memref<3276800xf32, #tpu.memory_space<hbm>> -> memref<4096xf32, #tpu.memory_space<hbm>>
    tpu.wait_dma2 semaphore(%arg15 : memref<!tpu.dma_semaphore, #tpu.memory_space<semaphore_mem>>) src(%arg9 : memref<4096xf32, #tpu.memory_space<vmem>>) dst(%dma_wait3A_431 : memref<4096xf32, #tpu.memory_space<hbm>>)
    %parallel_loop3A_432 = arith.constant 0 : i32
    %parallel_loop3A_433 = arith.constant 4096 : i32
    %parallel_loop3A_434 = arith.constant 16 : i32
    scf.for %parallel_loop3A_2540 = %parallel_loop3A_432 to %parallel_loop3A_433 step %parallel_loop3A_434  : i32 {
      %parallel_loop3A_2541 = arith.constant 0 : i32
      %parallel_loop3A_2542 = arith.index_cast %parallel_loop3A_2541 : i32 to index
      %parallel_loop3A_2543 = arith.index_cast %parallel_loop3A_2540 : i32 to index
      %parallel_loop3A_2544 = tpu.vector_load %arg6[%parallel_loop3A_2542, %parallel_loop3A_2543] {strides = array<i32>} : memref<1x4096xi32, #tpu.memory_space<vmem>>, vector<16xi32>,
      %parallel_loop3A_2545 = tpu.vector_load_idx %arg5[%parallel_loop3A_2544] : memref<16xf32, #tpu.memory_space<vmem>>[vector<16xi32>], vector<16xf32>,
      %parallel_loop3A_2546 = arith.index_cast %parallel_loop3A_2540 : i32 to index
      %parallel_loop3A_2547 = tpu.vector_load %arg9[%parallel_loop3A_2546] {strides = array<i32>} : memref<4096xf32, #tpu.memory_space<vmem>>, vector<16xf32>,
      tpu.vector_store %arg9[%parallel_loop3A_2546], %parallel_loop3A_2545 {strides = array<i32>} : memref<4096xf32, #tpu.memory_space<vmem>>, vector<16xf32>,
    } {sc.loop_unroll_factor = 8 : i64, sc.parallel_access}
    %add3A_435 = arith.constant 3 : i32
    %add3A_436 = arith.addi %mul3A_2, %add3A_435 : i32
    %jit3A_437 = arith.constant 4 : i32
    %div3A_438 = arith.divsi %add3A_436, %jit3A_437 : i32
    %sign3A_439 = arith.constant 0 : i32
    %sign3A_440 = arith.cmpi sgt, %add3A_436, %sign3A_439 : i32
    %sign3A_441 = arith.extui %sign3A_440 : i1 to i32
    %sign3A_442 = arith.constant 0 : i32
    %sign3A_443 = arith.cmpi slt, %add3A_436, %sign3A_442 : i32
    %sign3A_444 = arith.extui %sign3A_443 : i1 to i32
    %sign3A_445 = arith.subi %sign3A_441, %sign3A_444 : i32
    %sign3A_446 = arith.constant 0 : i32
    %sign3A_447 = arith.cmpi sgt, %jit3A_437, %sign3A_446 : i32
    %sign3A_448 = arith.extui %sign3A_447 : i1 to i32
    %sign3A_449 = arith.constant 0 : i32
    %sign3A_450 = arith.cmpi slt, %jit3A_437, %sign3A_449 : i32
    %sign3A_451 = arith.extui %sign3A_450 : i1 to i32
    %sign3A_452 = arith.subi %sign3A_448, %sign3A_451 : i32
    %ne3A_453 = arith.cmpi ne, %sign3A_445, %sign3A_452 : i32
    %rem3A_454 = arith.remsi %add3A_436, %jit3A_437 : i32
    %ne3A_455 = arith.constant 0 : i32
    %ne3A_456 = arith.cmpi ne, %rem3A_454, %ne3A_455 : i32
    %and3A_457 = arith.andi %ne3A_453, %ne3A_456 : i1
    %sub3A_458 = arith.constant 1 : i32
    %sub3A_459 = arith.subi %div3A_438, %sub3A_458 : i32
    %select_n3A_460 = arith.select %and3A_457, %sub3A_459, %div3A_438 : i32
    %jit3A_461 = arith.constant 4 : i32
    %eq3A_462 = arith.constant 0 : i32
    %eq3A_463 = arith.cmpi eq, %jit3A_461, %eq3A_462 : i32
    %jit3A_464 = arith.constant 1 : i32
    %select_n3A_465 = arith.select %eq3A_463, %jit3A_464, %jit3A_461 : i32
    %rem3A_466 = arith.remsi %add3A_436, %select_n3A_465 : i32
    %ne3A_467 = arith.constant 0 : i32
    %ne3A_468 = arith.cmpi ne, %rem3A_466, %ne3A_467 : i32
    %lt3A_469 = arith.constant 0 : i32
    %lt3A_470 = arith.cmpi slt, %rem3A_466, %lt3A_469 : i32
    %lt3A_471 = arith.constant 0 : i32
    %lt3A_472 = arith.cmpi slt, %select_n3A_465, %lt3A_471 : i32
    %ne3A_473 = arith.xori %lt3A_470, %lt3A_472 : i1
    %and3A_474 = arith.andi %ne3A_473, %ne3A_468 : i1
    %add3A_475 = arith.addi %rem3A_466, %select_n3A_465 : i32
    %select_n3A_476 = arith.select %and3A_474, %add3A_475, %rem3A_466 : i32
    %mul3A_477 = arith.constant 4096 : i32
    %mul3A_478 = arith.muli %select_n3A_476, %mul3A_477 : i32
    %mul3A_479 = arith.constant 16384 : i32
    %mul3A_480 = arith.muli %select_n3A_460, %mul3A_479 : i32
    %add3A_481 = arith.addi %mul3A_480, %mul3A_478 : i32
    %dma_start3A_482 = tpu.memref_slice %arg4[%add3A_481] : memref<3276800xf32, #tpu.memory_space<hbm>> -> memref<4096xf32, #tpu.memory_space<hbm>>
    %dma_start3A_483 = tpu.memref_slice %arg4[%add3A_481] : memref<3276800xf32, #tpu.memory_space<hbm>> -> memref<4096xf32, #tpu.memory_space<hbm>>
    tpu.enqueue_dma source(%arg9 : memref<4096xf32, #tpu.memory_space<vmem>>) target(%dma_start3A_483 : memref<4096xf32, #tpu.memory_space<hbm>>) target_semaphore(%arg15 : memref<!tpu.dma_semaphore, #tpu.memory_space<semaphore_mem>>)
    %add3A_484 = arith.constant 6 : i32
    %add3A_485 = arith.addi %mul3A_2, %add3A_484 : i32
    %jit3A_486 = arith.constant 4 : i32
    %div3A_487 = arith.divsi %add3A_485, %jit3A_486 : i32
    %sign3A_488 = arith.constant 0 : i32
    %sign3A_489 = arith.cmpi sgt, %add3A_485, %sign3A_488 : i32
    %sign3A_490 = arith.extui %sign3A_489 : i1 to i32
    %sign3A_491 = arith.constant 0 : i32
    %sign3A_492 = arith.cmpi slt, %add3A_485, %sign3A_491 : i32
    %sign3A_493 = arith.extui %sign3A_492 : i1 to i32
    %sign3A_494 = arith.subi %sign3A_490, %sign3A_493 : i32
    %sign3A_495 = arith.constant 0 : i32
    %sign3A_496 = arith.cmpi sgt, %jit3A_486, %sign3A_495 : i32
    %sign3A_497 = arith.extui %sign3A_496 : i1 to i32
    %sign3A_498 = arith.constant 0 : i32
    %sign3A_499 = arith.cmpi slt, %jit3A_486, %sign3A_498 : i32
    %sign3A_500 = arith.extui %sign3A_499 : i1 to i32
    %sign3A_501 = arith.subi %sign3A_497, %sign3A_500 : i32
    %ne3A_502 = arith.cmpi ne, %sign3A_494, %sign3A_501 : i32
    %rem3A_503 = arith.remsi %add3A_485, %jit3A_486 : i32
    %ne3A_504 = arith.constant 0 : i32
    %ne3A_505 = arith.cmpi ne, %rem3A_503, %ne3A_504 : i32
    %and3A_506 = arith.andi %ne3A_502, %ne3A_505 : i1
    %sub3A_507 = arith.constant 1 : i32
    %sub3A_508 = arith.subi %div3A_487, %sub3A_507 : i32
    %select_n3A_509 = arith.select %and3A_506, %sub3A_508, %div3A_487 : i32
    %jit3A_510 = arith.constant 4 : i32
    %eq3A_511 = arith.constant 0 : i32
    %eq3A_512 = arith.cmpi eq, %jit3A_510, %eq3A_511 : i32
    %jit3A_513 = arith.constant 1 : i32
    %select_n3A_514 = arith.select %eq3A_512, %jit3A_513, %jit3A_510 : i32
    %rem3A_515 = arith.remsi %add3A_485, %select_n3A_514 : i32
    %ne3A_516 = arith.constant 0 : i32
    %ne3A_517 = arith.cmpi ne, %rem3A_515, %ne3A_516 : i32
    %lt3A_518 = arith.constant 0 : i32
    %lt3A_519 = arith.cmpi slt, %rem3A_515, %lt3A_518 : i32
    %lt3A_520 = arith.constant 0 : i32
    %lt3A_521 = arith.cmpi slt, %select_n3A_514, %lt3A_520 : i32
    %ne3A_522 = arith.xori %lt3A_519, %lt3A_521 : i1
    %and3A_523 = arith.andi %ne3A_522, %ne3A_517 : i1
    %add3A_524 = arith.addi %rem3A_515, %select_n3A_514 : i32
    %select_n3A_525 = arith.select %and3A_523, %add3A_524, %rem3A_515 : i32
    %mul3A_526 = arith.constant 4096 : i32
    %mul3A_527 = arith.muli %select_n3A_525, %mul3A_526 : i32
    %dma_start3A_528 = tpu.memref_slice %arg2[%select_n3A_509, %mul3A_527] : memref<200x16384xi32, #tpu.memory_space<hbm>> -> memref<1x4096xi32, #tpu.memory_space<hbm>>
    %dma_start3A_529 = tpu.memref_slice %arg2[%select_n3A_509, %mul3A_527] : memref<200x16384xi32, #tpu.memory_space<hbm>> -> memref<1x4096xi32, #tpu.memory_space<hbm>>
    tpu.enqueue_dma source(%dma_start3A_529 : memref<1x4096xi32, #tpu.memory_space<hbm>>) target(%arg6 : memref<1x4096xi32, #tpu.memory_space<vmem>>) target_semaphore(%arg12 : memref<!tpu.dma_semaphore, #tpu.memory_space<semaphore_mem>>)
    %dma_wait3A_530 = tpu.memref_slice %arg2[%select_n3A_307, %mul3A_325] : memref<200x16384xi32, #tpu.memory_space<hbm>> -> memref<1x4096xi32, #tpu.memory_space<hbm>>
    %dma_wait3A_531 = tpu.memref_slice %arg2[%select_n3A_307, %mul3A_325] : memref<200x16384xi32, #tpu.memory_space<hbm>> -> memref<1x4096xi32, #tpu.memory_space<hbm>>
    tpu.wait_dma2 semaphore(%arg13 : memref<!tpu.dma_semaphore, #tpu.memory_space<semaphore_mem>>) src(%dma_wait3A_531 : memref<1x4096xi32, #tpu.memory_space<hbm>>) dst(%arg7 : memref<1x4096xi32, #tpu.memory_space<vmem>>)
    %dma_wait3A_532 = tpu.memref_slice %arg4[%add3A_279] : memref<3276800xf32, #tpu.memory_space<hbm>> -> memref<4096xf32, #tpu.memory_space<hbm>>
    %dma_wait3A_533 = tpu.memref_slice %arg4[%add3A_279] : memref<3276800xf32, #tpu.memory_space<hbm>> -> memref<4096xf32, #tpu.memory_space<hbm>>
    tpu.wait_dma2 semaphore(%arg16 : memref<!tpu.dma_semaphore, #tpu.memory_space<semaphore_mem>>) src(%arg10 : memref<4096xf32, #tpu.memory_space<vmem>>) dst(%dma_wait3A_533 : memref<4096xf32, #tpu.memory_space<hbm>>)
    %parallel_loop3A_534 = arith.constant 0 : i32
    %parallel_loop3A_535 = arith.constant 4096 : i32
    %parallel_loop3A_536 = arith.constant 16 : i32
    scf.for %parallel_loop3A_2540 = %parallel_loop3A_534 to %parallel_loop3A_535 step %parallel_loop3A_536  : i32 {
      %parallel_loop3A_2541 = arith.constant 0 : i32
      %parallel_loop3A_2542 = arith.index_cast %parallel_loop3A_2541 : i32 to index
      %parallel_loop3A_2543 = arith.index_cast %parallel_loop3A_2540 : i32 to index
      %parallel_loop3A_2544 = tpu.vector_load %arg7[%parallel_loop3A_2542, %parallel_loop3A_2543] {strides = array<i32>} : memref<1x4096xi32, #tpu.memory_space<vmem>>, vector<16xi32>,
      %parallel_loop3A_2545 = tpu.vector_load_idx %arg5[%parallel_loop3A_2544] : memref<16xf32, #tpu.memory_space<vmem>>[vector<16xi32>], vector<16xf32>,
      %parallel_loop3A_2546 = arith.index_cast %parallel_loop3A_2540 : i32 to index
      %parallel_loop3A_2547 = tpu.vector_load %arg10[%parallel_loop3A_2546] {strides = array<i32>} : memref<4096xf32, #tpu.memory_space<vmem>>, vector<16xf32>,
      tpu.vector_store %arg10[%parallel_loop3A_2546], %parallel_loop3A_2545 {strides = array<i32>} : memref<4096xf32, #tpu.memory_space<vmem>>, vector<16xf32>,
    } {sc.loop_unroll_factor = 8 : i64, sc.parallel_access}
    %add3A_537 = arith.constant 4 : i32
    %add3A_538 = arith.addi %mul3A_2, %add3A_537 : i32
    %jit3A_539 = arith.constant 4 : i32
    %div3A_540 = arith.divsi %add3A_538, %jit3A_539 : i32
    %sign3A_541 = arith.constant 0 : i32
    %sign3A_542 = arith.cmpi sgt, %add3A_538, %sign3A_541 : i32
    %sign3A_543 = arith.extui %sign3A_542 : i1 to i32
    %sign3A_544 = arith.constant 0 : i32
    %sign3A_545 = arith.cmpi slt, %add3A_538, %sign3A_544 : i32
    %sign3A_546 = arith.extui %sign3A_545 : i1 to i32
    %sign3A_547 = arith.subi %sign3A_543, %sign3A_546 : i32
    %sign3A_548 = arith.constant 0 : i32
    %sign3A_549 = arith.cmpi sgt, %jit3A_539, %sign3A_548 : i32
    %sign3A_550 = arith.extui %sign3A_549 : i1 to i32
    %sign3A_551 = arith.constant 0 : i32
    %sign3A_552 = arith.cmpi slt, %jit3A_539, %sign3A_551 : i32
    %sign3A_553 = arith.extui %sign3A_552 : i1 to i32
    %sign3A_554 = arith.subi %sign3A_550, %sign3A_553 : i32
    %ne3A_555 = arith.cmpi ne, %sign3A_547, %sign3A_554 : i32
    %rem3A_556 = arith.remsi %add3A_538, %jit3A_539 : i32
    %ne3A_557 = arith.constant 0 : i32
    %ne3A_558 = arith.cmpi ne, %rem3A_556, %ne3A_557 : i32
    %and3A_559 = arith.andi %ne3A_555, %ne3A_558 : i1
    %sub3A_560 = arith.constant 1 : i32
    %sub3A_561 = arith.subi %div3A_540, %sub3A_560 : i32
    %select_n3A_562 = arith.select %and3A_559, %sub3A_561, %div3A_540 : i32
    %jit3A_563 = arith.constant 4 : i32
    %eq3A_564 = arith.constant 0 : i32
    %eq3A_565 = arith.cmpi eq, %jit3A_563, %eq3A_564 : i32
    %jit3A_566 = arith.constant 1 : i32
    %select_n3A_567 = arith.select %eq3A_565, %jit3A_566, %jit3A_563 : i32
    %rem3A_568 = arith.remsi %add3A_538, %select_n3A_567 : i32
    %ne3A_569 = arith.constant 0 : i32
    %ne3A_570 = arith.cmpi ne, %rem3A_568, %ne3A_569 : i32
    %lt3A_571 = arith.constant 0 : i32
    %lt3A_572 = arith.cmpi slt, %rem3A_568, %lt3A_571 : i32
    %lt3A_573 = arith.constant 0 : i32
    %lt3A_574 = arith.cmpi slt, %select_n3A_567, %lt3A_573 : i32
    %ne3A_575 = arith.xori %lt3A_572, %lt3A_574 : i1
    %and3A_576 = arith.andi %ne3A_575, %ne3A_570 : i1
    %add3A_577 = arith.addi %rem3A_568, %select_n3A_567 : i32
    %select_n3A_578 = arith.select %and3A_576, %add3A_577, %rem3A_568 : i32
    %mul3A_579 = arith.constant 4096 : i32
    %mul3A_580 = arith.muli %select_n3A_578, %mul3A_579 : i32
    %mul3A_581 = arith.constant 16384 : i32
    %mul3A_582 = arith.muli %select_n3A_562, %mul3A_581 : i32
    %add3A_583 = arith.addi %mul3A_582, %mul3A_580 : i32
    %dma_start3A_584 = tpu.memref_slice %arg4[%add3A_583] : memref<3276800xf32, #tpu.memory_space<hbm>> -> memref<4096xf32, #tpu.memory_space<hbm>>
    %dma_start3A_585 = tpu.memref_slice %arg4[%add3A_583] : memref<3276800xf32, #tpu.memory_space<hbm>> -> memref<4096xf32, #tpu.memory_space<hbm>>
    tpu.enqueue_dma source(%arg10 : memref<4096xf32, #tpu.memory_space<vmem>>) target(%dma_start3A_585 : memref<4096xf32, #tpu.memory_space<hbm>>) target_semaphore(%arg16 : memref<!tpu.dma_semaphore, #tpu.memory_space<semaphore_mem>>)
    %add3A_586 = arith.constant 7 : i32
    %add3A_587 = arith.addi %mul3A_2, %add3A_586 : i32
    %jit3A_588 = arith.constant 4 : i32
    %div3A_589 = arith.divsi %add3A_587, %jit3A_588 : i32
    %sign3A_590 = arith.constant 0 : i32
    %sign3A_591 = arith.cmpi sgt, %add3A_587, %sign3A_590 : i32
    %sign3A_592 = arith.extui %sign3A_591 : i1 to i32
    %sign3A_593 = arith.constant 0 : i32
    %sign3A_594 = arith.cmpi slt, %add3A_587, %sign3A_593 : i32
    %sign3A_595 = arith.extui %sign3A_594 : i1 to i32
    %sign3A_596 = arith.subi %sign3A_592, %sign3A_595 : i32
    %sign3A_597 = arith.constant 0 : i32
    %sign3A_598 = arith.cmpi sgt, %jit3A_588, %sign3A_597 : i32
    %sign3A_599 = arith.extui %sign3A_598 : i1 to i32
    %sign3A_600 = arith.constant 0 : i32
    %sign3A_601 = arith.cmpi slt, %jit3A_588, %sign3A_600 : i32
    %sign3A_602 = arith.extui %sign3A_601 : i1 to i32
    %sign3A_603 = arith.subi %sign3A_599, %sign3A_602 : i32
    %ne3A_604 = arith.cmpi ne, %sign3A_596, %sign3A_603 : i32
    %rem3A_605 = arith.remsi %add3A_587, %jit3A_588 : i32
    %ne3A_606 = arith.constant 0 : i32
    %ne3A_607 = arith.cmpi ne, %rem3A_605, %ne3A_606 : i32
    %and3A_608 = arith.andi %ne3A_604, %ne3A_607 : i1
    %sub3A_609 = arith.constant 1 : i32
    %sub3A_610 = arith.subi %div3A_589, %sub3A_609 : i32
    %select_n3A_611 = arith.select %and3A_608, %sub3A_610, %div3A_589 : i32
    %jit3A_612 = arith.constant 4 : i32
    %eq3A_613 = arith.constant 0 : i32
    %eq3A_614 = arith.cmpi eq, %jit3A_612, %eq3A_613 : i32
    %jit3A_615 = arith.constant 1 : i32
    %select_n3A_616 = arith.select %eq3A_614, %jit3A_615, %jit3A_612 : i32
    %rem3A_617 = arith.remsi %add3A_587, %select_n3A_616 : i32
    %ne3A_618 = arith.constant 0 : i32
    %ne3A_619 = arith.cmpi ne, %rem3A_617, %ne3A_618 : i32
    %lt3A_620 = arith.constant 0 : i32
    %lt3A_621 = arith.cmpi slt, %rem3A_617, %lt3A_620 : i32
    %lt3A_622 = arith.constant 0 : i32
    %lt3A_623 = arith.cmpi slt, %select_n3A_616, %lt3A_622 : i32
    %ne3A_624 = arith.xori %lt3A_621, %lt3A_623 : i1
    %and3A_625 = arith.andi %ne3A_624, %ne3A_619 : i1
    %add3A_626 = arith.addi %rem3A_617, %select_n3A_616 : i32
    %select_n3A_627 = arith.select %and3A_625, %add3A_626, %rem3A_617 : i32
    %mul3A_628 = arith.constant 4096 : i32
    %mul3A_629 = arith.muli %select_n3A_627, %mul3A_628 : i32
    %dma_start3A_630 = tpu.memref_slice %arg2[%select_n3A_611, %mul3A_629] : memref<200x16384xi32, #tpu.memory_space<hbm>> -> memref<1x4096xi32, #tpu.memory_space<hbm>>
    %dma_start3A_631 = tpu.memref_slice %arg2[%select_n3A_611, %mul3A_629] : memref<200x16384xi32, #tpu.memory_space<hbm>> -> memref<1x4096xi32, #tpu.memory_space<hbm>>
    tpu.enqueue_dma source(%dma_start3A_631 : memref<1x4096xi32, #tpu.memory_space<hbm>>) target(%arg7 : memref<1x4096xi32, #tpu.memory_space<vmem>>) target_semaphore(%arg13 : memref<!tpu.dma_semaphore, #tpu.memory_space<semaphore_mem>>)
    %dma_wait3A_632 = tpu.memref_slice %arg2[%select_n3A_407, %mul3A_425] : memref<200x16384xi32, #tpu.memory_space<hbm>> -> memref<1x4096xi32, #tpu.memory_space<hbm>>
    %dma_wait3A_633 = tpu.memref_slice %arg2[%select_n3A_407, %mul3A_425] : memref<200x16384xi32, #tpu.memory_space<hbm>> -> memref<1x4096xi32, #tpu.memory_space<hbm>>
    tpu.wait_dma2 semaphore(%arg14 : memref<!tpu.dma_semaphore, #tpu.memory_space<semaphore_mem>>) src(%dma_wait3A_633 : memref<1x4096xi32, #tpu.memory_space<hbm>>) dst(%arg8 : memref<1x4096xi32, #tpu.memory_space<vmem>>)
    %dma_wait3A_634 = tpu.memref_slice %arg4[%add3A_379] : memref<3276800xf32, #tpu.memory_space<hbm>> -> memref<4096xf32, #tpu.memory_space<hbm>>
    %dma_wait3A_635 = tpu.memref_slice %arg4[%add3A_379] : memref<3276800xf32, #tpu.memory_space<hbm>> -> memref<4096xf32, #tpu.memory_space<hbm>>
    tpu.wait_dma2 semaphore(%arg17 : memref<!tpu.dma_semaphore, #tpu.memory_space<semaphore_mem>>) src(%arg11 : memref<4096xf32, #tpu.memory_space<vmem>>) dst(%dma_wait3A_635 : memref<4096xf32, #tpu.memory_space<hbm>>)
    %parallel_loop3A_636 = arith.constant 0 : i32
    %parallel_loop3A_637 = arith.constant 4096 : i32
    %parallel_loop3A_638 = arith.constant 16 : i32
    scf.for %parallel_loop3A_2540 = %parallel_loop3A_636 to %parallel_loop3A_637 step %parallel_loop3A_638  : i32 {
      %parallel_loop3A_2541 = arith.constant 0 : i32
      %parallel_loop3A_2542 = arith.index_cast %parallel_loop3A_2541 : i32 to index
      %parallel_loop3A_2543 = arith.index_cast %parallel_loop3A_2540 : i32 to index
      %parallel_loop3A_2544 = tpu.vector_load %arg8[%parallel_loop3A_2542, %parallel_loop3A_2543] {strides = array<i32>} : memref<1x4096xi32, #tpu.memory_space<vmem>>, vector<16xi32>,
      %parallel_loop3A_2545 = tpu.vector_load_idx %arg5[%parallel_loop3A_2544] : memref<16xf32, #tpu.memory_space<vmem>>[vector<16xi32>], vector<16xf32>,
      %parallel_loop3A_2546 = arith.index_cast %parallel_loop3A_2540 : i32 to index
      %parallel_loop3A_2547 = tpu.vector_load %arg11[%parallel_loop3A_2546] {strides = array<i32>} : memref<4096xf32, #tpu.memory_space<vmem>>, vector<16xf32>,
      tpu.vector_store %arg11[%parallel_loop3A_2546], %parallel_loop3A_2545 {strides = array<i32>} : memref<4096xf32, #tpu.memory_space<vmem>>, vector<16xf32>,
    } {sc.loop_unroll_factor = 8 : i64, sc.parallel_access}
    %add3A_639 = arith.constant 5 : i32
    %add3A_640 = arith.addi %mul3A_2, %add3A_639 : i32
    %jit3A_641 = arith.constant 4 : i32
    %div3A_642 = arith.divsi %add3A_640, %jit3A_641 : i32
    %sign3A_643 = arith.constant 0 : i32
    %sign3A_644 = arith.cmpi sgt, %add3A_640, %sign3A_643 : i32
    %sign3A_645 = arith.extui %sign3A_644 : i1 to i32
    %sign3A_646 = arith.constant 0 : i32
    %sign3A_647 = arith.cmpi slt, %add3A_640, %sign3A_646 : i32
    %sign3A_648 = arith.extui %sign3A_647 : i1 to i32
    %sign3A_649 = arith.subi %sign3A_645, %sign3A_648 : i32
    %sign3A_650 = arith.constant 0 : i32
    %sign3A_651 = arith.cmpi sgt, %jit3A_641, %sign3A_650 : i32
    %sign3A_652 = arith.extui %sign3A_651 : i1 to i32
    %sign3A_653 = arith.constant 0 : i32
    %sign3A_654 = arith.cmpi slt, %jit3A_641, %sign3A_653 : i32
    %sign3A_655 = arith.extui %sign3A_654 : i1 to i32
    %sign3A_656 = arith.subi %sign3A_652, %sign3A_655 : i32
    %ne3A_657 = arith.cmpi ne, %sign3A_649, %sign3A_656 : i32
    %rem3A_658 = arith.remsi %add3A_640, %jit3A_641 : i32
    %ne3A_659 = arith.constant 0 : i32
    %ne3A_660 = arith.cmpi ne, %rem3A_658, %ne3A_659 : i32
    %and3A_661 = arith.andi %ne3A_657, %ne3A_660 : i1
    %sub3A_662 = arith.constant 1 : i32
    %sub3A_663 = arith.subi %div3A_642, %sub3A_662 : i32
    %select_n3A_664 = arith.select %and3A_661, %sub3A_663, %div3A_642 : i32
    %jit3A_665 = arith.constant 4 : i32
    %eq3A_666 = arith.constant 0 : i32
    %eq3A_667 = arith.cmpi eq, %jit3A_665, %eq3A_666 : i32
    %jit3A_668 = arith.constant 1 : i32
    %select_n3A_669 = arith.select %eq3A_667, %jit3A_668, %jit3A_665 : i32
    %rem3A_670 = arith.remsi %add3A_640, %select_n3A_669 : i32
    %ne3A_671 = arith.constant 0 : i32
    %ne3A_672 = arith.cmpi ne, %rem3A_670, %ne3A_671 : i32
    %lt3A_673 = arith.constant 0 : i32
    %lt3A_674 = arith.cmpi slt, %rem3A_670, %lt3A_673 : i32
    %lt3A_675 = arith.constant 0 : i32
    %lt3A_676 = arith.cmpi slt, %select_n3A_669, %lt3A_675 : i32
    %ne3A_677 = arith.xori %lt3A_674, %lt3A_676 : i1
    %and3A_678 = arith.andi %ne3A_677, %ne3A_672 : i1
    %add3A_679 = arith.addi %rem3A_670, %select_n3A_669 : i32
    %select_n3A_680 = arith.select %and3A_678, %add3A_679, %rem3A_670 : i32
    %mul3A_681 = arith.constant 4096 : i32
    %mul3A_682 = arith.muli %select_n3A_680, %mul3A_681 : i32
    %mul3A_683 = arith.constant 16384 : i32
    %mul3A_684 = arith.muli %select_n3A_664, %mul3A_683 : i32
    %add3A_685 = arith.addi %mul3A_684, %mul3A_682 : i32
    %dma_start3A_686 = tpu.memref_slice %arg4[%add3A_685] : memref<3276800xf32, #tpu.memory_space<hbm>> -> memref<4096xf32, #tpu.memory_space<hbm>>
    %dma_start3A_687 = tpu.memref_slice %arg4[%add3A_685] : memref<3276800xf32, #tpu.memory_space<hbm>> -> memref<4096xf32, #tpu.memory_space<hbm>>
    tpu.enqueue_dma source(%arg11 : memref<4096xf32, #tpu.memory_space<vmem>>) target(%dma_start3A_687 : memref<4096xf32, #tpu.memory_space<hbm>>) target_semaphore(%arg17 : memref<!tpu.dma_semaphore, #tpu.memory_space<semaphore_mem>>)
    %add3A_688 = arith.constant 8 : i32
    %add3A_689 = arith.addi %mul3A_2, %add3A_688 : i32
    %jit3A_690 = arith.constant 4 : i32
    %div3A_691 = arith.divsi %add3A_689, %jit3A_690 : i32
    %sign3A_692 = arith.constant 0 : i32
    %sign3A_693 = arith.cmpi sgt, %add3A_689, %sign3A_692 : i32
    %sign3A_694 = arith.extui %sign3A_693 : i1 to i32
    %sign3A_695 = arith.constant 0 : i32
    %sign3A_696 = arith.cmpi slt, %add3A_689, %sign3A_695 : i32
    %sign3A_697 = arith.extui %sign3A_696 : i1 to i32
    %sign3A_698 = arith.subi %sign3A_694, %sign3A_697 : i32
    %sign3A_699 = arith.constant 0 : i32
    %sign3A_700 = arith.cmpi sgt, %jit3A_690, %sign3A_699 : i32
    %sign3A_701 = arith.extui %sign3A_700 : i1 to i32
    %sign3A_702 = arith.constant 0 : i32
    %sign3A_703 = arith.cmpi slt, %jit3A_690, %sign3A_702 : i32
    %sign3A_704 = arith.extui %sign3A_703 : i1 to i32
    %sign3A_705 = arith.subi %sign3A_701, %sign3A_704 : i32
    %ne3A_706 = arith.cmpi ne, %sign3A_698, %sign3A_705 : i32
    %rem3A_707 = arith.remsi %add3A_689, %jit3A_690 : i32
    %ne3A_708 = arith.constant 0 : i32
    %ne3A_709 = arith.cmpi ne, %rem3A_707, %ne3A_708 : i32
    %and3A_710 = arith.andi %ne3A_706, %ne3A_709 : i1
    %sub3A_711 = arith.constant 1 : i32
    %sub3A_712 = arith.subi %div3A_691, %sub3A_711 : i32
    %select_n3A_713 = arith.select %and3A_710, %sub3A_712, %div3A_691 : i32
    %jit3A_714 = arith.constant 4 : i32
    %eq3A_715 = arith.constant 0 : i32
    %eq3A_716 = arith.cmpi eq, %jit3A_714, %eq3A_715 : i32
    %jit3A_717 = arith.constant 1 : i32
    %select_n3A_718 = arith.select %eq3A_716, %jit3A_717, %jit3A_714 : i32
    %rem3A_719 = arith.remsi %add3A_689, %select_n3A_718 : i32
    %ne3A_720 = arith.constant 0 : i32
    %ne3A_721 = arith.cmpi ne, %rem3A_719, %ne3A_720 : i32
    %lt3A_722 = arith.constant 0 : i32
    %lt3A_723 = arith.cmpi slt, %rem3A_719, %lt3A_722 : i32
    %lt3A_724 = arith.constant 0 : i32
    %lt3A_725 = arith.cmpi slt, %select_n3A_718, %lt3A_724 : i32
    %ne3A_726 = arith.xori %lt3A_723, %lt3A_725 : i1
    %and3A_727 = arith.andi %ne3A_726, %ne3A_721 : i1
    %add3A_728 = arith.addi %rem3A_719, %select_n3A_718 : i32
    %select_n3A_729 = arith.select %and3A_727, %add3A_728, %rem3A_719 : i32
    %mul3A_730 = arith.constant 4096 : i32
    %mul3A_731 = arith.muli %select_n3A_729, %mul3A_730 : i32
    %dma_start3A_732 = tpu.memref_slice %arg2[%select_n3A_713, %mul3A_731] : memref<200x16384xi32, #tpu.memory_space<hbm>> -> memref<1x4096xi32, #tpu.memory_space<hbm>>
    %dma_start3A_733 = tpu.memref_slice %arg2[%select_n3A_713, %mul3A_731] : memref<200x16384xi32, #tpu.memory_space<hbm>> -> memref<1x4096xi32, #tpu.memory_space<hbm>>
    tpu.enqueue_dma source(%dma_start3A_733 : memref<1x4096xi32, #tpu.memory_space<hbm>>) target(%arg8 : memref<1x4096xi32, #tpu.memory_space<vmem>>) target_semaphore(%arg14 : memref<!tpu.dma_semaphore, #tpu.memory_space<semaphore_mem>>)
    %dma_wait3A_734 = tpu.memref_slice %arg2[%select_n3A_509, %mul3A_527] : memref<200x16384xi32, #tpu.memory_space<hbm>> -> memref<1x4096xi32, #tpu.memory_space<hbm>>
    %dma_wait3A_735 = tpu.memref_slice %arg2[%select_n3A_509, %mul3A_527] : memref<200x16384xi32, #tpu.memory_space<hbm>> -> memref<1x4096xi32, #tpu.memory_space<hbm>>
    tpu.wait_dma2 semaphore(%arg12 : memref<!tpu.dma_semaphore, #tpu.memory_space<semaphore_mem>>) src(%dma_wait3A_735 : memref<1x4096xi32, #tpu.memory_space<hbm>>) dst(%arg6 : memref<1x4096xi32, #tpu.memory_space<vmem>>)
    %dma_wait3A_736 = tpu.memref_slice %arg4[%add3A_481] : memref<3276800xf32, #tpu.memory_space<hbm>> -> memref<4096xf32, #tpu.memory_space<hbm>>
    %dma_wait3A_737 = tpu.memref_slice %arg4[%add3A_481] : memref<3276800xf32, #tpu.memory_space<hbm>> -> memref<4096xf32, #tpu.memory_space<hbm>>
    tpu.wait_dma2 semaphore(%arg15 : memref<!tpu.dma_semaphore, #tpu.memory_space<semaphore_mem>>) src(%arg9 : memref<4096xf32, #tpu.memory_space<vmem>>) dst(%dma_wait3A_737 : memref<4096xf32, #tpu.memory_space<hbm>>)
    %parallel_loop3A_738 = arith.constant 0 : i32
    %parallel_loop3A_739 = arith.constant 4096 : i32
    %parallel_loop3A_740 = arith.constant 16 : i32
    scf.for %parallel_loop3A_2540 = %parallel_loop3A_738 to %parallel_loop3A_739 step %parallel_loop3A_740  : i32 {
      %parallel_loop3A_2541 = arith.constant 0 : i32
      %parallel_loop3A_2542 = arith.index_cast %parallel_loop3A_2541 : i32 to index
      %parallel_loop3A_2543 = arith.index_cast %parallel_loop3A_2540 : i32 to index
      %parallel_loop3A_2544 = tpu.vector_load %arg6[%parallel_loop3A_2542, %parallel_loop3A_2543] {strides = array<i32>} : memref<1x4096xi32, #tpu.memory_space<vmem>>, vector<16xi32>,
      %parallel_loop3A_2545 = tpu.vector_load_idx %arg5[%parallel_loop3A_2544] : memref<16xf32, #tpu.memory_space<vmem>>[vector<16xi32>], vector<16xf32>,
      %parallel_loop3A_2546 = arith.index_cast %parallel_loop3A_2540 : i32 to index
      %parallel_loop3A_2547 = tpu.vector_load %arg9[%parallel_loop3A_2546] {strides = array<i32>} : memref<4096xf32, #tpu.memory_space<vmem>>, vector<16xf32>,
      tpu.vector_store %arg9[%parallel_loop3A_2546], %parallel_loop3A_2545 {strides = array<i32>} : memref<4096xf32, #tpu.memory_space<vmem>>, vector<16xf32>,
    } {sc.loop_unroll_factor = 8 : i64, sc.parallel_access}
    %add3A_741 = arith.constant 6 : i32
    %add3A_742 = arith.addi %mul3A_2, %add3A_741 : i32
    %jit3A_743 = arith.constant 4 : i32
    %div3A_744 = arith.divsi %add3A_742, %jit3A_743 : i32
    %sign3A_745 = arith.constant 0 : i32
    %sign3A_746 = arith.cmpi sgt, %add3A_742, %sign3A_745 : i32
    %sign3A_747 = arith.extui %sign3A_746 : i1 to i32
    %sign3A_748 = arith.constant 0 : i32
    %sign3A_749 = arith.cmpi slt, %add3A_742, %sign3A_748 : i32
    %sign3A_750 = arith.extui %sign3A_749 : i1 to i32
    %sign3A_751 = arith.subi %sign3A_747, %sign3A_750 : i32
    %sign3A_752 = arith.constant 0 : i32
    %sign3A_753 = arith.cmpi sgt, %jit3A_743, %sign3A_752 : i32
    %sign3A_754 = arith.extui %sign3A_753 : i1 to i32
    %sign3A_755 = arith.constant 0 : i32
    %sign3A_756 = arith.cmpi slt, %jit3A_743, %sign3A_755 : i32
    %sign3A_757 = arith.extui %sign3A_756 : i1 to i32
    %sign3A_758 = arith.subi %sign3A_754, %sign3A_757 : i32
    %ne3A_759 = arith.cmpi ne, %sign3A_751, %sign3A_758 : i32
    %rem3A_760 = arith.remsi %add3A_742, %jit3A_743 : i32
    %ne3A_761 = arith.constant 0 : i32
    %ne3A_762 = arith.cmpi ne, %rem3A_760, %ne3A_761 : i32
    %and3A_763 = arith.andi %ne3A_759, %ne3A_762 : i1
    %sub3A_764 = arith.constant 1 : i32
    %sub3A_765 = arith.subi %div3A_744, %sub3A_764 : i32
    %select_n3A_766 = arith.select %and3A_763, %sub3A_765, %div3A_744 : i32
    %jit3A_767 = arith.constant 4 : i32
    %eq3A_768 = arith.constant 0 : i32
    %eq3A_769 = arith.cmpi eq, %jit3A_767, %eq3A_768 : i32
    %jit3A_770 = arith.constant 1 : i32
    %select_n3A_771 = arith.select %eq3A_769, %jit3A_770, %jit3A_767 : i32
    %rem3A_772 = arith.remsi %add3A_742, %select_n3A_771 : i32
    %ne3A_773 = arith.constant 0 : i32
    %ne3A_774 = arith.cmpi ne, %rem3A_772, %ne3A_773 : i32
    %lt3A_775 = arith.constant 0 : i32
    %lt3A_776 = arith.cmpi slt, %rem3A_772, %lt3A_775 : i32
    %lt3A_777 = arith.constant 0 : i32
    %lt3A_778 = arith.cmpi slt, %select_n3A_771, %lt3A_777 : i32
    %ne3A_779 = arith.xori %lt3A_776, %lt3A_778 : i1
    %and3A_780 = arith.andi %ne3A_779, %ne3A_774 : i1
    %add3A_781 = arith.addi %rem3A_772, %select_n3A_771 : i32
    %select_n3A_782 = arith.select %and3A_780, %add3A_781, %rem3A_772 : i32
    %mul3A_783 = arith.constant 4096 : i32
    %mul3A_784 = arith.muli %select_n3A_782, %mul3A_783 : i32
    %mul3A_785 = arith.constant 16384 : i32
    %mul3A_786 = arith.muli %select_n3A_766, %mul3A_785 : i32
    %add3A_787 = arith.addi %mul3A_786, %mul3A_784 : i32
    %dma_start3A_788 = tpu.memref_slice %arg4[%add3A_787] : memref<3276800xf32, #tpu.memory_space<hbm>> -> memref<4096xf32, #tpu.memory_space<hbm>>
    %dma_start3A_789 = tpu.memref_slice %arg4[%add3A_787] : memref<3276800xf32, #tpu.memory_space<hbm>> -> memref<4096xf32, #tpu.memory_space<hbm>>
    tpu.enqueue_dma source(%arg9 : memref<4096xf32, #tpu.memory_space<vmem>>) target(%dma_start3A_789 : memref<4096xf32, #tpu.memory_space<hbm>>) target_semaphore(%arg15 : memref<!tpu.dma_semaphore, #tpu.memory_space<semaphore_mem>>)
    %add3A_790 = arith.constant 9 : i32
    %add3A_791 = arith.addi %mul3A_2, %add3A_790 : i32
    %jit3A_792 = arith.constant 4 : i32
    %div3A_793 = arith.divsi %add3A_791, %jit3A_792 : i32
    %sign3A_794 = arith.constant 0 : i32
    %sign3A_795 = arith.cmpi sgt, %add3A_791, %sign3A_794 : i32
    %sign3A_796 = arith.extui %sign3A_795 : i1 to i32
    %sign3A_797 = arith.constant 0 : i32
    %sign3A_798 = arith.cmpi slt, %add3A_791, %sign3A_797 : i32
    %sign3A_799 = arith.extui %sign3A_798 : i1 to i32
    %sign3A_800 = arith.subi %sign3A_796, %sign3A_799 : i32
    %sign3A_801 = arith.constant 0 : i32
    %sign3A_802 = arith.cmpi sgt, %jit3A_792, %sign3A_801 : i32
    %sign3A_803 = arith.extui %sign3A_802 : i1 to i32
    %sign3A_804 = arith.constant 0 : i32
    %sign3A_805 = arith.cmpi slt, %jit3A_792, %sign3A_804 : i32
    %sign3A_806 = arith.extui %sign3A_805 : i1 to i32
    %sign3A_807 = arith.subi %sign3A_803, %sign3A_806 : i32
    %ne3A_808 = arith.cmpi ne, %sign3A_800, %sign3A_807 : i32
    %rem3A_809 = arith.remsi %add3A_791, %jit3A_792 : i32
    %ne3A_810 = arith.constant 0 : i32
    %ne3A_811 = arith.cmpi ne, %rem3A_809, %ne3A_810 : i32
    %and3A_812 = arith.andi %ne3A_808, %ne3A_811 : i1
    %sub3A_813 = arith.constant 1 : i32
    %sub3A_814 = arith.subi %div3A_793, %sub3A_813 : i32
    %select_n3A_815 = arith.select %and3A_812, %sub3A_814, %div3A_793 : i32
    %jit3A_816 = arith.constant 4 : i32
    %eq3A_817 = arith.constant 0 : i32
    %eq3A_818 = arith.cmpi eq, %jit3A_816, %eq3A_817 : i32
    %jit3A_819 = arith.constant 1 : i32
    %select_n3A_820 = arith.select %eq3A_818, %jit3A_819, %jit3A_816 : i32
    %rem3A_821 = arith.remsi %add3A_791, %select_n3A_820 : i32
    %ne3A_822 = arith.constant 0 : i32
    %ne3A_823 = arith.cmpi ne, %rem3A_821, %ne3A_822 : i32
    %lt3A_824 = arith.constant 0 : i32
    %lt3A_825 = arith.cmpi slt, %rem3A_821, %lt3A_824 : i32
    %lt3A_826 = arith.constant 0 : i32
    %lt3A_827 = arith.cmpi slt, %select_n3A_820, %lt3A_826 : i32
    %ne3A_828 = arith.xori %lt3A_825, %lt3A_827 : i1
    %and3A_829 = arith.andi %ne3A_828, %ne3A_823 : i1
    %add3A_830 = arith.addi %rem3A_821, %select_n3A_820 : i32
    %select_n3A_831 = arith.select %and3A_829, %add3A_830, %rem3A_821 : i32
    %mul3A_832 = arith.constant 4096 : i32
    %mul3A_833 = arith.muli %select_n3A_831, %mul3A_832 : i32
    %dma_start3A_834 = tpu.memref_slice %arg2[%select_n3A_815, %mul3A_833] : memref<200x16384xi32, #tpu.memory_space<hbm>> -> memref<1x4096xi32, #tpu.memory_space<hbm>>
    %dma_start3A_835 = tpu.memref_slice %arg2[%select_n3A_815, %mul3A_833] : memref<200x16384xi32, #tpu.memory_space<hbm>> -> memref<1x4096xi32, #tpu.memory_space<hbm>>
    tpu.enqueue_dma source(%dma_start3A_835 : memref<1x4096xi32, #tpu.memory_space<hbm>>) target(%arg6 : memref<1x4096xi32, #tpu.memory_space<vmem>>) target_semaphore(%arg12 : memref<!tpu.dma_semaphore, #tpu.memory_space<semaphore_mem>>)
    %dma_wait3A_836 = tpu.memref_slice %arg2[%select_n3A_611, %mul3A_629] : memref<200x16384xi32, #tpu.memory_space<hbm>> -> memref<1x4096xi32, #tpu.memory_space<hbm>>
    %dma_wait3A_837 = tpu.memref_slice %arg2[%select_n3A_611, %mul3A_629] : memref<200x16384xi32, #tpu.memory_space<hbm>> -> memref<1x4096xi32, #tpu.memory_space<hbm>>
    tpu.wait_dma2 semaphore(%arg13 : memref<!tpu.dma_semaphore, #tpu.memory_space<semaphore_mem>>) src(%dma_wait3A_837 : memref<1x4096xi32, #tpu.memory_space<hbm>>) dst(%arg7 : memref<1x4096xi32, #tpu.memory_space<vmem>>)
    %dma_wait3A_838 = tpu.memref_slice %arg4[%add3A_583] : memref<3276800xf32, #tpu.memory_space<hbm>> -> memref<4096xf32, #tpu.memory_space<hbm>>
    %dma_wait3A_839 = tpu.memref_slice %arg4[%add3A_583] : memref<3276800xf32, #tpu.memory_space<hbm>> -> memref<4096xf32, #tpu.memory_space<hbm>>
    tpu.wait_dma2 semaphore(%arg16 : memref<!tpu.dma_semaphore, #tpu.memory_space<semaphore_mem>>) src(%arg10 : memref<4096xf32, #tpu.memory_space<vmem>>) dst(%dma_wait3A_839 : memref<4096xf32, #tpu.memory_space<hbm>>)
    %parallel_loop3A_840 = arith.constant 0 : i32
    %parallel_loop3A_841 = arith.constant 4096 : i32
    %parallel_loop3A_842 = arith.constant 16 : i32
    scf.for %parallel_loop3A_2540 = %parallel_loop3A_840 to %parallel_loop3A_841 step %parallel_loop3A_842  : i32 {
      %parallel_loop3A_2541 = arith.constant 0 : i32
      %parallel_loop3A_2542 = arith.index_cast %parallel_loop3A_2541 : i32 to index
      %parallel_loop3A_2543 = arith.index_cast %parallel_loop3A_2540 : i32 to index
      %parallel_loop3A_2544 = tpu.vector_load %arg7[%parallel_loop3A_2542, %parallel_loop3A_2543] {strides = array<i32>} : memref<1x4096xi32, #tpu.memory_space<vmem>>, vector<16xi32>,
      %parallel_loop3A_2545 = tpu.vector_load_idx %arg5[%parallel_loop3A_2544] : memref<16xf32, #tpu.memory_space<vmem>>[vector<16xi32>], vector<16xf32>,
      %parallel_loop3A_2546 = arith.index_cast %parallel_loop3A_2540 : i32 to index
      %parallel_loop3A_2547 = tpu.vector_load %arg10[%parallel_loop3A_2546] {strides = array<i32>} : memref<4096xf32, #tpu.memory_space<vmem>>, vector<16xf32>,
      tpu.vector_store %arg10[%parallel_loop3A_2546], %parallel_loop3A_2545 {strides = array<i32>} : memref<4096xf32, #tpu.memory_space<vmem>>, vector<16xf32>,
    } {sc.loop_unroll_factor = 8 : i64, sc.parallel_access}
    %add3A_843 = arith.constant 7 : i32
    %add3A_844 = arith.addi %mul3A_2, %add3A_843 : i32
    %jit3A_845 = arith.constant 4 : i32
    %div3A_846 = arith.divsi %add3A_844, %jit3A_845 : i32
    %sign3A_847 = arith.constant 0 : i32
    %sign3A_848 = arith.cmpi sgt, %add3A_844, %sign3A_847 : i32
    %sign3A_849 = arith.extui %sign3A_848 : i1 to i32
    %sign3A_850 = arith.constant 0 : i32
    %sign3A_851 = arith.cmpi slt, %add3A_844, %sign3A_850 : i32
    %sign3A_852 = arith.extui %sign3A_851 : i1 to i32
    %sign3A_853 = arith.subi %sign3A_849, %sign3A_852 : i32
    %sign3A_854 = arith.constant 0 : i32
    %sign3A_855 = arith.cmpi sgt, %jit3A_845, %sign3A_854 : i32
    %sign3A_856 = arith.extui %sign3A_855 : i1 to i32
    %sign3A_857 = arith.constant 0 : i32
    %sign3A_858 = arith.cmpi slt, %jit3A_845, %sign3A_857 : i32
    %sign3A_859 = arith.extui %sign3A_858 : i1 to i32
    %sign3A_860 = arith.subi %sign3A_856, %sign3A_859 : i32
    %ne3A_861 = arith.cmpi ne, %sign3A_853, %sign3A_860 : i32
    %rem3A_862 = arith.remsi %add3A_844, %jit3A_845 : i32
    %ne3A_863 = arith.constant 0 : i32
    %ne3A_864 = arith.cmpi ne, %rem3A_862, %ne3A_863 : i32
    %and3A_865 = arith.andi %ne3A_861, %ne3A_864 : i1
    %sub3A_866 = arith.constant 1 : i32
    %sub3A_867 = arith.subi %div3A_846, %sub3A_866 : i32
    %select_n3A_868 = arith.select %and3A_865, %sub3A_867, %div3A_846 : i32
    %jit3A_869 = arith.constant 4 : i32
    %eq3A_870 = arith.constant 0 : i32
    %eq3A_871 = arith.cmpi eq, %jit3A_869, %eq3A_870 : i32
    %jit3A_872 = arith.constant 1 : i32
    %select_n3A_873 = arith.select %eq3A_871, %jit3A_872, %jit3A_869 : i32
    %rem3A_874 = arith.remsi %add3A_844, %select_n3A_873 : i32
    %ne3A_875 = arith.constant 0 : i32
    %ne3A_876 = arith.cmpi ne, %rem3A_874, %ne3A_875 : i32
    %lt3A_877 = arith.constant 0 : i32
    %lt3A_878 = arith.cmpi slt, %rem3A_874, %lt3A_877 : i32
    %lt3A_879 = arith.constant 0 : i32
    %lt3A_880 = arith.cmpi slt, %select_n3A_873, %lt3A_879 : i32
    %ne3A_881 = arith.xori %lt3A_878, %lt3A_880 : i1
    %and3A_882 = arith.andi %ne3A_881, %ne3A_876 : i1
    %add3A_883 = arith.addi %rem3A_874, %select_n3A_873 : i32
    %select_n3A_884 = arith.select %and3A_882, %add3A_883, %rem3A_874 : i32
    %mul3A_885 = arith.constant 4096 : i32
    %mul3A_886 = arith.muli %select_n3A_884, %mul3A_885 : i32
    %mul3A_887 = arith.constant 16384 : i32
    %mul3A_888 = arith.muli %select_n3A_868, %mul3A_887 : i32
    %add3A_889 = arith.addi %mul3A_888, %mul3A_886 : i32
    %dma_start3A_890 = tpu.memref_slice %arg4[%add3A_889] : memref<3276800xf32, #tpu.memory_space<hbm>> -> memref<4096xf32, #tpu.memory_space<hbm>>
    %dma_start3A_891 = tpu.memref_slice %arg4[%add3A_889] : memref<3276800xf32, #tpu.memory_space<hbm>> -> memref<4096xf32, #tpu.memory_space<hbm>>
    tpu.enqueue_dma source(%arg10 : memref<4096xf32, #tpu.memory_space<vmem>>) target(%dma_start3A_891 : memref<4096xf32, #tpu.memory_space<hbm>>) target_semaphore(%arg16 : memref<!tpu.dma_semaphore, #tpu.memory_space<semaphore_mem>>)
    %add3A_892 = arith.constant 10 : i32
    %add3A_893 = arith.addi %mul3A_2, %add3A_892 : i32
    %jit3A_894 = arith.constant 4 : i32
    %div3A_895 = arith.divsi %add3A_893, %jit3A_894 : i32
    %sign3A_896 = arith.constant 0 : i32
    %sign3A_897 = arith.cmpi sgt, %add3A_893, %sign3A_896 : i32
    %sign3A_898 = arith.extui %sign3A_897 : i1 to i32
    %sign3A_899 = arith.constant 0 : i32
    %sign3A_900 = arith.cmpi slt, %add3A_893, %sign3A_899 : i32
    %sign3A_901 = arith.extui %sign3A_900 : i1 to i32
    %sign3A_902 = arith.subi %sign3A_898, %sign3A_901 : i32
    %sign3A_903 = arith.constant 0 : i32
    %sign3A_904 = arith.cmpi sgt, %jit3A_894, %sign3A_903 : i32
    %sign3A_905 = arith.extui %sign3A_904 : i1 to i32
    %sign3A_906 = arith.constant 0 : i32
    %sign3A_907 = arith.cmpi slt, %jit3A_894, %sign3A_906 : i32
    %sign3A_908 = arith.extui %sign3A_907 : i1 to i32
    %sign3A_909 = arith.subi %sign3A_905, %sign3A_908 : i32
    %ne3A_910 = arith.cmpi ne, %sign3A_902, %sign3A_909 : i32
    %rem3A_911 = arith.remsi %add3A_893, %jit3A_894 : i32
    %ne3A_912 = arith.constant 0 : i32
    %ne3A_913 = arith.cmpi ne, %rem3A_911, %ne3A_912 : i32
    %and3A_914 = arith.andi %ne3A_910, %ne3A_913 : i1
    %sub3A_915 = arith.constant 1 : i32
    %sub3A_916 = arith.subi %div3A_895, %sub3A_915 : i32
    %select_n3A_917 = arith.select %and3A_914, %sub3A_916, %div3A_895 : i32
    %jit3A_918 = arith.constant 4 : i32
    %eq3A_919 = arith.constant 0 : i32
    %eq3A_920 = arith.cmpi eq, %jit3A_918, %eq3A_919 : i32
    %jit3A_921 = arith.constant 1 : i32
    %select_n3A_922 = arith.select %eq3A_920, %jit3A_921, %jit3A_918 : i32
    %rem3A_923 = arith.remsi %add3A_893, %select_n3A_922 : i32
    %ne3A_924 = arith.constant 0 : i32
    %ne3A_925 = arith.cmpi ne, %rem3A_923, %ne3A_924 : i32
    %lt3A_926 = arith.constant 0 : i32
    %lt3A_927 = arith.cmpi slt, %rem3A_923, %lt3A_926 : i32
    %lt3A_928 = arith.constant 0 : i32
    %lt3A_929 = arith.cmpi slt, %select_n3A_922, %lt3A_928 : i32
    %ne3A_930 = arith.xori %lt3A_927, %lt3A_929 : i1
    %and3A_931 = arith.andi %ne3A_930, %ne3A_925 : i1
    %add3A_932 = arith.addi %rem3A_923, %select_n3A_922 : i32
    %select_n3A_933 = arith.select %and3A_931, %add3A_932, %rem3A_923 : i32
    %mul3A_934 = arith.constant 4096 : i32
    %mul3A_935 = arith.muli %select_n3A_933, %mul3A_934 : i32
    %dma_start3A_936 = tpu.memref_slice %arg2[%select_n3A_917, %mul3A_935] : memref<200x16384xi32, #tpu.memory_space<hbm>> -> memref<1x4096xi32, #tpu.memory_space<hbm>>
    %dma_start3A_937 = tpu.memref_slice %arg2[%select_n3A_917, %mul3A_935] : memref<200x16384xi32, #tpu.memory_space<hbm>> -> memref<1x4096xi32, #tpu.memory_space<hbm>>
    tpu.enqueue_dma source(%dma_start3A_937 : memref<1x4096xi32, #tpu.memory_space<hbm>>) target(%arg7 : memref<1x4096xi32, #tpu.memory_space<vmem>>) target_semaphore(%arg13 : memref<!tpu.dma_semaphore, #tpu.memory_space<semaphore_mem>>)
    %dma_wait3A_938 = tpu.memref_slice %arg2[%select_n3A_713, %mul3A_731] : memref<200x16384xi32, #tpu.memory_space<hbm>> -> memref<1x4096xi32, #tpu.memory_space<hbm>>
    %dma_wait3A_939 = tpu.memref_slice %arg2[%select_n3A_713, %mul3A_731] : memref<200x16384xi32, #tpu.memory_space<hbm>> -> memref<1x4096xi32, #tpu.memory_space<hbm>>
    tpu.wait_dma2 semaphore(%arg14 : memref<!tpu.dma_semaphore, #tpu.memory_space<semaphore_mem>>) src(%dma_wait3A_939 : memref<1x4096xi32, #tpu.memory_space<hbm>>) dst(%arg8 : memref<1x4096xi32, #tpu.memory_space<vmem>>)
    %dma_wait3A_940 = tpu.memref_slice %arg4[%add3A_685] : memref<3276800xf32, #tpu.memory_space<hbm>> -> memref<4096xf32, #tpu.memory_space<hbm>>
    %dma_wait3A_941 = tpu.memref_slice %arg4[%add3A_685] : memref<3276800xf32, #tpu.memory_space<hbm>> -> memref<4096xf32, #tpu.memory_space<hbm>>
    tpu.wait_dma2 semaphore(%arg17 : memref<!tpu.dma_semaphore, #tpu.memory_space<semaphore_mem>>) src(%arg11 : memref<4096xf32, #tpu.memory_space<vmem>>) dst(%dma_wait3A_941 : memref<4096xf32, #tpu.memory_space<hbm>>)
    %parallel_loop3A_942 = arith.constant 0 : i32
    %parallel_loop3A_943 = arith.constant 4096 : i32
    %parallel_loop3A_944 = arith.constant 16 : i32
    scf.for %parallel_loop3A_2540 = %parallel_loop3A_942 to %parallel_loop3A_943 step %parallel_loop3A_944  : i32 {
      %parallel_loop3A_2541 = arith.constant 0 : i32
      %parallel_loop3A_2542 = arith.index_cast %parallel_loop3A_2541 : i32 to index
      %parallel_loop3A_2543 = arith.index_cast %parallel_loop3A_2540 : i32 to index
      %parallel_loop3A_2544 = tpu.vector_load %arg8[%parallel_loop3A_2542, %parallel_loop3A_2543] {strides = array<i32>} : memref<1x4096xi32, #tpu.memory_space<vmem>>, vector<16xi32>,
      %parallel_loop3A_2545 = tpu.vector_load_idx %arg5[%parallel_loop3A_2544] : memref<16xf32, #tpu.memory_space<vmem>>[vector<16xi32>], vector<16xf32>,
      %parallel_loop3A_2546 = arith.index_cast %parallel_loop3A_2540 : i32 to index
      %parallel_loop3A_2547 = tpu.vector_load %arg11[%parallel_loop3A_2546] {strides = array<i32>} : memref<4096xf32, #tpu.memory_space<vmem>>, vector<16xf32>,
      tpu.vector_store %arg11[%parallel_loop3A_2546], %parallel_loop3A_2545 {strides = array<i32>} : memref<4096xf32, #tpu.memory_space<vmem>>, vector<16xf32>,
    } {sc.loop_unroll_factor = 8 : i64, sc.parallel_access}
    %add3A_945 = arith.constant 8 : i32
    %add3A_946 = arith.addi %mul3A_2, %add3A_945 : i32
    %jit3A_947 = arith.constant 4 : i32
    %div3A_948 = arith.divsi %add3A_946, %jit3A_947 : i32
    %sign3A_949 = arith.constant 0 : i32
    %sign3A_950 = arith.cmpi sgt, %add3A_946, %sign3A_949 : i32
    %sign3A_951 = arith.extui %sign3A_950 : i1 to i32
    %sign3A_952 = arith.constant 0 : i32
    %sign3A_953 = arith.cmpi slt, %add3A_946, %sign3A_952 : i32
    %sign3A_954 = arith.extui %sign3A_953 : i1 to i32
    %sign3A_955 = arith.subi %sign3A_951, %sign3A_954 : i32
    %sign3A_956 = arith.constant 0 : i32
    %sign3A_957 = arith.cmpi sgt, %jit3A_947, %sign3A_956 : i32
    %sign3A_958 = arith.extui %sign3A_957 : i1 to i32
    %sign3A_959 = arith.constant 0 : i32
    %sign3A_960 = arith.cmpi slt, %jit3A_947, %sign3A_959 : i32
    %sign3A_961 = arith.extui %sign3A_960 : i1 to i32
    %sign3A_962 = arith.subi %sign3A_958, %sign3A_961 : i32
    %ne3A_963 = arith.cmpi ne, %sign3A_955, %sign3A_962 : i32
    %rem3A_964 = arith.remsi %add3A_946, %jit3A_947 : i32
    %ne3A_965 = arith.constant 0 : i32
    %ne3A_966 = arith.cmpi ne, %rem3A_964, %ne3A_965 : i32
    %and3A_967 = arith.andi %ne3A_963, %ne3A_966 : i1
    %sub3A_968 = arith.constant 1 : i32
    %sub3A_969 = arith.subi %div3A_948, %sub3A_968 : i32
    %select_n3A_970 = arith.select %and3A_967, %sub3A_969, %div3A_948 : i32
    %jit3A_971 = arith.constant 4 : i32
    %eq3A_972 = arith.constant 0 : i32
    %eq3A_973 = arith.cmpi eq, %jit3A_971, %eq3A_972 : i32
    %jit3A_974 = arith.constant 1 : i32
    %select_n3A_975 = arith.select %eq3A_973, %jit3A_974, %jit3A_971 : i32
    %rem3A_976 = arith.remsi %add3A_946, %select_n3A_975 : i32
    %ne3A_977 = arith.constant 0 : i32
    %ne3A_978 = arith.cmpi ne, %rem3A_976, %ne3A_977 : i32
    %lt3A_979 = arith.constant 0 : i32
    %lt3A_980 = arith.cmpi slt, %rem3A_976, %lt3A_979 : i32
    %lt3A_981 = arith.constant 0 : i32
    %lt3A_982 = arith.cmpi slt, %select_n3A_975, %lt3A_981 : i32
    %ne3A_983 = arith.xori %lt3A_980, %lt3A_982 : i1
    %and3A_984 = arith.andi %ne3A_983, %ne3A_978 : i1
    %add3A_985 = arith.addi %rem3A_976, %select_n3A_975 : i32
    %select_n3A_986 = arith.select %and3A_984, %add3A_985, %rem3A_976 : i32
    %mul3A_987 = arith.constant 4096 : i32
    %mul3A_988 = arith.muli %select_n3A_986, %mul3A_987 : i32
    %mul3A_989 = arith.constant 16384 : i32
    %mul3A_990 = arith.muli %select_n3A_970, %mul3A_989 : i32
    %add3A_991 = arith.addi %mul3A_990, %mul3A_988 : i32
    %dma_start3A_992 = tpu.memref_slice %arg4[%add3A_991] : memref<3276800xf32, #tpu.memory_space<hbm>> -> memref<4096xf32, #tpu.memory_space<hbm>>
    %dma_start3A_993 = tpu.memref_slice %arg4[%add3A_991] : memref<3276800xf32, #tpu.memory_space<hbm>> -> memref<4096xf32, #tpu.memory_space<hbm>>
    tpu.enqueue_dma source(%arg11 : memref<4096xf32, #tpu.memory_space<vmem>>) target(%dma_start3A_993 : memref<4096xf32, #tpu.memory_space<hbm>>) target_semaphore(%arg17 : memref<!tpu.dma_semaphore, #tpu.memory_space<semaphore_mem>>)
    %add3A_994 = arith.constant 11 : i32
    %add3A_995 = arith.addi %mul3A_2, %add3A_994 : i32
    %jit3A_996 = arith.constant 4 : i32
    %div3A_997 = arith.divsi %add3A_995, %jit3A_996 : i32
    %sign3A_998 = arith.constant 0 : i32
    %sign3A_999 = arith.cmpi sgt, %add3A_995, %sign3A_998 : i32
    %sign3A_1000 = arith.extui %sign3A_999 : i1 to i32
    %sign3A_1001 = arith.constant 0 : i32
    %sign3A_1002 = arith.cmpi slt, %add3A_995, %sign3A_1001 : i32
    %sign3A_1003 = arith.extui %sign3A_1002 : i1 to i32
    %sign3A_1004 = arith.subi %sign3A_1000, %sign3A_1003 : i32
    %sign3A_1005 = arith.constant 0 : i32
    %sign3A_1006 = arith.cmpi sgt, %jit3A_996, %sign3A_1005 : i32
    %sign3A_1007 = arith.extui %sign3A_1006 : i1 to i32
    %sign3A_1008 = arith.constant 0 : i32
    %sign3A_1009 = arith.cmpi slt, %jit3A_996, %sign3A_1008 : i32
    %sign3A_1010 = arith.extui %sign3A_1009 : i1 to i32
    %sign3A_1011 = arith.subi %sign3A_1007, %sign3A_1010 : i32
    %ne3A_1012 = arith.cmpi ne, %sign3A_1004, %sign3A_1011 : i32
    %rem3A_1013 = arith.remsi %add3A_995, %jit3A_996 : i32
    %ne3A_1014 = arith.constant 0 : i32
    %ne3A_1015 = arith.cmpi ne, %rem3A_1013, %ne3A_1014 : i32
    %and3A_1016 = arith.andi %ne3A_1012, %ne3A_1015 : i1
    %sub3A_1017 = arith.constant 1 : i32
    %sub3A_1018 = arith.subi %div3A_997, %sub3A_1017 : i32
    %select_n3A_1019 = arith.select %and3A_1016, %sub3A_1018, %div3A_997 : i32
    %jit3A_1020 = arith.constant 4 : i32
    %eq3A_1021 = arith.constant 0 : i32
    %eq3A_1022 = arith.cmpi eq, %jit3A_1020, %eq3A_1021 : i32
    %jit3A_1023 = arith.constant 1 : i32
    %select_n3A_1024 = arith.select %eq3A_1022, %jit3A_1023, %jit3A_1020 : i32
    %rem3A_1025 = arith.remsi %add3A_995, %select_n3A_1024 : i32
    %ne3A_1026 = arith.constant 0 : i32
    %ne3A_1027 = arith.cmpi ne, %rem3A_1025, %ne3A_1026 : i32
    %lt3A_1028 = arith.constant 0 : i32
    %lt3A_1029 = arith.cmpi slt, %rem3A_1025, %lt3A_1028 : i32
    %lt3A_1030 = arith.constant 0 : i32
    %lt3A_1031 = arith.cmpi slt, %select_n3A_1024, %lt3A_1030 : i32
    %ne3A_1032 = arith.xori %lt3A_1029, %lt3A_1031 : i1
    %and3A_1033 = arith.andi %ne3A_1032, %ne3A_1027 : i1
    %add3A_1034 = arith.addi %rem3A_1025, %select_n3A_1024 : i32
    %select_n3A_1035 = arith.select %and3A_1033, %add3A_1034, %rem3A_1025 : i32
    %mul3A_1036 = arith.constant 4096 : i32
    %mul3A_1037 = arith.muli %select_n3A_1035, %mul3A_1036 : i32
    %dma_start3A_1038 = tpu.memref_slice %arg2[%select_n3A_1019, %mul3A_1037] : memref<200x16384xi32, #tpu.memory_space<hbm>> -> memref<1x4096xi32, #tpu.memory_space<hbm>>
    %dma_start3A_1039 = tpu.memref_slice %arg2[%select_n3A_1019, %mul3A_1037] : memref<200x16384xi32, #tpu.memory_space<hbm>> -> memref<1x4096xi32, #tpu.memory_space<hbm>>
    tpu.enqueue_dma source(%dma_start3A_1039 : memref<1x4096xi32, #tpu.memory_space<hbm>>) target(%arg8 : memref<1x4096xi32, #tpu.memory_space<vmem>>) target_semaphore(%arg14 : memref<!tpu.dma_semaphore, #tpu.memory_space<semaphore_mem>>)
    %dma_wait3A_1040 = tpu.memref_slice %arg2[%select_n3A_815, %mul3A_833] : memref<200x16384xi32, #tpu.memory_space<hbm>> -> memref<1x4096xi32, #tpu.memory_space<hbm>>
    %dma_wait3A_1041 = tpu.memref_slice %arg2[%select_n3A_815, %mul3A_833] : memref<200x16384xi32, #tpu.memory_space<hbm>> -> memref<1x4096xi32, #tpu.memory_space<hbm>>
    tpu.wait_dma2 semaphore(%arg12 : memref<!tpu.dma_semaphore, #tpu.memory_space<semaphore_mem>>) src(%dma_wait3A_1041 : memref<1x4096xi32, #tpu.memory_space<hbm>>) dst(%arg6 : memref<1x4096xi32, #tpu.memory_space<vmem>>)
    %dma_wait3A_1042 = tpu.memref_slice %arg4[%add3A_787] : memref<3276800xf32, #tpu.memory_space<hbm>> -> memref<4096xf32, #tpu.memory_space<hbm>>
    %dma_wait3A_1043 = tpu.memref_slice %arg4[%add3A_787] : memref<3276800xf32, #tpu.memory_space<hbm>> -> memref<4096xf32, #tpu.memory_space<hbm>>
    tpu.wait_dma2 semaphore(%arg15 : memref<!tpu.dma_semaphore, #tpu.memory_space<semaphore_mem>>) src(%arg9 : memref<4096xf32, #tpu.memory_space<vmem>>) dst(%dma_wait3A_1043 : memref<4096xf32, #tpu.memory_space<hbm>>)
    %parallel_loop3A_1044 = arith.constant 0 : i32
    %parallel_loop3A_1045 = arith.constant 4096 : i32
    %parallel_loop3A_1046 = arith.constant 16 : i32
    scf.for %parallel_loop3A_2540 = %parallel_loop3A_1044 to %parallel_loop3A_1045 step %parallel_loop3A_1046  : i32 {
      %parallel_loop3A_2541 = arith.constant 0 : i32
      %parallel_loop3A_2542 = arith.index_cast %parallel_loop3A_2541 : i32 to index
      %parallel_loop3A_2543 = arith.index_cast %parallel_loop3A_2540 : i32 to index
      %parallel_loop3A_2544 = tpu.vector_load %arg6[%parallel_loop3A_2542, %parallel_loop3A_2543] {strides = array<i32>} : memref<1x4096xi32, #tpu.memory_space<vmem>>, vector<16xi32>,
      %parallel_loop3A_2545 = tpu.vector_load_idx %arg5[%parallel_loop3A_2544] : memref<16xf32, #tpu.memory_space<vmem>>[vector<16xi32>], vector<16xf32>,
      %parallel_loop3A_2546 = arith.index_cast %parallel_loop3A_2540 : i32 to index
      %parallel_loop3A_2547 = tpu.vector_load %arg9[%parallel_loop3A_2546] {strides = array<i32>} : memref<4096xf32, #tpu.memory_space<vmem>>, vector<16xf32>,
      tpu.vector_store %arg9[%parallel_loop3A_2546], %parallel_loop3A_2545 {strides = array<i32>} : memref<4096xf32, #tpu.memory_space<vmem>>, vector<16xf32>,
    } {sc.loop_unroll_factor = 8 : i64, sc.parallel_access}
    %add3A_1047 = arith.constant 9 : i32
    %add3A_1048 = arith.addi %mul3A_2, %add3A_1047 : i32
    %jit3A_1049 = arith.constant 4 : i32
    %div3A_1050 = arith.divsi %add3A_1048, %jit3A_1049 : i32
    %sign3A_1051 = arith.constant 0 : i32
    %sign3A_1052 = arith.cmpi sgt, %add3A_1048, %sign3A_1051 : i32
    %sign3A_1053 = arith.extui %sign3A_1052 : i1 to i32
    %sign3A_1054 = arith.constant 0 : i32
    %sign3A_1055 = arith.cmpi slt, %add3A_1048, %sign3A_1054 : i32
    %sign3A_1056 = arith.extui %sign3A_1055 : i1 to i32
    %sign3A_1057 = arith.subi %sign3A_1053, %sign3A_1056 : i32
    %sign3A_1058 = arith.constant 0 : i32
    %sign3A_1059 = arith.cmpi sgt, %jit3A_1049, %sign3A_1058 : i32
    %sign3A_1060 = arith.extui %sign3A_1059 : i1 to i32
    %sign3A_1061 = arith.constant 0 : i32
    %sign3A_1062 = arith.cmpi slt, %jit3A_1049, %sign3A_1061 : i32
    %sign3A_1063 = arith.extui %sign3A_1062 : i1 to i32
    %sign3A_1064 = arith.subi %sign3A_1060, %sign3A_1063 : i32
    %ne3A_1065 = arith.cmpi ne, %sign3A_1057, %sign3A_1064 : i32
    %rem3A_1066 = arith.remsi %add3A_1048, %jit3A_1049 : i32
    %ne3A_1067 = arith.constant 0 : i32
    %ne3A_1068 = arith.cmpi ne, %rem3A_1066, %ne3A_1067 : i32
    %and3A_1069 = arith.andi %ne3A_1065, %ne3A_1068 : i1
    %sub3A_1070 = arith.constant 1 : i32
    %sub3A_1071 = arith.subi %div3A_1050, %sub3A_1070 : i32
    %select_n3A_1072 = arith.select %and3A_1069, %sub3A_1071, %div3A_1050 : i32
    %jit3A_1073 = arith.constant 4 : i32
    %eq3A_1074 = arith.constant 0 : i32
    %eq3A_1075 = arith.cmpi eq, %jit3A_1073, %eq3A_1074 : i32
    %jit3A_1076 = arith.constant 1 : i32
    %select_n3A_1077 = arith.select %eq3A_1075, %jit3A_1076, %jit3A_1073 : i32
    %rem3A_1078 = arith.remsi %add3A_1048, %select_n3A_1077 : i32
    %ne3A_1079 = arith.constant 0 : i32
    %ne3A_1080 = arith.cmpi ne, %rem3A_1078, %ne3A_1079 : i32
    %lt3A_1081 = arith.constant 0 : i32
    %lt3A_1082 = arith.cmpi slt, %rem3A_1078, %lt3A_1081 : i32
    %lt3A_1083 = arith.constant 0 : i32
    %lt3A_1084 = arith.cmpi slt, %select_n3A_1077, %lt3A_1083 : i32
    %ne3A_1085 = arith.xori %lt3A_1082, %lt3A_1084 : i1
    %and3A_1086 = arith.andi %ne3A_1085, %ne3A_1080 : i1
    %add3A_1087 = arith.addi %rem3A_1078, %select_n3A_1077 : i32
    %select_n3A_1088 = arith.select %and3A_1086, %add3A_1087, %rem3A_1078 : i32
    %mul3A_1089 = arith.constant 4096 : i32
    %mul3A_1090 = arith.muli %select_n3A_1088, %mul3A_1089 : i32
    %mul3A_1091 = arith.constant 16384 : i32
    %mul3A_1092 = arith.muli %select_n3A_1072, %mul3A_1091 : i32
    %add3A_1093 = arith.addi %mul3A_1092, %mul3A_1090 : i32
    %dma_start3A_1094 = tpu.memref_slice %arg4[%add3A_1093] : memref<3276800xf32, #tpu.memory_space<hbm>> -> memref<4096xf32, #tpu.memory_space<hbm>>
    %dma_start3A_1095 = tpu.memref_slice %arg4[%add3A_1093] : memref<3276800xf32, #tpu.memory_space<hbm>> -> memref<4096xf32, #tpu.memory_space<hbm>>
    tpu.enqueue_dma source(%arg9 : memref<4096xf32, #tpu.memory_space<vmem>>) target(%dma_start3A_1095 : memref<4096xf32, #tpu.memory_space<hbm>>) target_semaphore(%arg15 : memref<!tpu.dma_semaphore, #tpu.memory_space<semaphore_mem>>)
    %add3A_1096 = arith.constant 12 : i32
    %add3A_1097 = arith.addi %mul3A_2, %add3A_1096 : i32
    %jit3A_1098 = arith.constant 4 : i32
    %div3A_1099 = arith.divsi %add3A_1097, %jit3A_1098 : i32
    %sign3A_1100 = arith.constant 0 : i32
    %sign3A_1101 = arith.cmpi sgt, %add3A_1097, %sign3A_1100 : i32
    %sign3A_1102 = arith.extui %sign3A_1101 : i1 to i32
    %sign3A_1103 = arith.constant 0 : i32
    %sign3A_1104 = arith.cmpi slt, %add3A_1097, %sign3A_1103 : i32
    %sign3A_1105 = arith.extui %sign3A_1104 : i1 to i32
    %sign3A_1106 = arith.subi %sign3A_1102, %sign3A_1105 : i32
    %sign3A_1107 = arith.constant 0 : i32
    %sign3A_1108 = arith.cmpi sgt, %jit3A_1098, %sign3A_1107 : i32
    %sign3A_1109 = arith.extui %sign3A_1108 : i1 to i32
    %sign3A_1110 = arith.constant 0 : i32
    %sign3A_1111 = arith.cmpi slt, %jit3A_1098, %sign3A_1110 : i32
    %sign3A_1112 = arith.extui %sign3A_1111 : i1 to i32
    %sign3A_1113 = arith.subi %sign3A_1109, %sign3A_1112 : i32
    %ne3A_1114 = arith.cmpi ne, %sign3A_1106, %sign3A_1113 : i32
    %rem3A_1115 = arith.remsi %add3A_1097, %jit3A_1098 : i32
    %ne3A_1116 = arith.constant 0 : i32
    %ne3A_1117 = arith.cmpi ne, %rem3A_1115, %ne3A_1116 : i32
    %and3A_1118 = arith.andi %ne3A_1114, %ne3A_1117 : i1
    %sub3A_1119 = arith.constant 1 : i32
    %sub3A_1120 = arith.subi %div3A_1099, %sub3A_1119 : i32
    %select_n3A_1121 = arith.select %and3A_1118, %sub3A_1120, %div3A_1099 : i32
    %jit3A_1122 = arith.constant 4 : i32
    %eq3A_1123 = arith.constant 0 : i32
    %eq3A_1124 = arith.cmpi eq, %jit3A_1122, %eq3A_1123 : i32
    %jit3A_1125 = arith.constant 1 : i32
    %select_n3A_1126 = arith.select %eq3A_1124, %jit3A_1125, %jit3A_1122 : i32
    %rem3A_1127 = arith.remsi %add3A_1097, %select_n3A_1126 : i32
    %ne3A_1128 = arith.constant 0 : i32
    %ne3A_1129 = arith.cmpi ne, %rem3A_1127, %ne3A_1128 : i32
    %lt3A_1130 = arith.constant 0 : i32
    %lt3A_1131 = arith.cmpi slt, %rem3A_1127, %lt3A_1130 : i32
    %lt3A_1132 = arith.constant 0 : i32
    %lt3A_1133 = arith.cmpi slt, %select_n3A_1126, %lt3A_1132 : i32
    %ne3A_1134 = arith.xori %lt3A_1131, %lt3A_1133 : i1
    %and3A_1135 = arith.andi %ne3A_1134, %ne3A_1129 : i1
    %add3A_1136 = arith.addi %rem3A_1127, %select_n3A_1126 : i32
    %select_n3A_1137 = arith.select %and3A_1135, %add3A_1136, %rem3A_1127 : i32
    %mul3A_1138 = arith.constant 4096 : i32
    %mul3A_1139 = arith.muli %select_n3A_1137, %mul3A_1138 : i32
    %dma_start3A_1140 = tpu.memref_slice %arg2[%select_n3A_1121, %mul3A_1139] : memref<200x16384xi32, #tpu.memory_space<hbm>> -> memref<1x4096xi32, #tpu.memory_space<hbm>>
    %dma_start3A_1141 = tpu.memref_slice %arg2[%select_n3A_1121, %mul3A_1139] : memref<200x16384xi32, #tpu.memory_space<hbm>> -> memref<1x4096xi32, #tpu.memory_space<hbm>>
    tpu.enqueue_dma source(%dma_start3A_1141 : memref<1x4096xi32, #tpu.memory_space<hbm>>) target(%arg6 : memref<1x4096xi32, #tpu.memory_space<vmem>>) target_semaphore(%arg12 : memref<!tpu.dma_semaphore, #tpu.memory_space<semaphore_mem>>)
    %dma_wait3A_1142 = tpu.memref_slice %arg2[%select_n3A_917, %mul3A_935] : memref<200x16384xi32, #tpu.memory_space<hbm>> -> memref<1x4096xi32, #tpu.memory_space<hbm>>
    %dma_wait3A_1143 = tpu.memref_slice %arg2[%select_n3A_917, %mul3A_935] : memref<200x16384xi32, #tpu.memory_space<hbm>> -> memref<1x4096xi32, #tpu.memory_space<hbm>>
    tpu.wait_dma2 semaphore(%arg13 : memref<!tpu.dma_semaphore, #tpu.memory_space<semaphore_mem>>) src(%dma_wait3A_1143 : memref<1x4096xi32, #tpu.memory_space<hbm>>) dst(%arg7 : memref<1x4096xi32, #tpu.memory_space<vmem>>)
    %dma_wait3A_1144 = tpu.memref_slice %arg4[%add3A_889] : memref<3276800xf32, #tpu.memory_space<hbm>> -> memref<4096xf32, #tpu.memory_space<hbm>>
    %dma_wait3A_1145 = tpu.memref_slice %arg4[%add3A_889] : memref<3276800xf32, #tpu.memory_space<hbm>> -> memref<4096xf32, #tpu.memory_space<hbm>>
    tpu.wait_dma2 semaphore(%arg16 : memref<!tpu.dma_semaphore, #tpu.memory_space<semaphore_mem>>) src(%arg10 : memref<4096xf32, #tpu.memory_space<vmem>>) dst(%dma_wait3A_1145 : memref<4096xf32, #tpu.memory_space<hbm>>)
    %parallel_loop3A_1146 = arith.constant 0 : i32
    %parallel_loop3A_1147 = arith.constant 4096 : i32
    %parallel_loop3A_1148 = arith.constant 16 : i32
    scf.for %parallel_loop3A_2540 = %parallel_loop3A_1146 to %parallel_loop3A_1147 step %parallel_loop3A_1148  : i32 {
      %parallel_loop3A_2541 = arith.constant 0 : i32
      %parallel_loop3A_2542 = arith.index_cast %parallel_loop3A_2541 : i32 to index
      %parallel_loop3A_2543 = arith.index_cast %parallel_loop3A_2540 : i32 to index
      %parallel_loop3A_2544 = tpu.vector_load %arg7[%parallel_loop3A_2542, %parallel_loop3A_2543] {strides = array<i32>} : memref<1x4096xi32, #tpu.memory_space<vmem>>, vector<16xi32>,
      %parallel_loop3A_2545 = tpu.vector_load_idx %arg5[%parallel_loop3A_2544] : memref<16xf32, #tpu.memory_space<vmem>>[vector<16xi32>], vector<16xf32>,
      %parallel_loop3A_2546 = arith.index_cast %parallel_loop3A_2540 : i32 to index
      %parallel_loop3A_2547 = tpu.vector_load %arg10[%parallel_loop3A_2546] {strides = array<i32>} : memref<4096xf32, #tpu.memory_space<vmem>>, vector<16xf32>,
      tpu.vector_store %arg10[%parallel_loop3A_2546], %parallel_loop3A_2545 {strides = array<i32>} : memref<4096xf32, #tpu.memory_space<vmem>>, vector<16xf32>,
    } {sc.loop_unroll_factor = 8 : i64, sc.parallel_access}
    %add3A_1149 = arith.constant 10 : i32
    %add3A_1150 = arith.addi %mul3A_2, %add3A_1149 : i32
    %jit3A_1151 = arith.constant 4 : i32
    %div3A_1152 = arith.divsi %add3A_1150, %jit3A_1151 : i32
    %sign3A_1153 = arith.constant 0 : i32
    %sign3A_1154 = arith.cmpi sgt, %add3A_1150, %sign3A_1153 : i32
    %sign3A_1155 = arith.extui %sign3A_1154 : i1 to i32
    %sign3A_1156 = arith.constant 0 : i32
    %sign3A_1157 = arith.cmpi slt, %add3A_1150, %sign3A_1156 : i32
    %sign3A_1158 = arith.extui %sign3A_1157 : i1 to i32
    %sign3A_1159 = arith.subi %sign3A_1155, %sign3A_1158 : i32
    %sign3A_1160 = arith.constant 0 : i32
    %sign3A_1161 = arith.cmpi sgt, %jit3A_1151, %sign3A_1160 : i32
    %sign3A_1162 = arith.extui %sign3A_1161 : i1 to i32
    %sign3A_1163 = arith.constant 0 : i32
    %sign3A_1164 = arith.cmpi slt, %jit3A_1151, %sign3A_1163 : i32
    %sign3A_1165 = arith.extui %sign3A_1164 : i1 to i32
    %sign3A_1166 = arith.subi %sign3A_1162, %sign3A_1165 : i32
    %ne3A_1167 = arith.cmpi ne, %sign3A_1159, %sign3A_1166 : i32
    %rem3A_1168 = arith.remsi %add3A_1150, %jit3A_1151 : i32
    %ne3A_1169 = arith.constant 0 : i32
    %ne3A_1170 = arith.cmpi ne, %rem3A_1168, %ne3A_1169 : i32
    %and3A_1171 = arith.andi %ne3A_1167, %ne3A_1170 : i1
    %sub3A_1172 = arith.constant 1 : i32
    %sub3A_1173 = arith.subi %div3A_1152, %sub3A_1172 : i32
    %select_n3A_1174 = arith.select %and3A_1171, %sub3A_1173, %div3A_1152 : i32
    %jit3A_1175 = arith.constant 4 : i32
    %eq3A_1176 = arith.constant 0 : i32
    %eq3A_1177 = arith.cmpi eq, %jit3A_1175, %eq3A_1176 : i32
    %jit3A_1178 = arith.constant 1 : i32
    %select_n3A_1179 = arith.select %eq3A_1177, %jit3A_1178, %jit3A_1175 : i32
    %rem3A_1180 = arith.remsi %add3A_1150, %select_n3A_1179 : i32
    %ne3A_1181 = arith.constant 0 : i32
    %ne3A_1182 = arith.cmpi ne, %rem3A_1180, %ne3A_1181 : i32
    %lt3A_1183 = arith.constant 0 : i32
    %lt3A_1184 = arith.cmpi slt, %rem3A_1180, %lt3A_1183 : i32
    %lt3A_1185 = arith.constant 0 : i32
    %lt3A_1186 = arith.cmpi slt, %select_n3A_1179, %lt3A_1185 : i32
    %ne3A_1187 = arith.xori %lt3A_1184, %lt3A_1186 : i1
    %and3A_1188 = arith.andi %ne3A_1187, %ne3A_1182 : i1
    %add3A_1189 = arith.addi %rem3A_1180, %select_n3A_1179 : i32
    %select_n3A_1190 = arith.select %and3A_1188, %add3A_1189, %rem3A_1180 : i32
    %mul3A_1191 = arith.constant 4096 : i32
    %mul3A_1192 = arith.muli %select_n3A_1190, %mul3A_1191 : i32
    %mul3A_1193 = arith.constant 16384 : i32
    %mul3A_1194 = arith.muli %select_n3A_1174, %mul3A_1193 : i32
    %add3A_1195 = arith.addi %mul3A_1194, %mul3A_1192 : i32
    %dma_start3A_1196 = tpu.memref_slice %arg4[%add3A_1195] : memref<3276800xf32, #tpu.memory_space<hbm>> -> memref<4096xf32, #tpu.memory_space<hbm>>
    %dma_start3A_1197 = tpu.memref_slice %arg4[%add3A_1195] : memref<3276800xf32, #tpu.memory_space<hbm>> -> memref<4096xf32, #tpu.memory_space<hbm>>
    tpu.enqueue_dma source(%arg10 : memref<4096xf32, #tpu.memory_space<vmem>>) target(%dma_start3A_1197 : memref<4096xf32, #tpu.memory_space<hbm>>) target_semaphore(%arg16 : memref<!tpu.dma_semaphore, #tpu.memory_space<semaphore_mem>>)
    %add3A_1198 = arith.constant 13 : i32
    %add3A_1199 = arith.addi %mul3A_2, %add3A_1198 : i32
    %jit3A_1200 = arith.constant 4 : i32
    %div3A_1201 = arith.divsi %add3A_1199, %jit3A_1200 : i32
    %sign3A_1202 = arith.constant 0 : i32
    %sign3A_1203 = arith.cmpi sgt, %add3A_1199, %sign3A_1202 : i32
    %sign3A_1204 = arith.extui %sign3A_1203 : i1 to i32
    %sign3A_1205 = arith.constant 0 : i32
    %sign3A_1206 = arith.cmpi slt, %add3A_1199, %sign3A_1205 : i32
    %sign3A_1207 = arith.extui %sign3A_1206 : i1 to i32
    %sign3A_1208 = arith.subi %sign3A_1204, %sign3A_1207 : i32
    %sign3A_1209 = arith.constant 0 : i32
    %sign3A_1210 = arith.cmpi sgt, %jit3A_1200, %sign3A_1209 : i32
    %sign3A_1211 = arith.extui %sign3A_1210 : i1 to i32
    %sign3A_1212 = arith.constant 0 : i32
    %sign3A_1213 = arith.cmpi slt, %jit3A_1200, %sign3A_1212 : i32
    %sign3A_1214 = arith.extui %sign3A_1213 : i1 to i32
    %sign3A_1215 = arith.subi %sign3A_1211, %sign3A_1214 : i32
    %ne3A_1216 = arith.cmpi ne, %sign3A_1208, %sign3A_1215 : i32
    %rem3A_1217 = arith.remsi %add3A_1199, %jit3A_1200 : i32
    %ne3A_1218 = arith.constant 0 : i32
    %ne3A_1219 = arith.cmpi ne, %rem3A_1217, %ne3A_1218 : i32
    %and3A_1220 = arith.andi %ne3A_1216, %ne3A_1219 : i1
    %sub3A_1221 = arith.constant 1 : i32
    %sub3A_1222 = arith.subi %div3A_1201, %sub3A_1221 : i32
    %select_n3A_1223 = arith.select %and3A_1220, %sub3A_1222, %div3A_1201 : i32
    %jit3A_1224 = arith.constant 4 : i32
    %eq3A_1225 = arith.constant 0 : i32
    %eq3A_1226 = arith.cmpi eq, %jit3A_1224, %eq3A_1225 : i32
    %jit3A_1227 = arith.constant 1 : i32
    %select_n3A_1228 = arith.select %eq3A_1226, %jit3A_1227, %jit3A_1224 : i32
    %rem3A_1229 = arith.remsi %add3A_1199, %select_n3A_1228 : i32
    %ne3A_1230 = arith.constant 0 : i32
    %ne3A_1231 = arith.cmpi ne, %rem3A_1229, %ne3A_1230 : i32
    %lt3A_1232 = arith.constant 0 : i32
    %lt3A_1233 = arith.cmpi slt, %rem3A_1229, %lt3A_1232 : i32
    %lt3A_1234 = arith.constant 0 : i32
    %lt3A_1235 = arith.cmpi slt, %select_n3A_1228, %lt3A_1234 : i32
    %ne3A_1236 = arith.xori %lt3A_1233, %lt3A_1235 : i1
    %and3A_1237 = arith.andi %ne3A_1236, %ne3A_1231 : i1
    %add3A_1238 = arith.addi %rem3A_1229, %select_n3A_1228 : i32
    %select_n3A_1239 = arith.select %and3A_1237, %add3A_1238, %rem3A_1229 : i32
    %mul3A_1240 = arith.constant 4096 : i32
    %mul3A_1241 = arith.muli %select_n3A_1239, %mul3A_1240 : i32
    %dma_start3A_1242 = tpu.memref_slice %arg2[%select_n3A_1223, %mul3A_1241] : memref<200x16384xi32, #tpu.memory_space<hbm>> -> memref<1x4096xi32, #tpu.memory_space<hbm>>
    %dma_start3A_1243 = tpu.memref_slice %arg2[%select_n3A_1223, %mul3A_1241] : memref<200x16384xi32, #tpu.memory_space<hbm>> -> memref<1x4096xi32, #tpu.memory_space<hbm>>
    tpu.enqueue_dma source(%dma_start3A_1243 : memref<1x4096xi32, #tpu.memory_space<hbm>>) target(%arg7 : memref<1x4096xi32, #tpu.memory_space<vmem>>) target_semaphore(%arg13 : memref<!tpu.dma_semaphore, #tpu.memory_space<semaphore_mem>>)
    %dma_wait3A_1244 = tpu.memref_slice %arg2[%select_n3A_1019, %mul3A_1037] : memref<200x16384xi32, #tpu.memory_space<hbm>> -> memref<1x4096xi32, #tpu.memory_space<hbm>>
    %dma_wait3A_1245 = tpu.memref_slice %arg2[%select_n3A_1019, %mul3A_1037] : memref<200x16384xi32, #tpu.memory_space<hbm>> -> memref<1x4096xi32, #tpu.memory_space<hbm>>
    tpu.wait_dma2 semaphore(%arg14 : memref<!tpu.dma_semaphore, #tpu.memory_space<semaphore_mem>>) src(%dma_wait3A_1245 : memref<1x4096xi32, #tpu.memory_space<hbm>>) dst(%arg8 : memref<1x4096xi32, #tpu.memory_space<vmem>>)
    %dma_wait3A_1246 = tpu.memref_slice %arg4[%add3A_991] : memref<3276800xf32, #tpu.memory_space<hbm>> -> memref<4096xf32, #tpu.memory_space<hbm>>
    %dma_wait3A_1247 = tpu.memref_slice %arg4[%add3A_991] : memref<3276800xf32, #tpu.memory_space<hbm>> -> memref<4096xf32, #tpu.memory_space<hbm>>
    tpu.wait_dma2 semaphore(%arg17 : memref<!tpu.dma_semaphore, #tpu.memory_space<semaphore_mem>>) src(%arg11 : memref<4096xf32, #tpu.memory_space<vmem>>) dst(%dma_wait3A_1247 : memref<4096xf32, #tpu.memory_space<hbm>>)
    %parallel_loop3A_1248 = arith.constant 0 : i32
    %parallel_loop3A_1249 = arith.constant 4096 : i32
    %parallel_loop3A_1250 = arith.constant 16 : i32
    scf.for %parallel_loop3A_2540 = %parallel_loop3A_1248 to %parallel_loop3A_1249 step %parallel_loop3A_1250  : i32 {
      %parallel_loop3A_2541 = arith.constant 0 : i32
      %parallel_loop3A_2542 = arith.index_cast %parallel_loop3A_2541 : i32 to index
      %parallel_loop3A_2543 = arith.index_cast %parallel_loop3A_2540 : i32 to index
      %parallel_loop3A_2544 = tpu.vector_load %arg8[%parallel_loop3A_2542, %parallel_loop3A_2543] {strides = array<i32>} : memref<1x4096xi32, #tpu.memory_space<vmem>>, vector<16xi32>,
      %parallel_loop3A_2545 = tpu.vector_load_idx %arg5[%parallel_loop3A_2544] : memref<16xf32, #tpu.memory_space<vmem>>[vector<16xi32>], vector<16xf32>,
      %parallel_loop3A_2546 = arith.index_cast %parallel_loop3A_2540 : i32 to index
      %parallel_loop3A_2547 = tpu.vector_load %arg11[%parallel_loop3A_2546] {strides = array<i32>} : memref<4096xf32, #tpu.memory_space<vmem>>, vector<16xf32>,
      tpu.vector_store %arg11[%parallel_loop3A_2546], %parallel_loop3A_2545 {strides = array<i32>} : memref<4096xf32, #tpu.memory_space<vmem>>, vector<16xf32>,
    } {sc.loop_unroll_factor = 8 : i64, sc.parallel_access}
    %add3A_1251 = arith.constant 11 : i32
    %add3A_1252 = arith.addi %mul3A_2, %add3A_1251 : i32
    %jit3A_1253 = arith.constant 4 : i32
    %div3A_1254 = arith.divsi %add3A_1252, %jit3A_1253 : i32
    %sign3A_1255 = arith.constant 0 : i32
    %sign3A_1256 = arith.cmpi sgt, %add3A_1252, %sign3A_1255 : i32
    %sign3A_1257 = arith.extui %sign3A_1256 : i1 to i32
    %sign3A_1258 = arith.constant 0 : i32
    %sign3A_1259 = arith.cmpi slt, %add3A_1252, %sign3A_1258 : i32
    %sign3A_1260 = arith.extui %sign3A_1259 : i1 to i32
    %sign3A_1261 = arith.subi %sign3A_1257, %sign3A_1260 : i32
    %sign3A_1262 = arith.constant 0 : i32
    %sign3A_1263 = arith.cmpi sgt, %jit3A_1253, %sign3A_1262 : i32
    %sign3A_1264 = arith.extui %sign3A_1263 : i1 to i32
    %sign3A_1265 = arith.constant 0 : i32
    %sign3A_1266 = arith.cmpi slt, %jit3A_1253, %sign3A_1265 : i32
    %sign3A_1267 = arith.extui %sign3A_1266 : i1 to i32
    %sign3A_1268 = arith.subi %sign3A_1264, %sign3A_1267 : i32
    %ne3A_1269 = arith.cmpi ne, %sign3A_1261, %sign3A_1268 : i32
    %rem3A_1270 = arith.remsi %add3A_1252, %jit3A_1253 : i32
    %ne3A_1271 = arith.constant 0 : i32
    %ne3A_1272 = arith.cmpi ne, %rem3A_1270, %ne3A_1271 : i32
    %and3A_1273 = arith.andi %ne3A_1269, %ne3A_1272 : i1
    %sub3A_1274 = arith.constant 1 : i32
    %sub3A_1275 = arith.subi %div3A_1254, %sub3A_1274 : i32
    %select_n3A_1276 = arith.select %and3A_1273, %sub3A_1275, %div3A_1254 : i32
    %jit3A_1277 = arith.constant 4 : i32
    %eq3A_1278 = arith.constant 0 : i32
    %eq3A_1279 = arith.cmpi eq, %jit3A_1277, %eq3A_1278 : i32
    %jit3A_1280 = arith.constant 1 : i32
    %select_n3A_1281 = arith.select %eq3A_1279, %jit3A_1280, %jit3A_1277 : i32
    %rem3A_1282 = arith.remsi %add3A_1252, %select_n3A_1281 : i32
    %ne3A_1283 = arith.constant 0 : i32
    %ne3A_1284 = arith.cmpi ne, %rem3A_1282, %ne3A_1283 : i32
    %lt3A_1285 = arith.constant 0 : i32
    %lt3A_1286 = arith.cmpi slt, %rem3A_1282, %lt3A_1285 : i32
    %lt3A_1287 = arith.constant 0 : i32
    %lt3A_1288 = arith.cmpi slt, %select_n3A_1281, %lt3A_1287 : i32
    %ne3A_1289 = arith.xori %lt3A_1286, %lt3A_1288 : i1
    %and3A_1290 = arith.andi %ne3A_1289, %ne3A_1284 : i1
    %add3A_1291 = arith.addi %rem3A_1282, %select_n3A_1281 : i32
    %select_n3A_1292 = arith.select %and3A_1290, %add3A_1291, %rem3A_1282 : i32
    %mul3A_1293 = arith.constant 4096 : i32
    %mul3A_1294 = arith.muli %select_n3A_1292, %mul3A_1293 : i32
    %mul3A_1295 = arith.constant 16384 : i32
    %mul3A_1296 = arith.muli %select_n3A_1276, %mul3A_1295 : i32
    %add3A_1297 = arith.addi %mul3A_1296, %mul3A_1294 : i32
    %dma_start3A_1298 = tpu.memref_slice %arg4[%add3A_1297] : memref<3276800xf32, #tpu.memory_space<hbm>> -> memref<4096xf32, #tpu.memory_space<hbm>>
    %dma_start3A_1299 = tpu.memref_slice %arg4[%add3A_1297] : memref<3276800xf32, #tpu.memory_space<hbm>> -> memref<4096xf32, #tpu.memory_space<hbm>>
    tpu.enqueue_dma source(%arg11 : memref<4096xf32, #tpu.memory_space<vmem>>) target(%dma_start3A_1299 : memref<4096xf32, #tpu.memory_space<hbm>>) target_semaphore(%arg17 : memref<!tpu.dma_semaphore, #tpu.memory_space<semaphore_mem>>)
    %add3A_1300 = arith.constant 14 : i32
    %add3A_1301 = arith.addi %mul3A_2, %add3A_1300 : i32
    %jit3A_1302 = arith.constant 4 : i32
    %div3A_1303 = arith.divsi %add3A_1301, %jit3A_1302 : i32
    %sign3A_1304 = arith.constant 0 : i32
    %sign3A_1305 = arith.cmpi sgt, %add3A_1301, %sign3A_1304 : i32
    %sign3A_1306 = arith.extui %sign3A_1305 : i1 to i32
    %sign3A_1307 = arith.constant 0 : i32
    %sign3A_1308 = arith.cmpi slt, %add3A_1301, %sign3A_1307 : i32
    %sign3A_1309 = arith.extui %sign3A_1308 : i1 to i32
    %sign3A_1310 = arith.subi %sign3A_1306, %sign3A_1309 : i32
    %sign3A_1311 = arith.constant 0 : i32
    %sign3A_1312 = arith.cmpi sgt, %jit3A_1302, %sign3A_1311 : i32
    %sign3A_1313 = arith.extui %sign3A_1312 : i1 to i32
    %sign3A_1314 = arith.constant 0 : i32
    %sign3A_1315 = arith.cmpi slt, %jit3A_1302, %sign3A_1314 : i32
    %sign3A_1316 = arith.extui %sign3A_1315 : i1 to i32
    %sign3A_1317 = arith.subi %sign3A_1313, %sign3A_1316 : i32
    %ne3A_1318 = arith.cmpi ne, %sign3A_1310, %sign3A_1317 : i32
    %rem3A_1319 = arith.remsi %add3A_1301, %jit3A_1302 : i32
    %ne3A_1320 = arith.constant 0 : i32
    %ne3A_1321 = arith.cmpi ne, %rem3A_1319, %ne3A_1320 : i32
    %and3A_1322 = arith.andi %ne3A_1318, %ne3A_1321 : i1
    %sub3A_1323 = arith.constant 1 : i32
    %sub3A_1324 = arith.subi %div3A_1303, %sub3A_1323 : i32
    %select_n3A_1325 = arith.select %and3A_1322, %sub3A_1324, %div3A_1303 : i32
    %jit3A_1326 = arith.constant 4 : i32
    %eq3A_1327 = arith.constant 0 : i32
    %eq3A_1328 = arith.cmpi eq, %jit3A_1326, %eq3A_1327 : i32
    %jit3A_1329 = arith.constant 1 : i32
    %select_n3A_1330 = arith.select %eq3A_1328, %jit3A_1329, %jit3A_1326 : i32
    %rem3A_1331 = arith.remsi %add3A_1301, %select_n3A_1330 : i32
    %ne3A_1332 = arith.constant 0 : i32
    %ne3A_1333 = arith.cmpi ne, %rem3A_1331, %ne3A_1332 : i32
    %lt3A_1334 = arith.constant 0 : i32
    %lt3A_1335 = arith.cmpi slt, %rem3A_1331, %lt3A_1334 : i32
    %lt3A_1336 = arith.constant 0 : i32
    %lt3A_1337 = arith.cmpi slt, %select_n3A_1330, %lt3A_1336 : i32
    %ne3A_1338 = arith.xori %lt3A_1335, %lt3A_1337 : i1
    %and3A_1339 = arith.andi %ne3A_1338, %ne3A_1333 : i1
    %add3A_1340 = arith.addi %rem3A_1331, %select_n3A_1330 : i32
    %select_n3A_1341 = arith.select %and3A_1339, %add3A_1340, %rem3A_1331 : i32
    %mul3A_1342 = arith.constant 4096 : i32
    %mul3A_1343 = arith.muli %select_n3A_1341, %mul3A_1342 : i32
    %dma_start3A_1344 = tpu.memref_slice %arg2[%select_n3A_1325, %mul3A_1343] : memref<200x16384xi32, #tpu.memory_space<hbm>> -> memref<1x4096xi32, #tpu.memory_space<hbm>>
    %dma_start3A_1345 = tpu.memref_slice %arg2[%select_n3A_1325, %mul3A_1343] : memref<200x16384xi32, #tpu.memory_space<hbm>> -> memref<1x4096xi32, #tpu.memory_space<hbm>>
    tpu.enqueue_dma source(%dma_start3A_1345 : memref<1x4096xi32, #tpu.memory_space<hbm>>) target(%arg8 : memref<1x4096xi32, #tpu.memory_space<vmem>>) target_semaphore(%arg14 : memref<!tpu.dma_semaphore, #tpu.memory_space<semaphore_mem>>)
    %dma_wait3A_1346 = tpu.memref_slice %arg2[%select_n3A_1121, %mul3A_1139] : memref<200x16384xi32, #tpu.memory_space<hbm>> -> memref<1x4096xi32, #tpu.memory_space<hbm>>
    %dma_wait3A_1347 = tpu.memref_slice %arg2[%select_n3A_1121, %mul3A_1139] : memref<200x16384xi32, #tpu.memory_space<hbm>> -> memref<1x4096xi32, #tpu.memory_space<hbm>>
    tpu.wait_dma2 semaphore(%arg12 : memref<!tpu.dma_semaphore, #tpu.memory_space<semaphore_mem>>) src(%dma_wait3A_1347 : memref<1x4096xi32, #tpu.memory_space<hbm>>) dst(%arg6 : memref<1x4096xi32, #tpu.memory_space<vmem>>)
    %dma_wait3A_1348 = tpu.memref_slice %arg4[%add3A_1093] : memref<3276800xf32, #tpu.memory_space<hbm>> -> memref<4096xf32, #tpu.memory_space<hbm>>
    %dma_wait3A_1349 = tpu.memref_slice %arg4[%add3A_1093] : memref<3276800xf32, #tpu.memory_space<hbm>> -> memref<4096xf32, #tpu.memory_space<hbm>>
    tpu.wait_dma2 semaphore(%arg15 : memref<!tpu.dma_semaphore, #tpu.memory_space<semaphore_mem>>) src(%arg9 : memref<4096xf32, #tpu.memory_space<vmem>>) dst(%dma_wait3A_1349 : memref<4096xf32, #tpu.memory_space<hbm>>)
    %parallel_loop3A_1350 = arith.constant 0 : i32
    %parallel_loop3A_1351 = arith.constant 4096 : i32
    %parallel_loop3A_1352 = arith.constant 16 : i32
    scf.for %parallel_loop3A_2540 = %parallel_loop3A_1350 to %parallel_loop3A_1351 step %parallel_loop3A_1352  : i32 {
      %parallel_loop3A_2541 = arith.constant 0 : i32
      %parallel_loop3A_2542 = arith.index_cast %parallel_loop3A_2541 : i32 to index
      %parallel_loop3A_2543 = arith.index_cast %parallel_loop3A_2540 : i32 to index
      %parallel_loop3A_2544 = tpu.vector_load %arg6[%parallel_loop3A_2542, %parallel_loop3A_2543] {strides = array<i32>} : memref<1x4096xi32, #tpu.memory_space<vmem>>, vector<16xi32>,
      %parallel_loop3A_2545 = tpu.vector_load_idx %arg5[%parallel_loop3A_2544] : memref<16xf32, #tpu.memory_space<vmem>>[vector<16xi32>], vector<16xf32>,
      %parallel_loop3A_2546 = arith.index_cast %parallel_loop3A_2540 : i32 to index
      %parallel_loop3A_2547 = tpu.vector_load %arg9[%parallel_loop3A_2546] {strides = array<i32>} : memref<4096xf32, #tpu.memory_space<vmem>>, vector<16xf32>,
      tpu.vector_store %arg9[%parallel_loop3A_2546], %parallel_loop3A_2545 {strides = array<i32>} : memref<4096xf32, #tpu.memory_space<vmem>>, vector<16xf32>,
    } {sc.loop_unroll_factor = 8 : i64, sc.parallel_access}
    %add3A_1353 = arith.constant 12 : i32
    %add3A_1354 = arith.addi %mul3A_2, %add3A_1353 : i32
    %jit3A_1355 = arith.constant 4 : i32
    %div3A_1356 = arith.divsi %add3A_1354, %jit3A_1355 : i32
    %sign3A_1357 = arith.constant 0 : i32
    %sign3A_1358 = arith.cmpi sgt, %add3A_1354, %sign3A_1357 : i32
    %sign3A_1359 = arith.extui %sign3A_1358 : i1 to i32
    %sign3A_1360 = arith.constant 0 : i32
    %sign3A_1361 = arith.cmpi slt, %add3A_1354, %sign3A_1360 : i32
    %sign3A_1362 = arith.extui %sign3A_1361 : i1 to i32
    %sign3A_1363 = arith.subi %sign3A_1359, %sign3A_1362 : i32
    %sign3A_1364 = arith.constant 0 : i32
    %sign3A_1365 = arith.cmpi sgt, %jit3A_1355, %sign3A_1364 : i32
    %sign3A_1366 = arith.extui %sign3A_1365 : i1 to i32
    %sign3A_1367 = arith.constant 0 : i32
    %sign3A_1368 = arith.cmpi slt, %jit3A_1355, %sign3A_1367 : i32
    %sign3A_1369 = arith.extui %sign3A_1368 : i1 to i32
    %sign3A_1370 = arith.subi %sign3A_1366, %sign3A_1369 : i32
    %ne3A_1371 = arith.cmpi ne, %sign3A_1363, %sign3A_1370 : i32
    %rem3A_1372 = arith.remsi %add3A_1354, %jit3A_1355 : i32
    %ne3A_1373 = arith.constant 0 : i32
    %ne3A_1374 = arith.cmpi ne, %rem3A_1372, %ne3A_1373 : i32
    %and3A_1375 = arith.andi %ne3A_1371, %ne3A_1374 : i1
    %sub3A_1376 = arith.constant 1 : i32
    %sub3A_1377 = arith.subi %div3A_1356, %sub3A_1376 : i32
    %select_n3A_1378 = arith.select %and3A_1375, %sub3A_1377, %div3A_1356 : i32
    %jit3A_1379 = arith.constant 4 : i32
    %eq3A_1380 = arith.constant 0 : i32
    %eq3A_1381 = arith.cmpi eq, %jit3A_1379, %eq3A_1380 : i32
    %jit3A_1382 = arith.constant 1 : i32
    %select_n3A_1383 = arith.select %eq3A_1381, %jit3A_1382, %jit3A_1379 : i32
    %rem3A_1384 = arith.remsi %add3A_1354, %select_n3A_1383 : i32
    %ne3A_1385 = arith.constant 0 : i32
    %ne3A_1386 = arith.cmpi ne, %rem3A_1384, %ne3A_1385 : i32
    %lt3A_1387 = arith.constant 0 : i32
    %lt3A_1388 = arith.cmpi slt, %rem3A_1384, %lt3A_1387 : i32
    %lt3A_1389 = arith.constant 0 : i32
    %lt3A_1390 = arith.cmpi slt, %select_n3A_1383, %lt3A_1389 : i32
    %ne3A_1391 = arith.xori %lt3A_1388, %lt3A_1390 : i1
    %and3A_1392 = arith.andi %ne3A_1391, %ne3A_1386 : i1
    %add3A_1393 = arith.addi %rem3A_1384, %select_n3A_1383 : i32
    %select_n3A_1394 = arith.select %and3A_1392, %add3A_1393, %rem3A_1384 : i32
    %mul3A_1395 = arith.constant 4096 : i32
    %mul3A_1396 = arith.muli %select_n3A_1394, %mul3A_1395 : i32
    %mul3A_1397 = arith.constant 16384 : i32
    %mul3A_1398 = arith.muli %select_n3A_1378, %mul3A_1397 : i32
    %add3A_1399 = arith.addi %mul3A_1398, %mul3A_1396 : i32
    %dma_start3A_1400 = tpu.memref_slice %arg4[%add3A_1399] : memref<3276800xf32, #tpu.memory_space<hbm>> -> memref<4096xf32, #tpu.memory_space<hbm>>
    %dma_start3A_1401 = tpu.memref_slice %arg4[%add3A_1399] : memref<3276800xf32, #tpu.memory_space<hbm>> -> memref<4096xf32, #tpu.memory_space<hbm>>
    tpu.enqueue_dma source(%arg9 : memref<4096xf32, #tpu.memory_space<vmem>>) target(%dma_start3A_1401 : memref<4096xf32, #tpu.memory_space<hbm>>) target_semaphore(%arg15 : memref<!tpu.dma_semaphore, #tpu.memory_space<semaphore_mem>>)
    %add3A_1402 = arith.constant 15 : i32
    %add3A_1403 = arith.addi %mul3A_2, %add3A_1402 : i32
    %jit3A_1404 = arith.constant 4 : i32
    %div3A_1405 = arith.divsi %add3A_1403, %jit3A_1404 : i32
    %sign3A_1406 = arith.constant 0 : i32
    %sign3A_1407 = arith.cmpi sgt, %add3A_1403, %sign3A_1406 : i32
    %sign3A_1408 = arith.extui %sign3A_1407 : i1 to i32
    %sign3A_1409 = arith.constant 0 : i32
    %sign3A_1410 = arith.cmpi slt, %add3A_1403, %sign3A_1409 : i32
    %sign3A_1411 = arith.extui %sign3A_1410 : i1 to i32
    %sign3A_1412 = arith.subi %sign3A_1408, %sign3A_1411 : i32
    %sign3A_1413 = arith.constant 0 : i32
    %sign3A_1414 = arith.cmpi sgt, %jit3A_1404, %sign3A_1413 : i32
    %sign3A_1415 = arith.extui %sign3A_1414 : i1 to i32
    %sign3A_1416 = arith.constant 0 : i32
    %sign3A_1417 = arith.cmpi slt, %jit3A_1404, %sign3A_1416 : i32
    %sign3A_1418 = arith.extui %sign3A_1417 : i1 to i32
    %sign3A_1419 = arith.subi %sign3A_1415, %sign3A_1418 : i32
    %ne3A_1420 = arith.cmpi ne, %sign3A_1412, %sign3A_1419 : i32
    %rem3A_1421 = arith.remsi %add3A_1403, %jit3A_1404 : i32
    %ne3A_1422 = arith.constant 0 : i32
    %ne3A_1423 = arith.cmpi ne, %rem3A_1421, %ne3A_1422 : i32
    %and3A_1424 = arith.andi %ne3A_1420, %ne3A_1423 : i1
    %sub3A_1425 = arith.constant 1 : i32
    %sub3A_1426 = arith.subi %div3A_1405, %sub3A_1425 : i32
    %select_n3A_1427 = arith.select %and3A_1424, %sub3A_1426, %div3A_1405 : i32
    %jit3A_1428 = arith.constant 4 : i32
    %eq3A_1429 = arith.constant 0 : i32
    %eq3A_1430 = arith.cmpi eq, %jit3A_1428, %eq3A_1429 : i32
    %jit3A_1431 = arith.constant 1 : i32
    %select_n3A_1432 = arith.select %eq3A_1430, %jit3A_1431, %jit3A_1428 : i32
    %rem3A_1433 = arith.remsi %add3A_1403, %select_n3A_1432 : i32
    %ne3A_1434 = arith.constant 0 : i32
    %ne3A_1435 = arith.cmpi ne, %rem3A_1433, %ne3A_1434 : i32
    %lt3A_1436 = arith.constant 0 : i32
    %lt3A_1437 = arith.cmpi slt, %rem3A_1433, %lt3A_1436 : i32
    %lt3A_1438 = arith.constant 0 : i32
    %lt3A_1439 = arith.cmpi slt, %select_n3A_1432, %lt3A_1438 : i32
    %ne3A_1440 = arith.xori %lt3A_1437, %lt3A_1439 : i1
    %and3A_1441 = arith.andi %ne3A_1440, %ne3A_1435 : i1
    %add3A_1442 = arith.addi %rem3A_1433, %select_n3A_1432 : i32
    %select_n3A_1443 = arith.select %and3A_1441, %add3A_1442, %rem3A_1433 : i32
    %mul3A_1444 = arith.constant 4096 : i32
    %mul3A_1445 = arith.muli %select_n3A_1443, %mul3A_1444 : i32
    %dma_start3A_1446 = tpu.memref_slice %arg2[%select_n3A_1427, %mul3A_1445] : memref<200x16384xi32, #tpu.memory_space<hbm>> -> memref<1x4096xi32, #tpu.memory_space<hbm>>
    %dma_start3A_1447 = tpu.memref_slice %arg2[%select_n3A_1427, %mul3A_1445] : memref<200x16384xi32, #tpu.memory_space<hbm>> -> memref<1x4096xi32, #tpu.memory_space<hbm>>
    tpu.enqueue_dma source(%dma_start3A_1447 : memref<1x4096xi32, #tpu.memory_space<hbm>>) target(%arg6 : memref<1x4096xi32, #tpu.memory_space<vmem>>) target_semaphore(%arg12 : memref<!tpu.dma_semaphore, #tpu.memory_space<semaphore_mem>>)
    %dma_wait3A_1448 = tpu.memref_slice %arg2[%select_n3A_1223, %mul3A_1241] : memref<200x16384xi32, #tpu.memory_space<hbm>> -> memref<1x4096xi32, #tpu.memory_space<hbm>>
    %dma_wait3A_1449 = tpu.memref_slice %arg2[%select_n3A_1223, %mul3A_1241] : memref<200x16384xi32, #tpu.memory_space<hbm>> -> memref<1x4096xi32, #tpu.memory_space<hbm>>
    tpu.wait_dma2 semaphore(%arg13 : memref<!tpu.dma_semaphore, #tpu.memory_space<semaphore_mem>>) src(%dma_wait3A_1449 : memref<1x4096xi32, #tpu.memory_space<hbm>>) dst(%arg7 : memref<1x4096xi32, #tpu.memory_space<vmem>>)
    %dma_wait3A_1450 = tpu.memref_slice %arg4[%add3A_1195] : memref<3276800xf32, #tpu.memory_space<hbm>> -> memref<4096xf32, #tpu.memory_space<hbm>>
    %dma_wait3A_1451 = tpu.memref_slice %arg4[%add3A_1195] : memref<3276800xf32, #tpu.memory_space<hbm>> -> memref<4096xf32, #tpu.memory_space<hbm>>
    tpu.wait_dma2 semaphore(%arg16 : memref<!tpu.dma_semaphore, #tpu.memory_space<semaphore_mem>>) src(%arg10 : memref<4096xf32, #tpu.memory_space<vmem>>) dst(%dma_wait3A_1451 : memref<4096xf32, #tpu.memory_space<hbm>>)
    %parallel_loop3A_1452 = arith.constant 0 : i32
    %parallel_loop3A_1453 = arith.constant 4096 : i32
    %parallel_loop3A_1454 = arith.constant 16 : i32
    scf.for %parallel_loop3A_2540 = %parallel_loop3A_1452 to %parallel_loop3A_1453 step %parallel_loop3A_1454  : i32 {
      %parallel_loop3A_2541 = arith.constant 0 : i32
      %parallel_loop3A_2542 = arith.index_cast %parallel_loop3A_2541 : i32 to index
      %parallel_loop3A_2543 = arith.index_cast %parallel_loop3A_2540 : i32 to index
      %parallel_loop3A_2544 = tpu.vector_load %arg7[%parallel_loop3A_2542, %parallel_loop3A_2543] {strides = array<i32>} : memref<1x4096xi32, #tpu.memory_space<vmem>>, vector<16xi32>,
      %parallel_loop3A_2545 = tpu.vector_load_idx %arg5[%parallel_loop3A_2544] : memref<16xf32, #tpu.memory_space<vmem>>[vector<16xi32>], vector<16xf32>,
      %parallel_loop3A_2546 = arith.index_cast %parallel_loop3A_2540 : i32 to index
      %parallel_loop3A_2547 = tpu.vector_load %arg10[%parallel_loop3A_2546] {strides = array<i32>} : memref<4096xf32, #tpu.memory_space<vmem>>, vector<16xf32>,
      tpu.vector_store %arg10[%parallel_loop3A_2546], %parallel_loop3A_2545 {strides = array<i32>} : memref<4096xf32, #tpu.memory_space<vmem>>, vector<16xf32>,
    } {sc.loop_unroll_factor = 8 : i64, sc.parallel_access}
    %add3A_1455 = arith.constant 13 : i32
    %add3A_1456 = arith.addi %mul3A_2, %add3A_1455 : i32
    %jit3A_1457 = arith.constant 4 : i32
    %div3A_1458 = arith.divsi %add3A_1456, %jit3A_1457 : i32
    %sign3A_1459 = arith.constant 0 : i32
    %sign3A_1460 = arith.cmpi sgt, %add3A_1456, %sign3A_1459 : i32
    %sign3A_1461 = arith.extui %sign3A_1460 : i1 to i32
    %sign3A_1462 = arith.constant 0 : i32
    %sign3A_1463 = arith.cmpi slt, %add3A_1456, %sign3A_1462 : i32
    %sign3A_1464 = arith.extui %sign3A_1463 : i1 to i32
    %sign3A_1465 = arith.subi %sign3A_1461, %sign3A_1464 : i32
    %sign3A_1466 = arith.constant 0 : i32
    %sign3A_1467 = arith.cmpi sgt, %jit3A_1457, %sign3A_1466 : i32
    %sign3A_1468 = arith.extui %sign3A_1467 : i1 to i32
    %sign3A_1469 = arith.constant 0 : i32
    %sign3A_1470 = arith.cmpi slt, %jit3A_1457, %sign3A_1469 : i32
    %sign3A_1471 = arith.extui %sign3A_1470 : i1 to i32
    %sign3A_1472 = arith.subi %sign3A_1468, %sign3A_1471 : i32
    %ne3A_1473 = arith.cmpi ne, %sign3A_1465, %sign3A_1472 : i32
    %rem3A_1474 = arith.remsi %add3A_1456, %jit3A_1457 : i32
    %ne3A_1475 = arith.constant 0 : i32
    %ne3A_1476 = arith.cmpi ne, %rem3A_1474, %ne3A_1475 : i32
    %and3A_1477 = arith.andi %ne3A_1473, %ne3A_1476 : i1
    %sub3A_1478 = arith.constant 1 : i32
    %sub3A_1479 = arith.subi %div3A_1458, %sub3A_1478 : i32
    %select_n3A_1480 = arith.select %and3A_1477, %sub3A_1479, %div3A_1458 : i32
    %jit3A_1481 = arith.constant 4 : i32
    %eq3A_1482 = arith.constant 0 : i32
    %eq3A_1483 = arith.cmpi eq, %jit3A_1481, %eq3A_1482 : i32
    %jit3A_1484 = arith.constant 1 : i32
    %select_n3A_1485 = arith.select %eq3A_1483, %jit3A_1484, %jit3A_1481 : i32
    %rem3A_1486 = arith.remsi %add3A_1456, %select_n3A_1485 : i32
    %ne3A_1487 = arith.constant 0 : i32
    %ne3A_1488 = arith.cmpi ne, %rem3A_1486, %ne3A_1487 : i32
    %lt3A_1489 = arith.constant 0 : i32
    %lt3A_1490 = arith.cmpi slt, %rem3A_1486, %lt3A_1489 : i32
    %lt3A_1491 = arith.constant 0 : i32
    %lt3A_1492 = arith.cmpi slt, %select_n3A_1485, %lt3A_1491 : i32
    %ne3A_1493 = arith.xori %lt3A_1490, %lt3A_1492 : i1
    %and3A_1494 = arith.andi %ne3A_1493, %ne3A_1488 : i1
    %add3A_1495 = arith.addi %rem3A_1486, %select_n3A_1485 : i32
    %select_n3A_1496 = arith.select %and3A_1494, %add3A_1495, %rem3A_1486 : i32
    %mul3A_1497 = arith.constant 4096 : i32
    %mul3A_1498 = arith.muli %select_n3A_1496, %mul3A_1497 : i32
    %mul3A_1499 = arith.constant 16384 : i32
    %mul3A_1500 = arith.muli %select_n3A_1480, %mul3A_1499 : i32
    %add3A_1501 = arith.addi %mul3A_1500, %mul3A_1498 : i32
    %dma_start3A_1502 = tpu.memref_slice %arg4[%add3A_1501] : memref<3276800xf32, #tpu.memory_space<hbm>> -> memref<4096xf32, #tpu.memory_space<hbm>>
    %dma_start3A_1503 = tpu.memref_slice %arg4[%add3A_1501] : memref<3276800xf32, #tpu.memory_space<hbm>> -> memref<4096xf32, #tpu.memory_space<hbm>>
    tpu.enqueue_dma source(%arg10 : memref<4096xf32, #tpu.memory_space<vmem>>) target(%dma_start3A_1503 : memref<4096xf32, #tpu.memory_space<hbm>>) target_semaphore(%arg16 : memref<!tpu.dma_semaphore, #tpu.memory_space<semaphore_mem>>)
    %add3A_1504 = arith.constant 16 : i32
    %add3A_1505 = arith.addi %mul3A_2, %add3A_1504 : i32
    %jit3A_1506 = arith.constant 4 : i32
    %div3A_1507 = arith.divsi %add3A_1505, %jit3A_1506 : i32
    %sign3A_1508 = arith.constant 0 : i32
    %sign3A_1509 = arith.cmpi sgt, %add3A_1505, %sign3A_1508 : i32
    %sign3A_1510 = arith.extui %sign3A_1509 : i1 to i32
    %sign3A_1511 = arith.constant 0 : i32
    %sign3A_1512 = arith.cmpi slt, %add3A_1505, %sign3A_1511 : i32
    %sign3A_1513 = arith.extui %sign3A_1512 : i1 to i32
    %sign3A_1514 = arith.subi %sign3A_1510, %sign3A_1513 : i32
    %sign3A_1515 = arith.constant 0 : i32
    %sign3A_1516 = arith.cmpi sgt, %jit3A_1506, %sign3A_1515 : i32
    %sign3A_1517 = arith.extui %sign3A_1516 : i1 to i32
    %sign3A_1518 = arith.constant 0 : i32
    %sign3A_1519 = arith.cmpi slt, %jit3A_1506, %sign3A_1518 : i32
    %sign3A_1520 = arith.extui %sign3A_1519 : i1 to i32
    %sign3A_1521 = arith.subi %sign3A_1517, %sign3A_1520 : i32
    %ne3A_1522 = arith.cmpi ne, %sign3A_1514, %sign3A_1521 : i32
    %rem3A_1523 = arith.remsi %add3A_1505, %jit3A_1506 : i32
    %ne3A_1524 = arith.constant 0 : i32
    %ne3A_1525 = arith.cmpi ne, %rem3A_1523, %ne3A_1524 : i32
    %and3A_1526 = arith.andi %ne3A_1522, %ne3A_1525 : i1
    %sub3A_1527 = arith.constant 1 : i32
    %sub3A_1528 = arith.subi %div3A_1507, %sub3A_1527 : i32
    %select_n3A_1529 = arith.select %and3A_1526, %sub3A_1528, %div3A_1507 : i32
    %jit3A_1530 = arith.constant 4 : i32
    %eq3A_1531 = arith.constant 0 : i32
    %eq3A_1532 = arith.cmpi eq, %jit3A_1530, %eq3A_1531 : i32
    %jit3A_1533 = arith.constant 1 : i32
    %select_n3A_1534 = arith.select %eq3A_1532, %jit3A_1533, %jit3A_1530 : i32
    %rem3A_1535 = arith.remsi %add3A_1505, %select_n3A_1534 : i32
    %ne3A_1536 = arith.constant 0 : i32
    %ne3A_1537 = arith.cmpi ne, %rem3A_1535, %ne3A_1536 : i32
    %lt3A_1538 = arith.constant 0 : i32
    %lt3A_1539 = arith.cmpi slt, %rem3A_1535, %lt3A_1538 : i32
    %lt3A_1540 = arith.constant 0 : i32
    %lt3A_1541 = arith.cmpi slt, %select_n3A_1534, %lt3A_1540 : i32
    %ne3A_1542 = arith.xori %lt3A_1539, %lt3A_1541 : i1
    %and3A_1543 = arith.andi %ne3A_1542, %ne3A_1537 : i1
    %add3A_1544 = arith.addi %rem3A_1535, %select_n3A_1534 : i32
    %select_n3A_1545 = arith.select %and3A_1543, %add3A_1544, %rem3A_1535 : i32
    %mul3A_1546 = arith.constant 4096 : i32
    %mul3A_1547 = arith.muli %select_n3A_1545, %mul3A_1546 : i32
    %dma_start3A_1548 = tpu.memref_slice %arg2[%select_n3A_1529, %mul3A_1547] : memref<200x16384xi32, #tpu.memory_space<hbm>> -> memref<1x4096xi32, #tpu.memory_space<hbm>>
    %dma_start3A_1549 = tpu.memref_slice %arg2[%select_n3A_1529, %mul3A_1547] : memref<200x16384xi32, #tpu.memory_space<hbm>> -> memref<1x4096xi32, #tpu.memory_space<hbm>>
    tpu.enqueue_dma source(%dma_start3A_1549 : memref<1x4096xi32, #tpu.memory_space<hbm>>) target(%arg7 : memref<1x4096xi32, #tpu.memory_space<vmem>>) target_semaphore(%arg13 : memref<!tpu.dma_semaphore, #tpu.memory_space<semaphore_mem>>)
    %dma_wait3A_1550 = tpu.memref_slice %arg2[%select_n3A_1325, %mul3A_1343] : memref<200x16384xi32, #tpu.memory_space<hbm>> -> memref<1x4096xi32, #tpu.memory_space<hbm>>
    %dma_wait3A_1551 = tpu.memref_slice %arg2[%select_n3A_1325, %mul3A_1343] : memref<200x16384xi32, #tpu.memory_space<hbm>> -> memref<1x4096xi32, #tpu.memory_space<hbm>>
    tpu.wait_dma2 semaphore(%arg14 : memref<!tpu.dma_semaphore, #tpu.memory_space<semaphore_mem>>) src(%dma_wait3A_1551 : memref<1x4096xi32, #tpu.memory_space<hbm>>) dst(%arg8 : memref<1x4096xi32, #tpu.memory_space<vmem>>)
    %dma_wait3A_1552 = tpu.memref_slice %arg4[%add3A_1297] : memref<3276800xf32, #tpu.memory_space<hbm>> -> memref<4096xf32, #tpu.memory_space<hbm>>
    %dma_wait3A_1553 = tpu.memref_slice %arg4[%add3A_1297] : memref<3276800xf32, #tpu.memory_space<hbm>> -> memref<4096xf32, #tpu.memory_space<hbm>>
    tpu.wait_dma2 semaphore(%arg17 : memref<!tpu.dma_semaphore, #tpu.memory_space<semaphore_mem>>) src(%arg11 : memref<4096xf32, #tpu.memory_space<vmem>>) dst(%dma_wait3A_1553 : memref<4096xf32, #tpu.memory_space<hbm>>)
    %parallel_loop3A_1554 = arith.constant 0 : i32
    %parallel_loop3A_1555 = arith.constant 4096 : i32
    %parallel_loop3A_1556 = arith.constant 16 : i32
    scf.for %parallel_loop3A_2540 = %parallel_loop3A_1554 to %parallel_loop3A_1555 step %parallel_loop3A_1556  : i32 {
      %parallel_loop3A_2541 = arith.constant 0 : i32
      %parallel_loop3A_2542 = arith.index_cast %parallel_loop3A_2541 : i32 to index
      %parallel_loop3A_2543 = arith.index_cast %parallel_loop3A_2540 : i32 to index
      %parallel_loop3A_2544 = tpu.vector_load %arg8[%parallel_loop3A_2542, %parallel_loop3A_2543] {strides = array<i32>} : memref<1x4096xi32, #tpu.memory_space<vmem>>, vector<16xi32>,
      %parallel_loop3A_2545 = tpu.vector_load_idx %arg5[%parallel_loop3A_2544] : memref<16xf32, #tpu.memory_space<vmem>>[vector<16xi32>], vector<16xf32>,
      %parallel_loop3A_2546 = arith.index_cast %parallel_loop3A_2540 : i32 to index
      %parallel_loop3A_2547 = tpu.vector_load %arg11[%parallel_loop3A_2546] {strides = array<i32>} : memref<4096xf32, #tpu.memory_space<vmem>>, vector<16xf32>,
      tpu.vector_store %arg11[%parallel_loop3A_2546], %parallel_loop3A_2545 {strides = array<i32>} : memref<4096xf32, #tpu.memory_space<vmem>>, vector<16xf32>,
    } {sc.loop_unroll_factor = 8 : i64, sc.parallel_access}
    %add3A_1557 = arith.constant 14 : i32
    %add3A_1558 = arith.addi %mul3A_2, %add3A_1557 : i32
    %jit3A_1559 = arith.constant 4 : i32
    %div3A_1560 = arith.divsi %add3A_1558, %jit3A_1559 : i32
    %sign3A_1561 = arith.constant 0 : i32
    %sign3A_1562 = arith.cmpi sgt, %add3A_1558, %sign3A_1561 : i32
    %sign3A_1563 = arith.extui %sign3A_1562 : i1 to i32
    %sign3A_1564 = arith.constant 0 : i32
    %sign3A_1565 = arith.cmpi slt, %add3A_1558, %sign3A_1564 : i32
    %sign3A_1566 = arith.extui %sign3A_1565 : i1 to i32
    %sign3A_1567 = arith.subi %sign3A_1563, %sign3A_1566 : i32
    %sign3A_1568 = arith.constant 0 : i32
    %sign3A_1569 = arith.cmpi sgt, %jit3A_1559, %sign3A_1568 : i32
    %sign3A_1570 = arith.extui %sign3A_1569 : i1 to i32
    %sign3A_1571 = arith.constant 0 : i32
    %sign3A_1572 = arith.cmpi slt, %jit3A_1559, %sign3A_1571 : i32
    %sign3A_1573 = arith.extui %sign3A_1572 : i1 to i32
    %sign3A_1574 = arith.subi %sign3A_1570, %sign3A_1573 : i32
    %ne3A_1575 = arith.cmpi ne, %sign3A_1567, %sign3A_1574 : i32
    %rem3A_1576 = arith.remsi %add3A_1558, %jit3A_1559 : i32
    %ne3A_1577 = arith.constant 0 : i32
    %ne3A_1578 = arith.cmpi ne, %rem3A_1576, %ne3A_1577 : i32
    %and3A_1579 = arith.andi %ne3A_1575, %ne3A_1578 : i1
    %sub3A_1580 = arith.constant 1 : i32
    %sub3A_1581 = arith.subi %div3A_1560, %sub3A_1580 : i32
    %select_n3A_1582 = arith.select %and3A_1579, %sub3A_1581, %div3A_1560 : i32
    %jit3A_1583 = arith.constant 4 : i32
    %eq3A_1584 = arith.constant 0 : i32
    %eq3A_1585 = arith.cmpi eq, %jit3A_1583, %eq3A_1584 : i32
    %jit3A_1586 = arith.constant 1 : i32
    %select_n3A_1587 = arith.select %eq3A_1585, %jit3A_1586, %jit3A_1583 : i32
    %rem3A_1588 = arith.remsi %add3A_1558, %select_n3A_1587 : i32
    %ne3A_1589 = arith.constant 0 : i32
    %ne3A_1590 = arith.cmpi ne, %rem3A_1588, %ne3A_1589 : i32
    %lt3A_1591 = arith.constant 0 : i32
    %lt3A_1592 = arith.cmpi slt, %rem3A_1588, %lt3A_1591 : i32
    %lt3A_1593 = arith.constant 0 : i32
    %lt3A_1594 = arith.cmpi slt, %select_n3A_1587, %lt3A_1593 : i32
    %ne3A_1595 = arith.xori %lt3A_1592, %lt3A_1594 : i1
    %and3A_1596 = arith.andi %ne3A_1595, %ne3A_1590 : i1
    %add3A_1597 = arith.addi %rem3A_1588, %select_n3A_1587 : i32
    %select_n3A_1598 = arith.select %and3A_1596, %add3A_1597, %rem3A_1588 : i32
    %mul3A_1599 = arith.constant 4096 : i32
    %mul3A_1600 = arith.muli %select_n3A_1598, %mul3A_1599 : i32
    %mul3A_1601 = arith.constant 16384 : i32
    %mul3A_1602 = arith.muli %select_n3A_1582, %mul3A_1601 : i32
    %add3A_1603 = arith.addi %mul3A_1602, %mul3A_1600 : i32
    %dma_start3A_1604 = tpu.memref_slice %arg4[%add3A_1603] : memref<3276800xf32, #tpu.memory_space<hbm>> -> memref<4096xf32, #tpu.memory_space<hbm>>
    %dma_start3A_1605 = tpu.memref_slice %arg4[%add3A_1603] : memref<3276800xf32, #tpu.memory_space<hbm>> -> memref<4096xf32, #tpu.memory_space<hbm>>
    tpu.enqueue_dma source(%arg11 : memref<4096xf32, #tpu.memory_space<vmem>>) target(%dma_start3A_1605 : memref<4096xf32, #tpu.memory_space<hbm>>) target_semaphore(%arg17 : memref<!tpu.dma_semaphore, #tpu.memory_space<semaphore_mem>>)
    %add3A_1606 = arith.constant 17 : i32
    %add3A_1607 = arith.addi %mul3A_2, %add3A_1606 : i32
    %jit3A_1608 = arith.constant 4 : i32
    %div3A_1609 = arith.divsi %add3A_1607, %jit3A_1608 : i32
    %sign3A_1610 = arith.constant 0 : i32
    %sign3A_1611 = arith.cmpi sgt, %add3A_1607, %sign3A_1610 : i32
    %sign3A_1612 = arith.extui %sign3A_1611 : i1 to i32
    %sign3A_1613 = arith.constant 0 : i32
    %sign3A_1614 = arith.cmpi slt, %add3A_1607, %sign3A_1613 : i32
    %sign3A_1615 = arith.extui %sign3A_1614 : i1 to i32
    %sign3A_1616 = arith.subi %sign3A_1612, %sign3A_1615 : i32
    %sign3A_1617 = arith.constant 0 : i32
    %sign3A_1618 = arith.cmpi sgt, %jit3A_1608, %sign3A_1617 : i32
    %sign3A_1619 = arith.extui %sign3A_1618 : i1 to i32
    %sign3A_1620 = arith.constant 0 : i32
    %sign3A_1621 = arith.cmpi slt, %jit3A_1608, %sign3A_1620 : i32
    %sign3A_1622 = arith.extui %sign3A_1621 : i1 to i32
    %sign3A_1623 = arith.subi %sign3A_1619, %sign3A_1622 : i32
    %ne3A_1624 = arith.cmpi ne, %sign3A_1616, %sign3A_1623 : i32
    %rem3A_1625 = arith.remsi %add3A_1607, %jit3A_1608 : i32
    %ne3A_1626 = arith.constant 0 : i32
    %ne3A_1627 = arith.cmpi ne, %rem3A_1625, %ne3A_1626 : i32
    %and3A_1628 = arith.andi %ne3A_1624, %ne3A_1627 : i1
    %sub3A_1629 = arith.constant 1 : i32
    %sub3A_1630 = arith.subi %div3A_1609, %sub3A_1629 : i32
    %select_n3A_1631 = arith.select %and3A_1628, %sub3A_1630, %div3A_1609 : i32
    %jit3A_1632 = arith.constant 4 : i32
    %eq3A_1633 = arith.constant 0 : i32
    %eq3A_1634 = arith.cmpi eq, %jit3A_1632, %eq3A_1633 : i32
    %jit3A_1635 = arith.constant 1 : i32
    %select_n3A_1636 = arith.select %eq3A_1634, %jit3A_1635, %jit3A_1632 : i32
    %rem3A_1637 = arith.remsi %add3A_1607, %select_n3A_1636 : i32
    %ne3A_1638 = arith.constant 0 : i32
    %ne3A_1639 = arith.cmpi ne, %rem3A_1637, %ne3A_1638 : i32
    %lt3A_1640 = arith.constant 0 : i32
    %lt3A_1641 = arith.cmpi slt, %rem3A_1637, %lt3A_1640 : i32
    %lt3A_1642 = arith.constant 0 : i32
    %lt3A_1643 = arith.cmpi slt, %select_n3A_1636, %lt3A_1642 : i32
    %ne3A_1644 = arith.xori %lt3A_1641, %lt3A_1643 : i1
    %and3A_1645 = arith.andi %ne3A_1644, %ne3A_1639 : i1
    %add3A_1646 = arith.addi %rem3A_1637, %select_n3A_1636 : i32
    %select_n3A_1647 = arith.select %and3A_1645, %add3A_1646, %rem3A_1637 : i32
    %mul3A_1648 = arith.constant 4096 : i32
    %mul3A_1649 = arith.muli %select_n3A_1647, %mul3A_1648 : i32
    %dma_start3A_1650 = tpu.memref_slice %arg2[%select_n3A_1631, %mul3A_1649] : memref<200x16384xi32, #tpu.memory_space<hbm>> -> memref<1x4096xi32, #tpu.memory_space<hbm>>
    %dma_start3A_1651 = tpu.memref_slice %arg2[%select_n3A_1631, %mul3A_1649] : memref<200x16384xi32, #tpu.memory_space<hbm>> -> memref<1x4096xi32, #tpu.memory_space<hbm>>
    tpu.enqueue_dma source(%dma_start3A_1651 : memref<1x4096xi32, #tpu.memory_space<hbm>>) target(%arg8 : memref<1x4096xi32, #tpu.memory_space<vmem>>) target_semaphore(%arg14 : memref<!tpu.dma_semaphore, #tpu.memory_space<semaphore_mem>>)
    %dma_wait3A_1652 = tpu.memref_slice %arg2[%select_n3A_1427, %mul3A_1445] : memref<200x16384xi32, #tpu.memory_space<hbm>> -> memref<1x4096xi32, #tpu.memory_space<hbm>>
    %dma_wait3A_1653 = tpu.memref_slice %arg2[%select_n3A_1427, %mul3A_1445] : memref<200x16384xi32, #tpu.memory_space<hbm>> -> memref<1x4096xi32, #tpu.memory_space<hbm>>
    tpu.wait_dma2 semaphore(%arg12 : memref<!tpu.dma_semaphore, #tpu.memory_space<semaphore_mem>>) src(%dma_wait3A_1653 : memref<1x4096xi32, #tpu.memory_space<hbm>>) dst(%arg6 : memref<1x4096xi32, #tpu.memory_space<vmem>>)
    %dma_wait3A_1654 = tpu.memref_slice %arg4[%add3A_1399] : memref<3276800xf32, #tpu.memory_space<hbm>> -> memref<4096xf32, #tpu.memory_space<hbm>>
    %dma_wait3A_1655 = tpu.memref_slice %arg4[%add3A_1399] : memref<3276800xf32, #tpu.memory_space<hbm>> -> memref<4096xf32, #tpu.memory_space<hbm>>
    tpu.wait_dma2 semaphore(%arg15 : memref<!tpu.dma_semaphore, #tpu.memory_space<semaphore_mem>>) src(%arg9 : memref<4096xf32, #tpu.memory_space<vmem>>) dst(%dma_wait3A_1655 : memref<4096xf32, #tpu.memory_space<hbm>>)
    %parallel_loop3A_1656 = arith.constant 0 : i32
    %parallel_loop3A_1657 = arith.constant 4096 : i32
    %parallel_loop3A_1658 = arith.constant 16 : i32
    scf.for %parallel_loop3A_2540 = %parallel_loop3A_1656 to %parallel_loop3A_1657 step %parallel_loop3A_1658  : i32 {
      %parallel_loop3A_2541 = arith.constant 0 : i32
      %parallel_loop3A_2542 = arith.index_cast %parallel_loop3A_2541 : i32 to index
      %parallel_loop3A_2543 = arith.index_cast %parallel_loop3A_2540 : i32 to index
      %parallel_loop3A_2544 = tpu.vector_load %arg6[%parallel_loop3A_2542, %parallel_loop3A_2543] {strides = array<i32>} : memref<1x4096xi32, #tpu.memory_space<vmem>>, vector<16xi32>,
      %parallel_loop3A_2545 = tpu.vector_load_idx %arg5[%parallel_loop3A_2544] : memref<16xf32, #tpu.memory_space<vmem>>[vector<16xi32>], vector<16xf32>,
      %parallel_loop3A_2546 = arith.index_cast %parallel_loop3A_2540 : i32 to index
      %parallel_loop3A_2547 = tpu.vector_load %arg9[%parallel_loop3A_2546] {strides = array<i32>} : memref<4096xf32, #tpu.memory_space<vmem>>, vector<16xf32>,
      tpu.vector_store %arg9[%parallel_loop3A_2546], %parallel_loop3A_2545 {strides = array<i32>} : memref<4096xf32, #tpu.memory_space<vmem>>, vector<16xf32>,
    } {sc.loop_unroll_factor = 8 : i64, sc.parallel_access}
    %add3A_1659 = arith.constant 15 : i32
    %add3A_1660 = arith.addi %mul3A_2, %add3A_1659 : i32
    %jit3A_1661 = arith.constant 4 : i32
    %div3A_1662 = arith.divsi %add3A_1660, %jit3A_1661 : i32
    %sign3A_1663 = arith.constant 0 : i32
    %sign3A_1664 = arith.cmpi sgt, %add3A_1660, %sign3A_1663 : i32
    %sign3A_1665 = arith.extui %sign3A_1664 : i1 to i32
    %sign3A_1666 = arith.constant 0 : i32
    %sign3A_1667 = arith.cmpi slt, %add3A_1660, %sign3A_1666 : i32
    %sign3A_1668 = arith.extui %sign3A_1667 : i1 to i32
    %sign3A_1669 = arith.subi %sign3A_1665, %sign3A_1668 : i32
    %sign3A_1670 = arith.constant 0 : i32
    %sign3A_1671 = arith.cmpi sgt, %jit3A_1661, %sign3A_1670 : i32
    %sign3A_1672 = arith.extui %sign3A_1671 : i1 to i32
    %sign3A_1673 = arith.constant 0 : i32
    %sign3A_1674 = arith.cmpi slt, %jit3A_1661, %sign3A_1673 : i32
    %sign3A_1675 = arith.extui %sign3A_1674 : i1 to i32
    %sign3A_1676 = arith.subi %sign3A_1672, %sign3A_1675 : i32
    %ne3A_1677 = arith.cmpi ne, %sign3A_1669, %sign3A_1676 : i32
    %rem3A_1678 = arith.remsi %add3A_1660, %jit3A_1661 : i32
    %ne3A_1679 = arith.constant 0 : i32
    %ne3A_1680 = arith.cmpi ne, %rem3A_1678, %ne3A_1679 : i32
    %and3A_1681 = arith.andi %ne3A_1677, %ne3A_1680 : i1
    %sub3A_1682 = arith.constant 1 : i32
    %sub3A_1683 = arith.subi %div3A_1662, %sub3A_1682 : i32
    %select_n3A_1684 = arith.select %and3A_1681, %sub3A_1683, %div3A_1662 : i32
    %jit3A_1685 = arith.constant 4 : i32
    %eq3A_1686 = arith.constant 0 : i32
    %eq3A_1687 = arith.cmpi eq, %jit3A_1685, %eq3A_1686 : i32
    %jit3A_1688 = arith.constant 1 : i32
    %select_n3A_1689 = arith.select %eq3A_1687, %jit3A_1688, %jit3A_1685 : i32
    %rem3A_1690 = arith.remsi %add3A_1660, %select_n3A_1689 : i32
    %ne3A_1691 = arith.constant 0 : i32
    %ne3A_1692 = arith.cmpi ne, %rem3A_1690, %ne3A_1691 : i32
    %lt3A_1693 = arith.constant 0 : i32
    %lt3A_1694 = arith.cmpi slt, %rem3A_1690, %lt3A_1693 : i32
    %lt3A_1695 = arith.constant 0 : i32
    %lt3A_1696 = arith.cmpi slt, %select_n3A_1689, %lt3A_1695 : i32
    %ne3A_1697 = arith.xori %lt3A_1694, %lt3A_1696 : i1
    %and3A_1698 = arith.andi %ne3A_1697, %ne3A_1692 : i1
    %add3A_1699 = arith.addi %rem3A_1690, %select_n3A_1689 : i32
    %select_n3A_1700 = arith.select %and3A_1698, %add3A_1699, %rem3A_1690 : i32
    %mul3A_1701 = arith.constant 4096 : i32
    %mul3A_1702 = arith.muli %select_n3A_1700, %mul3A_1701 : i32
    %mul3A_1703 = arith.constant 16384 : i32
    %mul3A_1704 = arith.muli %select_n3A_1684, %mul3A_1703 : i32
    %add3A_1705 = arith.addi %mul3A_1704, %mul3A_1702 : i32
    %dma_start3A_1706 = tpu.memref_slice %arg4[%add3A_1705] : memref<3276800xf32, #tpu.memory_space<hbm>> -> memref<4096xf32, #tpu.memory_space<hbm>>
    %dma_start3A_1707 = tpu.memref_slice %arg4[%add3A_1705] : memref<3276800xf32, #tpu.memory_space<hbm>> -> memref<4096xf32, #tpu.memory_space<hbm>>
    tpu.enqueue_dma source(%arg9 : memref<4096xf32, #tpu.memory_space<vmem>>) target(%dma_start3A_1707 : memref<4096xf32, #tpu.memory_space<hbm>>) target_semaphore(%arg15 : memref<!tpu.dma_semaphore, #tpu.memory_space<semaphore_mem>>)
    %add3A_1708 = arith.constant 18 : i32
    %add3A_1709 = arith.addi %mul3A_2, %add3A_1708 : i32
    %jit3A_1710 = arith.constant 4 : i32
    %div3A_1711 = arith.divsi %add3A_1709, %jit3A_1710 : i32
    %sign3A_1712 = arith.constant 0 : i32
    %sign3A_1713 = arith.cmpi sgt, %add3A_1709, %sign3A_1712 : i32
    %sign3A_1714 = arith.extui %sign3A_1713 : i1 to i32
    %sign3A_1715 = arith.constant 0 : i32
    %sign3A_1716 = arith.cmpi slt, %add3A_1709, %sign3A_1715 : i32
    %sign3A_1717 = arith.extui %sign3A_1716 : i1 to i32
    %sign3A_1718 = arith.subi %sign3A_1714, %sign3A_1717 : i32
    %sign3A_1719 = arith.constant 0 : i32
    %sign3A_1720 = arith.cmpi sgt, %jit3A_1710, %sign3A_1719 : i32
    %sign3A_1721 = arith.extui %sign3A_1720 : i1 to i32
    %sign3A_1722 = arith.constant 0 : i32
    %sign3A_1723 = arith.cmpi slt, %jit3A_1710, %sign3A_1722 : i32
    %sign3A_1724 = arith.extui %sign3A_1723 : i1 to i32
    %sign3A_1725 = arith.subi %sign3A_1721, %sign3A_1724 : i32
    %ne3A_1726 = arith.cmpi ne, %sign3A_1718, %sign3A_1725 : i32
    %rem3A_1727 = arith.remsi %add3A_1709, %jit3A_1710 : i32
    %ne3A_1728 = arith.constant 0 : i32
    %ne3A_1729 = arith.cmpi ne, %rem3A_1727, %ne3A_1728 : i32
    %and3A_1730 = arith.andi %ne3A_1726, %ne3A_1729 : i1
    %sub3A_1731 = arith.constant 1 : i32
    %sub3A_1732 = arith.subi %div3A_1711, %sub3A_1731 : i32
    %select_n3A_1733 = arith.select %and3A_1730, %sub3A_1732, %div3A_1711 : i32
    %jit3A_1734 = arith.constant 4 : i32
    %eq3A_1735 = arith.constant 0 : i32
    %eq3A_1736 = arith.cmpi eq, %jit3A_1734, %eq3A_1735 : i32
    %jit3A_1737 = arith.constant 1 : i32
    %select_n3A_1738 = arith.select %eq3A_1736, %jit3A_1737, %jit3A_1734 : i32
    %rem3A_1739 = arith.remsi %add3A_1709, %select_n3A_1738 : i32
    %ne3A_1740 = arith.constant 0 : i32
    %ne3A_1741 = arith.cmpi ne, %rem3A_1739, %ne3A_1740 : i32
    %lt3A_1742 = arith.constant 0 : i32
    %lt3A_1743 = arith.cmpi slt, %rem3A_1739, %lt3A_1742 : i32
    %lt3A_1744 = arith.constant 0 : i32
    %lt3A_1745 = arith.cmpi slt, %select_n3A_1738, %lt3A_1744 : i32
    %ne3A_1746 = arith.xori %lt3A_1743, %lt3A_1745 : i1
    %and3A_1747 = arith.andi %ne3A_1746, %ne3A_1741 : i1
    %add3A_1748 = arith.addi %rem3A_1739, %select_n3A_1738 : i32
    %select_n3A_1749 = arith.select %and3A_1747, %add3A_1748, %rem3A_1739 : i32
    %mul3A_1750 = arith.constant 4096 : i32
    %mul3A_1751 = arith.muli %select_n3A_1749, %mul3A_1750 : i32
    %dma_start3A_1752 = tpu.memref_slice %arg2[%select_n3A_1733, %mul3A_1751] : memref<200x16384xi32, #tpu.memory_space<hbm>> -> memref<1x4096xi32, #tpu.memory_space<hbm>>
    %dma_start3A_1753 = tpu.memref_slice %arg2[%select_n3A_1733, %mul3A_1751] : memref<200x16384xi32, #tpu.memory_space<hbm>> -> memref<1x4096xi32, #tpu.memory_space<hbm>>
    tpu.enqueue_dma source(%dma_start3A_1753 : memref<1x4096xi32, #tpu.memory_space<hbm>>) target(%arg6 : memref<1x4096xi32, #tpu.memory_space<vmem>>) target_semaphore(%arg12 : memref<!tpu.dma_semaphore, #tpu.memory_space<semaphore_mem>>)
    %dma_wait3A_1754 = tpu.memref_slice %arg2[%select_n3A_1529, %mul3A_1547] : memref<200x16384xi32, #tpu.memory_space<hbm>> -> memref<1x4096xi32, #tpu.memory_space<hbm>>
    %dma_wait3A_1755 = tpu.memref_slice %arg2[%select_n3A_1529, %mul3A_1547] : memref<200x16384xi32, #tpu.memory_space<hbm>> -> memref<1x4096xi32, #tpu.memory_space<hbm>>
    tpu.wait_dma2 semaphore(%arg13 : memref<!tpu.dma_semaphore, #tpu.memory_space<semaphore_mem>>) src(%dma_wait3A_1755 : memref<1x4096xi32, #tpu.memory_space<hbm>>) dst(%arg7 : memref<1x4096xi32, #tpu.memory_space<vmem>>)
    %dma_wait3A_1756 = tpu.memref_slice %arg4[%add3A_1501] : memref<3276800xf32, #tpu.memory_space<hbm>> -> memref<4096xf32, #tpu.memory_space<hbm>>
    %dma_wait3A_1757 = tpu.memref_slice %arg4[%add3A_1501] : memref<3276800xf32, #tpu.memory_space<hbm>> -> memref<4096xf32, #tpu.memory_space<hbm>>
    tpu.wait_dma2 semaphore(%arg16 : memref<!tpu.dma_semaphore, #tpu.memory_space<semaphore_mem>>) src(%arg10 : memref<4096xf32, #tpu.memory_space<vmem>>) dst(%dma_wait3A_1757 : memref<4096xf32, #tpu.memory_space<hbm>>)
    %parallel_loop3A_1758 = arith.constant 0 : i32
    %parallel_loop3A_1759 = arith.constant 4096 : i32
    %parallel_loop3A_1760 = arith.constant 16 : i32
    scf.for %parallel_loop3A_2540 = %parallel_loop3A_1758 to %parallel_loop3A_1759 step %parallel_loop3A_1760  : i32 {
      %parallel_loop3A_2541 = arith.constant 0 : i32
      %parallel_loop3A_2542 = arith.index_cast %parallel_loop3A_2541 : i32 to index
      %parallel_loop3A_2543 = arith.index_cast %parallel_loop3A_2540 : i32 to index
      %parallel_loop3A_2544 = tpu.vector_load %arg7[%parallel_loop3A_2542, %parallel_loop3A_2543] {strides = array<i32>} : memref<1x4096xi32, #tpu.memory_space<vmem>>, vector<16xi32>,
      %parallel_loop3A_2545 = tpu.vector_load_idx %arg5[%parallel_loop3A_2544] : memref<16xf32, #tpu.memory_space<vmem>>[vector<16xi32>], vector<16xf32>,
      %parallel_loop3A_2546 = arith.index_cast %parallel_loop3A_2540 : i32 to index
      %parallel_loop3A_2547 = tpu.vector_load %arg10[%parallel_loop3A_2546] {strides = array<i32>} : memref<4096xf32, #tpu.memory_space<vmem>>, vector<16xf32>,
      tpu.vector_store %arg10[%parallel_loop3A_2546], %parallel_loop3A_2545 {strides = array<i32>} : memref<4096xf32, #tpu.memory_space<vmem>>, vector<16xf32>,
    } {sc.loop_unroll_factor = 8 : i64, sc.parallel_access}
    %add3A_1761 = arith.constant 16 : i32
    %add3A_1762 = arith.addi %mul3A_2, %add3A_1761 : i32
    %jit3A_1763 = arith.constant 4 : i32
    %div3A_1764 = arith.divsi %add3A_1762, %jit3A_1763 : i32
    %sign3A_1765 = arith.constant 0 : i32
    %sign3A_1766 = arith.cmpi sgt, %add3A_1762, %sign3A_1765 : i32
    %sign3A_1767 = arith.extui %sign3A_1766 : i1 to i32
    %sign3A_1768 = arith.constant 0 : i32
    %sign3A_1769 = arith.cmpi slt, %add3A_1762, %sign3A_1768 : i32
    %sign3A_1770 = arith.extui %sign3A_1769 : i1 to i32
    %sign3A_1771 = arith.subi %sign3A_1767, %sign3A_1770 : i32
    %sign3A_1772 = arith.constant 0 : i32
    %sign3A_1773 = arith.cmpi sgt, %jit3A_1763, %sign3A_1772 : i32
    %sign3A_1774 = arith.extui %sign3A_1773 : i1 to i32
    %sign3A_1775 = arith.constant 0 : i32
    %sign3A_1776 = arith.cmpi slt, %jit3A_1763, %sign3A_1775 : i32
    %sign3A_1777 = arith.extui %sign3A_1776 : i1 to i32
    %sign3A_1778 = arith.subi %sign3A_1774, %sign3A_1777 : i32
    %ne3A_1779 = arith.cmpi ne, %sign3A_1771, %sign3A_1778 : i32
    %rem3A_1780 = arith.remsi %add3A_1762, %jit3A_1763 : i32
    %ne3A_1781 = arith.constant 0 : i32
    %ne3A_1782 = arith.cmpi ne, %rem3A_1780, %ne3A_1781 : i32
    %and3A_1783 = arith.andi %ne3A_1779, %ne3A_1782 : i1
    %sub3A_1784 = arith.constant 1 : i32
    %sub3A_1785 = arith.subi %div3A_1764, %sub3A_1784 : i32
    %select_n3A_1786 = arith.select %and3A_1783, %sub3A_1785, %div3A_1764 : i32
    %jit3A_1787 = arith.constant 4 : i32
    %eq3A_1788 = arith.constant 0 : i32
    %eq3A_1789 = arith.cmpi eq, %jit3A_1787, %eq3A_1788 : i32
    %jit3A_1790 = arith.constant 1 : i32
    %select_n3A_1791 = arith.select %eq3A_1789, %jit3A_1790, %jit3A_1787 : i32
    %rem3A_1792 = arith.remsi %add3A_1762, %select_n3A_1791 : i32
    %ne3A_1793 = arith.constant 0 : i32
    %ne3A_1794 = arith.cmpi ne, %rem3A_1792, %ne3A_1793 : i32
    %lt3A_1795 = arith.constant 0 : i32
    %lt3A_1796 = arith.cmpi slt, %rem3A_1792, %lt3A_1795 : i32
    %lt3A_1797 = arith.constant 0 : i32
    %lt3A_1798 = arith.cmpi slt, %select_n3A_1791, %lt3A_1797 : i32
    %ne3A_1799 = arith.xori %lt3A_1796, %lt3A_1798 : i1
    %and3A_1800 = arith.andi %ne3A_1799, %ne3A_1794 : i1
    %add3A_1801 = arith.addi %rem3A_1792, %select_n3A_1791 : i32
    %select_n3A_1802 = arith.select %and3A_1800, %add3A_1801, %rem3A_1792 : i32
    %mul3A_1803 = arith.constant 4096 : i32
    %mul3A_1804 = arith.muli %select_n3A_1802, %mul3A_1803 : i32
    %mul3A_1805 = arith.constant 16384 : i32
    %mul3A_1806 = arith.muli %select_n3A_1786, %mul3A_1805 : i32
    %add3A_1807 = arith.addi %mul3A_1806, %mul3A_1804 : i32
    %dma_start3A_1808 = tpu.memref_slice %arg4[%add3A_1807] : memref<3276800xf32, #tpu.memory_space<hbm>> -> memref<4096xf32, #tpu.memory_space<hbm>>
    %dma_start3A_1809 = tpu.memref_slice %arg4[%add3A_1807] : memref<3276800xf32, #tpu.memory_space<hbm>> -> memref<4096xf32, #tpu.memory_space<hbm>>
    tpu.enqueue_dma source(%arg10 : memref<4096xf32, #tpu.memory_space<vmem>>) target(%dma_start3A_1809 : memref<4096xf32, #tpu.memory_space<hbm>>) target_semaphore(%arg16 : memref<!tpu.dma_semaphore, #tpu.memory_space<semaphore_mem>>)
    %add3A_1810 = arith.constant 19 : i32
    %add3A_1811 = arith.addi %mul3A_2, %add3A_1810 : i32
    %jit3A_1812 = arith.constant 4 : i32
    %div3A_1813 = arith.divsi %add3A_1811, %jit3A_1812 : i32
    %sign3A_1814 = arith.constant 0 : i32
    %sign3A_1815 = arith.cmpi sgt, %add3A_1811, %sign3A_1814 : i32
    %sign3A_1816 = arith.extui %sign3A_1815 : i1 to i32
    %sign3A_1817 = arith.constant 0 : i32
    %sign3A_1818 = arith.cmpi slt, %add3A_1811, %sign3A_1817 : i32
    %sign3A_1819 = arith.extui %sign3A_1818 : i1 to i32
    %sign3A_1820 = arith.subi %sign3A_1816, %sign3A_1819 : i32
    %sign3A_1821 = arith.constant 0 : i32
    %sign3A_1822 = arith.cmpi sgt, %jit3A_1812, %sign3A_1821 : i32
    %sign3A_1823 = arith.extui %sign3A_1822 : i1 to i32
    %sign3A_1824 = arith.constant 0 : i32
    %sign3A_1825 = arith.cmpi slt, %jit3A_1812, %sign3A_1824 : i32
    %sign3A_1826 = arith.extui %sign3A_1825 : i1 to i32
    %sign3A_1827 = arith.subi %sign3A_1823, %sign3A_1826 : i32
    %ne3A_1828 = arith.cmpi ne, %sign3A_1820, %sign3A_1827 : i32
    %rem3A_1829 = arith.remsi %add3A_1811, %jit3A_1812 : i32
    %ne3A_1830 = arith.constant 0 : i32
    %ne3A_1831 = arith.cmpi ne, %rem3A_1829, %ne3A_1830 : i32
    %and3A_1832 = arith.andi %ne3A_1828, %ne3A_1831 : i1
    %sub3A_1833 = arith.constant 1 : i32
    %sub3A_1834 = arith.subi %div3A_1813, %sub3A_1833 : i32
    %select_n3A_1835 = arith.select %and3A_1832, %sub3A_1834, %div3A_1813 : i32
    %jit3A_1836 = arith.constant 4 : i32
    %eq3A_1837 = arith.constant 0 : i32
    %eq3A_1838 = arith.cmpi eq, %jit3A_1836, %eq3A_1837 : i32
    %jit3A_1839 = arith.constant 1 : i32
    %select_n3A_1840 = arith.select %eq3A_1838, %jit3A_1839, %jit3A_1836 : i32
    %rem3A_1841 = arith.remsi %add3A_1811, %select_n3A_1840 : i32
    %ne3A_1842 = arith.constant 0 : i32
    %ne3A_1843 = arith.cmpi ne, %rem3A_1841, %ne3A_1842 : i32
    %lt3A_1844 = arith.constant 0 : i32
    %lt3A_1845 = arith.cmpi slt, %rem3A_1841, %lt3A_1844 : i32
    %lt3A_1846 = arith.constant 0 : i32
    %lt3A_1847 = arith.cmpi slt, %select_n3A_1840, %lt3A_1846 : i32
    %ne3A_1848 = arith.xori %lt3A_1845, %lt3A_1847 : i1
    %and3A_1849 = arith.andi %ne3A_1848, %ne3A_1843 : i1
    %add3A_1850 = arith.addi %rem3A_1841, %select_n3A_1840 : i32
    %select_n3A_1851 = arith.select %and3A_1849, %add3A_1850, %rem3A_1841 : i32
    %mul3A_1852 = arith.constant 4096 : i32
    %mul3A_1853 = arith.muli %select_n3A_1851, %mul3A_1852 : i32
    %dma_start3A_1854 = tpu.memref_slice %arg2[%select_n3A_1835, %mul3A_1853] : memref<200x16384xi32, #tpu.memory_space<hbm>> -> memref<1x4096xi32, #tpu.memory_space<hbm>>
    %dma_start3A_1855 = tpu.memref_slice %arg2[%select_n3A_1835, %mul3A_1853] : memref<200x16384xi32, #tpu.memory_space<hbm>> -> memref<1x4096xi32, #tpu.memory_space<hbm>>
    tpu.enqueue_dma source(%dma_start3A_1855 : memref<1x4096xi32, #tpu.memory_space<hbm>>) target(%arg7 : memref<1x4096xi32, #tpu.memory_space<vmem>>) target_semaphore(%arg13 : memref<!tpu.dma_semaphore, #tpu.memory_space<semaphore_mem>>)
    %dma_wait3A_1856 = tpu.memref_slice %arg2[%select_n3A_1631, %mul3A_1649] : memref<200x16384xi32, #tpu.memory_space<hbm>> -> memref<1x4096xi32, #tpu.memory_space<hbm>>
    %dma_wait3A_1857 = tpu.memref_slice %arg2[%select_n3A_1631, %mul3A_1649] : memref<200x16384xi32, #tpu.memory_space<hbm>> -> memref<1x4096xi32, #tpu.memory_space<hbm>>
    tpu.wait_dma2 semaphore(%arg14 : memref<!tpu.dma_semaphore, #tpu.memory_space<semaphore_mem>>) src(%dma_wait3A_1857 : memref<1x4096xi32, #tpu.memory_space<hbm>>) dst(%arg8 : memref<1x4096xi32, #tpu.memory_space<vmem>>)
    %dma_wait3A_1858 = tpu.memref_slice %arg4[%add3A_1603] : memref<3276800xf32, #tpu.memory_space<hbm>> -> memref<4096xf32, #tpu.memory_space<hbm>>
    %dma_wait3A_1859 = tpu.memref_slice %arg4[%add3A_1603] : memref<3276800xf32, #tpu.memory_space<hbm>> -> memref<4096xf32, #tpu.memory_space<hbm>>
    tpu.wait_dma2 semaphore(%arg17 : memref<!tpu.dma_semaphore, #tpu.memory_space<semaphore_mem>>) src(%arg11 : memref<4096xf32, #tpu.memory_space<vmem>>) dst(%dma_wait3A_1859 : memref<4096xf32, #tpu.memory_space<hbm>>)
    %parallel_loop3A_1860 = arith.constant 0 : i32
    %parallel_loop3A_1861 = arith.constant 4096 : i32
    %parallel_loop3A_1862 = arith.constant 16 : i32
    scf.for %parallel_loop3A_2540 = %parallel_loop3A_1860 to %parallel_loop3A_1861 step %parallel_loop3A_1862  : i32 {
      %parallel_loop3A_2541 = arith.constant 0 : i32
      %parallel_loop3A_2542 = arith.index_cast %parallel_loop3A_2541 : i32 to index
      %parallel_loop3A_2543 = arith.index_cast %parallel_loop3A_2540 : i32 to index
      %parallel_loop3A_2544 = tpu.vector_load %arg8[%parallel_loop3A_2542, %parallel_loop3A_2543] {strides = array<i32>} : memref<1x4096xi32, #tpu.memory_space<vmem>>, vector<16xi32>,
      %parallel_loop3A_2545 = tpu.vector_load_idx %arg5[%parallel_loop3A_2544] : memref<16xf32, #tpu.memory_space<vmem>>[vector<16xi32>], vector<16xf32>,
      %parallel_loop3A_2546 = arith.index_cast %parallel_loop3A_2540 : i32 to index
      %parallel_loop3A_2547 = tpu.vector_load %arg11[%parallel_loop3A_2546] {strides = array<i32>} : memref<4096xf32, #tpu.memory_space<vmem>>, vector<16xf32>,
      tpu.vector_store %arg11[%parallel_loop3A_2546], %parallel_loop3A_2545 {strides = array<i32>} : memref<4096xf32, #tpu.memory_space<vmem>>, vector<16xf32>,
    } {sc.loop_unroll_factor = 8 : i64, sc.parallel_access}
    %add3A_1863 = arith.constant 17 : i32
    %add3A_1864 = arith.addi %mul3A_2, %add3A_1863 : i32
    %jit3A_1865 = arith.constant 4 : i32
    %div3A_1866 = arith.divsi %add3A_1864, %jit3A_1865 : i32
    %sign3A_1867 = arith.constant 0 : i32
    %sign3A_1868 = arith.cmpi sgt, %add3A_1864, %sign3A_1867 : i32
    %sign3A_1869 = arith.extui %sign3A_1868 : i1 to i32
    %sign3A_1870 = arith.constant 0 : i32
    %sign3A_1871 = arith.cmpi slt, %add3A_1864, %sign3A_1870 : i32
    %sign3A_1872 = arith.extui %sign3A_1871 : i1 to i32
    %sign3A_1873 = arith.subi %sign3A_1869, %sign3A_1872 : i32
    %sign3A_1874 = arith.constant 0 : i32
    %sign3A_1875 = arith.cmpi sgt, %jit3A_1865, %sign3A_1874 : i32
    %sign3A_1876 = arith.extui %sign3A_1875 : i1 to i32
    %sign3A_1877 = arith.constant 0 : i32
    %sign3A_1878 = arith.cmpi slt, %jit3A_1865, %sign3A_1877 : i32
    %sign3A_1879 = arith.extui %sign3A_1878 : i1 to i32
    %sign3A_1880 = arith.subi %sign3A_1876, %sign3A_1879 : i32
    %ne3A_1881 = arith.cmpi ne, %sign3A_1873, %sign3A_1880 : i32
    %rem3A_1882 = arith.remsi %add3A_1864, %jit3A_1865 : i32
    %ne3A_1883 = arith.constant 0 : i32
    %ne3A_1884 = arith.cmpi ne, %rem3A_1882, %ne3A_1883 : i32
    %and3A_1885 = arith.andi %ne3A_1881, %ne3A_1884 : i1
    %sub3A_1886 = arith.constant 1 : i32
    %sub3A_1887 = arith.subi %div3A_1866, %sub3A_1886 : i32
    %select_n3A_1888 = arith.select %and3A_1885, %sub3A_1887, %div3A_1866 : i32
    %jit3A_1889 = arith.constant 4 : i32
    %eq3A_1890 = arith.constant 0 : i32
    %eq3A_1891 = arith.cmpi eq, %jit3A_1889, %eq3A_1890 : i32
    %jit3A_1892 = arith.constant 1 : i32
    %select_n3A_1893 = arith.select %eq3A_1891, %jit3A_1892, %jit3A_1889 : i32
    %rem3A_1894 = arith.remsi %add3A_1864, %select_n3A_1893 : i32
    %ne3A_1895 = arith.constant 0 : i32
    %ne3A_1896 = arith.cmpi ne, %rem3A_1894, %ne3A_1895 : i32
    %lt3A_1897 = arith.constant 0 : i32
    %lt3A_1898 = arith.cmpi slt, %rem3A_1894, %lt3A_1897 : i32
    %lt3A_1899 = arith.constant 0 : i32
    %lt3A_1900 = arith.cmpi slt, %select_n3A_1893, %lt3A_1899 : i32
    %ne3A_1901 = arith.xori %lt3A_1898, %lt3A_1900 : i1
    %and3A_1902 = arith.andi %ne3A_1901, %ne3A_1896 : i1
    %add3A_1903 = arith.addi %rem3A_1894, %select_n3A_1893 : i32
    %select_n3A_1904 = arith.select %and3A_1902, %add3A_1903, %rem3A_1894 : i32
    %mul3A_1905 = arith.constant 4096 : i32
    %mul3A_1906 = arith.muli %select_n3A_1904, %mul3A_1905 : i32
    %mul3A_1907 = arith.constant 16384 : i32
    %mul3A_1908 = arith.muli %select_n3A_1888, %mul3A_1907 : i32
    %add3A_1909 = arith.addi %mul3A_1908, %mul3A_1906 : i32
    %dma_start3A_1910 = tpu.memref_slice %arg4[%add3A_1909] : memref<3276800xf32, #tpu.memory_space<hbm>> -> memref<4096xf32, #tpu.memory_space<hbm>>
    %dma_start3A_1911 = tpu.memref_slice %arg4[%add3A_1909] : memref<3276800xf32, #tpu.memory_space<hbm>> -> memref<4096xf32, #tpu.memory_space<hbm>>
    tpu.enqueue_dma source(%arg11 : memref<4096xf32, #tpu.memory_space<vmem>>) target(%dma_start3A_1911 : memref<4096xf32, #tpu.memory_space<hbm>>) target_semaphore(%arg17 : memref<!tpu.dma_semaphore, #tpu.memory_space<semaphore_mem>>)
    %add3A_1912 = arith.constant 20 : i32
    %add3A_1913 = arith.addi %mul3A_2, %add3A_1912 : i32
    %jit3A_1914 = arith.constant 4 : i32
    %div3A_1915 = arith.divsi %add3A_1913, %jit3A_1914 : i32
    %sign3A_1916 = arith.constant 0 : i32
    %sign3A_1917 = arith.cmpi sgt, %add3A_1913, %sign3A_1916 : i32
    %sign3A_1918 = arith.extui %sign3A_1917 : i1 to i32
    %sign3A_1919 = arith.constant 0 : i32
    %sign3A_1920 = arith.cmpi slt, %add3A_1913, %sign3A_1919 : i32
    %sign3A_1921 = arith.extui %sign3A_1920 : i1 to i32
    %sign3A_1922 = arith.subi %sign3A_1918, %sign3A_1921 : i32
    %sign3A_1923 = arith.constant 0 : i32
    %sign3A_1924 = arith.cmpi sgt, %jit3A_1914, %sign3A_1923 : i32
    %sign3A_1925 = arith.extui %sign3A_1924 : i1 to i32
    %sign3A_1926 = arith.constant 0 : i32
    %sign3A_1927 = arith.cmpi slt, %jit3A_1914, %sign3A_1926 : i32
    %sign3A_1928 = arith.extui %sign3A_1927 : i1 to i32
    %sign3A_1929 = arith.subi %sign3A_1925, %sign3A_1928 : i32
    %ne3A_1930 = arith.cmpi ne, %sign3A_1922, %sign3A_1929 : i32
    %rem3A_1931 = arith.remsi %add3A_1913, %jit3A_1914 : i32
    %ne3A_1932 = arith.constant 0 : i32
    %ne3A_1933 = arith.cmpi ne, %rem3A_1931, %ne3A_1932 : i32
    %and3A_1934 = arith.andi %ne3A_1930, %ne3A_1933 : i1
    %sub3A_1935 = arith.constant 1 : i32
    %sub3A_1936 = arith.subi %div3A_1915, %sub3A_1935 : i32
    %select_n3A_1937 = arith.select %and3A_1934, %sub3A_1936, %div3A_1915 : i32
    %jit3A_1938 = arith.constant 4 : i32
    %eq3A_1939 = arith.constant 0 : i32
    %eq3A_1940 = arith.cmpi eq, %jit3A_1938, %eq3A_1939 : i32
    %jit3A_1941 = arith.constant 1 : i32
    %select_n3A_1942 = arith.select %eq3A_1940, %jit3A_1941, %jit3A_1938 : i32
    %rem3A_1943 = arith.remsi %add3A_1913, %select_n3A_1942 : i32
    %ne3A_1944 = arith.constant 0 : i32
    %ne3A_1945 = arith.cmpi ne, %rem3A_1943, %ne3A_1944 : i32
    %lt3A_1946 = arith.constant 0 : i32
    %lt3A_1947 = arith.cmpi slt, %rem3A_1943, %lt3A_1946 : i32
    %lt3A_1948 = arith.constant 0 : i32
    %lt3A_1949 = arith.cmpi slt, %select_n3A_1942, %lt3A_1948 : i32
    %ne3A_1950 = arith.xori %lt3A_1947, %lt3A_1949 : i1
    %and3A_1951 = arith.andi %ne3A_1950, %ne3A_1945 : i1
    %add3A_1952 = arith.addi %rem3A_1943, %select_n3A_1942 : i32
    %select_n3A_1953 = arith.select %and3A_1951, %add3A_1952, %rem3A_1943 : i32
    %mul3A_1954 = arith.constant 4096 : i32
    %mul3A_1955 = arith.muli %select_n3A_1953, %mul3A_1954 : i32
    %dma_start3A_1956 = tpu.memref_slice %arg2[%select_n3A_1937, %mul3A_1955] : memref<200x16384xi32, #tpu.memory_space<hbm>> -> memref<1x4096xi32, #tpu.memory_space<hbm>>
    %dma_start3A_1957 = tpu.memref_slice %arg2[%select_n3A_1937, %mul3A_1955] : memref<200x16384xi32, #tpu.memory_space<hbm>> -> memref<1x4096xi32, #tpu.memory_space<hbm>>
    tpu.enqueue_dma source(%dma_start3A_1957 : memref<1x4096xi32, #tpu.memory_space<hbm>>) target(%arg8 : memref<1x4096xi32, #tpu.memory_space<vmem>>) target_semaphore(%arg14 : memref<!tpu.dma_semaphore, #tpu.memory_space<semaphore_mem>>)
    %dma_wait3A_1958 = tpu.memref_slice %arg2[%select_n3A_1733, %mul3A_1751] : memref<200x16384xi32, #tpu.memory_space<hbm>> -> memref<1x4096xi32, #tpu.memory_space<hbm>>
    %dma_wait3A_1959 = tpu.memref_slice %arg2[%select_n3A_1733, %mul3A_1751] : memref<200x16384xi32, #tpu.memory_space<hbm>> -> memref<1x4096xi32, #tpu.memory_space<hbm>>
    tpu.wait_dma2 semaphore(%arg12 : memref<!tpu.dma_semaphore, #tpu.memory_space<semaphore_mem>>) src(%dma_wait3A_1959 : memref<1x4096xi32, #tpu.memory_space<hbm>>) dst(%arg6 : memref<1x4096xi32, #tpu.memory_space<vmem>>)
    %dma_wait3A_1960 = tpu.memref_slice %arg4[%add3A_1705] : memref<3276800xf32, #tpu.memory_space<hbm>> -> memref<4096xf32, #tpu.memory_space<hbm>>
    %dma_wait3A_1961 = tpu.memref_slice %arg4[%add3A_1705] : memref<3276800xf32, #tpu.memory_space<hbm>> -> memref<4096xf32, #tpu.memory_space<hbm>>
    tpu.wait_dma2 semaphore(%arg15 : memref<!tpu.dma_semaphore, #tpu.memory_space<semaphore_mem>>) src(%arg9 : memref<4096xf32, #tpu.memory_space<vmem>>) dst(%dma_wait3A_1961 : memref<4096xf32, #tpu.memory_space<hbm>>)
    %parallel_loop3A_1962 = arith.constant 0 : i32
    %parallel_loop3A_1963 = arith.constant 4096 : i32
    %parallel_loop3A_1964 = arith.constant 16 : i32
    scf.for %parallel_loop3A_2540 = %parallel_loop3A_1962 to %parallel_loop3A_1963 step %parallel_loop3A_1964  : i32 {
      %parallel_loop3A_2541 = arith.constant 0 : i32
      %parallel_loop3A_2542 = arith.index_cast %parallel_loop3A_2541 : i32 to index
      %parallel_loop3A_2543 = arith.index_cast %parallel_loop3A_2540 : i32 to index
      %parallel_loop3A_2544 = tpu.vector_load %arg6[%parallel_loop3A_2542, %parallel_loop3A_2543] {strides = array<i32>} : memref<1x4096xi32, #tpu.memory_space<vmem>>, vector<16xi32>,
      %parallel_loop3A_2545 = tpu.vector_load_idx %arg5[%parallel_loop3A_2544] : memref<16xf32, #tpu.memory_space<vmem>>[vector<16xi32>], vector<16xf32>,
      %parallel_loop3A_2546 = arith.index_cast %parallel_loop3A_2540 : i32 to index
      %parallel_loop3A_2547 = tpu.vector_load %arg9[%parallel_loop3A_2546] {strides = array<i32>} : memref<4096xf32, #tpu.memory_space<vmem>>, vector<16xf32>,
      tpu.vector_store %arg9[%parallel_loop3A_2546], %parallel_loop3A_2545 {strides = array<i32>} : memref<4096xf32, #tpu.memory_space<vmem>>, vector<16xf32>,
    } {sc.loop_unroll_factor = 8 : i64, sc.parallel_access}
    %add3A_1965 = arith.constant 18 : i32
    %add3A_1966 = arith.addi %mul3A_2, %add3A_1965 : i32
    %jit3A_1967 = arith.constant 4 : i32
    %div3A_1968 = arith.divsi %add3A_1966, %jit3A_1967 : i32
    %sign3A_1969 = arith.constant 0 : i32
    %sign3A_1970 = arith.cmpi sgt, %add3A_1966, %sign3A_1969 : i32
    %sign3A_1971 = arith.extui %sign3A_1970 : i1 to i32
    %sign3A_1972 = arith.constant 0 : i32
    %sign3A_1973 = arith.cmpi slt, %add3A_1966, %sign3A_1972 : i32
    %sign3A_1974 = arith.extui %sign3A_1973 : i1 to i32
    %sign3A_1975 = arith.subi %sign3A_1971, %sign3A_1974 : i32
    %sign3A_1976 = arith.constant 0 : i32
    %sign3A_1977 = arith.cmpi sgt, %jit3A_1967, %sign3A_1976 : i32
    %sign3A_1978 = arith.extui %sign3A_1977 : i1 to i32
    %sign3A_1979 = arith.constant 0 : i32
    %sign3A_1980 = arith.cmpi slt, %jit3A_1967, %sign3A_1979 : i32
    %sign3A_1981 = arith.extui %sign3A_1980 : i1 to i32
    %sign3A_1982 = arith.subi %sign3A_1978, %sign3A_1981 : i32
    %ne3A_1983 = arith.cmpi ne, %sign3A_1975, %sign3A_1982 : i32
    %rem3A_1984 = arith.remsi %add3A_1966, %jit3A_1967 : i32
    %ne3A_1985 = arith.constant 0 : i32
    %ne3A_1986 = arith.cmpi ne, %rem3A_1984, %ne3A_1985 : i32
    %and3A_1987 = arith.andi %ne3A_1983, %ne3A_1986 : i1
    %sub3A_1988 = arith.constant 1 : i32
    %sub3A_1989 = arith.subi %div3A_1968, %sub3A_1988 : i32
    %select_n3A_1990 = arith.select %and3A_1987, %sub3A_1989, %div3A_1968 : i32
    %jit3A_1991 = arith.constant 4 : i32
    %eq3A_1992 = arith.constant 0 : i32
    %eq3A_1993 = arith.cmpi eq, %jit3A_1991, %eq3A_1992 : i32
    %jit3A_1994 = arith.constant 1 : i32
    %select_n3A_1995 = arith.select %eq3A_1993, %jit3A_1994, %jit3A_1991 : i32
    %rem3A_1996 = arith.remsi %add3A_1966, %select_n3A_1995 : i32
    %ne3A_1997 = arith.constant 0 : i32
    %ne3A_1998 = arith.cmpi ne, %rem3A_1996, %ne3A_1997 : i32
    %lt3A_1999 = arith.constant 0 : i32
    %lt3A_2000 = arith.cmpi slt, %rem3A_1996, %lt3A_1999 : i32
    %lt3A_2001 = arith.constant 0 : i32
    %lt3A_2002 = arith.cmpi slt, %select_n3A_1995, %lt3A_2001 : i32
    %ne3A_2003 = arith.xori %lt3A_2000, %lt3A_2002 : i1
    %and3A_2004 = arith.andi %ne3A_2003, %ne3A_1998 : i1
    %add3A_2005 = arith.addi %rem3A_1996, %select_n3A_1995 : i32
    %select_n3A_2006 = arith.select %and3A_2004, %add3A_2005, %rem3A_1996 : i32
    %mul3A_2007 = arith.constant 4096 : i32
    %mul3A_2008 = arith.muli %select_n3A_2006, %mul3A_2007 : i32
    %mul3A_2009 = arith.constant 16384 : i32
    %mul3A_2010 = arith.muli %select_n3A_1990, %mul3A_2009 : i32
    %add3A_2011 = arith.addi %mul3A_2010, %mul3A_2008 : i32
    %dma_start3A_2012 = tpu.memref_slice %arg4[%add3A_2011] : memref<3276800xf32, #tpu.memory_space<hbm>> -> memref<4096xf32, #tpu.memory_space<hbm>>
    %dma_start3A_2013 = tpu.memref_slice %arg4[%add3A_2011] : memref<3276800xf32, #tpu.memory_space<hbm>> -> memref<4096xf32, #tpu.memory_space<hbm>>
    tpu.enqueue_dma source(%arg9 : memref<4096xf32, #tpu.memory_space<vmem>>) target(%dma_start3A_2013 : memref<4096xf32, #tpu.memory_space<hbm>>) target_semaphore(%arg15 : memref<!tpu.dma_semaphore, #tpu.memory_space<semaphore_mem>>)
    %add3A_2014 = arith.constant 21 : i32
    %add3A_2015 = arith.addi %mul3A_2, %add3A_2014 : i32
    %jit3A_2016 = arith.constant 4 : i32
    %div3A_2017 = arith.divsi %add3A_2015, %jit3A_2016 : i32
    %sign3A_2018 = arith.constant 0 : i32
    %sign3A_2019 = arith.cmpi sgt, %add3A_2015, %sign3A_2018 : i32
    %sign3A_2020 = arith.extui %sign3A_2019 : i1 to i32
    %sign3A_2021 = arith.constant 0 : i32
    %sign3A_2022 = arith.cmpi slt, %add3A_2015, %sign3A_2021 : i32
    %sign3A_2023 = arith.extui %sign3A_2022 : i1 to i32
    %sign3A_2024 = arith.subi %sign3A_2020, %sign3A_2023 : i32
    %sign3A_2025 = arith.constant 0 : i32
    %sign3A_2026 = arith.cmpi sgt, %jit3A_2016, %sign3A_2025 : i32
    %sign3A_2027 = arith.extui %sign3A_2026 : i1 to i32
    %sign3A_2028 = arith.constant 0 : i32
    %sign3A_2029 = arith.cmpi slt, %jit3A_2016, %sign3A_2028 : i32
    %sign3A_2030 = arith.extui %sign3A_2029 : i1 to i32
    %sign3A_2031 = arith.subi %sign3A_2027, %sign3A_2030 : i32
    %ne3A_2032 = arith.cmpi ne, %sign3A_2024, %sign3A_2031 : i32
    %rem3A_2033 = arith.remsi %add3A_2015, %jit3A_2016 : i32
    %ne3A_2034 = arith.constant 0 : i32
    %ne3A_2035 = arith.cmpi ne, %rem3A_2033, %ne3A_2034 : i32
    %and3A_2036 = arith.andi %ne3A_2032, %ne3A_2035 : i1
    %sub3A_2037 = arith.constant 1 : i32
    %sub3A_2038 = arith.subi %div3A_2017, %sub3A_2037 : i32
    %select_n3A_2039 = arith.select %and3A_2036, %sub3A_2038, %div3A_2017 : i32
    %jit3A_2040 = arith.constant 4 : i32
    %eq3A_2041 = arith.constant 0 : i32
    %eq3A_2042 = arith.cmpi eq, %jit3A_2040, %eq3A_2041 : i32
    %jit3A_2043 = arith.constant 1 : i32
    %select_n3A_2044 = arith.select %eq3A_2042, %jit3A_2043, %jit3A_2040 : i32
    %rem3A_2045 = arith.remsi %add3A_2015, %select_n3A_2044 : i32
    %ne3A_2046 = arith.constant 0 : i32
    %ne3A_2047 = arith.cmpi ne, %rem3A_2045, %ne3A_2046 : i32
    %lt3A_2048 = arith.constant 0 : i32
    %lt3A_2049 = arith.cmpi slt, %rem3A_2045, %lt3A_2048 : i32
    %lt3A_2050 = arith.constant 0 : i32
    %lt3A_2051 = arith.cmpi slt, %select_n3A_2044, %lt3A_2050 : i32
    %ne3A_2052 = arith.xori %lt3A_2049, %lt3A_2051 : i1
    %and3A_2053 = arith.andi %ne3A_2052, %ne3A_2047 : i1
    %add3A_2054 = arith.addi %rem3A_2045, %select_n3A_2044 : i32
    %select_n3A_2055 = arith.select %and3A_2053, %add3A_2054, %rem3A_2045 : i32
    %mul3A_2056 = arith.constant 4096 : i32
    %mul3A_2057 = arith.muli %select_n3A_2055, %mul3A_2056 : i32
    %dma_start3A_2058 = tpu.memref_slice %arg2[%select_n3A_2039, %mul3A_2057] : memref<200x16384xi32, #tpu.memory_space<hbm>> -> memref<1x4096xi32, #tpu.memory_space<hbm>>
    %dma_start3A_2059 = tpu.memref_slice %arg2[%select_n3A_2039, %mul3A_2057] : memref<200x16384xi32, #tpu.memory_space<hbm>> -> memref<1x4096xi32, #tpu.memory_space<hbm>>
    tpu.enqueue_dma source(%dma_start3A_2059 : memref<1x4096xi32, #tpu.memory_space<hbm>>) target(%arg6 : memref<1x4096xi32, #tpu.memory_space<vmem>>) target_semaphore(%arg12 : memref<!tpu.dma_semaphore, #tpu.memory_space<semaphore_mem>>)
    %dma_wait3A_2060 = tpu.memref_slice %arg2[%select_n3A_1835, %mul3A_1853] : memref<200x16384xi32, #tpu.memory_space<hbm>> -> memref<1x4096xi32, #tpu.memory_space<hbm>>
    %dma_wait3A_2061 = tpu.memref_slice %arg2[%select_n3A_1835, %mul3A_1853] : memref<200x16384xi32, #tpu.memory_space<hbm>> -> memref<1x4096xi32, #tpu.memory_space<hbm>>
    tpu.wait_dma2 semaphore(%arg13 : memref<!tpu.dma_semaphore, #tpu.memory_space<semaphore_mem>>) src(%dma_wait3A_2061 : memref<1x4096xi32, #tpu.memory_space<hbm>>) dst(%arg7 : memref<1x4096xi32, #tpu.memory_space<vmem>>)
    %dma_wait3A_2062 = tpu.memref_slice %arg4[%add3A_1807] : memref<3276800xf32, #tpu.memory_space<hbm>> -> memref<4096xf32, #tpu.memory_space<hbm>>
    %dma_wait3A_2063 = tpu.memref_slice %arg4[%add3A_1807] : memref<3276800xf32, #tpu.memory_space<hbm>> -> memref<4096xf32, #tpu.memory_space<hbm>>
    tpu.wait_dma2 semaphore(%arg16 : memref<!tpu.dma_semaphore, #tpu.memory_space<semaphore_mem>>) src(%arg10 : memref<4096xf32, #tpu.memory_space<vmem>>) dst(%dma_wait3A_2063 : memref<4096xf32, #tpu.memory_space<hbm>>)
    %parallel_loop3A_2064 = arith.constant 0 : i32
    %parallel_loop3A_2065 = arith.constant 4096 : i32
    %parallel_loop3A_2066 = arith.constant 16 : i32
    scf.for %parallel_loop3A_2540 = %parallel_loop3A_2064 to %parallel_loop3A_2065 step %parallel_loop3A_2066  : i32 {
      %parallel_loop3A_2541 = arith.constant 0 : i32
      %parallel_loop3A_2542 = arith.index_cast %parallel_loop3A_2541 : i32 to index
      %parallel_loop3A_2543 = arith.index_cast %parallel_loop3A_2540 : i32 to index
      %parallel_loop3A_2544 = tpu.vector_load %arg7[%parallel_loop3A_2542, %parallel_loop3A_2543] {strides = array<i32>} : memref<1x4096xi32, #tpu.memory_space<vmem>>, vector<16xi32>,
      %parallel_loop3A_2545 = tpu.vector_load_idx %arg5[%parallel_loop3A_2544] : memref<16xf32, #tpu.memory_space<vmem>>[vector<16xi32>], vector<16xf32>,
      %parallel_loop3A_2546 = arith.index_cast %parallel_loop3A_2540 : i32 to index
      %parallel_loop3A_2547 = tpu.vector_load %arg10[%parallel_loop3A_2546] {strides = array<i32>} : memref<4096xf32, #tpu.memory_space<vmem>>, vector<16xf32>,
      tpu.vector_store %arg10[%parallel_loop3A_2546], %parallel_loop3A_2545 {strides = array<i32>} : memref<4096xf32, #tpu.memory_space<vmem>>, vector<16xf32>,
    } {sc.loop_unroll_factor = 8 : i64, sc.parallel_access}
    %add3A_2067 = arith.constant 19 : i32
    %add3A_2068 = arith.addi %mul3A_2, %add3A_2067 : i32
    %jit3A_2069 = arith.constant 4 : i32
    %div3A_2070 = arith.divsi %add3A_2068, %jit3A_2069 : i32
    %sign3A_2071 = arith.constant 0 : i32
    %sign3A_2072 = arith.cmpi sgt, %add3A_2068, %sign3A_2071 : i32
    %sign3A_2073 = arith.extui %sign3A_2072 : i1 to i32
    %sign3A_2074 = arith.constant 0 : i32
    %sign3A_2075 = arith.cmpi slt, %add3A_2068, %sign3A_2074 : i32
    %sign3A_2076 = arith.extui %sign3A_2075 : i1 to i32
    %sign3A_2077 = arith.subi %sign3A_2073, %sign3A_2076 : i32
    %sign3A_2078 = arith.constant 0 : i32
    %sign3A_2079 = arith.cmpi sgt, %jit3A_2069, %sign3A_2078 : i32
    %sign3A_2080 = arith.extui %sign3A_2079 : i1 to i32
    %sign3A_2081 = arith.constant 0 : i32
    %sign3A_2082 = arith.cmpi slt, %jit3A_2069, %sign3A_2081 : i32
    %sign3A_2083 = arith.extui %sign3A_2082 : i1 to i32
    %sign3A_2084 = arith.subi %sign3A_2080, %sign3A_2083 : i32
    %ne3A_2085 = arith.cmpi ne, %sign3A_2077, %sign3A_2084 : i32
    %rem3A_2086 = arith.remsi %add3A_2068, %jit3A_2069 : i32
    %ne3A_2087 = arith.constant 0 : i32
    %ne3A_2088 = arith.cmpi ne, %rem3A_2086, %ne3A_2087 : i32
    %and3A_2089 = arith.andi %ne3A_2085, %ne3A_2088 : i1
    %sub3A_2090 = arith.constant 1 : i32
    %sub3A_2091 = arith.subi %div3A_2070, %sub3A_2090 : i32
    %select_n3A_2092 = arith.select %and3A_2089, %sub3A_2091, %div3A_2070 : i32
    %jit3A_2093 = arith.constant 4 : i32
    %eq3A_2094 = arith.constant 0 : i32
    %eq3A_2095 = arith.cmpi eq, %jit3A_2093, %eq3A_2094 : i32
    %jit3A_2096 = arith.constant 1 : i32
    %select_n3A_2097 = arith.select %eq3A_2095, %jit3A_2096, %jit3A_2093 : i32
    %rem3A_2098 = arith.remsi %add3A_2068, %select_n3A_2097 : i32
    %ne3A_2099 = arith.constant 0 : i32
    %ne3A_2100 = arith.cmpi ne, %rem3A_2098, %ne3A_2099 : i32
    %lt3A_2101 = arith.constant 0 : i32
    %lt3A_2102 = arith.cmpi slt, %rem3A_2098, %lt3A_2101 : i32
    %lt3A_2103 = arith.constant 0 : i32
    %lt3A_2104 = arith.cmpi slt, %select_n3A_2097, %lt3A_2103 : i32
    %ne3A_2105 = arith.xori %lt3A_2102, %lt3A_2104 : i1
    %and3A_2106 = arith.andi %ne3A_2105, %ne3A_2100 : i1
    %add3A_2107 = arith.addi %rem3A_2098, %select_n3A_2097 : i32
    %select_n3A_2108 = arith.select %and3A_2106, %add3A_2107, %rem3A_2098 : i32
    %mul3A_2109 = arith.constant 4096 : i32
    %mul3A_2110 = arith.muli %select_n3A_2108, %mul3A_2109 : i32
    %mul3A_2111 = arith.constant 16384 : i32
    %mul3A_2112 = arith.muli %select_n3A_2092, %mul3A_2111 : i32
    %add3A_2113 = arith.addi %mul3A_2112, %mul3A_2110 : i32
    %dma_start3A_2114 = tpu.memref_slice %arg4[%add3A_2113] : memref<3276800xf32, #tpu.memory_space<hbm>> -> memref<4096xf32, #tpu.memory_space<hbm>>
    %dma_start3A_2115 = tpu.memref_slice %arg4[%add3A_2113] : memref<3276800xf32, #tpu.memory_space<hbm>> -> memref<4096xf32, #tpu.memory_space<hbm>>
    tpu.enqueue_dma source(%arg10 : memref<4096xf32, #tpu.memory_space<vmem>>) target(%dma_start3A_2115 : memref<4096xf32, #tpu.memory_space<hbm>>) target_semaphore(%arg16 : memref<!tpu.dma_semaphore, #tpu.memory_space<semaphore_mem>>)
    %add3A_2116 = arith.constant 22 : i32
    %add3A_2117 = arith.addi %mul3A_2, %add3A_2116 : i32
    %jit3A_2118 = arith.constant 4 : i32
    %div3A_2119 = arith.divsi %add3A_2117, %jit3A_2118 : i32
    %sign3A_2120 = arith.constant 0 : i32
    %sign3A_2121 = arith.cmpi sgt, %add3A_2117, %sign3A_2120 : i32
    %sign3A_2122 = arith.extui %sign3A_2121 : i1 to i32
    %sign3A_2123 = arith.constant 0 : i32
    %sign3A_2124 = arith.cmpi slt, %add3A_2117, %sign3A_2123 : i32
    %sign3A_2125 = arith.extui %sign3A_2124 : i1 to i32
    %sign3A_2126 = arith.subi %sign3A_2122, %sign3A_2125 : i32
    %sign3A_2127 = arith.constant 0 : i32
    %sign3A_2128 = arith.cmpi sgt, %jit3A_2118, %sign3A_2127 : i32
    %sign3A_2129 = arith.extui %sign3A_2128 : i1 to i32
    %sign3A_2130 = arith.constant 0 : i32
    %sign3A_2131 = arith.cmpi slt, %jit3A_2118, %sign3A_2130 : i32
    %sign3A_2132 = arith.extui %sign3A_2131 : i1 to i32
    %sign3A_2133 = arith.subi %sign3A_2129, %sign3A_2132 : i32
    %ne3A_2134 = arith.cmpi ne, %sign3A_2126, %sign3A_2133 : i32
    %rem3A_2135 = arith.remsi %add3A_2117, %jit3A_2118 : i32
    %ne3A_2136 = arith.constant 0 : i32
    %ne3A_2137 = arith.cmpi ne, %rem3A_2135, %ne3A_2136 : i32
    %and3A_2138 = arith.andi %ne3A_2134, %ne3A_2137 : i1
    %sub3A_2139 = arith.constant 1 : i32
    %sub3A_2140 = arith.subi %div3A_2119, %sub3A_2139 : i32
    %select_n3A_2141 = arith.select %and3A_2138, %sub3A_2140, %div3A_2119 : i32
    %jit3A_2142 = arith.constant 4 : i32
    %eq3A_2143 = arith.constant 0 : i32
    %eq3A_2144 = arith.cmpi eq, %jit3A_2142, %eq3A_2143 : i32
    %jit3A_2145 = arith.constant 1 : i32
    %select_n3A_2146 = arith.select %eq3A_2144, %jit3A_2145, %jit3A_2142 : i32
    %rem3A_2147 = arith.remsi %add3A_2117, %select_n3A_2146 : i32
    %ne3A_2148 = arith.constant 0 : i32
    %ne3A_2149 = arith.cmpi ne, %rem3A_2147, %ne3A_2148 : i32
    %lt3A_2150 = arith.constant 0 : i32
    %lt3A_2151 = arith.cmpi slt, %rem3A_2147, %lt3A_2150 : i32
    %lt3A_2152 = arith.constant 0 : i32
    %lt3A_2153 = arith.cmpi slt, %select_n3A_2146, %lt3A_2152 : i32
    %ne3A_2154 = arith.xori %lt3A_2151, %lt3A_2153 : i1
    %and3A_2155 = arith.andi %ne3A_2154, %ne3A_2149 : i1
    %add3A_2156 = arith.addi %rem3A_2147, %select_n3A_2146 : i32
    %select_n3A_2157 = arith.select %and3A_2155, %add3A_2156, %rem3A_2147 : i32
    %mul3A_2158 = arith.constant 4096 : i32
    %mul3A_2159 = arith.muli %select_n3A_2157, %mul3A_2158 : i32
    %dma_start3A_2160 = tpu.memref_slice %arg2[%select_n3A_2141, %mul3A_2159] : memref<200x16384xi32, #tpu.memory_space<hbm>> -> memref<1x4096xi32, #tpu.memory_space<hbm>>
    %dma_start3A_2161 = tpu.memref_slice %arg2[%select_n3A_2141, %mul3A_2159] : memref<200x16384xi32, #tpu.memory_space<hbm>> -> memref<1x4096xi32, #tpu.memory_space<hbm>>
    tpu.enqueue_dma source(%dma_start3A_2161 : memref<1x4096xi32, #tpu.memory_space<hbm>>) target(%arg7 : memref<1x4096xi32, #tpu.memory_space<vmem>>) target_semaphore(%arg13 : memref<!tpu.dma_semaphore, #tpu.memory_space<semaphore_mem>>)
    %dma_wait3A_2162 = tpu.memref_slice %arg2[%select_n3A_1937, %mul3A_1955] : memref<200x16384xi32, #tpu.memory_space<hbm>> -> memref<1x4096xi32, #tpu.memory_space<hbm>>
    %dma_wait3A_2163 = tpu.memref_slice %arg2[%select_n3A_1937, %mul3A_1955] : memref<200x16384xi32, #tpu.memory_space<hbm>> -> memref<1x4096xi32, #tpu.memory_space<hbm>>
    tpu.wait_dma2 semaphore(%arg14 : memref<!tpu.dma_semaphore, #tpu.memory_space<semaphore_mem>>) src(%dma_wait3A_2163 : memref<1x4096xi32, #tpu.memory_space<hbm>>) dst(%arg8 : memref<1x4096xi32, #tpu.memory_space<vmem>>)
    %dma_wait3A_2164 = tpu.memref_slice %arg4[%add3A_1909] : memref<3276800xf32, #tpu.memory_space<hbm>> -> memref<4096xf32, #tpu.memory_space<hbm>>
    %dma_wait3A_2165 = tpu.memref_slice %arg4[%add3A_1909] : memref<3276800xf32, #tpu.memory_space<hbm>> -> memref<4096xf32, #tpu.memory_space<hbm>>
    tpu.wait_dma2 semaphore(%arg17 : memref<!tpu.dma_semaphore, #tpu.memory_space<semaphore_mem>>) src(%arg11 : memref<4096xf32, #tpu.memory_space<vmem>>) dst(%dma_wait3A_2165 : memref<4096xf32, #tpu.memory_space<hbm>>)
    %parallel_loop3A_2166 = arith.constant 0 : i32
    %parallel_loop3A_2167 = arith.constant 4096 : i32
    %parallel_loop3A_2168 = arith.constant 16 : i32
    scf.for %parallel_loop3A_2540 = %parallel_loop3A_2166 to %parallel_loop3A_2167 step %parallel_loop3A_2168  : i32 {
      %parallel_loop3A_2541 = arith.constant 0 : i32
      %parallel_loop3A_2542 = arith.index_cast %parallel_loop3A_2541 : i32 to index
      %parallel_loop3A_2543 = arith.index_cast %parallel_loop3A_2540 : i32 to index
      %parallel_loop3A_2544 = tpu.vector_load %arg8[%parallel_loop3A_2542, %parallel_loop3A_2543] {strides = array<i32>} : memref<1x4096xi32, #tpu.memory_space<vmem>>, vector<16xi32>,
      %parallel_loop3A_2545 = tpu.vector_load_idx %arg5[%parallel_loop3A_2544] : memref<16xf32, #tpu.memory_space<vmem>>[vector<16xi32>], vector<16xf32>,
      %parallel_loop3A_2546 = arith.index_cast %parallel_loop3A_2540 : i32 to index
      %parallel_loop3A_2547 = tpu.vector_load %arg11[%parallel_loop3A_2546] {strides = array<i32>} : memref<4096xf32, #tpu.memory_space<vmem>>, vector<16xf32>,
      tpu.vector_store %arg11[%parallel_loop3A_2546], %parallel_loop3A_2545 {strides = array<i32>} : memref<4096xf32, #tpu.memory_space<vmem>>, vector<16xf32>,
    } {sc.loop_unroll_factor = 8 : i64, sc.parallel_access}
    %add3A_2169 = arith.constant 20 : i32
    %add3A_2170 = arith.addi %mul3A_2, %add3A_2169 : i32
    %jit3A_2171 = arith.constant 4 : i32
    %div3A_2172 = arith.divsi %add3A_2170, %jit3A_2171 : i32
    %sign3A_2173 = arith.constant 0 : i32
    %sign3A_2174 = arith.cmpi sgt, %add3A_2170, %sign3A_2173 : i32
    %sign3A_2175 = arith.extui %sign3A_2174 : i1 to i32
    %sign3A_2176 = arith.constant 0 : i32
    %sign3A_2177 = arith.cmpi slt, %add3A_2170, %sign3A_2176 : i32
    %sign3A_2178 = arith.extui %sign3A_2177 : i1 to i32
    %sign3A_2179 = arith.subi %sign3A_2175, %sign3A_2178 : i32
    %sign3A_2180 = arith.constant 0 : i32
    %sign3A_2181 = arith.cmpi sgt, %jit3A_2171, %sign3A_2180 : i32
    %sign3A_2182 = arith.extui %sign3A_2181 : i1 to i32
    %sign3A_2183 = arith.constant 0 : i32
    %sign3A_2184 = arith.cmpi slt, %jit3A_2171, %sign3A_2183 : i32
    %sign3A_2185 = arith.extui %sign3A_2184 : i1 to i32
    %sign3A_2186 = arith.subi %sign3A_2182, %sign3A_2185 : i32
    %ne3A_2187 = arith.cmpi ne, %sign3A_2179, %sign3A_2186 : i32
    %rem3A_2188 = arith.remsi %add3A_2170, %jit3A_2171 : i32
    %ne3A_2189 = arith.constant 0 : i32
    %ne3A_2190 = arith.cmpi ne, %rem3A_2188, %ne3A_2189 : i32
    %and3A_2191 = arith.andi %ne3A_2187, %ne3A_2190 : i1
    %sub3A_2192 = arith.constant 1 : i32
    %sub3A_2193 = arith.subi %div3A_2172, %sub3A_2192 : i32
    %select_n3A_2194 = arith.select %and3A_2191, %sub3A_2193, %div3A_2172 : i32
    %jit3A_2195 = arith.constant 4 : i32
    %eq3A_2196 = arith.constant 0 : i32
    %eq3A_2197 = arith.cmpi eq, %jit3A_2195, %eq3A_2196 : i32
    %jit3A_2198 = arith.constant 1 : i32
    %select_n3A_2199 = arith.select %eq3A_2197, %jit3A_2198, %jit3A_2195 : i32
    %rem3A_2200 = arith.remsi %add3A_2170, %select_n3A_2199 : i32
    %ne3A_2201 = arith.constant 0 : i32
    %ne3A_2202 = arith.cmpi ne, %rem3A_2200, %ne3A_2201 : i32
    %lt3A_2203 = arith.constant 0 : i32
    %lt3A_2204 = arith.cmpi slt, %rem3A_2200, %lt3A_2203 : i32
    %lt3A_2205 = arith.constant 0 : i32
    %lt3A_2206 = arith.cmpi slt, %select_n3A_2199, %lt3A_2205 : i32
    %ne3A_2207 = arith.xori %lt3A_2204, %lt3A_2206 : i1
    %and3A_2208 = arith.andi %ne3A_2207, %ne3A_2202 : i1
    %add3A_2209 = arith.addi %rem3A_2200, %select_n3A_2199 : i32
    %select_n3A_2210 = arith.select %and3A_2208, %add3A_2209, %rem3A_2200 : i32
    %mul3A_2211 = arith.constant 4096 : i32
    %mul3A_2212 = arith.muli %select_n3A_2210, %mul3A_2211 : i32
    %mul3A_2213 = arith.constant 16384 : i32
    %mul3A_2214 = arith.muli %select_n3A_2194, %mul3A_2213 : i32
    %add3A_2215 = arith.addi %mul3A_2214, %mul3A_2212 : i32
    %dma_start3A_2216 = tpu.memref_slice %arg4[%add3A_2215] : memref<3276800xf32, #tpu.memory_space<hbm>> -> memref<4096xf32, #tpu.memory_space<hbm>>
    %dma_start3A_2217 = tpu.memref_slice %arg4[%add3A_2215] : memref<3276800xf32, #tpu.memory_space<hbm>> -> memref<4096xf32, #tpu.memory_space<hbm>>
    tpu.enqueue_dma source(%arg11 : memref<4096xf32, #tpu.memory_space<vmem>>) target(%dma_start3A_2217 : memref<4096xf32, #tpu.memory_space<hbm>>) target_semaphore(%arg17 : memref<!tpu.dma_semaphore, #tpu.memory_space<semaphore_mem>>)
    %add3A_2218 = arith.constant 23 : i32
    %add3A_2219 = arith.addi %mul3A_2, %add3A_2218 : i32
    %jit3A_2220 = arith.constant 4 : i32
    %div3A_2221 = arith.divsi %add3A_2219, %jit3A_2220 : i32
    %sign3A_2222 = arith.constant 0 : i32
    %sign3A_2223 = arith.cmpi sgt, %add3A_2219, %sign3A_2222 : i32
    %sign3A_2224 = arith.extui %sign3A_2223 : i1 to i32
    %sign3A_2225 = arith.constant 0 : i32
    %sign3A_2226 = arith.cmpi slt, %add3A_2219, %sign3A_2225 : i32
    %sign3A_2227 = arith.extui %sign3A_2226 : i1 to i32
    %sign3A_2228 = arith.subi %sign3A_2224, %sign3A_2227 : i32
    %sign3A_2229 = arith.constant 0 : i32
    %sign3A_2230 = arith.cmpi sgt, %jit3A_2220, %sign3A_2229 : i32
    %sign3A_2231 = arith.extui %sign3A_2230 : i1 to i32
    %sign3A_2232 = arith.constant 0 : i32
    %sign3A_2233 = arith.cmpi slt, %jit3A_2220, %sign3A_2232 : i32
    %sign3A_2234 = arith.extui %sign3A_2233 : i1 to i32
    %sign3A_2235 = arith.subi %sign3A_2231, %sign3A_2234 : i32
    %ne3A_2236 = arith.cmpi ne, %sign3A_2228, %sign3A_2235 : i32
    %rem3A_2237 = arith.remsi %add3A_2219, %jit3A_2220 : i32
    %ne3A_2238 = arith.constant 0 : i32
    %ne3A_2239 = arith.cmpi ne, %rem3A_2237, %ne3A_2238 : i32
    %and3A_2240 = arith.andi %ne3A_2236, %ne3A_2239 : i1
    %sub3A_2241 = arith.constant 1 : i32
    %sub3A_2242 = arith.subi %div3A_2221, %sub3A_2241 : i32
    %select_n3A_2243 = arith.select %and3A_2240, %sub3A_2242, %div3A_2221 : i32
    %jit3A_2244 = arith.constant 4 : i32
    %eq3A_2245 = arith.constant 0 : i32
    %eq3A_2246 = arith.cmpi eq, %jit3A_2244, %eq3A_2245 : i32
    %jit3A_2247 = arith.constant 1 : i32
    %select_n3A_2248 = arith.select %eq3A_2246, %jit3A_2247, %jit3A_2244 : i32
    %rem3A_2249 = arith.remsi %add3A_2219, %select_n3A_2248 : i32
    %ne3A_2250 = arith.constant 0 : i32
    %ne3A_2251 = arith.cmpi ne, %rem3A_2249, %ne3A_2250 : i32
    %lt3A_2252 = arith.constant 0 : i32
    %lt3A_2253 = arith.cmpi slt, %rem3A_2249, %lt3A_2252 : i32
    %lt3A_2254 = arith.constant 0 : i32
    %lt3A_2255 = arith.cmpi slt, %select_n3A_2248, %lt3A_2254 : i32
    %ne3A_2256 = arith.xori %lt3A_2253, %lt3A_2255 : i1
    %and3A_2257 = arith.andi %ne3A_2256, %ne3A_2251 : i1
    %add3A_2258 = arith.addi %rem3A_2249, %select_n3A_2248 : i32
    %select_n3A_2259 = arith.select %and3A_2257, %add3A_2258, %rem3A_2249 : i32
    %mul3A_2260 = arith.constant 4096 : i32
    %mul3A_2261 = arith.muli %select_n3A_2259, %mul3A_2260 : i32
    %dma_start3A_2262 = tpu.memref_slice %arg2[%select_n3A_2243, %mul3A_2261] : memref<200x16384xi32, #tpu.memory_space<hbm>> -> memref<1x4096xi32, #tpu.memory_space<hbm>>
    %dma_start3A_2263 = tpu.memref_slice %arg2[%select_n3A_2243, %mul3A_2261] : memref<200x16384xi32, #tpu.memory_space<hbm>> -> memref<1x4096xi32, #tpu.memory_space<hbm>>
    tpu.enqueue_dma source(%dma_start3A_2263 : memref<1x4096xi32, #tpu.memory_space<hbm>>) target(%arg8 : memref<1x4096xi32, #tpu.memory_space<vmem>>) target_semaphore(%arg14 : memref<!tpu.dma_semaphore, #tpu.memory_space<semaphore_mem>>)
    %dma_wait3A_2264 = tpu.memref_slice %arg2[%select_n3A_2039, %mul3A_2057] : memref<200x16384xi32, #tpu.memory_space<hbm>> -> memref<1x4096xi32, #tpu.memory_space<hbm>>
    %dma_wait3A_2265 = tpu.memref_slice %arg2[%select_n3A_2039, %mul3A_2057] : memref<200x16384xi32, #tpu.memory_space<hbm>> -> memref<1x4096xi32, #tpu.memory_space<hbm>>
    tpu.wait_dma2 semaphore(%arg12 : memref<!tpu.dma_semaphore, #tpu.memory_space<semaphore_mem>>) src(%dma_wait3A_2265 : memref<1x4096xi32, #tpu.memory_space<hbm>>) dst(%arg6 : memref<1x4096xi32, #tpu.memory_space<vmem>>)
    %dma_wait3A_2266 = tpu.memref_slice %arg4[%add3A_2011] : memref<3276800xf32, #tpu.memory_space<hbm>> -> memref<4096xf32, #tpu.memory_space<hbm>>
    %dma_wait3A_2267 = tpu.memref_slice %arg4[%add3A_2011] : memref<3276800xf32, #tpu.memory_space<hbm>> -> memref<4096xf32, #tpu.memory_space<hbm>>
    tpu.wait_dma2 semaphore(%arg15 : memref<!tpu.dma_semaphore, #tpu.memory_space<semaphore_mem>>) src(%arg9 : memref<4096xf32, #tpu.memory_space<vmem>>) dst(%dma_wait3A_2267 : memref<4096xf32, #tpu.memory_space<hbm>>)
    %parallel_loop3A_2268 = arith.constant 0 : i32
    %parallel_loop3A_2269 = arith.constant 4096 : i32
    %parallel_loop3A_2270 = arith.constant 16 : i32
    scf.for %parallel_loop3A_2540 = %parallel_loop3A_2268 to %parallel_loop3A_2269 step %parallel_loop3A_2270  : i32 {
      %parallel_loop3A_2541 = arith.constant 0 : i32
      %parallel_loop3A_2542 = arith.index_cast %parallel_loop3A_2541 : i32 to index
      %parallel_loop3A_2543 = arith.index_cast %parallel_loop3A_2540 : i32 to index
      %parallel_loop3A_2544 = tpu.vector_load %arg6[%parallel_loop3A_2542, %parallel_loop3A_2543] {strides = array<i32>} : memref<1x4096xi32, #tpu.memory_space<vmem>>, vector<16xi32>,
      %parallel_loop3A_2545 = tpu.vector_load_idx %arg5[%parallel_loop3A_2544] : memref<16xf32, #tpu.memory_space<vmem>>[vector<16xi32>], vector<16xf32>,
      %parallel_loop3A_2546 = arith.index_cast %parallel_loop3A_2540 : i32 to index
      %parallel_loop3A_2547 = tpu.vector_load %arg9[%parallel_loop3A_2546] {strides = array<i32>} : memref<4096xf32, #tpu.memory_space<vmem>>, vector<16xf32>,
      tpu.vector_store %arg9[%parallel_loop3A_2546], %parallel_loop3A_2545 {strides = array<i32>} : memref<4096xf32, #tpu.memory_space<vmem>>, vector<16xf32>,
    } {sc.loop_unroll_factor = 8 : i64, sc.parallel_access}
    %add3A_2271 = arith.constant 21 : i32
    %add3A_2272 = arith.addi %mul3A_2, %add3A_2271 : i32
    %jit3A_2273 = arith.constant 4 : i32
    %div3A_2274 = arith.divsi %add3A_2272, %jit3A_2273 : i32
    %sign3A_2275 = arith.constant 0 : i32
    %sign3A_2276 = arith.cmpi sgt, %add3A_2272, %sign3A_2275 : i32
    %sign3A_2277 = arith.extui %sign3A_2276 : i1 to i32
    %sign3A_2278 = arith.constant 0 : i32
    %sign3A_2279 = arith.cmpi slt, %add3A_2272, %sign3A_2278 : i32
    %sign3A_2280 = arith.extui %sign3A_2279 : i1 to i32
    %sign3A_2281 = arith.subi %sign3A_2277, %sign3A_2280 : i32
    %sign3A_2282 = arith.constant 0 : i32
    %sign3A_2283 = arith.cmpi sgt, %jit3A_2273, %sign3A_2282 : i32
    %sign3A_2284 = arith.extui %sign3A_2283 : i1 to i32
    %sign3A_2285 = arith.constant 0 : i32
    %sign3A_2286 = arith.cmpi slt, %jit3A_2273, %sign3A_2285 : i32
    %sign3A_2287 = arith.extui %sign3A_2286 : i1 to i32
    %sign3A_2288 = arith.subi %sign3A_2284, %sign3A_2287 : i32
    %ne3A_2289 = arith.cmpi ne, %sign3A_2281, %sign3A_2288 : i32
    %rem3A_2290 = arith.remsi %add3A_2272, %jit3A_2273 : i32
    %ne3A_2291 = arith.constant 0 : i32
    %ne3A_2292 = arith.cmpi ne, %rem3A_2290, %ne3A_2291 : i32
    %and3A_2293 = arith.andi %ne3A_2289, %ne3A_2292 : i1
    %sub3A_2294 = arith.constant 1 : i32
    %sub3A_2295 = arith.subi %div3A_2274, %sub3A_2294 : i32
    %select_n3A_2296 = arith.select %and3A_2293, %sub3A_2295, %div3A_2274 : i32
    %jit3A_2297 = arith.constant 4 : i32
    %eq3A_2298 = arith.constant 0 : i32
    %eq3A_2299 = arith.cmpi eq, %jit3A_2297, %eq3A_2298 : i32
    %jit3A_2300 = arith.constant 1 : i32
    %select_n3A_2301 = arith.select %eq3A_2299, %jit3A_2300, %jit3A_2297 : i32
    %rem3A_2302 = arith.remsi %add3A_2272, %select_n3A_2301 : i32
    %ne3A_2303 = arith.constant 0 : i32
    %ne3A_2304 = arith.cmpi ne, %rem3A_2302, %ne3A_2303 : i32
    %lt3A_2305 = arith.constant 0 : i32
    %lt3A_2306 = arith.cmpi slt, %rem3A_2302, %lt3A_2305 : i32
    %lt3A_2307 = arith.constant 0 : i32
    %lt3A_2308 = arith.cmpi slt, %select_n3A_2301, %lt3A_2307 : i32
    %ne3A_2309 = arith.xori %lt3A_2306, %lt3A_2308 : i1
    %and3A_2310 = arith.andi %ne3A_2309, %ne3A_2304 : i1
    %add3A_2311 = arith.addi %rem3A_2302, %select_n3A_2301 : i32
    %select_n3A_2312 = arith.select %and3A_2310, %add3A_2311, %rem3A_2302 : i32
    %mul3A_2313 = arith.constant 4096 : i32
    %mul3A_2314 = arith.muli %select_n3A_2312, %mul3A_2313 : i32
    %mul3A_2315 = arith.constant 16384 : i32
    %mul3A_2316 = arith.muli %select_n3A_2296, %mul3A_2315 : i32
    %add3A_2317 = arith.addi %mul3A_2316, %mul3A_2314 : i32
    %dma_start3A_2318 = tpu.memref_slice %arg4[%add3A_2317] : memref<3276800xf32, #tpu.memory_space<hbm>> -> memref<4096xf32, #tpu.memory_space<hbm>>
    %dma_start3A_2319 = tpu.memref_slice %arg4[%add3A_2317] : memref<3276800xf32, #tpu.memory_space<hbm>> -> memref<4096xf32, #tpu.memory_space<hbm>>
    tpu.enqueue_dma source(%arg9 : memref<4096xf32, #tpu.memory_space<vmem>>) target(%dma_start3A_2319 : memref<4096xf32, #tpu.memory_space<hbm>>) target_semaphore(%arg15 : memref<!tpu.dma_semaphore, #tpu.memory_space<semaphore_mem>>)
    %add3A_2320 = arith.constant 24 : i32
    %add3A_2321 = arith.addi %mul3A_2, %add3A_2320 : i32
    %jit3A_2322 = arith.constant 4 : i32
    %div3A_2323 = arith.divsi %add3A_2321, %jit3A_2322 : i32
    %sign3A_2324 = arith.constant 0 : i32
    %sign3A_2325 = arith.cmpi sgt, %add3A_2321, %sign3A_2324 : i32
    %sign3A_2326 = arith.extui %sign3A_2325 : i1 to i32
    %sign3A_2327 = arith.constant 0 : i32
    %sign3A_2328 = arith.cmpi slt, %add3A_2321, %sign3A_2327 : i32
    %sign3A_2329 = arith.extui %sign3A_2328 : i1 to i32
    %sign3A_2330 = arith.subi %sign3A_2326, %sign3A_2329 : i32
    %sign3A_2331 = arith.constant 0 : i32
    %sign3A_2332 = arith.cmpi sgt, %jit3A_2322, %sign3A_2331 : i32
    %sign3A_2333 = arith.extui %sign3A_2332 : i1 to i32
    %sign3A_2334 = arith.constant 0 : i32
    %sign3A_2335 = arith.cmpi slt, %jit3A_2322, %sign3A_2334 : i32
    %sign3A_2336 = arith.extui %sign3A_2335 : i1 to i32
    %sign3A_2337 = arith.subi %sign3A_2333, %sign3A_2336 : i32
    %ne3A_2338 = arith.cmpi ne, %sign3A_2330, %sign3A_2337 : i32
    %rem3A_2339 = arith.remsi %add3A_2321, %jit3A_2322 : i32
    %ne3A_2340 = arith.constant 0 : i32
    %ne3A_2341 = arith.cmpi ne, %rem3A_2339, %ne3A_2340 : i32
    %and3A_2342 = arith.andi %ne3A_2338, %ne3A_2341 : i1
    %sub3A_2343 = arith.constant 1 : i32
    %sub3A_2344 = arith.subi %div3A_2323, %sub3A_2343 : i32
    %select_n3A_2345 = arith.select %and3A_2342, %sub3A_2344, %div3A_2323 : i32
    %jit3A_2346 = arith.constant 4 : i32
    %eq3A_2347 = arith.constant 0 : i32
    %eq3A_2348 = arith.cmpi eq, %jit3A_2346, %eq3A_2347 : i32
    %jit3A_2349 = arith.constant 1 : i32
    %select_n3A_2350 = arith.select %eq3A_2348, %jit3A_2349, %jit3A_2346 : i32
    %rem3A_2351 = arith.remsi %add3A_2321, %select_n3A_2350 : i32
    %ne3A_2352 = arith.constant 0 : i32
    %ne3A_2353 = arith.cmpi ne, %rem3A_2351, %ne3A_2352 : i32
    %lt3A_2354 = arith.constant 0 : i32
    %lt3A_2355 = arith.cmpi slt, %rem3A_2351, %lt3A_2354 : i32
    %lt3A_2356 = arith.constant 0 : i32
    %lt3A_2357 = arith.cmpi slt, %select_n3A_2350, %lt3A_2356 : i32
    %ne3A_2358 = arith.xori %lt3A_2355, %lt3A_2357 : i1
    %and3A_2359 = arith.andi %ne3A_2358, %ne3A_2353 : i1
    %add3A_2360 = arith.addi %rem3A_2351, %select_n3A_2350 : i32
    %select_n3A_2361 = arith.select %and3A_2359, %add3A_2360, %rem3A_2351 : i32
    %mul3A_2362 = arith.constant 4096 : i32
    %mul3A_2363 = arith.muli %select_n3A_2361, %mul3A_2362 : i32
    %dma_start3A_2364 = tpu.memref_slice %arg2[%select_n3A_2345, %mul3A_2363] : memref<200x16384xi32, #tpu.memory_space<hbm>> -> memref<1x4096xi32, #tpu.memory_space<hbm>>
    %dma_start3A_2365 = tpu.memref_slice %arg2[%select_n3A_2345, %mul3A_2363] : memref<200x16384xi32, #tpu.memory_space<hbm>> -> memref<1x4096xi32, #tpu.memory_space<hbm>>
    tpu.enqueue_dma source(%dma_start3A_2365 : memref<1x4096xi32, #tpu.memory_space<hbm>>) target(%arg6 : memref<1x4096xi32, #tpu.memory_space<vmem>>) target_semaphore(%arg12 : memref<!tpu.dma_semaphore, #tpu.memory_space<semaphore_mem>>)
    %dma_wait3A_2366 = tpu.memref_slice %arg2[%select_n3A_2141, %mul3A_2159] : memref<200x16384xi32, #tpu.memory_space<hbm>> -> memref<1x4096xi32, #tpu.memory_space<hbm>>
    %dma_wait3A_2367 = tpu.memref_slice %arg2[%select_n3A_2141, %mul3A_2159] : memref<200x16384xi32, #tpu.memory_space<hbm>> -> memref<1x4096xi32, #tpu.memory_space<hbm>>
    tpu.wait_dma2 semaphore(%arg13 : memref<!tpu.dma_semaphore, #tpu.memory_space<semaphore_mem>>) src(%dma_wait3A_2367 : memref<1x4096xi32, #tpu.memory_space<hbm>>) dst(%arg7 : memref<1x4096xi32, #tpu.memory_space<vmem>>)
    %dma_wait3A_2368 = tpu.memref_slice %arg4[%add3A_2113] : memref<3276800xf32, #tpu.memory_space<hbm>> -> memref<4096xf32, #tpu.memory_space<hbm>>
    %dma_wait3A_2369 = tpu.memref_slice %arg4[%add3A_2113] : memref<3276800xf32, #tpu.memory_space<hbm>> -> memref<4096xf32, #tpu.memory_space<hbm>>
    tpu.wait_dma2 semaphore(%arg16 : memref<!tpu.dma_semaphore, #tpu.memory_space<semaphore_mem>>) src(%arg10 : memref<4096xf32, #tpu.memory_space<vmem>>) dst(%dma_wait3A_2369 : memref<4096xf32, #tpu.memory_space<hbm>>)
    %parallel_loop3A_2370 = arith.constant 0 : i32
    %parallel_loop3A_2371 = arith.constant 4096 : i32
    %parallel_loop3A_2372 = arith.constant 16 : i32
    scf.for %parallel_loop3A_2540 = %parallel_loop3A_2370 to %parallel_loop3A_2371 step %parallel_loop3A_2372  : i32 {
      %parallel_loop3A_2541 = arith.constant 0 : i32
      %parallel_loop3A_2542 = arith.index_cast %parallel_loop3A_2541 : i32 to index
      %parallel_loop3A_2543 = arith.index_cast %parallel_loop3A_2540 : i32 to index
      %parallel_loop3A_2544 = tpu.vector_load %arg7[%parallel_loop3A_2542, %parallel_loop3A_2543] {strides = array<i32>} : memref<1x4096xi32, #tpu.memory_space<vmem>>, vector<16xi32>,
      %parallel_loop3A_2545 = tpu.vector_load_idx %arg5[%parallel_loop3A_2544] : memref<16xf32, #tpu.memory_space<vmem>>[vector<16xi32>], vector<16xf32>,
      %parallel_loop3A_2546 = arith.index_cast %parallel_loop3A_2540 : i32 to index
      %parallel_loop3A_2547 = tpu.vector_load %arg10[%parallel_loop3A_2546] {strides = array<i32>} : memref<4096xf32, #tpu.memory_space<vmem>>, vector<16xf32>,
      tpu.vector_store %arg10[%parallel_loop3A_2546], %parallel_loop3A_2545 {strides = array<i32>} : memref<4096xf32, #tpu.memory_space<vmem>>, vector<16xf32>,
    } {sc.loop_unroll_factor = 8 : i64, sc.parallel_access}
    %add3A_2373 = arith.constant 22 : i32
    %add3A_2374 = arith.addi %mul3A_2, %add3A_2373 : i32
    %jit3A_2375 = arith.constant 4 : i32
    %div3A_2376 = arith.divsi %add3A_2374, %jit3A_2375 : i32
    %sign3A_2377 = arith.constant 0 : i32
    %sign3A_2378 = arith.cmpi sgt, %add3A_2374, %sign3A_2377 : i32
    %sign3A_2379 = arith.extui %sign3A_2378 : i1 to i32
    %sign3A_2380 = arith.constant 0 : i32
    %sign3A_2381 = arith.cmpi slt, %add3A_2374, %sign3A_2380 : i32
    %sign3A_2382 = arith.extui %sign3A_2381 : i1 to i32
    %sign3A_2383 = arith.subi %sign3A_2379, %sign3A_2382 : i32
    %sign3A_2384 = arith.constant 0 : i32
    %sign3A_2385 = arith.cmpi sgt, %jit3A_2375, %sign3A_2384 : i32
    %sign3A_2386 = arith.extui %sign3A_2385 : i1 to i32
    %sign3A_2387 = arith.constant 0 : i32
    %sign3A_2388 = arith.cmpi slt, %jit3A_2375, %sign3A_2387 : i32
    %sign3A_2389 = arith.extui %sign3A_2388 : i1 to i32
    %sign3A_2390 = arith.subi %sign3A_2386, %sign3A_2389 : i32
    %ne3A_2391 = arith.cmpi ne, %sign3A_2383, %sign3A_2390 : i32
    %rem3A_2392 = arith.remsi %add3A_2374, %jit3A_2375 : i32
    %ne3A_2393 = arith.constant 0 : i32
    %ne3A_2394 = arith.cmpi ne, %rem3A_2392, %ne3A_2393 : i32
    %and3A_2395 = arith.andi %ne3A_2391, %ne3A_2394 : i1
    %sub3A_2396 = arith.constant 1 : i32
    %sub3A_2397 = arith.subi %div3A_2376, %sub3A_2396 : i32
    %select_n3A_2398 = arith.select %and3A_2395, %sub3A_2397, %div3A_2376 : i32
    %jit3A_2399 = arith.constant 4 : i32
    %eq3A_2400 = arith.constant 0 : i32
    %eq3A_2401 = arith.cmpi eq, %jit3A_2399, %eq3A_2400 : i32
    %jit3A_2402 = arith.constant 1 : i32
    %select_n3A_2403 = arith.select %eq3A_2401, %jit3A_2402, %jit3A_2399 : i32
    %rem3A_2404 = arith.remsi %add3A_2374, %select_n3A_2403 : i32
    %ne3A_2405 = arith.constant 0 : i32
    %ne3A_2406 = arith.cmpi ne, %rem3A_2404, %ne3A_2405 : i32
    %lt3A_2407 = arith.constant 0 : i32
    %lt3A_2408 = arith.cmpi slt, %rem3A_2404, %lt3A_2407 : i32
    %lt3A_2409 = arith.constant 0 : i32
    %lt3A_2410 = arith.cmpi slt, %select_n3A_2403, %lt3A_2409 : i32
    %ne3A_2411 = arith.xori %lt3A_2408, %lt3A_2410 : i1
    %and3A_2412 = arith.andi %ne3A_2411, %ne3A_2406 : i1
    %add3A_2413 = arith.addi %rem3A_2404, %select_n3A_2403 : i32
    %select_n3A_2414 = arith.select %and3A_2412, %add3A_2413, %rem3A_2404 : i32
    %mul3A_2415 = arith.constant 4096 : i32
    %mul3A_2416 = arith.muli %select_n3A_2414, %mul3A_2415 : i32
    %mul3A_2417 = arith.constant 16384 : i32
    %mul3A_2418 = arith.muli %select_n3A_2398, %mul3A_2417 : i32
    %add3A_2419 = arith.addi %mul3A_2418, %mul3A_2416 : i32
    %dma_start3A_2420 = tpu.memref_slice %arg4[%add3A_2419] : memref<3276800xf32, #tpu.memory_space<hbm>> -> memref<4096xf32, #tpu.memory_space<hbm>>
    %dma_start3A_2421 = tpu.memref_slice %arg4[%add3A_2419] : memref<3276800xf32, #tpu.memory_space<hbm>> -> memref<4096xf32, #tpu.memory_space<hbm>>
    tpu.enqueue_dma source(%arg10 : memref<4096xf32, #tpu.memory_space<vmem>>) target(%dma_start3A_2421 : memref<4096xf32, #tpu.memory_space<hbm>>) target_semaphore(%arg16 : memref<!tpu.dma_semaphore, #tpu.memory_space<semaphore_mem>>)
    %dma_wait3A_2422 = tpu.memref_slice %arg2[%select_n3A_2243, %mul3A_2261] : memref<200x16384xi32, #tpu.memory_space<hbm>> -> memref<1x4096xi32, #tpu.memory_space<hbm>>
    %dma_wait3A_2423 = tpu.memref_slice %arg2[%select_n3A_2243, %mul3A_2261] : memref<200x16384xi32, #tpu.memory_space<hbm>> -> memref<1x4096xi32, #tpu.memory_space<hbm>>
    tpu.wait_dma2 semaphore(%arg14 : memref<!tpu.dma_semaphore, #tpu.memory_space<semaphore_mem>>) src(%dma_wait3A_2423 : memref<1x4096xi32, #tpu.memory_space<hbm>>) dst(%arg8 : memref<1x4096xi32, #tpu.memory_space<vmem>>)
    %dma_wait3A_2424 = tpu.memref_slice %arg4[%add3A_2215] : memref<3276800xf32, #tpu.memory_space<hbm>> -> memref<4096xf32, #tpu.memory_space<hbm>>
    %dma_wait3A_2425 = tpu.memref_slice %arg4[%add3A_2215] : memref<3276800xf32, #tpu.memory_space<hbm>> -> memref<4096xf32, #tpu.memory_space<hbm>>
    tpu.wait_dma2 semaphore(%arg17 : memref<!tpu.dma_semaphore, #tpu.memory_space<semaphore_mem>>) src(%arg11 : memref<4096xf32, #tpu.memory_space<vmem>>) dst(%dma_wait3A_2425 : memref<4096xf32, #tpu.memory_space<hbm>>)
    %parallel_loop3A_2426 = arith.constant 0 : i32
    %parallel_loop3A_2427 = arith.constant 4096 : i32
    %parallel_loop3A_2428 = arith.constant 16 : i32
    scf.for %parallel_loop3A_2540 = %parallel_loop3A_2426 to %parallel_loop3A_2427 step %parallel_loop3A_2428  : i32 {
      %parallel_loop3A_2541 = arith.constant 0 : i32
      %parallel_loop3A_2542 = arith.index_cast %parallel_loop3A_2541 : i32 to index
      %parallel_loop3A_2543 = arith.index_cast %parallel_loop3A_2540 : i32 to index
      %parallel_loop3A_2544 = tpu.vector_load %arg8[%parallel_loop3A_2542, %parallel_loop3A_2543] {strides = array<i32>} : memref<1x4096xi32, #tpu.memory_space<vmem>>, vector<16xi32>,
      %parallel_loop3A_2545 = tpu.vector_load_idx %arg5[%parallel_loop3A_2544] : memref<16xf32, #tpu.memory_space<vmem>>[vector<16xi32>], vector<16xf32>,
      %parallel_loop3A_2546 = arith.index_cast %parallel_loop3A_2540 : i32 to index
      %parallel_loop3A_2547 = tpu.vector_load %arg11[%parallel_loop3A_2546] {strides = array<i32>} : memref<4096xf32, #tpu.memory_space<vmem>>, vector<16xf32>,
      tpu.vector_store %arg11[%parallel_loop3A_2546], %parallel_loop3A_2545 {strides = array<i32>} : memref<4096xf32, #tpu.memory_space<vmem>>, vector<16xf32>,
    } {sc.loop_unroll_factor = 8 : i64, sc.parallel_access}
    %add3A_2429 = arith.constant 23 : i32
    %add3A_2430 = arith.addi %mul3A_2, %add3A_2429 : i32
    %jit3A_2431 = arith.constant 4 : i32
    %div3A_2432 = arith.divsi %add3A_2430, %jit3A_2431 : i32
    %sign3A_2433 = arith.constant 0 : i32
    %sign3A_2434 = arith.cmpi sgt, %add3A_2430, %sign3A_2433 : i32
    %sign3A_2435 = arith.extui %sign3A_2434 : i1 to i32
    %sign3A_2436 = arith.constant 0 : i32
    %sign3A_2437 = arith.cmpi slt, %add3A_2430, %sign3A_2436 : i32
    %sign3A_2438 = arith.extui %sign3A_2437 : i1 to i32
    %sign3A_2439 = arith.subi %sign3A_2435, %sign3A_2438 : i32
    %sign3A_2440 = arith.constant 0 : i32
    %sign3A_2441 = arith.cmpi sgt, %jit3A_2431, %sign3A_2440 : i32
    %sign3A_2442 = arith.extui %sign3A_2441 : i1 to i32
    %sign3A_2443 = arith.constant 0 : i32
    %sign3A_2444 = arith.cmpi slt, %jit3A_2431, %sign3A_2443 : i32
    %sign3A_2445 = arith.extui %sign3A_2444 : i1 to i32
    %sign3A_2446 = arith.subi %sign3A_2442, %sign3A_2445 : i32
    %ne3A_2447 = arith.cmpi ne, %sign3A_2439, %sign3A_2446 : i32
    %rem3A_2448 = arith.remsi %add3A_2430, %jit3A_2431 : i32
    %ne3A_2449 = arith.constant 0 : i32
    %ne3A_2450 = arith.cmpi ne, %rem3A_2448, %ne3A_2449 : i32
    %and3A_2451 = arith.andi %ne3A_2447, %ne3A_2450 : i1
    %sub3A_2452 = arith.constant 1 : i32
    %sub3A_2453 = arith.subi %div3A_2432, %sub3A_2452 : i32
    %select_n3A_2454 = arith.select %and3A_2451, %sub3A_2453, %div3A_2432 : i32
    %jit3A_2455 = arith.constant 4 : i32
    %eq3A_2456 = arith.constant 0 : i32
    %eq3A_2457 = arith.cmpi eq, %jit3A_2455, %eq3A_2456 : i32
    %jit3A_2458 = arith.constant 1 : i32
    %select_n3A_2459 = arith.select %eq3A_2457, %jit3A_2458, %jit3A_2455 : i32
    %rem3A_2460 = arith.remsi %add3A_2430, %select_n3A_2459 : i32
    %ne3A_2461 = arith.constant 0 : i32
    %ne3A_2462 = arith.cmpi ne, %rem3A_2460, %ne3A_2461 : i32
    %lt3A_2463 = arith.constant 0 : i32
    %lt3A_2464 = arith.cmpi slt, %rem3A_2460, %lt3A_2463 : i32
    %lt3A_2465 = arith.constant 0 : i32
    %lt3A_2466 = arith.cmpi slt, %select_n3A_2459, %lt3A_2465 : i32
    %ne3A_2467 = arith.xori %lt3A_2464, %lt3A_2466 : i1
    %and3A_2468 = arith.andi %ne3A_2467, %ne3A_2462 : i1
    %add3A_2469 = arith.addi %rem3A_2460, %select_n3A_2459 : i32
    %select_n3A_2470 = arith.select %and3A_2468, %add3A_2469, %rem3A_2460 : i32
    %mul3A_2471 = arith.constant 4096 : i32
    %mul3A_2472 = arith.muli %select_n3A_2470, %mul3A_2471 : i32
    %mul3A_2473 = arith.constant 16384 : i32
    %mul3A_2474 = arith.muli %select_n3A_2454, %mul3A_2473 : i32
    %add3A_2475 = arith.addi %mul3A_2474, %mul3A_2472 : i32
    %dma_start3A_2476 = tpu.memref_slice %arg4[%add3A_2475] : memref<3276800xf32, #tpu.memory_space<hbm>> -> memref<4096xf32, #tpu.memory_space<hbm>>
    %dma_start3A_2477 = tpu.memref_slice %arg4[%add3A_2475] : memref<3276800xf32, #tpu.memory_space<hbm>> -> memref<4096xf32, #tpu.memory_space<hbm>>
    tpu.enqueue_dma source(%arg11 : memref<4096xf32, #tpu.memory_space<vmem>>) target(%dma_start3A_2477 : memref<4096xf32, #tpu.memory_space<hbm>>) target_semaphore(%arg17 : memref<!tpu.dma_semaphore, #tpu.memory_space<semaphore_mem>>)
    %dma_wait3A_2478 = tpu.memref_slice %arg2[%select_n3A_2345, %mul3A_2363] : memref<200x16384xi32, #tpu.memory_space<hbm>> -> memref<1x4096xi32, #tpu.memory_space<hbm>>
    %dma_wait3A_2479 = tpu.memref_slice %arg2[%select_n3A_2345, %mul3A_2363] : memref<200x16384xi32, #tpu.memory_space<hbm>> -> memref<1x4096xi32, #tpu.memory_space<hbm>>
    tpu.wait_dma2 semaphore(%arg12 : memref<!tpu.dma_semaphore, #tpu.memory_space<semaphore_mem>>) src(%dma_wait3A_2479 : memref<1x4096xi32, #tpu.memory_space<hbm>>) dst(%arg6 : memref<1x4096xi32, #tpu.memory_space<vmem>>)
    %dma_wait3A_2480 = tpu.memref_slice %arg4[%add3A_2317] : memref<3276800xf32, #tpu.memory_space<hbm>> -> memref<4096xf32, #tpu.memory_space<hbm>>
    %dma_wait3A_2481 = tpu.memref_slice %arg4[%add3A_2317] : memref<3276800xf32, #tpu.memory_space<hbm>> -> memref<4096xf32, #tpu.memory_space<hbm>>
    tpu.wait_dma2 semaphore(%arg15 : memref<!tpu.dma_semaphore, #tpu.memory_space<semaphore_mem>>) src(%arg9 : memref<4096xf32, #tpu.memory_space<vmem>>) dst(%dma_wait3A_2481 : memref<4096xf32, #tpu.memory_space<hbm>>)
    %parallel_loop3A_2482 = arith.constant 0 : i32
    %parallel_loop3A_2483 = arith.constant 4096 : i32
    %parallel_loop3A_2484 = arith.constant 16 : i32
    scf.for %parallel_loop3A_2540 = %parallel_loop3A_2482 to %parallel_loop3A_2483 step %parallel_loop3A_2484  : i32 {
      %parallel_loop3A_2541 = arith.constant 0 : i32
      %parallel_loop3A_2542 = arith.index_cast %parallel_loop3A_2541 : i32 to index
      %parallel_loop3A_2543 = arith.index_cast %parallel_loop3A_2540 : i32 to index
      %parallel_loop3A_2544 = tpu.vector_load %arg6[%parallel_loop3A_2542, %parallel_loop3A_2543] {strides = array<i32>} : memref<1x4096xi32, #tpu.memory_space<vmem>>, vector<16xi32>,
      %parallel_loop3A_2545 = tpu.vector_load_idx %arg5[%parallel_loop3A_2544] : memref<16xf32, #tpu.memory_space<vmem>>[vector<16xi32>], vector<16xf32>,
      %parallel_loop3A_2546 = arith.index_cast %parallel_loop3A_2540 : i32 to index
      %parallel_loop3A_2547 = tpu.vector_load %arg9[%parallel_loop3A_2546] {strides = array<i32>} : memref<4096xf32, #tpu.memory_space<vmem>>, vector<16xf32>,
      tpu.vector_store %arg9[%parallel_loop3A_2546], %parallel_loop3A_2545 {strides = array<i32>} : memref<4096xf32, #tpu.memory_space<vmem>>, vector<16xf32>,
    } {sc.loop_unroll_factor = 8 : i64, sc.parallel_access}
    %add3A_2485 = arith.constant 24 : i32
    %add3A_2486 = arith.addi %mul3A_2, %add3A_2485 : i32
    %jit3A_2487 = arith.constant 4 : i32
    %div3A_2488 = arith.divsi %add3A_2486, %jit3A_2487 : i32
    %sign3A_2489 = arith.constant 0 : i32
    %sign3A_2490 = arith.cmpi sgt, %add3A_2486, %sign3A_2489 : i32
    %sign3A_2491 = arith.extui %sign3A_2490 : i1 to i32
    %sign3A_2492 = arith.constant 0 : i32
    %sign3A_2493 = arith.cmpi slt, %add3A_2486, %sign3A_2492 : i32
    %sign3A_2494 = arith.extui %sign3A_2493 : i1 to i32
    %sign3A_2495 = arith.subi %sign3A_2491, %sign3A_2494 : i32
    %sign3A_2496 = arith.constant 0 : i32
    %sign3A_2497 = arith.cmpi sgt, %jit3A_2487, %sign3A_2496 : i32
    %sign3A_2498 = arith.extui %sign3A_2497 : i1 to i32
    %sign3A_2499 = arith.constant 0 : i32
    %sign3A_2500 = arith.cmpi slt, %jit3A_2487, %sign3A_2499 : i32
    %sign3A_2501 = arith.extui %sign3A_2500 : i1 to i32
    %sign3A_2502 = arith.subi %sign3A_2498, %sign3A_2501 : i32
    %ne3A_2503 = arith.cmpi ne, %sign3A_2495, %sign3A_2502 : i32
    %rem3A_2504 = arith.remsi %add3A_2486, %jit3A_2487 : i32
    %ne3A_2505 = arith.constant 0 : i32
    %ne3A_2506 = arith.cmpi ne, %rem3A_2504, %ne3A_2505 : i32
    %and3A_2507 = arith.andi %ne3A_2503, %ne3A_2506 : i1
    %sub3A_2508 = arith.constant 1 : i32
    %sub3A_2509 = arith.subi %div3A_2488, %sub3A_2508 : i32
    %select_n3A_2510 = arith.select %and3A_2507, %sub3A_2509, %div3A_2488 : i32
    %jit3A_2511 = arith.constant 4 : i32
    %eq3A_2512 = arith.constant 0 : i32
    %eq3A_2513 = arith.cmpi eq, %jit3A_2511, %eq3A_2512 : i32
    %jit3A_2514 = arith.constant 1 : i32
    %select_n3A_2515 = arith.select %eq3A_2513, %jit3A_2514, %jit3A_2511 : i32
    %rem3A_2516 = arith.remsi %add3A_2486, %select_n3A_2515 : i32
    %ne3A_2517 = arith.constant 0 : i32
    %ne3A_2518 = arith.cmpi ne, %rem3A_2516, %ne3A_2517 : i32
    %lt3A_2519 = arith.constant 0 : i32
    %lt3A_2520 = arith.cmpi slt, %rem3A_2516, %lt3A_2519 : i32
    %lt3A_2521 = arith.constant 0 : i32
    %lt3A_2522 = arith.cmpi slt, %select_n3A_2515, %lt3A_2521 : i32
    %ne3A_2523 = arith.xori %lt3A_2520, %lt3A_2522 : i1
    %and3A_2524 = arith.andi %ne3A_2523, %ne3A_2518 : i1
    %add3A_2525 = arith.addi %rem3A_2516, %select_n3A_2515 : i32
    %select_n3A_2526 = arith.select %and3A_2524, %add3A_2525, %rem3A_2516 : i32
    %mul3A_2527 = arith.constant 4096 : i32
    %mul3A_2528 = arith.muli %select_n3A_2526, %mul3A_2527 : i32
    %mul3A_2529 = arith.constant 16384 : i32
    %mul3A_2530 = arith.muli %select_n3A_2510, %mul3A_2529 : i32
    %add3A_2531 = arith.addi %mul3A_2530, %mul3A_2528 : i32
    %dma_start3A_2532 = tpu.memref_slice %arg4[%add3A_2531] : memref<3276800xf32, #tpu.memory_space<hbm>> -> memref<4096xf32, #tpu.memory_space<hbm>>
    %dma_start3A_2533 = tpu.memref_slice %arg4[%add3A_2531] : memref<3276800xf32, #tpu.memory_space<hbm>> -> memref<4096xf32, #tpu.memory_space<hbm>>
    tpu.enqueue_dma source(%arg9 : memref<4096xf32, #tpu.memory_space<vmem>>) target(%dma_start3A_2533 : memref<4096xf32, #tpu.memory_space<hbm>>) target_semaphore(%arg15 : memref<!tpu.dma_semaphore, #tpu.memory_space<semaphore_mem>>)
    %dma_wait3A_2534 = tpu.memref_slice %arg4[%add3A_2531] : memref<3276800xf32, #tpu.memory_space<hbm>> -> memref<4096xf32, #tpu.memory_space<hbm>>
    %dma_wait3A_2535 = tpu.memref_slice %arg4[%add3A_2531] : memref<3276800xf32, #tpu.memory_space<hbm>> -> memref<4096xf32, #tpu.memory_space<hbm>>
    tpu.wait_dma2 semaphore(%arg15 : memref<!tpu.dma_semaphore, #tpu.memory_space<semaphore_mem>>) src(%arg9 : memref<4096xf32, #tpu.memory_space<vmem>>) dst(%dma_wait3A_2535 : memref<4096xf32, #tpu.memory_space<hbm>>)
    %dma_wait3A_2536 = tpu.memref_slice %arg4[%add3A_2419] : memref<3276800xf32, #tpu.memory_space<hbm>> -> memref<4096xf32, #tpu.memory_space<hbm>>
    %dma_wait3A_2537 = tpu.memref_slice %arg4[%add3A_2419] : memref<3276800xf32, #tpu.memory_space<hbm>> -> memref<4096xf32, #tpu.memory_space<hbm>>
    tpu.wait_dma2 semaphore(%arg16 : memref<!tpu.dma_semaphore, #tpu.memory_space<semaphore_mem>>) src(%arg10 : memref<4096xf32, #tpu.memory_space<vmem>>) dst(%dma_wait3A_2537 : memref<4096xf32, #tpu.memory_space<hbm>>)
    %dma_wait3A_2538 = tpu.memref_slice %arg4[%add3A_2475] : memref<3276800xf32, #tpu.memory_space<hbm>> -> memref<4096xf32, #tpu.memory_space<hbm>>
    %dma_wait3A_2539 = tpu.memref_slice %arg4[%add3A_2475] : memref<3276800xf32, #tpu.memory_space<hbm>> -> memref<4096xf32, #tpu.memory_space<hbm>>
    tpu.wait_dma2 semaphore(%arg17 : memref<!tpu.dma_semaphore, #tpu.memory_space<semaphore_mem>>) src(%arg11 : memref<4096xf32, #tpu.memory_space<vmem>>) dst(%dma_wait3A_2539 : memref<4096xf32, #tpu.memory_space<hbm>>)
    return
  }
}

</mosaic_0001>

<sc_bundles>
// kernel: kernel.3.cloned.1.call-start
scs
__scs_entry_jumppad:
0x0: {  	(pc) =	sbr.rel $0x88, $3  }
0x1: {  	(tag) =	ssettag $0x0;
	lr =	simm.s32 $0x1  }
0x2: {  	[smem:$0x3F9F] =	sst lr;
	_ =	strace $0xD0000000  }
0x3: {  	_ = 	snop  }
0x4: {  	_ = 	snop  }
0x5: {  	_ = 	snop  }
0x6: {  	_ = 	snop  }
0x7: {  	_ = 	snop  }
__scs_overlays_trampoline_lowered:
0x8: {  	[smem:$0x3FAE] =	sst s0  }
0x9: {  	[smem:$0x3FAF] =	sst s1  }
0xa: {  	[smem:$0x3FB0] =	sst s2  }
0xb: {  	[smem:$0x3FB1] =	sst s3  }
0xc: {  	[smem:$0x3FB2] =	sst s4  }
0xd: {  	[smem:$0x3FB3] =	sst s5  }
0xe: {  	[smem:$0x3FB4] =	sst s6  }
0xf: {  	[smem:$0x3FB5] =	sst s7  }
0x10: {  	[smem:$0x3FB6] =	sst s8  }
0x11: {  	[smem:$0x3FB7] =	sst s9;
	s0 =	simm.s32 @!p0 $0x0  }
0x12: {  	s1 =	sld [smem:$0x3F9D];
	s0 =	simm.s32 @p0 $0x1  }
0x13: {  	[smem:$0x3FB8] =	sst s0;
	s0 =	simm.s32 @!p1 $0x0  }
0x14: {  	s2 =	sld [smem:$0x3F9C];
	s0 =	simm.s32 @p1 $0x1  }
0x15: {  	[smem:$0x3FB9] =	sst s0;
	s0 =	simm.s32 @!p2 $0x0  }
0x16: {  	s3 =	sld [smem:$0x3FDB];
	s0 =	simm.s32 @p2 $0x1  }
0x17: {  	s4 =	simm.s32 $0x1BF5;
	[smem:$0x3FBB] =	sst s0  }
0x18: {  	s0 =	sld [smem:$0x3F9E];
	_ =	swait.ge [sflag:s4], $0x0  }
0x19: {  	s7 =	sld [smem:$0x3F9F]  }
0x1a: {  	s8 =	sadd.s32 $0xFFFFE003, lr  }
0x1b: {  	s9 =	sadd.s32 $0xFFFFFEF7, lr;
	s5 =	simm.s32 $0xFFFFFFFF;
	p2 =	slt.u32 s8, $0xFFFFF086  }
0x1c: {  	p1 =	slt.u32 s9, $0xF7A;
	s5 =	simm.s32 @!p2 $0x0  }
0x1d: {  	s5 =	simm.s32 @p1 $0x1;
	p0 =	seq.s32 s7, s2  }
0x1e: {  	s7 =	smul.u32 @!p0 $0xF7A, s2;
	p2 =	seq.s32 @!p0 s5, $0x0  }
0x1f: {  	s9 =	smul.u32 $0xF7A, s1;
	s8 =	simm.s32 @!p0 $0x1BF5;
	p2 =	por !p2, p0  }
0x20: {  	[sflag:s8] =	ssyncset.s32 @!p0 $0xFFFFF086;
	s6 =	sadd.s32 @!p0 s3, s7;
	s7 =	simm.s32 @!p0 $0x108  }
0x21: {  	s3 =	sadd.s32 s3, s9;
	s6 =	sadd.s32 @!p0 $0x88, s6;
	s7 =	simm.s32 @p2 $0x1082  }
0x22: {  	[simem:s7], [sflag:s8] =	dma.local @!p0 [hbm:s6], $0xF7A  }
0x23: {  	s9 =	sor.u32 $0xD0000000, s2;
	s6 =	simm.s32 $0x108;
	_ =	swait.ge @!p0 [sflag:s8], $0x0  }
0x24: {  	s3 =	sadd.s32 $0x88, s3;
	s6 =	simm.s32 @!p1 $0x1082;
	[sflag:s4] =	ssyncset.s32 $0xFFFFF086  }
0x25: {  	[simem:s6], [sflag:s4] =	dma.local [hbm:s3], $0xF7A  }
0x26: {  	[smem:$0x3F9F] =	sst s1;
	(tag) =	ssettag s2;
	_ =	strace s9  }
0x27: {  	s1 =	sld [smem:$0x3FAF]  }
0x28: {  	s2 =	sld [smem:$0x3FB0]  }
0x29: {  	s4 =	sld [smem:$0x3FB2]  }
0x2a: {  	p0 =	seq.s32 s5, $0x0;
	s5 =	sld [smem:$0x3FB3]  }
0x2b: {  	s6 =	sld [smem:$0x3FB4]  }
0x2c: {  	s7 =	sld [smem:$0x3FB5]  }
0x2d: {  	s3 =	simm.s32 $0x108;
	s8 =	sld [smem:$0x3FB6]  }
0x2e: {  	s3 =	simm.s32 @!p0 $0x1082;
	s9 =	sld [smem:$0x3FB7]  }
0x2f: {  	lr =	sadd.s32 s0, s3;
	s0 =	sld [smem:$0x3FAE]  }
0x30: {  	s3 =	sld [smem:$0x3FB1]  }
0x31: {  	[smem:$0x3FBA] =	sst s10  }
0x32: {  	s10 =	sld [smem:$0x3FB8];
	_ =	sdelay $0x3  }
0x33: {  	p0 =	seq.s32 s10, $0x1;
	s10 =	sld [smem:$0x3FBA];
	_ =	sdelay $0x3  }
0x34: {  	[smem:$0x3FBA] =	sst s10  }
0x35: {  	s10 =	sld [smem:$0x3FB9];
	_ =	sdelay $0x3  }
0x36: {  	p1 =	seq.s32 s10, $0x1;
	s10 =	sld [smem:$0x3FBA];
	_ =	sdelay $0x3  }
0x37: {  	[smem:$0x3FBA] =	sst s10  }
0x38: {  	s10 =	sld [smem:$0x3FBB]  }
0x39: {  	_ = 	snop;
	(pc) =	sbr.ind lr, $3  }
0x3a: {  	_ = 	snop  }
0x3b: {  	_ = 	snop  }
0x3c: {  	p2 =	seq.s32 s10, $0x1;
	s10 =	sld [smem:$0x3FBA]  }
0x3d: {  	_ =	shalt  }
0x3e: {  	_ =	shalt  }
0x3f: {  	_ =	shalt  }
0x40: {  	_ =	shalt  }
0x41: {  	_ =	shalt  }
0x42: {  	_ =	shalt  }
0x43: {  	_ =	shalt  }
0x44: {  	_ =	shalt  }
0x45: {  	_ =	shalt  }
0x46: {  	_ =	shalt  }
0x47: {  	_ =	shalt  }
0x48: {  	_ =	shalt  }
0x49: {  	_ =	shalt  }
0x4a: {  	_ =	shalt  }
0x4b: {  	_ =	shalt  }
0x4c: {  	_ =	shalt  }
0x4d: {  	_ =	shalt  }
0x4e: {  	_ =	shalt  }
0x4f: {  	_ =	shalt  }
0x50: {  	_ =	shalt  }
0x51: {  	_ =	shalt  }
0x52: {  	_ =	shalt  }
0x53: {  	_ =	shalt  }
0x54: {  	_ =	shalt  }
0x55: {  	_ =	shalt  }
0x56: {  	_ =	shalt  }
0x57: {  	_ =	shalt  }
0x58: {  	_ =	shalt  }
0x59: {  	_ =	shalt  }
0x5a: {  	_ =	shalt  }
0x5b: {  	_ =	shalt  }
0x5c: {  	_ =	shalt  }
0x5d: {  	_ =	shalt  }
0x5e: {  	_ =	shalt  }
0x5f: {  	_ =	shalt  }
0x60: {  	_ =	shalt  }
0x61: {  	_ =	shalt  }
0x62: {  	_ =	shalt  }
0x63: {  	_ =	shalt  }
0x64: {  	_ =	shalt  }
0x65: {  	_ =	shalt  }
0x66: {  	_ =	shalt  }
0x67: {  	_ =	shalt  }
0x68: {  	_ =	shalt  }
0x69: {  	_ =	shalt  }
0x6a: {  	_ =	shalt  }
0x6b: {  	_ =	shalt  }
0x6c: {  	_ =	shalt  }
0x6d: {  	_ =	shalt  }
0x6e: {  	_ =	shalt  }
0x6f: {  	_ =	shalt  }
0x70: {  	_ =	shalt  }
0x71: {  	_ =	shalt  }
0x72: {  	_ =	shalt  }
0x73: {  	_ =	shalt  }
0x74: {  	_ =	shalt  }
0x75: {  	_ =	shalt  }
0x76: {  	_ =	shalt  }
0x77: {  	_ =	shalt  }
0x78: {  	_ =	shalt  }
0x79: {  	_ =	shalt  }
0x7a: {  	_ =	shalt  }
0x7b: {  	_ =	shalt  }
0x7c: {  	_ =	shalt  }
0x7d: {  	_ =	shalt  }
0x7e: {  	_ =	shalt  }
0x7f: {  	_ =	shalt  }
0x80: {  	_ =	shalt  }
0x81: {  	_ =	shalt  }
0x82: {  	_ =	shalt  }
0x83: {  	_ =	shalt  }
0x84: {  	_ =	shalt  }
0x85: {  	_ =	shalt  }
0x86: {  	_ =	shalt  }
0x87: {  	_ =	shalt  }
.Lfunc_end0:
.L_simem_size_0:
called_computation_lowered:
.L_overlay_start_0:
0x88: {  	s2 =	sld [smem:$0x3FD9]  }
0x89: {  	s3 =	sld [smem:$0x3FFE];
	_ =	sdelay $0x1  }
0x8a: {  	s1 =	srdreg.scid  }
0x8b: {  	s0 =	sand.u32 $0x1, s1  }
0x8c: {  	s17 =	sshll.u32 s0, $0xA;
	s2 =	sadd.s32 s3, s2  }
0x8d: {  	s2 =	sadd.s32 s2, s17  }
0x8e: {  	[smem:$0x3FC6] =	sst s2  }
0x8f: {  	_ = 	snop  }
0x90: {  	s2 =	sld [smem:$0x3FC9]  }
0x91: {  	s18 =	sld [smem:$0x3FD0];
	(tm) =	ssettm $0x1  }
0x92: {  	s4 =	sld [smem:$0x3FFB];
	_ =	sdelay $0x3  }
0x93: {  	_ =	strace s4  }
0x94: {  	s4 =	sld [smem:$0x3FFC];
	_ =	sdelay $0x3  }
0x95: {  	_ =	strace s4  }
0x96: {  	s4 =	sld [smem:$0x3FFD];
	_ =	sdelay $0x3  }
0x97: {  	_ =	strace s4  }
0x98: {  	_ =	strace $0x8FFFFFFF  }
0x99: {  	s19 =	sld [smem:$0x3FDB];
	_ =	sdelay $0x1  }
0x9a: {  	s5 =	simm.s32 $_scs_section_size  }
0x9b: {  	s6 =	simm.s32 $_size__tile_overlayer_lowered;
	s7 =	simm.s32 $_tile_overlayer_lowered  }
0x9c: {  	s22 =	simm.s32 $0x1BFF;
	s21 =	sshll.u32 s7, $0x1;
	s4 =	sadd.s32 s5, s19  }
0x9d: {  	s8 =	simm.s32 $0x0;
	s20 =	sshll.u32 s6, $0x1;
	s6 =	sadd.s32 s21, s4  }
0x9e: {  	[timem:s8], [sflag:s22] =	dma.local [hbm:s6], s20  }
0x9f: {  	_ =	swait.ge [sflag:s22], s20  }
0xa0: {  	s5 =	ssub.s32 $0x0, s20;
	[sflag:s22] =	ssyncset.done $0x0  }
0xa1: {  	[sflag:s22] =	ssyncadd.s32 s5;
	_ =	sdelay $0x1  }
0xa2: {  	s23 =	simm.s32 $0x1B8B  }
0xa3: {  	_ =	swait.ge [sflag:s23], $0x1  }
0xa4: {  	[sflag:s23] =	ssyncset.done $0x0  }
0xa5: {  	s25 =	simm.s32 $0x1B8E;
	s24 =	sld [smem:$0x3FFE];
	[sflag:s23] =	ssyncadd.s32 $0xFFFFFFFF  }
0xa6: {  	s26 =	simm.s32 $execute0_lowered;
	[smem:$0x3FD2] =	sst s25  }
0xa7: {  	s6 =	sshll.u32 s26, $0x1;
	_ =	strace $0x80000046;
	[dreg:$0x1] =	wrdreg $0xFFFFFFFF  }
0xa8: {  	s28 =	simm.s32 $_size_execute0_lowered;
	s4 =	sadd.s32 s4, s6;
	[dreg:$0x0] =	wrdreg $0x0  }
0xa9: {  	s6 =	sshll.u32 s28, $0x1;
	[dreg:$0x2] =	wrdreg s4  }
0xaa: {  	[dreg:$0x3] =	wrdreg s6  }
0xab: {  	[dreg:$0x4] =	wrdreg $0xC0  }
0xac: {  	_ =	task [dreg:s8], $0x5FFFF  }
0xad: {  	[dreg:$0x1] =	wrdreg $0xFFFFFFFF  }
0xae: {  	[dreg:$0x0] =	wrdreg $0x60  }
0xaf: {  	[dreg:$0x2] =	wrdreg s2  }
0xb0: {  	[dreg:$0x3] =	wrdreg s24  }
0xb1: {  	[dreg:$0x4] =	wrdreg s18  }
0xb2: {  	[dreg:$0x5] =	wrdreg $0x9  }
0xb3: {  	_ =	task.clear_ibuf [dreg:s8], $0x6FFFF;
	_ =	strace $0x90000046  }
0xb4: {  	s29 =	simm.s32 $0x9;
	_ =	strace $0x80000048  }
0xb5: {  	_ =	swait.ge [sflag:s29], $0x1  }
0xb6: {  	[sflag:s29] =	ssyncadd.s32 $0xFFFFFFFF  }
0xb7: {  	_ =	strace $0x90000048  }
0xb8: {  	_ =	sfence  }
0xb9: {  	s30 =	sld [smem:$0x0];
	_ =	sdelay $0x2  }
0xba: {  	s31 =	sshll.u32 s1, $0xD;
	s1 =	sshrl.u32 s1, $0x2  }
0xbb: {  	s3 =	sand.u32 $0x4000, s31;
	s1 =	sadd.s32 s1, s30  }
0xbc: {  	s0 =	sor.u32 s3, s0;
	s1 =	sshll.u32 s1, $0x11  }
0xbd: {  	s0 =	sor.u32 s1, s0  }
0xbe: {  	s0 =	sadd.s32 $0x8F2B, s0  }
0xbf: {  	[sflag:s0] =	ssyncadd.remote.s32 $0x1  }
0xc0: {  	_ =	sfence.sel $0xFFFF  }
0xc1: {  	[dreg:$0x0] =	wrdreg $0xFFFFFFFF;
	(pc) =	sbr.abs _section_cstart, $3  }
0xc2: {  	[dreg:$0x1] =	wrdreg $0xFFFFFFFF  }
0xc3: {  	_ =	task.clear_ibuf [dreg:s8], $0x2FFFF;
	_ =	strace $0x9FFFFFFF  }
0xc4: {  	(tm) =	ssettm $0x7FFFFFFF  }
0xc5: {  	_ =	shalt  }
tec
execute0_lowered:
.L_overlay_start_1:
0x0: {  	(tag) =	ssettag $0x1  }
0x1: {  	s0 =	srdreg.scid;
	s1 =	stileid.u32  }
0x2: {  	s0 =	sand.u32 $0x1, s0;
	s1 =	sshll.u32 s1, $0x1  }
0x3: {  	s28 =	sor.u32 s0, s1  }
0x4: {  	s0 =	ssub.s32 $0x2, s0;
	s11 =	smul.u32 $0x19, s28  }
0x5: {  	s2 =	sshrl.u32 s0, $0x1  }
0x6: {  	s0 =	ssub.s32 s0, s2;
	s6 =	sadd.s32 $0x1, s11  }
0x7: {  	[smem:$0x7FD] =	sst s0;
	s9 =	sadd.s32 $0x2, s11;
	s15 =	sadd.s32 $0x3, s11  }
0x8: {  	s21 =	sadd.s32 $0x5, s11;
	s26 =	sadd.s32 $0x6, s11;
	s3 =	sshll.u32 s6, $0xC  }
0x9: {  	s1 =	sshll.u32 s6, $0x5;
	s10 =	sshll.u32 s9, $0xC;
	s14 =	sshll.u32 s9, $0x5  }
0xa: {  	s17 =	sshll.u32 s15, $0xC;
	s20 =	sshll.u32 s15, $0x5;
	s30 =	sshll.u32 s21, $0xC  }
0xb: {  	s25 =	sshll.u32 s21, $0x5;
	s29 =	sshll.u32 s26, $0xC;
	s6 =	sshll.u32 s26, $0x5  }
0xc: {  	s26 =	sadd.s32 $0xB, s11;
	[smem:$0x7EE] =	sst s3;
	s7 =	sand.u32 $0x3000, s3  }
0xd: {  	s8 =	sand.u32 $0x7E0000, s3;
	s1 =	sand.u32 $0x380, s1;
	[smem:$0x7EF] =	sst s10  }
0xe: {  	s12 =	sand.u32 $0x3000, s10;
	s13 =	sand.u32 $0x7E0000, s10;
	s16 =	sand.u32 $0x380, s14  }
0xf: {  	[smem:$0x7F0] =	sst s17;
	s18 =	sand.u32 $0x3000, s17;
	s19 =	sand.u32 $0x7E0000, s17  }
0x10: {  	s22 =	sand.u32 $0x380, s20;
	s23 =	sand.u32 $0x3000, s30;
	s24 =	sand.u32 $0x7E0000, s30  }
0x11: {  	s2 =	sand.u32 $0x380, s25;
	s4 =	sand.u32 $0x3000, s29;
	s0 =	sshll.u32 s7, $0x3  }
0x12: {  	s5 =	sand.u32 $0x7E0000, s29;
	s7 =	sadd.s32 $0x7, s11;
	s0 =	sor.u32 s0, s8  }
0x13: {  	s8 =	sand.u32 $0x380, s6;
	s25 =	sshll.u32 s7, $0xC;
	s0 =	sor.u32 s1, s0  }
0x14: {  	s6 =	sadd.s32 $0xD, s11;
	[smem:$0x7E0] =	sst s0;
	s0 =	sshll.u32 s12, $0x3  }
0x15: {  	s9 =	sand.u32 $0x3000, s25;
	s10 =	sand.u32 $0x7E0000, s25;
	s0 =	sor.u32 s0, s13  }
0x16: {  	s1 =	sshll.u32 s6, $0x5;
	s12 =	sshll.u32 s7, $0x5;
	s0 =	sor.u32 s16, s0  }
0x17: {  	s1 =	sand.u32 $0x380, s1;
	[smem:$0x7E1] =	sst s0;
	s0 =	sshll.u32 s18, $0x3  }
0x18: {  	s13 =	sadd.s32 $0x9, s11;
	s14 =	sand.u32 $0x380, s12;
	s0 =	sor.u32 s0, s19  }
0x19: {  	s12 =	sadd.s32 $0xE, s11;
	s17 =	sshll.u32 s13, $0x5;
	s0 =	sor.u32 s22, s0  }
0x1a: {  	s18 =	sadd.s32 $0xA, s11;
	[smem:$0x7E2] =	sst s0;
	s0 =	sshll.u32 s23, $0x3  }
0x1b: {  	s19 =	sand.u32 $0x380, s17;
	s22 =	sshll.u32 s18, $0x5;
	s0 =	sor.u32 s0, s24  }
0x1c: {  	s23 =	sshll.u32 s18, $0xC;
	s18 =	sshll.u32 s12, $0xC;
	s0 =	sor.u32 s2, s0  }
0x1d: {  	s24 =	sshll.u32 s13, $0xC;
	[smem:$0x7E3] =	sst s0;
	s0 =	sshll.u32 s4, $0x3  }
0x1e: {  	s20 =	sand.u32 $0x3000, s23;
	s21 =	sand.u32 $0x7E0000, s23;
	s0 =	sor.u32 s0, s5  }
0x1f: {  	s13 =	sadd.s32 $0xF, s11;
	s15 =	sand.u32 $0x3000, s24;
	s0 =	sor.u32 s8, s0  }
0x20: {  	s16 =	sand.u32 $0x7E0000, s24;
	[smem:$0x7E4] =	sst s0;
	s0 =	sshll.u32 s9, $0x3  }
0x21: {  	s4 =	sand.u32 $0x380, s22;
	s22 =	sshll.u32 s26, $0xC;
	s0 =	sor.u32 s0, s10  }
0x22: {  	s17 =	sshll.u32 s13, $0xC;
	s5 =	sand.u32 $0x3000, s22;
	s0 =	sor.u32 s14, s0  }
0x23: {  	s7 =	sand.u32 $0x7E0000, s22;
	[smem:$0x7E5] =	sst s0;
	s0 =	sshll.u32 s15, $0x3  }
0x24: {  	s8 =	sshll.u32 s26, $0x5;
	s14 =	sand.u32 $0x3000, s18;
	s0 =	sor.u32 s0, s16  }
0x25: {  	s2 =	sand.u32 $0x380, s8;
	s15 =	sshll.u32 s14, $0x3;
	s0 =	sor.u32 s19, s0  }
0x26: {  	s16 =	sand.u32 $0x3000, s17;
	[smem:$0x7E6] =	sst s0;
	s0 =	sshll.u32 s20, $0x3  }
0x27: {  	s19 =	sand.u32 $0x7E0000, s18;
	s0 =	sor.u32 s0, s21;
	s21 =	sshll.u32 s6, $0xC  }
0x28: {  	s20 =	sadd.s32 $0x11, s11;
	s0 =	sor.u32 s4, s0;
	s9 =	sand.u32 $0x3000, s21  }
0x29: {  	s4 =	sand.u32 $0x7E0000, s21;
	[smem:$0x7E7] =	sst s0;
	s0 =	sshll.u32 s5, $0x3  }
0x2a: {  	s3 =	sshll.u32 s9, $0x3;
	s5 =	sand.u32 $0x7E0000, s17;
	s9 =	sadd.s32 $0x12, s11  }
0x2b: {  	s0 =	sor.u32 s0, s7;
	s10 =	sor.u32 s3, s4;
	s3 =	sshll.u32 s13, $0x5  }
0x2c: {  	s7 =	sshll.u32 s20, $0x5;
	s14 =	sshll.u32 s9, $0x5;
	s4 =	sshll.u32 s28, $0xC  }
0x2d: {  	s28 =	sadd.s32 $0xC, s11;
	s0 =	sor.u32 s2, s0;
	s2 =	sshll.u32 s12, $0x5  }
0x2e: {  	s3 =	sand.u32 $0x380, s3;
	s31 =	sand.u32 $0x3000, s4;
	s4 =	rddreg [dreg:$0x0]  }
0x2f: {  	s12 =	sadd.s32 $0x13, s11;
	[smem:$0x7E8] =	sst s0;
	s0 =	sor.u32 s1, s10  }
0x30: {  	s1 =	sshll.u32 s16, $0x3;
	s16 =	sshll.u32 s20, $0xC;
	s2 =	sand.u32 $0x380, s2  }
0x31: {  	s20 =	sshll.u32 s12, $0xC;
	[smem:$0x7E9] =	sst s0;
	s0 =	sor.u32 s15, s19  }
0x32: {  	s1 =	sor.u32 s1, s5;
	s26 =	sand.u32 $0x3000, s16;
	s8 =	sand.u32 $0x7E0000, s16  }
0x33: {  	s19 =	sshll.u32 s9, $0xC;
	s15 =	sand.u32 $0x3000, s20;
	s9 =	sadd.s32 $0x8, s11  }
0x34: {  	s0 =	sor.u32 s2, s0;
	s3 =	sor.u32 s3, s1;
	s6 =	sshll.u32 s26, $0x3  }
0x35: {  	s1 =	sand.u32 $0x380, s7;
	s10 =	sand.u32 $0x3000, s19;
	s13 =	sand.u32 $0x7E0000, s19  }
0x36: {  	s2 =	sand.u32 $0x380, s14;
	s26 =	sand.u32 $0x7E0000, s20;
	[smem:$0x7EA] =	sst s0  }
0x37: {  	s7 =	sadd.s32 $0x4, s11;
	[smem:$0x7EB] =	sst s3;
	s0 =	sor.u32 s6, s8  }
0x38: {  	s3 =	sshll.u32 s15, $0x3;
	s15 =	sshll.u32 s11, $0xC;
	s8 =	sshll.u32 s7, $0xC  }
0x39: {  	s0 =	sor.u32 s1, s0;
	s1 =	sshll.u32 s12, $0x5;
	s14 =	sand.u32 $0x7FC000, s8  }
0x3a: {  	s12 =	sshll.u32 s28, $0xC;
	[smem:$0x7EC] =	sst s0;
	s0 =	sshll.u32 s10, $0x3  }
0x3b: {  	s1 =	sand.u32 $0x380, s1;
	s10 =	sshll.u32 s9, $0xC;
	s12 =	sand.u32 $0x7FC000, s12  }
0x3c: {  	s0 =	sor.u32 s0, s13;
	s13 =	sand.u32 $0x7FC000, s10;
	s10 =	sadd.s32 $0x10, s11  }
0x3d: {  	s0 =	sor.u32 s2, s0;
	s2 =	sor.u32 s3, s26;
	s3 =	sshll.u32 s11, $0x5  }
0x3e: {  	[smem:$0x7ED] =	sst s0;
	s26 =	sor.u32 s1, s2;
	s5 =	sor.u32 s3, s15  }
0x3f: {  	s1 =	sshll.u32 s7, $0x5;
	s2 =	sadd.s32 s4, s31;
	s3 =	sshll.u32 s9, $0x5  }
0x40: {  	s6 =	sand.u32 $0x3E0380, s5;
	s1 =	sor.u32 s1, s14;
	s3 =	sor.u32 s3, s13  }
0x41: {  	s5 =	sshll.u32 s28, $0x5;
	s28 =	sadd.s32 $0x14, s11;
	s0 =	sshrl.u32 s6, $0x3  }
0x42: {  	s1 =	sand.u32 $0x7FFE0380, s1;
	s3 =	sand.u32 $0x7FFE0380, s3;
	s0 =	sadd.s32 s0, s2  }
0x43: {  	s1 =	sshrl.u32 s1, $0x3;
	s6 =	sshrl.u32 s3, $0x3;
	[dreg:$0x4] =	wrdreg s0  }
0x44: {  	s0 =	sor.u32 s5, s12;
	s1 =	sadd.s32 s1, s2;
	s8 =	sadd.s32 s6, s2  }
0x45: {  	s6 =	sshll.u32 s10, $0xC;
	[dreg:$0x5] =	wrdreg s1;
	s7 =	sand.u32 $0x7FFE0380, s0  }
0x46: {  	[dreg:$0x6] =	wrdreg s8;
	s8 =	sshll.u32 s28, $0xC;
	s28 =	sshll.u32 s28, $0x5  }
0x47: {  	s0 =	sadd.s32 $0x15, s11;
	s9 =	sshrl.u32 s7, $0x3;
	s7 =	sshll.u32 s10, $0x5  }
0x48: {  	s8 =	sand.u32 $0x7FC000, s8;
	s5 =	sadd.s32 s9, s2;
	s9 =	sand.u32 $0x7FC000, s6  }
0x49: {  	s28 =	sor.u32 s28, s8;
	[dreg:$0x7] =	wrdreg s5;
	s1 =	sor.u32 s7, s9  }
0x4a: {  	s10 =	sand.u32 $0x7FFE0380, s28;
	s28 =	sshll.u32 s0, $0xC;
	s0 =	sshll.u32 s0, $0x5  }
0x4b: {  	s1 =	sand.u32 $0x7FFE0380, s1;
	s3 =	sshrl.u32 s10, $0x3;
	s5 =	sand.u32 $0x3000, s28  }
0x4c: {  	s7 =	sand.u32 $0x7E0000, s28;
	s10 =	sand.u32 $0x380, s0;
	s1 =	sshrl.u32 s1, $0x3  }
0x4d: {  	s0 =	sadd.s32 $0x17, s11;
	s6 =	sshll.u32 s5, $0x3;
	s1 =	sadd.s32 s1, s2  }
0x4e: {  	[dreg:$0x8] =	wrdreg s1;
	s1 =	sadd.s32 s3, s2;
	s2 =	sor.u32 s6, s7  }
0x4f: {  	s3 =	sadd.s32 $0x16, s11;
	s6 =	sshll.u32 s0, $0xC;
	s0 =	sshll.u32 s0, $0x5  }
0x50: {  	s11 =	sadd.s32 $0x18, s11;
	[dreg:$0x9] =	wrdreg s1;
	s7 =	sshll.u32 s3, $0xC  }
0x51: {  	s10 =	sor.u32 s10, s2;
	s2 =	sand.u32 $0x3000, s6;
	s5 =	sand.u32 $0x3000, s7  }
0x52: {  	s3 =	sshll.u32 s3, $0x5;
	s1 =	sand.u32 $0x7E0000, s7;
	s5 =	sshll.u32 s5, $0x3  }
0x53: {  	s2 =	sshll.u32 s2, $0x3;
	s1 =	sor.u32 s5, s1;
	s5 =	sand.u32 $0x7E0000, s6  }
0x54: {  	s0 =	sand.u32 $0x380, s0;
	s3 =	sand.u32 $0x380, s3;
	s2 =	sor.u32 s2, s5  }
0x55: {  	s1 =	sor.u32 s3, s1;
	s0 =	sor.u32 s0, s2;
	s2 =	sshll.u32 s11, $0xC  }
0x56: {  	s3 =	sshll.u32 s11, $0x5;
	s5 =	sshll.u32 s31, $0x3;
	s11 =	sand.u32 $0x7E0000, s2  }
0x57: {  	s5 =	sor.u32 s5, s11;
	s11 =	sld [smem:$0x7E0];
	_ =	sdelay $0x2  }
0x58: {  	s11 =	sshrl.u32 s11, $0x3  }
0x59: {  	s11 =	sadd.s32 s4, s11  }
0x5a: {  	[dreg:$0xa] =	wrdreg s11  }
0x5b: {  	s11 =	sld [smem:$0x7E1];
	_ =	sdelay $0x1  }
0x5c: {  	s3 =	sand.u32 $0x380, s3  }
0x5d: {  	s3 =	sor.u32 s3, s5;
	s5 =	sshrl.u32 s11, $0x3;
	s11 =	sld [smem:$0x7E2]  }
0x5e: {  	s5 =	sadd.s32 s4, s5  }
0x5f: {  	[dreg:$0xb] =	wrdreg s5  }
0x60: {  	s5 =	sshrl.u32 s11, $0x3;
	s11 =	sld [smem:$0x7E3];
	_ =	sdelay $0x2  }
0x61: {  	s11 =	sshrl.u32 s11, $0x3  }
0x62: {  	s11 =	sadd.s32 s4, s11  }
0x63: {  	[dreg:$0xd] =	wrdreg s11  }
0x64: {  	s11 =	sld [smem:$0x7E4]  }
0x65: {  	s5 =	sadd.s32 s4, s5  }
0x66: {  	[dreg:$0xc] =	wrdreg s5  }
0x67: {  	s5 =	sshrl.u32 s11, $0x3;
	s11 =	sld [smem:$0x7E5]  }
0x68: {  	s5 =	sadd.s32 s4, s5  }
0x69: {  	[dreg:$0xe] =	wrdreg s5  }
0x6a: {  	s5 =	sshrl.u32 s11, $0x3;
	s11 =	sld [smem:$0x7E6];
	_ =	sdelay $0x2  }
0x6b: {  	s11 =	sshrl.u32 s11, $0x3  }
0x6c: {  	s11 =	sadd.s32 s4, s11  }
0x6d: {  	[dreg:$0x10] =	wrdreg s11  }
0x6e: {  	s11 =	sld [smem:$0x7E7]  }
0x6f: {  	s5 =	sadd.s32 s4, s5  }
0x70: {  	[dreg:$0xf] =	wrdreg s5  }
0x71: {  	s5 =	sshrl.u32 s11, $0x3;
	s11 =	sld [smem:$0x7E8]  }
0x72: {  	s5 =	sadd.s32 s4, s5  }
0x73: {  	[dreg:$0x11] =	wrdreg s5  }
0x74: {  	s5 =	sshrl.u32 s11, $0x3;
	s11 =	sld [smem:$0x7E9];
	_ =	sdelay $0x2  }
0x75: {  	s11 =	sshrl.u32 s11, $0x3  }
0x76: {  	s11 =	sadd.s32 s4, s11  }
0x77: {  	[dreg:$0x13] =	wrdreg s11  }
0x78: {  	s11 =	sld [smem:$0x7EA]  }
0x79: {  	s5 =	sadd.s32 s4, s5  }
0x7a: {  	[dreg:$0x12] =	wrdreg s5  }
0x7b: {  	s5 =	sshrl.u32 s11, $0x3;
	s11 =	sld [smem:$0x7EB]  }
0x7c: {  	s5 =	sadd.s32 s4, s5  }
0x7d: {  	[dreg:$0x14] =	wrdreg s5  }
0x7e: {  	s5 =	sshrl.u32 s11, $0x3;
	s11 =	sld [smem:$0x7EC];
	_ =	sdelay $0x1  }
0x7f: {  	s1 =	sshrl.u32 s1, $0x3  }
0x80: {  	s1 =	sadd.s32 s4, s1;
	s11 =	sshrl.u32 s11, $0x3  }
0x81: {  	[dreg:$0x1a] =	wrdreg s1;
	s11 =	sadd.s32 s4, s11  }
0x82: {  	s0 =	sshrl.u32 s0, $0x3;
	[dreg:$0x16] =	wrdreg s11  }
0x83: {  	s0 =	sadd.s32 s4, s0;
	s11 =	sld [smem:$0x7ED]  }
0x84: {  	[dreg:$0x1b] =	wrdreg s0;
	s5 =	sadd.s32 s4, s5  }
0x85: {  	s10 =	sshrl.u32 s10, $0x3;
	[dreg:$0x15] =	wrdreg s5  }
0x86: {  	s5 =	sshrl.u32 s11, $0x3;
	s11 =	sshrl.u32 s26, $0x3;
	s26 =	sadd.s32 s4, s10  }
0x87: {  	s16 =	sshrl.u32 s16, $0x3;
	s5 =	sadd.s32 s4, s5;
	[dreg:$0x19] =	wrdreg s26  }
0x88: {  	s8 =	sor.u32 s31, s8;
	[dreg:$0x17] =	wrdreg s5;
	s5 =	sadd.s32 s4, s11  }
0x89: {  	s26 =	simm.s32 $0x0;
	[dreg:$0x18] =	wrdreg s5;
	s5 =	sshrl.u32 s3, $0x3  }
0x8a: {  	s2 =	sand.u32 $0x7FC000, s2;
	[smem:$0x7FF] =	sst s26;
	s10 =	sadd.s32 s4, s5  }
0x8b: {  	s2 =	sor.u32 s31, s2;
	s11 =	sand.u32 $0x3FC000, s15;
	[dreg:$0x1c] =	wrdreg s10  }
0x8c: {  	s15 =	sor.u32 s31, s14;
	s0 =	sor.u32 s31, s11;
	s10 =	sld [smem:$0x7EE]  }
0x8d: {  	s3 =	sor.u32 s31, s13;
	s13 =	sld [smem:$0x7F0];
	s1 =	sshrl.u32 s15, $0x3  }
0x8e: {  	s4 =	sor.u32 s31, s12;
	s5 =	sor.u32 s31, s9;
	s12 =	sld [smem:$0x7EF]  }
0x8f: {  	s0 =	sshrl.u32 s0, $0x3;
	s9 =	sshrl.u32 s10, $0x3;
	s10 =	rddreg [dreg:$0x2]  }
0x90: {  	s31 =	simm.s32 $0x3080;
	s4 =	sshrl.u32 s4, $0x3;
	s0 =	sadd.s32 s10, s0  }
0x91: {  	s11 =	sadd.s32 s10, s9;
	s9 =	sshrl.u32 s13, $0x3;
	s15 =	sadd.s32 s10, s1  }
0x92: {  	s1 =	sshrl.u32 s30, $0x3;
	s30 =	simm.s32 $0x1;
	[dreg:$0x1d] =	wrdreg s0  }
0x93: {  	[dreg:$0x1e] =	wrdreg s11;
	s0 =	sshrl.u32 s12, $0x3;
	s14 =	sadd.s32 s10, s9  }
0x94: {  	[smem:$0x7F2] =	sst s15;
	s9 =	sshrl.u32 s29, $0x3;
	s11 =	sshrl.u32 s25, $0x3  }
0x95: {  	s15 =	sshrl.u32 s24, $0x3;
	s24 =	sshrl.u32 s23, $0x3;
	s23 =	sshrl.u32 s2, $0x3  }
0x96: {  	s29 =	simm.s32 $0x2080;
	s2 =	simm.s32 $0x3;
	s0 =	sadd.s32 s10, s0  }
0x97: {  	[smem:$0x7F1] =	sst s14;
	s12 =	sadd.s32 s10, s9;
	s13 =	sadd.s32 s10, s11  }
0x98: {  	s14 =	sshrl.u32 s3, $0x3;
	s25 =	sadd.s32 s10, s15;
	s3 =	sshrl.u32 s22, $0x3  }
0x99: {  	s9 =	sshrl.u32 s21, $0x3;
	s11 =	sadd.s32 s10, s4;
	[dreg:$0x1f] =	wrdreg s0  }
0x9a: {  	s15 =	sshrl.u32 s5, $0x3;
	s21 =	sshrl.u32 s7, $0x3;
	[smem:$0x7F4] =	sst s12  }
0x9b: {  	s22 =	sshrl.u32 s6, $0x3;
	s4 =	simm.s32 $0x4;
	[smem:$0x7F5] =	sst s13  }
0x9c: {  	s5 =	simm.s32 $0x5;
	s6 =	simm.s32 $0x6;
	[smem:$0x7F7] =	sst s25  }
0x9d: {  	s7 =	simm.s32 $0x0;
	s0 =	sadd.s32 s10, s1;
	[smem:$0x7FA] =	sst s11  }
0x9e: {  	s1 =	sadd.s32 s10, s24;
	s12 =	sadd.s32 s10, s9;
	s24 =	rddreg [dreg:$0x1]  }
0x9f: {  	s13 =	sshrl.u32 s18, $0x3;
	s18 =	sshrl.u32 s20, $0x3;
	[smem:$0x7F3] =	sst s0  }
0xa0: {  	s20 =	sshrl.u32 s28, $0x3;
	s28 =	simm.s32 $0x1080;
	[smem:$0x7F8] =	sst s1  }
0xa1: {  	s0 =	sadd.s32 s10, s14;
	[smem:$0x7FB] =	sst s12;
	s14 =	sshrl.u32 s17, $0x3  }
0xa2: {  	s12 =	sadd.s32 s10, s15;
	s17 =	sshrl.u32 s19, $0x3;
	s15 =	sadd.s32 s10, s18  }
0xa3: {  	s19 =	sshrl.u32 s8, $0x3;
	[smem:$0x7F6] =	sst s0;
	s0 =	sadd.s32 s10, s3  }
0xa4: {  	s18 =	sadd.s32 s10, s21;
	[smem:$0x7F9] =	sst s0;
	s0 =	sadd.s32 s10, s13  }
0xa5: {  	s21 =	sadd.s32 $0x400, s24;
	s24 =	simm.s32 $0x400;
	[smem:$0x7FC] =	sst s0  }
0xa6: {  	s1 =	simm.s32 $0x4080;
	s11 =	sadd.s32 s10, s14;
	_ =	strace $0x80000047  }
0xa7: {  	s14 =	sadd.s32 s10, s17;
	s17 =	sadd.s32 s10, s20;
	s25 =	sld [smem:$0x7FD]  }
0xa8: {  	s20 =	sadd.s32 s10, s23;
	s23 =	simm.s32 $0x7;
	s3 =	simm.s32 $0x5080  }
0xa9: {  	s13 =	sadd.s32 s10, s16;
	s16 =	sadd.s32 s10, s19;
	s19 =	sadd.s32 s10, s22  }
0xaa: {  	s0 =	simm.s32 $0x2;
	s22 =	smax.u32 s25, $0x1;
	s25 =	simm.s32 $0x80  }
.LBB2_1:
0xab: {  	[tilespmem:s26], [sflag:$0x7] =	stream.linear.gather [hbm4b:s21+s26], $0x80, $0x38;
	[tilespmem:$0x6080] =	vst v63  }
0xac: {  	_ =	swait.ge [sflag:s23], $0x80  }
0xad: {  	[sflag:s23] =	ssyncset.done $0x0  }
0xae: {  	s8 =	rddreg [dreg:$0x4];
	[sflag:s23] =	ssyncadd.s32 $0xFFFFFF80  }
0xaf: {  	[tilespmem:s25], [sflag:$0x1] =	stream.strided.gather [hbm4b:s8+s25], $0x1000, s24, s25, $0x38;
	[tilespmem:$0x6080] =	vst v63  }
0xb0: {  	s10 =	rddreg [dreg:$0xa]  }
0xb1: {  	[tilespmem:s28], [sflag:$0x2] =	stream.strided.gather [hbm4b:s10+s25], $0x1000, s24, s25, $0x38;
	[tilespmem:$0x6080] =	vst v63  }
0xb2: {  	s9 =	rddreg [dreg:$0xb]  }
0xb3: {  	[tilespmem:s29], [sflag:$0x3] =	stream.strided.gather [hbm4b:s9+s25], $0x1000, s24, s25, $0x38;
	[tilespmem:$0x6080] =	vst v63  }
0xb4: {  	_ =	swait.ge [sflag:s30], $0x1000  }
0xb5: {  	[sflag:s30] =	ssyncset.done $0x0  }
0xb6: {  	s10 =	simm.s32 $0xC0;
	[sflag:s30] =	ssyncadd.s32 $0xFFFFF000  }
0xb7: {  	v0 =	vld [tilespmem:s10+$0x30]  }
0xb8: {  	v1 =	vld [tilespmem:s10+$0xFFFFFFD0]  }
0xb9: {  	v2 =	vld [tilespmem:s10+$0xFFFFFFE0]  }
0xba: {  	v3 =	vld [tilespmem:s10+$0xFFFFFFF0]  }
0xbb: {  	v4 =	vld [tilespmem:s10+$0x0]  }
0xbc: {  	v6 =	vld [tilespmem:s10+$0x10]  }
0xbd: {  	v7 =	vld [tilespmem:s10+$0x20]  }
0xbe: {  	v8 =	vld [tilespmem:s10+$0xFFFFFFC0]  }
0xbf: {  	v9 =	vld.idx.msk [tilespmem:v0+s26+$0x0], $0xffff  }
0xc0: {  	v10 =	vld.idx.msk [tilespmem:v1+s26+$0x0], $0xffff  }
0xc1: {  	v5 =	vld.idx.msk [tilespmem:v2+s26+$0x0], $0xffff  }
0xc2: {  	v3 =	vld.idx.msk [tilespmem:v3+s26+$0x0], $0xffff  }
0xc3: {  	v0 =	vld.idx.msk [tilespmem:v4+s26+$0x0], $0xffff  }
0xc4: {  	s8 =	simm.s32 $0x30C0;
	v1 =	vld.idx.msk [tilespmem:v6+s26+$0x0], $0xffff  }
0xc5: {  	v2 =	vld.idx.msk [tilespmem:v7+s26+$0x0], $0xffff;
	[tilespmem:s8+$0x30] =	vst v9  }
0xc6: {  	s9 =	simm.s32 $0x0;
	s10 =	simm.s32 $0x140;
	v4 =	vld.idx.msk [tilespmem:v8+s26+$0x0], $0xffff;
	[tilespmem:s8+$0xFFFFFFD0] =	vst v10  }
.LBB2_2:
0xc7: {  	v6 =	vld [tilespmem:s10+$0x30];
	s9 =	sadd.s32 $0x80, s9;
	[tilespmem:s8+$0xFFFFFFE0] =	vst v5  }
0xc8: {  	v5 =	vld [tilespmem:s10+$0xFFFFFFD0];
	p0 =	slt.u32 s9, $0xF80;
	[tilespmem:s8+$0xFFFFFFF0] =	vst v3  }
0xc9: {  	v3 =	vld [tilespmem:s10+$0xFFFFFFE0];
	[tilespmem:s8+$0x0] =	vst v0  }
0xca: {  	v0 =	vld [tilespmem:s10+$0xFFFFFFF0];
	[tilespmem:s8+$0x10] =	vst v1  }
0xcb: {  	v1 =	vld [tilespmem:s10+$0x0];
	[tilespmem:s8+$0x20] =	vst v2  }
0xcc: {  	v2 =	vld [tilespmem:s10+$0x10];
	[tilespmem:s8+$0xFFFFFFC0] =	vst v4  }
0xcd: {  	v4 =	vld [tilespmem:s10+$0x20]  }
0xce: {  	v7 =	vld [tilespmem:s10+$0xFFFFFFC0]  }
0xcf: {  	v6 =	vld.idx.msk [tilespmem:v6+s26+$0x0], $0xffff  }
0xd0: {  	v8 =	vld.idx.msk [tilespmem:v5+s26+$0x0], $0xffff  }
0xd1: {  	v5 =	vld.idx.msk [tilespmem:v3+s26+$0x0], $0xffff  }
.Ltmp0:
0xd2: {  	v3 =	vld.idx.msk [tilespmem:v0+s26+$0x0], $0xffff;
	(pc) =	sbr.rel @p0 .LBB2_2-.Ltmp0, $4  }
0xd3: {  	v0 =	vld.idx.msk [tilespmem:v1+s26+$0x0], $0xffff  }
0xd4: {  	s8 =	sadd.s32 $0x80, s8;
	v1 =	vld.idx.msk [tilespmem:v2+s26+$0x0], $0xffff  }
0xd5: {  	v2 =	vld.idx.msk [tilespmem:v4+s26+$0x0], $0xffff;
	[tilespmem:s8+$0x30] =	vst v6  }
0xd6: {  	s10 =	sadd.s32 $0x80, s10;
	v4 =	vld.idx.msk [tilespmem:v7+s26+$0x0], $0xffff;
	[tilespmem:s8+$0xFFFFFFD0] =	vst v8  }
0xd7: {  	[tilespmem:s8+$0xFFFFFFE0] =	vst v5  }
0xd8: {  	[tilespmem:s8+$0xFFFFFFF0] =	vst v3  }
0xd9: {  	[tilespmem:s8+$0x0] =	vst v0  }
0xda: {  	[tilespmem:s8+$0x10] =	vst v1  }
0xdb: {  	[tilespmem:s8+$0x20] =	vst v2  }
0xdc: {  	[tilespmem:s8+$0xFFFFFFC0] =	vst v4  }
0xdd: {  	s8 =	rddreg [dreg:$0x1d]  }
0xde: {  	[hbm4b:s8+s26] =	stream.linear.scatter [tilespmem:s31], [sflag:$0x4], $0x1000, $0x38;
	[tilespmem:$0x6080] =	vst v63  }
0xdf: {  	s9 =	rddreg [dreg:$0xc]  }
0xe0: {  	[tilespmem:s25], [sflag:$0x1] =	stream.strided.gather [hbm4b:s9+s25], $0x1000, s24, s25, $0x38;
	[tilespmem:$0x6080] =	vst v63  }
0xe1: {  	_ =	swait.ge [sflag:s0], $0x1000  }
0xe2: {  	[sflag:s0] =	ssyncset.done $0x0  }
0xe3: {  	s10 =	simm.s32 $0x10C0;
	[sflag:s0] =	ssyncadd.s32 $0xFFFFF000  }
0xe4: {  	v0 =	vld [tilespmem:s10+$0x30]  }
0xe5: {  	v1 =	vld [tilespmem:s10+$0xFFFFFFD0]  }
0xe6: {  	v2 =	vld [tilespmem:s10+$0xFFFFFFE0]  }
0xe7: {  	v3 =	vld [tilespmem:s10+$0xFFFFFFF0]  }
0xe8: {  	v4 =	vld [tilespmem:s10+$0x0]  }
0xe9: {  	v6 =	vld [tilespmem:s10+$0x10]  }
0xea: {  	v7 =	vld [tilespmem:s10+$0x20]  }
0xeb: {  	v8 =	vld [tilespmem:s10+$0xFFFFFFC0]  }
0xec: {  	v9 =	vld.idx.msk [tilespmem:v0+s26+$0x0], $0xffff  }
0xed: {  	v10 =	vld.idx.msk [tilespmem:v1+s26+$0x0], $0xffff  }
0xee: {  	v5 =	vld.idx.msk [tilespmem:v2+s26+$0x0], $0xffff  }
0xef: {  	v3 =	vld.idx.msk [tilespmem:v3+s26+$0x0], $0xffff  }
0xf0: {  	v0 =	vld.idx.msk [tilespmem:v4+s26+$0x0], $0xffff  }
0xf1: {  	s8 =	simm.s32 $0x40C0;
	v1 =	vld.idx.msk [tilespmem:v6+s26+$0x0], $0xffff  }
0xf2: {  	v2 =	vld.idx.msk [tilespmem:v7+s26+$0x0], $0xffff;
	[tilespmem:s8+$0x30] =	vst v9  }
0xf3: {  	s9 =	simm.s32 $0x0;
	s10 =	simm.s32 $0x1140;
	v4 =	vld.idx.msk [tilespmem:v8+s26+$0x0], $0xffff;
	[tilespmem:s8+$0xFFFFFFD0] =	vst v10  }
.LBB2_4:
0xf4: {  	v6 =	vld [tilespmem:s10+$0x30];
	s9 =	sadd.s32 $0x80, s9;
	[tilespmem:s8+$0xFFFFFFE0] =	vst v5  }
0xf5: {  	v5 =	vld [tilespmem:s10+$0xFFFFFFD0];
	p0 =	slt.u32 s9, $0xF80;
	[tilespmem:s8+$0xFFFFFFF0] =	vst v3  }
0xf6: {  	v3 =	vld [tilespmem:s10+$0xFFFFFFE0];
	[tilespmem:s8+$0x0] =	vst v0  }
0xf7: {  	v0 =	vld [tilespmem:s10+$0xFFFFFFF0];
	[tilespmem:s8+$0x10] =	vst v1  }
0xf8: {  	v1 =	vld [tilespmem:s10+$0x0];
	[tilespmem:s8+$0x20] =	vst v2  }
0xf9: {  	v2 =	vld [tilespmem:s10+$0x10];
	[tilespmem:s8+$0xFFFFFFC0] =	vst v4  }
0xfa: {  	v4 =	vld [tilespmem:s10+$0x20]  }
0xfb: {  	v7 =	vld [tilespmem:s10+$0xFFFFFFC0]  }
0xfc: {  	v6 =	vld.idx.msk [tilespmem:v6+s26+$0x0], $0xffff  }
0xfd: {  	v8 =	vld.idx.msk [tilespmem:v5+s26+$0x0], $0xffff  }
0xfe: {  	v5 =	vld.idx.msk [tilespmem:v3+s26+$0x0], $0xffff  }
.Ltmp1:
0xff: {  	v3 =	vld.idx.msk [tilespmem:v0+s26+$0x0], $0xffff;
	(pc) =	sbr.rel @p0 .LBB2_4-.Ltmp1, $4  }
0x100: {  	v0 =	vld.idx.msk [tilespmem:v1+s26+$0x0], $0xffff  }
0x101: {  	s8 =	sadd.s32 $0x80, s8;
	v1 =	vld.idx.msk [tilespmem:v2+s26+$0x0], $0xffff  }
0x102: {  	v2 =	vld.idx.msk [tilespmem:v4+s26+$0x0], $0xffff;
	[tilespmem:s8+$0x30] =	vst v6  }
0x103: {  	s10 =	sadd.s32 $0x80, s10;
	v4 =	vld.idx.msk [tilespmem:v7+s26+$0x0], $0xffff;
	[tilespmem:s8+$0xFFFFFFD0] =	vst v8  }
0x104: {  	[tilespmem:s8+$0xFFFFFFE0] =	vst v5  }
0x105: {  	[tilespmem:s8+$0xFFFFFFF0] =	vst v3  }
0x106: {  	[tilespmem:s8+$0x0] =	vst v0  }
0x107: {  	[tilespmem:s8+$0x10] =	vst v1  }
0x108: {  	[tilespmem:s8+$0x20] =	vst v2  }
0x109: {  	[tilespmem:s8+$0xFFFFFFC0] =	vst v4  }
0x10a: {  	s8 =	rddreg [dreg:$0x1e]  }
0x10b: {  	[hbm4b:s8+s26] =	stream.linear.scatter [tilespmem:s1], [sflag:$0x5], $0x1000, $0x38;
	[tilespmem:$0x6080] =	vst v63  }
0x10c: {  	s9 =	rddreg [dreg:$0x5]  }
0x10d: {  	[tilespmem:s28], [sflag:$0x2] =	stream.strided.gather [hbm4b:s9+s25], $0x1000, s24, s25, $0x38;
	[tilespmem:$0x6080] =	vst v63  }
0x10e: {  	_ =	swait.ge [sflag:s2], $0x1000  }
0x10f: {  	[sflag:s2] =	ssyncset.done $0x0  }
0x110: {  	s10 =	simm.s32 $0x20C0;
	[sflag:s2] =	ssyncadd.s32 $0xFFFFF000  }
0x111: {  	v0 =	vld [tilespmem:s10+$0x30]  }
0x112: {  	v1 =	vld [tilespmem:s10+$0xFFFFFFD0]  }
0x113: {  	v2 =	vld [tilespmem:s10+$0xFFFFFFE0]  }
0x114: {  	v3 =	vld [tilespmem:s10+$0xFFFFFFF0]  }
0x115: {  	v4 =	vld [tilespmem:s10+$0x0]  }
0x116: {  	v6 =	vld [tilespmem:s10+$0x10]  }
0x117: {  	v7 =	vld [tilespmem:s10+$0x20]  }
0x118: {  	v8 =	vld [tilespmem:s10+$0xFFFFFFC0]  }
0x119: {  	v9 =	vld.idx.msk [tilespmem:v0+s26+$0x0], $0xffff  }
0x11a: {  	v10 =	vld.idx.msk [tilespmem:v1+s26+$0x0], $0xffff  }
0x11b: {  	v5 =	vld.idx.msk [tilespmem:v2+s26+$0x0], $0xffff  }
0x11c: {  	v3 =	vld.idx.msk [tilespmem:v3+s26+$0x0], $0xffff  }
0x11d: {  	v0 =	vld.idx.msk [tilespmem:v4+s26+$0x0], $0xffff  }
0x11e: {  	s8 =	simm.s32 $0x50C0;
	v1 =	vld.idx.msk [tilespmem:v6+s26+$0x0], $0xffff  }
0x11f: {  	v2 =	vld.idx.msk [tilespmem:v7+s26+$0x0], $0xffff;
	[tilespmem:s8+$0x30] =	vst v9  }
0x120: {  	s9 =	simm.s32 $0x0;
	s10 =	simm.s32 $0x2140;
	v4 =	vld.idx.msk [tilespmem:v8+s26+$0x0], $0xffff;
	[tilespmem:s8+$0xFFFFFFD0] =	vst v10  }
.LBB2_6:
0x121: {  	v6 =	vld [tilespmem:s10+$0x30];
	s9 =	sadd.s32 $0x80, s9;
	[tilespmem:s8+$0xFFFFFFE0] =	vst v5  }
0x122: {  	v5 =	vld [tilespmem:s10+$0xFFFFFFD0];
	p0 =	slt.u32 s9, $0xF80;
	[tilespmem:s8+$0xFFFFFFF0] =	vst v3  }
0x123: {  	v3 =	vld [tilespmem:s10+$0xFFFFFFE0];
	[tilespmem:s8+$0x0] =	vst v0  }
0x124: {  	v0 =	vld [tilespmem:s10+$0xFFFFFFF0];
	[tilespmem:s8+$0x10] =	vst v1  }
0x125: {  	v1 =	vld [tilespmem:s10+$0x0];
	[tilespmem:s8+$0x20] =	vst v2  }
0x126: {  	v2 =	vld [tilespmem:s10+$0x10];
	[tilespmem:s8+$0xFFFFFFC0] =	vst v4  }
0x127: {  	v4 =	vld [tilespmem:s10+$0x20]  }
0x128: {  	v7 =	vld [tilespmem:s10+$0xFFFFFFC0]  }
0x129: {  	v6 =	vld.idx.msk [tilespmem:v6+s26+$0x0], $0xffff  }
0x12a: {  	v8 =	vld.idx.msk [tilespmem:v5+s26+$0x0], $0xffff  }
0x12b: {  	v5 =	vld.idx.msk [tilespmem:v3+s26+$0x0], $0xffff  }
.Ltmp2:
0x12c: {  	v3 =	vld.idx.msk [tilespmem:v0+s26+$0x0], $0xffff;
	(pc) =	sbr.rel @p0 .LBB2_6-.Ltmp2, $4  }
0x12d: {  	v0 =	vld.idx.msk [tilespmem:v1+s26+$0x0], $0xffff  }
0x12e: {  	s8 =	sadd.s32 $0x80, s8;
	v1 =	vld.idx.msk [tilespmem:v2+s26+$0x0], $0xffff  }
0x12f: {  	v2 =	vld.idx.msk [tilespmem:v4+s26+$0x0], $0xffff;
	[tilespmem:s8+$0x30] =	vst v6  }
0x130: {  	s10 =	sadd.s32 $0x80, s10;
	v4 =	vld.idx.msk [tilespmem:v7+s26+$0x0], $0xffff;
	[tilespmem:s8+$0xFFFFFFD0] =	vst v8  }
0x131: {  	[tilespmem:s8+$0xFFFFFFE0] =	vst v5  }
0x132: {  	[tilespmem:s8+$0xFFFFFFF0] =	vst v3  }
0x133: {  	[tilespmem:s8+$0x0] =	vst v0  }
0x134: {  	[tilespmem:s8+$0x10] =	vst v1  }
0x135: {  	[tilespmem:s8+$0x20] =	vst v2  }
0x136: {  	[tilespmem:s8+$0xFFFFFFC0] =	vst v4  }
0x137: {  	s8 =	rddreg [dreg:$0x1f]  }
0x138: {  	[hbm4b:s8+s26] =	stream.linear.scatter [tilespmem:s3], [sflag:$0x6], $0x1000, $0x38;
	[tilespmem:$0x6080] =	vst v63  }
0x139: {  	s9 =	rddreg [dreg:$0xd]  }
0x13a: {  	[tilespmem:s29], [sflag:$0x3] =	stream.strided.gather [hbm4b:s9+s25], $0x1000, s24, s25, $0x38;
	[tilespmem:$0x6080] =	vst v63  }
0x13b: {  	_ =	swait.ge [sflag:s30], $0x1000  }
0x13c: {  	[sflag:s30] =	ssyncset.done $0x0  }
0x13d: {  	[sflag:s30] =	ssyncadd.s32 $0xFFFFF000  }
0x13e: {  	_ =	swait.ge [sflag:s4], $0x1000  }
0x13f: {  	[sflag:s4] =	ssyncset.done $0x0  }
0x140: {  	s10 =	simm.s32 $0xC0;
	[sflag:s4] =	ssyncadd.s32 $0xFFFFF000  }
0x141: {  	v0 =	vld [tilespmem:s10+$0x30]  }
0x142: {  	v1 =	vld [tilespmem:s10+$0xFFFFFFD0]  }
0x143: {  	v2 =	vld [tilespmem:s10+$0xFFFFFFE0]  }
0x144: {  	v3 =	vld [tilespmem:s10+$0xFFFFFFF0]  }
0x145: {  	v4 =	vld [tilespmem:s10+$0x0]  }
0x146: {  	v6 =	vld [tilespmem:s10+$0x10]  }
0x147: {  	v7 =	vld [tilespmem:s10+$0x20]  }
0x148: {  	v8 =	vld [tilespmem:s10+$0xFFFFFFC0]  }
0x149: {  	v9 =	vld.idx.msk [tilespmem:v0+s26+$0x0], $0xffff  }
0x14a: {  	v10 =	vld.idx.msk [tilespmem:v1+s26+$0x0], $0xffff  }
0x14b: {  	v5 =	vld.idx.msk [tilespmem:v2+s26+$0x0], $0xffff  }
0x14c: {  	v3 =	vld.idx.msk [tilespmem:v3+s26+$0x0], $0xffff  }
0x14d: {  	v0 =	vld.idx.msk [tilespmem:v4+s26+$0x0], $0xffff  }
0x14e: {  	s8 =	simm.s32 $0x30C0;
	v1 =	vld.idx.msk [tilespmem:v6+s26+$0x0], $0xffff  }
0x14f: {  	v2 =	vld.idx.msk [tilespmem:v7+s26+$0x0], $0xffff;
	[tilespmem:s8+$0x30] =	vst v9  }
0x150: {  	s9 =	simm.s32 $0x0;
	s10 =	simm.s32 $0x140;
	v4 =	vld.idx.msk [tilespmem:v8+s26+$0x0], $0xffff;
	[tilespmem:s8+$0xFFFFFFD0] =	vst v10  }
.LBB2_8:
0x151: {  	v6 =	vld [tilespmem:s10+$0x30];
	s9 =	sadd.s32 $0x80, s9;
	[tilespmem:s8+$0xFFFFFFE0] =	vst v5  }
0x152: {  	v5 =	vld [tilespmem:s10+$0xFFFFFFD0];
	p0 =	slt.u32 s9, $0xF80;
	[tilespmem:s8+$0xFFFFFFF0] =	vst v3  }
0x153: {  	v3 =	vld [tilespmem:s10+$0xFFFFFFE0];
	[tilespmem:s8+$0x0] =	vst v0  }
0x154: {  	v0 =	vld [tilespmem:s10+$0xFFFFFFF0];
	[tilespmem:s8+$0x10] =	vst v1  }
0x155: {  	v1 =	vld [tilespmem:s10+$0x0];
	[tilespmem:s8+$0x20] =	vst v2  }
0x156: {  	v2 =	vld [tilespmem:s10+$0x10];
	[tilespmem:s8+$0xFFFFFFC0] =	vst v4  }
0x157: {  	v4 =	vld [tilespmem:s10+$0x20]  }
0x158: {  	v7 =	vld [tilespmem:s10+$0xFFFFFFC0]  }
0x159: {  	v6 =	vld.idx.msk [tilespmem:v6+s26+$0x0], $0xffff  }
0x15a: {  	v8 =	vld.idx.msk [tilespmem:v5+s26+$0x0], $0xffff  }
0x15b: {  	v5 =	vld.idx.msk [tilespmem:v3+s26+$0x0], $0xffff  }
.Ltmp3:
0x15c: {  	v3 =	vld.idx.msk [tilespmem:v0+s26+$0x0], $0xffff;
	(pc) =	sbr.rel @p0 .LBB2_8-.Ltmp3, $4  }
0x15d: {  	v0 =	vld.idx.msk [tilespmem:v1+s26+$0x0], $0xffff  }
0x15e: {  	s8 =	sadd.s32 $0x80, s8;
	v1 =	vld.idx.msk [tilespmem:v2+s26+$0x0], $0xffff  }
0x15f: {  	v2 =	vld.idx.msk [tilespmem:v4+s26+$0x0], $0xffff;
	[tilespmem:s8+$0x30] =	vst v6  }
0x160: {  	s10 =	sadd.s32 $0x80, s10;
	v4 =	vld.idx.msk [tilespmem:v7+s26+$0x0], $0xffff;
	[tilespmem:s8+$0xFFFFFFD0] =	vst v8  }
0x161: {  	[tilespmem:s8+$0xFFFFFFE0] =	vst v5  }
0x162: {  	[tilespmem:s8+$0xFFFFFFF0] =	vst v3  }
0x163: {  	[tilespmem:s8+$0x0] =	vst v0  }
0x164: {  	[tilespmem:s8+$0x10] =	vst v1  }
0x165: {  	[tilespmem:s8+$0x20] =	vst v2  }
0x166: {  	[tilespmem:s8+$0xFFFFFFC0] =	vst v4  }
0x167: {  	s8 =	sld [smem:$0x7F1];
	_ =	sdelay $0x2  }
0x168: {  	[hbm4b:s8+s26] =	stream.linear.scatter [tilespmem:s31], [sflag:$0x4], $0x1000, $0x38;
	[tilespmem:$0x6080] =	vst v63  }
0x169: {  	s9 =	rddreg [dreg:$0xe]  }
0x16a: {  	[tilespmem:s25], [sflag:$0x1] =	stream.strided.gather [hbm4b:s9+s25], $0x1000, s24, s25, $0x38;
	[tilespmem:$0x6080] =	vst v63  }
0x16b: {  	_ =	swait.ge [sflag:s0], $0x1000  }
0x16c: {  	[sflag:s0] =	ssyncset.done $0x0  }
0x16d: {  	[sflag:s0] =	ssyncadd.s32 $0xFFFFF000  }
0x16e: {  	_ =	swait.ge [sflag:s5], $0x1000  }
0x16f: {  	[sflag:s5] =	ssyncset.done $0x0  }
0x170: {  	s10 =	simm.s32 $0x10C0;
	[sflag:s5] =	ssyncadd.s32 $0xFFFFF000  }
0x171: {  	v0 =	vld [tilespmem:s10+$0x30]  }
0x172: {  	v1 =	vld [tilespmem:s10+$0xFFFFFFD0]  }
0x173: {  	v2 =	vld [tilespmem:s10+$0xFFFFFFE0]  }
0x174: {  	v3 =	vld [tilespmem:s10+$0xFFFFFFF0]  }
0x175: {  	v4 =	vld [tilespmem:s10+$0x0]  }
0x176: {  	v6 =	vld [tilespmem:s10+$0x10]  }
0x177: {  	v7 =	vld [tilespmem:s10+$0x20]  }
0x178: {  	v8 =	vld [tilespmem:s10+$0xFFFFFFC0]  }
0x179: {  	v9 =	vld.idx.msk [tilespmem:v0+s26+$0x0], $0xffff  }
0x17a: {  	v10 =	vld.idx.msk [tilespmem:v1+s26+$0x0], $0xffff  }
0x17b: {  	v5 =	vld.idx.msk [tilespmem:v2+s26+$0x0], $0xffff  }
0x17c: {  	v3 =	vld.idx.msk [tilespmem:v3+s26+$0x0], $0xffff  }
0x17d: {  	v0 =	vld.idx.msk [tilespmem:v4+s26+$0x0], $0xffff  }
0x17e: {  	s8 =	simm.s32 $0x40C0;
	v1 =	vld.idx.msk [tilespmem:v6+s26+$0x0], $0xffff  }
0x17f: {  	v2 =	vld.idx.msk [tilespmem:v7+s26+$0x0], $0xffff;
	[tilespmem:s8+$0x30] =	vst v9  }
0x180: {  	s9 =	simm.s32 $0x0;
	s10 =	simm.s32 $0x1140;
	v4 =	vld.idx.msk [tilespmem:v8+s26+$0x0], $0xffff;
	[tilespmem:s8+$0xFFFFFFD0] =	vst v10  }
.LBB2_10:
0x181: {  	v6 =	vld [tilespmem:s10+$0x30];
	s9 =	sadd.s32 $0x80, s9;
	[tilespmem:s8+$0xFFFFFFE0] =	vst v5  }
0x182: {  	v5 =	vld [tilespmem:s10+$0xFFFFFFD0];
	p0 =	slt.u32 s9, $0xF80;
	[tilespmem:s8+$0xFFFFFFF0] =	vst v3  }
0x183: {  	v3 =	vld [tilespmem:s10+$0xFFFFFFE0];
	[tilespmem:s8+$0x0] =	vst v0  }
0x184: {  	v0 =	vld [tilespmem:s10+$0xFFFFFFF0];
	[tilespmem:s8+$0x10] =	vst v1  }
0x185: {  	v1 =	vld [tilespmem:s10+$0x0];
	[tilespmem:s8+$0x20] =	vst v2  }
0x186: {  	v2 =	vld [tilespmem:s10+$0x10];
	[tilespmem:s8+$0xFFFFFFC0] =	vst v4  }
0x187: {  	v4 =	vld [tilespmem:s10+$0x20]  }
0x188: {  	v7 =	vld [tilespmem:s10+$0xFFFFFFC0]  }
0x189: {  	v6 =	vld.idx.msk [tilespmem:v6+s26+$0x0], $0xffff  }
0x18a: {  	v8 =	vld.idx.msk [tilespmem:v5+s26+$0x0], $0xffff  }
0x18b: {  	v5 =	vld.idx.msk [tilespmem:v3+s26+$0x0], $0xffff  }
.Ltmp4:
0x18c: {  	v3 =	vld.idx.msk [tilespmem:v0+s26+$0x0], $0xffff;
	(pc) =	sbr.rel @p0 .LBB2_10-.Ltmp4, $4  }
0x18d: {  	v0 =	vld.idx.msk [tilespmem:v1+s26+$0x0], $0xffff  }
0x18e: {  	s8 =	sadd.s32 $0x80, s8;
	v1 =	vld.idx.msk [tilespmem:v2+s26+$0x0], $0xffff  }
0x18f: {  	v2 =	vld.idx.msk [tilespmem:v4+s26+$0x0], $0xffff;
	[tilespmem:s8+$0x30] =	vst v6  }
0x190: {  	s10 =	sadd.s32 $0x80, s10;
	v4 =	vld.idx.msk [tilespmem:v7+s26+$0x0], $0xffff;
	[tilespmem:s8+$0xFFFFFFD0] =	vst v8  }
0x191: {  	[tilespmem:s8+$0xFFFFFFE0] =	vst v5  }
0x192: {  	[tilespmem:s8+$0xFFFFFFF0] =	vst v3  }
0x193: {  	[tilespmem:s8+$0x0] =	vst v0  }
0x194: {  	[tilespmem:s8+$0x10] =	vst v1  }
0x195: {  	[tilespmem:s8+$0x20] =	vst v2  }
0x196: {  	[tilespmem:s8+$0xFFFFFFC0] =	vst v4  }
0x197: {  	s8 =	sld [smem:$0x7F2];
	_ =	sdelay $0x2  }
0x198: {  	[hbm4b:s8+s26] =	stream.linear.scatter [tilespmem:s1], [sflag:$0x5], $0x1000, $0x38;
	[tilespmem:$0x6080] =	vst v63  }
0x199: {  	s9 =	rddreg [dreg:$0xf]  }
0x19a: {  	[tilespmem:s28], [sflag:$0x2] =	stream.strided.gather [hbm4b:s9+s25], $0x1000, s24, s25, $0x38;
	[tilespmem:$0x6080] =	vst v63  }
0x19b: {  	_ =	swait.ge [sflag:s2], $0x1000  }
0x19c: {  	[sflag:s2] =	ssyncset.done $0x0  }
0x19d: {  	[sflag:s2] =	ssyncadd.s32 $0xFFFFF000  }
0x19e: {  	_ =	swait.ge [sflag:s6], $0x1000  }
0x19f: {  	[sflag:s6] =	ssyncset.done $0x0  }
0x1a0: {  	s10 =	simm.s32 $0x20C0;
	[sflag:s6] =	ssyncadd.s32 $0xFFFFF000  }
0x1a1: {  	v0 =	vld [tilespmem:s10+$0x30]  }
0x1a2: {  	v1 =	vld [tilespmem:s10+$0xFFFFFFD0]  }
0x1a3: {  	v2 =	vld [tilespmem:s10+$0xFFFFFFE0]  }
0x1a4: {  	v3 =	vld [tilespmem:s10+$0xFFFFFFF0]  }
0x1a5: {  	v4 =	vld [tilespmem:s10+$0x0]  }
0x1a6: {  	v6 =	vld [tilespmem:s10+$0x10]  }
0x1a7: {  	v7 =	vld [tilespmem:s10+$0x20]  }
0x1a8: {  	v8 =	vld [tilespmem:s10+$0xFFFFFFC0]  }
0x1a9: {  	v9 =	vld.idx.msk [tilespmem:v0+s26+$0x0], $0xffff  }
0x1aa: {  	v10 =	vld.idx.msk [tilespmem:v1+s26+$0x0], $0xffff  }
0x1ab: {  	v5 =	vld.idx.msk [tilespmem:v2+s26+$0x0], $0xffff  }
0x1ac: {  	v3 =	vld.idx.msk [tilespmem:v3+s26+$0x0], $0xffff  }
0x1ad: {  	v0 =	vld.idx.msk [tilespmem:v4+s26+$0x0], $0xffff  }
0x1ae: {  	s8 =	simm.s32 $0x50C0;
	v1 =	vld.idx.msk [tilespmem:v6+s26+$0x0], $0xffff  }
0x1af: {  	v2 =	vld.idx.msk [tilespmem:v7+s26+$0x0], $0xffff;
	[tilespmem:s8+$0x30] =	vst v9  }
0x1b0: {  	s9 =	simm.s32 $0x0;
	s10 =	simm.s32 $0x2140;
	v4 =	vld.idx.msk [tilespmem:v8+s26+$0x0], $0xffff;
	[tilespmem:s8+$0xFFFFFFD0] =	vst v10  }
.LBB2_12:
0x1b1: {  	v6 =	vld [tilespmem:s10+$0x30];
	s9 =	sadd.s32 $0x80, s9;
	[tilespmem:s8+$0xFFFFFFE0] =	vst v5  }
0x1b2: {  	v5 =	vld [tilespmem:s10+$0xFFFFFFD0];
	p0 =	slt.u32 s9, $0xF80;
	[tilespmem:s8+$0xFFFFFFF0] =	vst v3  }
0x1b3: {  	v3 =	vld [tilespmem:s10+$0xFFFFFFE0];
	[tilespmem:s8+$0x0] =	vst v0  }
0x1b4: {  	v0 =	vld [tilespmem:s10+$0xFFFFFFF0];
	[tilespmem:s8+$0x10] =	vst v1  }
0x1b5: {  	v1 =	vld [tilespmem:s10+$0x0];
	[tilespmem:s8+$0x20] =	vst v2  }
0x1b6: {  	v2 =	vld [tilespmem:s10+$0x10];
	[tilespmem:s8+$0xFFFFFFC0] =	vst v4  }
0x1b7: {  	v4 =	vld [tilespmem:s10+$0x20]  }
0x1b8: {  	v7 =	vld [tilespmem:s10+$0xFFFFFFC0]  }
0x1b9: {  	v6 =	vld.idx.msk [tilespmem:v6+s26+$0x0], $0xffff  }
0x1ba: {  	v8 =	vld.idx.msk [tilespmem:v5+s26+$0x0], $0xffff  }
0x1bb: {  	v5 =	vld.idx.msk [tilespmem:v3+s26+$0x0], $0xffff  }
.Ltmp5:
0x1bc: {  	v3 =	vld.idx.msk [tilespmem:v0+s26+$0x0], $0xffff;
	(pc) =	sbr.rel @p0 .LBB2_12-.Ltmp5, $4  }
0x1bd: {  	v0 =	vld.idx.msk [tilespmem:v1+s26+$0x0], $0xffff  }
0x1be: {  	s8 =	sadd.s32 $0x80, s8;
	v1 =	vld.idx.msk [tilespmem:v2+s26+$0x0], $0xffff  }
0x1bf: {  	v2 =	vld.idx.msk [tilespmem:v4+s26+$0x0], $0xffff;
	[tilespmem:s8+$0x30] =	vst v6  }
0x1c0: {  	s10 =	sadd.s32 $0x80, s10;
	v4 =	vld.idx.msk [tilespmem:v7+s26+$0x0], $0xffff;
	[tilespmem:s8+$0xFFFFFFD0] =	vst v8  }
0x1c1: {  	[tilespmem:s8+$0xFFFFFFE0] =	vst v5  }
0x1c2: {  	[tilespmem:s8+$0xFFFFFFF0] =	vst v3  }
0x1c3: {  	[tilespmem:s8+$0x0] =	vst v0  }
0x1c4: {  	[tilespmem:s8+$0x10] =	vst v1  }
0x1c5: {  	[tilespmem:s8+$0x20] =	vst v2  }
0x1c6: {  	[tilespmem:s8+$0xFFFFFFC0] =	vst v4  }
0x1c7: {  	s8 =	sld [smem:$0x7F3];
	_ =	sdelay $0x2  }
0x1c8: {  	[hbm4b:s8+s26] =	stream.linear.scatter [tilespmem:s3], [sflag:$0x6], $0x1000, $0x38;
	[tilespmem:$0x6080] =	vst v63  }
0x1c9: {  	s9 =	rddreg [dreg:$0x6]  }
0x1ca: {  	[tilespmem:s29], [sflag:$0x3] =	stream.strided.gather [hbm4b:s9+s25], $0x1000, s24, s25, $0x38;
	[tilespmem:$0x6080] =	vst v63  }
0x1cb: {  	_ =	swait.ge [sflag:s30], $0x1000  }
0x1cc: {  	[sflag:s30] =	ssyncset.done $0x0  }
0x1cd: {  	[sflag:s30] =	ssyncadd.s32 $0xFFFFF000  }
0x1ce: {  	_ =	swait.ge [sflag:s4], $0x1000  }
0x1cf: {  	[sflag:s4] =	ssyncset.done $0x0  }
0x1d0: {  	s10 =	simm.s32 $0xC0;
	[sflag:s4] =	ssyncadd.s32 $0xFFFFF000  }
0x1d1: {  	v0 =	vld [tilespmem:s10+$0x30]  }
0x1d2: {  	v1 =	vld [tilespmem:s10+$0xFFFFFFD0]  }
0x1d3: {  	v2 =	vld [tilespmem:s10+$0xFFFFFFE0]  }
0x1d4: {  	v3 =	vld [tilespmem:s10+$0xFFFFFFF0]  }
0x1d5: {  	v4 =	vld [tilespmem:s10+$0x0]  }
0x1d6: {  	v6 =	vld [tilespmem:s10+$0x10]  }
0x1d7: {  	v7 =	vld [tilespmem:s10+$0x20]  }
0x1d8: {  	v8 =	vld [tilespmem:s10+$0xFFFFFFC0]  }
0x1d9: {  	v9 =	vld.idx.msk [tilespmem:v0+s26+$0x0], $0xffff  }
0x1da: {  	v10 =	vld.idx.msk [tilespmem:v1+s26+$0x0], $0xffff  }
0x1db: {  	v5 =	vld.idx.msk [tilespmem:v2+s26+$0x0], $0xffff  }
0x1dc: {  	v3 =	vld.idx.msk [tilespmem:v3+s26+$0x0], $0xffff  }
0x1dd: {  	v0 =	vld.idx.msk [tilespmem:v4+s26+$0x0], $0xffff  }
0x1de: {  	s8 =	simm.s32 $0x30C0;
	v1 =	vld.idx.msk [tilespmem:v6+s26+$0x0], $0xffff  }
0x1df: {  	v2 =	vld.idx.msk [tilespmem:v7+s26+$0x0], $0xffff;
	[tilespmem:s8+$0x30] =	vst v9  }
0x1e0: {  	s9 =	simm.s32 $0x0;
	s10 =	simm.s32 $0x140;
	v4 =	vld.idx.msk [tilespmem:v8+s26+$0x0], $0xffff;
	[tilespmem:s8+$0xFFFFFFD0] =	vst v10  }
.LBB2_14:
0x1e1: {  	v6 =	vld [tilespmem:s10+$0x30];
	s9 =	sadd.s32 $0x80, s9;
	[tilespmem:s8+$0xFFFFFFE0] =	vst v5  }
0x1e2: {  	v5 =	vld [tilespmem:s10+$0xFFFFFFD0];
	p0 =	slt.u32 s9, $0xF80;
	[tilespmem:s8+$0xFFFFFFF0] =	vst v3  }
0x1e3: {  	v3 =	vld [tilespmem:s10+$0xFFFFFFE0];
	[tilespmem:s8+$0x0] =	vst v0  }
0x1e4: {  	v0 =	vld [tilespmem:s10+$0xFFFFFFF0];
	[tilespmem:s8+$0x10] =	vst v1  }
0x1e5: {  	v1 =	vld [tilespmem:s10+$0x0];
	[tilespmem:s8+$0x20] =	vst v2  }
0x1e6: {  	v2 =	vld [tilespmem:s10+$0x10];
	[tilespmem:s8+$0xFFFFFFC0] =	vst v4  }
0x1e7: {  	v4 =	vld [tilespmem:s10+$0x20]  }
0x1e8: {  	v7 =	vld [tilespmem:s10+$0xFFFFFFC0]  }
0x1e9: {  	v6 =	vld.idx.msk [tilespmem:v6+s26+$0x0], $0xffff  }
0x1ea: {  	v8 =	vld.idx.msk [tilespmem:v5+s26+$0x0], $0xffff  }
0x1eb: {  	v5 =	vld.idx.msk [tilespmem:v3+s26+$0x0], $0xffff  }
.Ltmp6:
0x1ec: {  	v3 =	vld.idx.msk [tilespmem:v0+s26+$0x0], $0xffff;
	(pc) =	sbr.rel @p0 .LBB2_14-.Ltmp6, $4  }
0x1ed: {  	v0 =	vld.idx.msk [tilespmem:v1+s26+$0x0], $0xffff  }
0x1ee: {  	s8 =	sadd.s32 $0x80, s8;
	v1 =	vld.idx.msk [tilespmem:v2+s26+$0x0], $0xffff  }
0x1ef: {  	v2 =	vld.idx.msk [tilespmem:v4+s26+$0x0], $0xffff;
	[tilespmem:s8+$0x30] =	vst v6  }
0x1f0: {  	s10 =	sadd.s32 $0x80, s10;
	v4 =	vld.idx.msk [tilespmem:v7+s26+$0x0], $0xffff;
	[tilespmem:s8+$0xFFFFFFD0] =	vst v8  }
0x1f1: {  	[tilespmem:s8+$0xFFFFFFE0] =	vst v5  }
0x1f2: {  	[tilespmem:s8+$0xFFFFFFF0] =	vst v3  }
0x1f3: {  	[tilespmem:s8+$0x0] =	vst v0  }
0x1f4: {  	[tilespmem:s8+$0x10] =	vst v1  }
0x1f5: {  	[tilespmem:s8+$0x20] =	vst v2  }
0x1f6: {  	[tilespmem:s8+$0xFFFFFFC0] =	vst v4  }
0x1f7: {  	s8 =	sld [smem:$0x7F4];
	_ =	sdelay $0x2  }
0x1f8: {  	[hbm4b:s8+s26] =	stream.linear.scatter [tilespmem:s31], [sflag:$0x4], $0x1000, $0x38;
	[tilespmem:$0x6080] =	vst v63  }
0x1f9: {  	s9 =	rddreg [dreg:$0x10]  }
0x1fa: {  	[tilespmem:s25], [sflag:$0x1] =	stream.strided.gather [hbm4b:s9+s25], $0x1000, s24, s25, $0x38;
	[tilespmem:$0x6080] =	vst v63  }
0x1fb: {  	_ =	swait.ge [sflag:s0], $0x1000  }
0x1fc: {  	[sflag:s0] =	ssyncset.done $0x0  }
0x1fd: {  	[sflag:s0] =	ssyncadd.s32 $0xFFFFF000  }
0x1fe: {  	_ =	swait.ge [sflag:s5], $0x1000  }
0x1ff: {  	[sflag:s5] =	ssyncset.done $0x0  }
0x200: {  	s10 =	simm.s32 $0x10C0;
	[sflag:s5] =	ssyncadd.s32 $0xFFFFF000  }
0x201: {  	v0 =	vld [tilespmem:s10+$0x30]  }
0x202: {  	v1 =	vld [tilespmem:s10+$0xFFFFFFD0]  }
0x203: {  	v2 =	vld [tilespmem:s10+$0xFFFFFFE0]  }
0x204: {  	v3 =	vld [tilespmem:s10+$0xFFFFFFF0]  }
0x205: {  	v4 =	vld [tilespmem:s10+$0x0]  }
0x206: {  	v6 =	vld [tilespmem:s10+$0x10]  }
0x207: {  	v7 =	vld [tilespmem:s10+$0x20]  }
0x208: {  	v8 =	vld [tilespmem:s10+$0xFFFFFFC0]  }
0x209: {  	v9 =	vld.idx.msk [tilespmem:v0+s26+$0x0], $0xffff  }
0x20a: {  	v10 =	vld.idx.msk [tilespmem:v1+s26+$0x0], $0xffff  }
0x20b: {  	v5 =	vld.idx.msk [tilespmem:v2+s26+$0x0], $0xffff  }
0x20c: {  	v3 =	vld.idx.msk [tilespmem:v3+s26+$0x0], $0xffff  }
0x20d: {  	v0 =	vld.idx.msk [tilespmem:v4+s26+$0x0], $0xffff  }
0x20e: {  	s8 =	simm.s32 $0x40C0;
	v1 =	vld.idx.msk [tilespmem:v6+s26+$0x0], $0xffff  }
0x20f: {  	v2 =	vld.idx.msk [tilespmem:v7+s26+$0x0], $0xffff;
	[tilespmem:s8+$0x30] =	vst v9  }
0x210: {  	s9 =	simm.s32 $0x0;
	s10 =	simm.s32 $0x1140;
	v4 =	vld.idx.msk [tilespmem:v8+s26+$0x0], $0xffff;
	[tilespmem:s8+$0xFFFFFFD0] =	vst v10  }
.LBB2_16:
0x211: {  	v6 =	vld [tilespmem:s10+$0x30];
	s9 =	sadd.s32 $0x80, s9;
	[tilespmem:s8+$0xFFFFFFE0] =	vst v5  }
0x212: {  	v5 =	vld [tilespmem:s10+$0xFFFFFFD0];
	p0 =	slt.u32 s9, $0xF80;
	[tilespmem:s8+$0xFFFFFFF0] =	vst v3  }
0x213: {  	v3 =	vld [tilespmem:s10+$0xFFFFFFE0];
	[tilespmem:s8+$0x0] =	vst v0  }
0x214: {  	v0 =	vld [tilespmem:s10+$0xFFFFFFF0];
	[tilespmem:s8+$0x10] =	vst v1  }
0x215: {  	v1 =	vld [tilespmem:s10+$0x0];
	[tilespmem:s8+$0x20] =	vst v2  }
0x216: {  	v2 =	vld [tilespmem:s10+$0x10];
	[tilespmem:s8+$0xFFFFFFC0] =	vst v4  }
0x217: {  	v4 =	vld [tilespmem:s10+$0x20]  }
0x218: {  	v7 =	vld [tilespmem:s10+$0xFFFFFFC0]  }
0x219: {  	v6 =	vld.idx.msk [tilespmem:v6+s26+$0x0], $0xffff  }
0x21a: {  	v8 =	vld.idx.msk [tilespmem:v5+s26+$0x0], $0xffff  }
0x21b: {  	v5 =	vld.idx.msk [tilespmem:v3+s26+$0x0], $0xffff  }
.Ltmp7:
0x21c: {  	v3 =	vld.idx.msk [tilespmem:v0+s26+$0x0], $0xffff;
	(pc) =	sbr.rel @p0 .LBB2_16-.Ltmp7, $4  }
0x21d: {  	v0 =	vld.idx.msk [tilespmem:v1+s26+$0x0], $0xffff  }
0x21e: {  	s8 =	sadd.s32 $0x80, s8;
	v1 =	vld.idx.msk [tilespmem:v2+s26+$0x0], $0xffff  }
0x21f: {  	v2 =	vld.idx.msk [tilespmem:v4+s26+$0x0], $0xffff;
	[tilespmem:s8+$0x30] =	vst v6  }
0x220: {  	s10 =	sadd.s32 $0x80, s10;
	v4 =	vld.idx.msk [tilespmem:v7+s26+$0x0], $0xffff;
	[tilespmem:s8+$0xFFFFFFD0] =	vst v8  }
0x221: {  	[tilespmem:s8+$0xFFFFFFE0] =	vst v5  }
0x222: {  	[tilespmem:s8+$0xFFFFFFF0] =	vst v3  }
0x223: {  	[tilespmem:s8+$0x0] =	vst v0  }
0x224: {  	[tilespmem:s8+$0x10] =	vst v1  }
0x225: {  	[tilespmem:s8+$0x20] =	vst v2  }
0x226: {  	[tilespmem:s8+$0xFFFFFFC0] =	vst v4  }
0x227: {  	s8 =	sld [smem:$0x7F5];
	_ =	sdelay $0x2  }
0x228: {  	[hbm4b:s8+s26] =	stream.linear.scatter [tilespmem:s1], [sflag:$0x5], $0x1000, $0x38;
	[tilespmem:$0x6080] =	vst v63  }
0x229: {  	s9 =	rddreg [dreg:$0x11]  }
0x22a: {  	[tilespmem:s28], [sflag:$0x2] =	stream.strided.gather [hbm4b:s9+s25], $0x1000, s24, s25, $0x38;
	[tilespmem:$0x6080] =	vst v63  }
0x22b: {  	_ =	swait.ge [sflag:s2], $0x1000  }
0x22c: {  	[sflag:s2] =	ssyncset.done $0x0  }
0x22d: {  	[sflag:s2] =	ssyncadd.s32 $0xFFFFF000  }
0x22e: {  	_ =	swait.ge [sflag:s6], $0x1000  }
0x22f: {  	[sflag:s6] =	ssyncset.done $0x0  }
0x230: {  	s10 =	simm.s32 $0x20C0;
	[sflag:s6] =	ssyncadd.s32 $0xFFFFF000  }
0x231: {  	v0 =	vld [tilespmem:s10+$0x30]  }
0x232: {  	v1 =	vld [tilespmem:s10+$0xFFFFFFD0]  }
0x233: {  	v2 =	vld [tilespmem:s10+$0xFFFFFFE0]  }
0x234: {  	v3 =	vld [tilespmem:s10+$0xFFFFFFF0]  }
0x235: {  	v4 =	vld [tilespmem:s10+$0x0]  }
0x236: {  	v6 =	vld [tilespmem:s10+$0x10]  }
0x237: {  	v7 =	vld [tilespmem:s10+$0x20]  }
0x238: {  	v8 =	vld [tilespmem:s10+$0xFFFFFFC0]  }
0x239: {  	v9 =	vld.idx.msk [tilespmem:v0+s26+$0x0], $0xffff  }
0x23a: {  	v10 =	vld.idx.msk [tilespmem:v1+s26+$0x0], $0xffff  }
0x23b: {  	v5 =	vld.idx.msk [tilespmem:v2+s26+$0x0], $0xffff  }
0x23c: {  	v3 =	vld.idx.msk [tilespmem:v3+s26+$0x0], $0xffff  }
0x23d: {  	v0 =	vld.idx.msk [tilespmem:v4+s26+$0x0], $0xffff  }
0x23e: {  	s8 =	simm.s32 $0x50C0;
	v1 =	vld.idx.msk [tilespmem:v6+s26+$0x0], $0xffff  }
0x23f: {  	v2 =	vld.idx.msk [tilespmem:v7+s26+$0x0], $0xffff;
	[tilespmem:s8+$0x30] =	vst v9  }
0x240: {  	s9 =	simm.s32 $0x0;
	s10 =	simm.s32 $0x2140;
	v4 =	vld.idx.msk [tilespmem:v8+s26+$0x0], $0xffff;
	[tilespmem:s8+$0xFFFFFFD0] =	vst v10  }
.LBB2_18:
0x241: {  	v6 =	vld [tilespmem:s10+$0x30];
	s9 =	sadd.s32 $0x80, s9;
	[tilespmem:s8+$0xFFFFFFE0] =	vst v5  }
0x242: {  	v5 =	vld [tilespmem:s10+$0xFFFFFFD0];
	p0 =	slt.u32 s9, $0xF80;
	[tilespmem:s8+$0xFFFFFFF0] =	vst v3  }
0x243: {  	v3 =	vld [tilespmem:s10+$0xFFFFFFE0];
	[tilespmem:s8+$0x0] =	vst v0  }
0x244: {  	v0 =	vld [tilespmem:s10+$0xFFFFFFF0];
	[tilespmem:s8+$0x10] =	vst v1  }
0x245: {  	v1 =	vld [tilespmem:s10+$0x0];
	[tilespmem:s8+$0x20] =	vst v2  }
0x246: {  	v2 =	vld [tilespmem:s10+$0x10];
	[tilespmem:s8+$0xFFFFFFC0] =	vst v4  }
0x247: {  	v4 =	vld [tilespmem:s10+$0x20]  }
0x248: {  	v7 =	vld [tilespmem:s10+$0xFFFFFFC0]  }
0x249: {  	v6 =	vld.idx.msk [tilespmem:v6+s26+$0x0], $0xffff  }
0x24a: {  	v8 =	vld.idx.msk [tilespmem:v5+s26+$0x0], $0xffff  }
0x24b: {  	v5 =	vld.idx.msk [tilespmem:v3+s26+$0x0], $0xffff  }
.Ltmp8:
0x24c: {  	v3 =	vld.idx.msk [tilespmem:v0+s26+$0x0], $0xffff;
	(pc) =	sbr.rel @p0 .LBB2_18-.Ltmp8, $4  }
0x24d: {  	v0 =	vld.idx.msk [tilespmem:v1+s26+$0x0], $0xffff  }
0x24e: {  	s8 =	sadd.s32 $0x80, s8;
	v1 =	vld.idx.msk [tilespmem:v2+s26+$0x0], $0xffff  }
0x24f: {  	v2 =	vld.idx.msk [tilespmem:v4+s26+$0x0], $0xffff;
	[tilespmem:s8+$0x30] =	vst v6  }
0x250: {  	s10 =	sadd.s32 $0x80, s10;
	v4 =	vld.idx.msk [tilespmem:v7+s26+$0x0], $0xffff;
	[tilespmem:s8+$0xFFFFFFD0] =	vst v8  }
0x251: {  	[tilespmem:s8+$0xFFFFFFE0] =	vst v5  }
0x252: {  	[tilespmem:s8+$0xFFFFFFF0] =	vst v3  }
0x253: {  	[tilespmem:s8+$0x0] =	vst v0  }
0x254: {  	[tilespmem:s8+$0x10] =	vst v1  }
0x255: {  	[tilespmem:s8+$0x20] =	vst v2  }
0x256: {  	[tilespmem:s8+$0xFFFFFFC0] =	vst v4  }
0x257: {  	s8 =	sld [smem:$0x7F6];
	_ =	sdelay $0x2  }
0x258: {  	[hbm4b:s8+s26] =	stream.linear.scatter [tilespmem:s3], [sflag:$0x6], $0x1000, $0x38;
	[tilespmem:$0x6080] =	vst v63  }
0x259: {  	s9 =	rddreg [dreg:$0x12]  }
0x25a: {  	[tilespmem:s29], [sflag:$0x3] =	stream.strided.gather [hbm4b:s9+s25], $0x1000, s24, s25, $0x38;
	[tilespmem:$0x6080] =	vst v63  }
0x25b: {  	_ =	swait.ge [sflag:s30], $0x1000  }
0x25c: {  	[sflag:s30] =	ssyncset.done $0x0  }
0x25d: {  	[sflag:s30] =	ssyncadd.s32 $0xFFFFF000  }
0x25e: {  	_ =	swait.ge [sflag:s4], $0x1000  }
0x25f: {  	[sflag:s4] =	ssyncset.done $0x0  }
0x260: {  	s10 =	simm.s32 $0xC0;
	[sflag:s4] =	ssyncadd.s32 $0xFFFFF000  }
0x261: {  	v0 =	vld [tilespmem:s10+$0x30]  }
0x262: {  	v1 =	vld [tilespmem:s10+$0xFFFFFFD0]  }
0x263: {  	v2 =	vld [tilespmem:s10+$0xFFFFFFE0]  }
0x264: {  	v3 =	vld [tilespmem:s10+$0xFFFFFFF0]  }
0x265: {  	v4 =	vld [tilespmem:s10+$0x0]  }
0x266: {  	v6 =	vld [tilespmem:s10+$0x10]  }
0x267: {  	v7 =	vld [tilespmem:s10+$0x20]  }
0x268: {  	v8 =	vld [tilespmem:s10+$0xFFFFFFC0]  }
0x269: {  	v9 =	vld.idx.msk [tilespmem:v0+s26+$0x0], $0xffff  }
0x26a: {  	v10 =	vld.idx.msk [tilespmem:v1+s26+$0x0], $0xffff  }
0x26b: {  	v5 =	vld.idx.msk [tilespmem:v2+s26+$0x0], $0xffff  }
0x26c: {  	v3 =	vld.idx.msk [tilespmem:v3+s26+$0x0], $0xffff  }
0x26d: {  	v0 =	vld.idx.msk [tilespmem:v4+s26+$0x0], $0xffff  }
0x26e: {  	s8 =	simm.s32 $0x30C0;
	v1 =	vld.idx.msk [tilespmem:v6+s26+$0x0], $0xffff  }
0x26f: {  	v2 =	vld.idx.msk [tilespmem:v7+s26+$0x0], $0xffff;
	[tilespmem:s8+$0x30] =	vst v9  }
0x270: {  	s9 =	simm.s32 $0x0;
	s10 =	simm.s32 $0x140;
	v4 =	vld.idx.msk [tilespmem:v8+s26+$0x0], $0xffff;
	[tilespmem:s8+$0xFFFFFFD0] =	vst v10  }
.LBB2_20:
0x271: {  	v6 =	vld [tilespmem:s10+$0x30];
	s9 =	sadd.s32 $0x80, s9;
	[tilespmem:s8+$0xFFFFFFE0] =	vst v5  }
0x272: {  	v5 =	vld [tilespmem:s10+$0xFFFFFFD0];
	p0 =	slt.u32 s9, $0xF80;
	[tilespmem:s8+$0xFFFFFFF0] =	vst v3  }
0x273: {  	v3 =	vld [tilespmem:s10+$0xFFFFFFE0];
	[tilespmem:s8+$0x0] =	vst v0  }
0x274: {  	v0 =	vld [tilespmem:s10+$0xFFFFFFF0];
	[tilespmem:s8+$0x10] =	vst v1  }
0x275: {  	v1 =	vld [tilespmem:s10+$0x0];
	[tilespmem:s8+$0x20] =	vst v2  }
0x276: {  	v2 =	vld [tilespmem:s10+$0x10];
	[tilespmem:s8+$0xFFFFFFC0] =	vst v4  }
0x277: {  	v4 =	vld [tilespmem:s10+$0x20]  }
0x278: {  	v7 =	vld [tilespmem:s10+$0xFFFFFFC0]  }
0x279: {  	v6 =	vld.idx.msk [tilespmem:v6+s26+$0x0], $0xffff  }
0x27a: {  	v8 =	vld.idx.msk [tilespmem:v5+s26+$0x0], $0xffff  }
0x27b: {  	v5 =	vld.idx.msk [tilespmem:v3+s26+$0x0], $0xffff  }
.Ltmp9:
0x27c: {  	v3 =	vld.idx.msk [tilespmem:v0+s26+$0x0], $0xffff;
	(pc) =	sbr.rel @p0 .LBB2_20-.Ltmp9, $4  }
0x27d: {  	v0 =	vld.idx.msk [tilespmem:v1+s26+$0x0], $0xffff  }
0x27e: {  	s8 =	sadd.s32 $0x80, s8;
	v1 =	vld.idx.msk [tilespmem:v2+s26+$0x0], $0xffff  }
0x27f: {  	v2 =	vld.idx.msk [tilespmem:v4+s26+$0x0], $0xffff;
	[tilespmem:s8+$0x30] =	vst v6  }
0x280: {  	s10 =	sadd.s32 $0x80, s10;
	v4 =	vld.idx.msk [tilespmem:v7+s26+$0x0], $0xffff;
	[tilespmem:s8+$0xFFFFFFD0] =	vst v8  }
0x281: {  	[tilespmem:s8+$0xFFFFFFE0] =	vst v5  }
0x282: {  	[tilespmem:s8+$0xFFFFFFF0] =	vst v3  }
0x283: {  	[tilespmem:s8+$0x0] =	vst v0  }
0x284: {  	[tilespmem:s8+$0x10] =	vst v1  }
0x285: {  	[tilespmem:s8+$0x20] =	vst v2  }
0x286: {  	[tilespmem:s8+$0xFFFFFFC0] =	vst v4  }
0x287: {  	s8 =	sld [smem:$0x7F7];
	_ =	sdelay $0x2  }
0x288: {  	[hbm4b:s8+s26] =	stream.linear.scatter [tilespmem:s31], [sflag:$0x4], $0x1000, $0x38;
	[tilespmem:$0x6080] =	vst v63  }
0x289: {  	s9 =	rddreg [dreg:$0x7]  }
0x28a: {  	[tilespmem:s25], [sflag:$0x1] =	stream.strided.gather [hbm4b:s9+s25], $0x1000, s24, s25, $0x38;
	[tilespmem:$0x6080] =	vst v63  }
0x28b: {  	_ =	swait.ge [sflag:s0], $0x1000  }
0x28c: {  	[sflag:s0] =	ssyncset.done $0x0  }
0x28d: {  	[sflag:s0] =	ssyncadd.s32 $0xFFFFF000  }
0x28e: {  	_ =	swait.ge [sflag:s5], $0x1000  }
0x28f: {  	[sflag:s5] =	ssyncset.done $0x0  }
0x290: {  	s10 =	simm.s32 $0x10C0;
	[sflag:s5] =	ssyncadd.s32 $0xFFFFF000  }
0x291: {  	v0 =	vld [tilespmem:s10+$0x30]  }
0x292: {  	v1 =	vld [tilespmem:s10+$0xFFFFFFD0]  }
0x293: {  	v2 =	vld [tilespmem:s10+$0xFFFFFFE0]  }
0x294: {  	v3 =	vld [tilespmem:s10+$0xFFFFFFF0]  }
0x295: {  	v4 =	vld [tilespmem:s10+$0x0]  }
0x296: {  	v6 =	vld [tilespmem:s10+$0x10]  }
0x297: {  	v7 =	vld [tilespmem:s10+$0x20]  }
0x298: {  	v8 =	vld [tilespmem:s10+$0xFFFFFFC0]  }
0x299: {  	v9 =	vld.idx.msk [tilespmem:v0+s26+$0x0], $0xffff  }
0x29a: {  	v10 =	vld.idx.msk [tilespmem:v1+s26+$0x0], $0xffff  }
0x29b: {  	v5 =	vld.idx.msk [tilespmem:v2+s26+$0x0], $0xffff  }
0x29c: {  	v3 =	vld.idx.msk [tilespmem:v3+s26+$0x0], $0xffff  }
0x29d: {  	v0 =	vld.idx.msk [tilespmem:v4+s26+$0x0], $0xffff  }
0x29e: {  	s8 =	simm.s32 $0x40C0;
	v1 =	vld.idx.msk [tilespmem:v6+s26+$0x0], $0xffff  }
0x29f: {  	v2 =	vld.idx.msk [tilespmem:v7+s26+$0x0], $0xffff;
	[tilespmem:s8+$0x30] =	vst v9  }
0x2a0: {  	s9 =	simm.s32 $0x0;
	s10 =	simm.s32 $0x1140;
	v4 =	vld.idx.msk [tilespmem:v8+s26+$0x0], $0xffff;
	[tilespmem:s8+$0xFFFFFFD0] =	vst v10  }
.LBB2_22:
0x2a1: {  	v6 =	vld [tilespmem:s10+$0x30];
	s9 =	sadd.s32 $0x80, s9;
	[tilespmem:s8+$0xFFFFFFE0] =	vst v5  }
0x2a2: {  	v5 =	vld [tilespmem:s10+$0xFFFFFFD0];
	p0 =	slt.u32 s9, $0xF80;
	[tilespmem:s8+$0xFFFFFFF0] =	vst v3  }
0x2a3: {  	v3 =	vld [tilespmem:s10+$0xFFFFFFE0];
	[tilespmem:s8+$0x0] =	vst v0  }
0x2a4: {  	v0 =	vld [tilespmem:s10+$0xFFFFFFF0];
	[tilespmem:s8+$0x10] =	vst v1  }
0x2a5: {  	v1 =	vld [tilespmem:s10+$0x0];
	[tilespmem:s8+$0x20] =	vst v2  }
0x2a6: {  	v2 =	vld [tilespmem:s10+$0x10];
	[tilespmem:s8+$0xFFFFFFC0] =	vst v4  }
0x2a7: {  	v4 =	vld [tilespmem:s10+$0x20]  }
0x2a8: {  	v7 =	vld [tilespmem:s10+$0xFFFFFFC0]  }
0x2a9: {  	v6 =	vld.idx.msk [tilespmem:v6+s26+$0x0], $0xffff  }
0x2aa: {  	v8 =	vld.idx.msk [tilespmem:v5+s26+$0x0], $0xffff  }
0x2ab: {  	v5 =	vld.idx.msk [tilespmem:v3+s26+$0x0], $0xffff  }
.Ltmp10:
0x2ac: {  	v3 =	vld.idx.msk [tilespmem:v0+s26+$0x0], $0xffff;
	(pc) =	sbr.rel @p0 .LBB2_22-.Ltmp10, $4  }
0x2ad: {  	v0 =	vld.idx.msk [tilespmem:v1+s26+$0x0], $0xffff  }
0x2ae: {  	s8 =	sadd.s32 $0x80, s8;
	v1 =	vld.idx.msk [tilespmem:v2+s26+$0x0], $0xffff  }
0x2af: {  	v2 =	vld.idx.msk [tilespmem:v4+s26+$0x0], $0xffff;
	[tilespmem:s8+$0x30] =	vst v6  }
0x2b0: {  	s10 =	sadd.s32 $0x80, s10;
	v4 =	vld.idx.msk [tilespmem:v7+s26+$0x0], $0xffff;
	[tilespmem:s8+$0xFFFFFFD0] =	vst v8  }
0x2b1: {  	[tilespmem:s8+$0xFFFFFFE0] =	vst v5  }
0x2b2: {  	[tilespmem:s8+$0xFFFFFFF0] =	vst v3  }
0x2b3: {  	[tilespmem:s8+$0x0] =	vst v0  }
0x2b4: {  	[tilespmem:s8+$0x10] =	vst v1  }
0x2b5: {  	[tilespmem:s8+$0x20] =	vst v2  }
0x2b6: {  	[tilespmem:s8+$0xFFFFFFC0] =	vst v4  }
0x2b7: {  	s8 =	sld [smem:$0x7F8];
	_ =	sdelay $0x2  }
0x2b8: {  	[hbm4b:s8+s26] =	stream.linear.scatter [tilespmem:s1], [sflag:$0x5], $0x1000, $0x38;
	[tilespmem:$0x6080] =	vst v63  }
0x2b9: {  	s9 =	rddreg [dreg:$0x13]  }
0x2ba: {  	[tilespmem:s28], [sflag:$0x2] =	stream.strided.gather [hbm4b:s9+s25], $0x1000, s24, s25, $0x38;
	[tilespmem:$0x6080] =	vst v63  }
0x2bb: {  	_ =	swait.ge [sflag:s2], $0x1000  }
0x2bc: {  	[sflag:s2] =	ssyncset.done $0x0  }
0x2bd: {  	[sflag:s2] =	ssyncadd.s32 $0xFFFFF000  }
0x2be: {  	_ =	swait.ge [sflag:s6], $0x1000  }
0x2bf: {  	[sflag:s6] =	ssyncset.done $0x0  }
0x2c0: {  	s10 =	simm.s32 $0x20C0;
	[sflag:s6] =	ssyncadd.s32 $0xFFFFF000  }
0x2c1: {  	v0 =	vld [tilespmem:s10+$0x30]  }
0x2c2: {  	v1 =	vld [tilespmem:s10+$0xFFFFFFD0]  }
0x2c3: {  	v2 =	vld [tilespmem:s10+$0xFFFFFFE0]  }
0x2c4: {  	v3 =	vld [tilespmem:s10+$0xFFFFFFF0]  }
0x2c5: {  	v4 =	vld [tilespmem:s10+$0x0]  }
0x2c6: {  	v6 =	vld [tilespmem:s10+$0x10]  }
0x2c7: {  	v7 =	vld [tilespmem:s10+$0x20]  }
0x2c8: {  	v8 =	vld [tilespmem:s10+$0xFFFFFFC0]  }
0x2c9: {  	v9 =	vld.idx.msk [tilespmem:v0+s26+$0x0], $0xffff  }
0x2ca: {  	v10 =	vld.idx.msk [tilespmem:v1+s26+$0x0], $0xffff  }
0x2cb: {  	v5 =	vld.idx.msk [tilespmem:v2+s26+$0x0], $0xffff  }
0x2cc: {  	v3 =	vld.idx.msk [tilespmem:v3+s26+$0x0], $0xffff  }
0x2cd: {  	v0 =	vld.idx.msk [tilespmem:v4+s26+$0x0], $0xffff  }
0x2ce: {  	s8 =	simm.s32 $0x50C0;
	v1 =	vld.idx.msk [tilespmem:v6+s26+$0x0], $0xffff  }
0x2cf: {  	v2 =	vld.idx.msk [tilespmem:v7+s26+$0x0], $0xffff;
	[tilespmem:s8+$0x30] =	vst v9  }
0x2d0: {  	s9 =	simm.s32 $0x0;
	s10 =	simm.s32 $0x2140;
	v4 =	vld.idx.msk [tilespmem:v8+s26+$0x0], $0xffff;
	[tilespmem:s8+$0xFFFFFFD0] =	vst v10  }
.LBB2_24:
0x2d1: {  	v6 =	vld [tilespmem:s10+$0x30];
	s9 =	sadd.s32 $0x80, s9;
	[tilespmem:s8+$0xFFFFFFE0] =	vst v5  }
0x2d2: {  	v5 =	vld [tilespmem:s10+$0xFFFFFFD0];
	p0 =	slt.u32 s9, $0xF80;
	[tilespmem:s8+$0xFFFFFFF0] =	vst v3  }
0x2d3: {  	v3 =	vld [tilespmem:s10+$0xFFFFFFE0];
	[tilespmem:s8+$0x0] =	vst v0  }
0x2d4: {  	v0 =	vld [tilespmem:s10+$0xFFFFFFF0];
	[tilespmem:s8+$0x10] =	vst v1  }
0x2d5: {  	v1 =	vld [tilespmem:s10+$0x0];
	[tilespmem:s8+$0x20] =	vst v2  }
0x2d6: {  	v2 =	vld [tilespmem:s10+$0x10];
	[tilespmem:s8+$0xFFFFFFC0] =	vst v4  }
0x2d7: {  	v4 =	vld [tilespmem:s10+$0x20]  }
0x2d8: {  	v7 =	vld [tilespmem:s10+$0xFFFFFFC0]  }
0x2d9: {  	v6 =	vld.idx.msk [tilespmem:v6+s26+$0x0], $0xffff  }
0x2da: {  	v8 =	vld.idx.msk [tilespmem:v5+s26+$0x0], $0xffff  }
0x2db: {  	v5 =	vld.idx.msk [tilespmem:v3+s26+$0x0], $0xffff  }
.Ltmp11:
0x2dc: {  	v3 =	vld.idx.msk [tilespmem:v0+s26+$0x0], $0xffff;
	(pc) =	sbr.rel @p0 .LBB2_24-.Ltmp11, $4  }
0x2dd: {  	v0 =	vld.idx.msk [tilespmem:v1+s26+$0x0], $0xffff  }
0x2de: {  	s8 =	sadd.s32 $0x80, s8;
	v1 =	vld.idx.msk [tilespmem:v2+s26+$0x0], $0xffff  }
0x2df: {  	v2 =	vld.idx.msk [tilespmem:v4+s26+$0x0], $0xffff;
	[tilespmem:s8+$0x30] =	vst v6  }
0x2e0: {  	s10 =	sadd.s32 $0x80, s10;
	v4 =	vld.idx.msk [tilespmem:v7+s26+$0x0], $0xffff;
	[tilespmem:s8+$0xFFFFFFD0] =	vst v8  }
0x2e1: {  	[tilespmem:s8+$0xFFFFFFE0] =	vst v5  }
0x2e2: {  	[tilespmem:s8+$0xFFFFFFF0] =	vst v3  }
0x2e3: {  	[tilespmem:s8+$0x0] =	vst v0  }
0x2e4: {  	[tilespmem:s8+$0x10] =	vst v1  }
0x2e5: {  	[tilespmem:s8+$0x20] =	vst v2  }
0x2e6: {  	[tilespmem:s8+$0xFFFFFFC0] =	vst v4  }
0x2e7: {  	s8 =	sld [smem:$0x7F9];
	_ =	sdelay $0x2  }
0x2e8: {  	[hbm4b:s8+s26] =	stream.linear.scatter [tilespmem:s3], [sflag:$0x6], $0x1000, $0x38;
	[tilespmem:$0x6080] =	vst v63  }
0x2e9: {  	s9 =	rddreg [dreg:$0x14]  }
0x2ea: {  	[tilespmem:s29], [sflag:$0x3] =	stream.strided.gather [hbm4b:s9+s25], $0x1000, s24, s25, $0x38;
	[tilespmem:$0x6080] =	vst v63  }
0x2eb: {  	_ =	swait.ge [sflag:s30], $0x1000  }
0x2ec: {  	[sflag:s30] =	ssyncset.done $0x0  }
0x2ed: {  	[sflag:s30] =	ssyncadd.s32 $0xFFFFF000  }
0x2ee: {  	_ =	swait.ge [sflag:s4], $0x1000  }
0x2ef: {  	[sflag:s4] =	ssyncset.done $0x0  }
0x2f0: {  	s10 =	simm.s32 $0xC0;
	[sflag:s4] =	ssyncadd.s32 $0xFFFFF000  }
0x2f1: {  	v0 =	vld [tilespmem:s10+$0x30]  }
0x2f2: {  	v1 =	vld [tilespmem:s10+$0xFFFFFFD0]  }
0x2f3: {  	v2 =	vld [tilespmem:s10+$0xFFFFFFE0]  }
0x2f4: {  	v3 =	vld [tilespmem:s10+$0xFFFFFFF0]  }
0x2f5: {  	v4 =	vld [tilespmem:s10+$0x0]  }
0x2f6: {  	v6 =	vld [tilespmem:s10+$0x10]  }
0x2f7: {  	v7 =	vld [tilespmem:s10+$0x20]  }
0x2f8: {  	v8 =	vld [tilespmem:s10+$0xFFFFFFC0]  }
0x2f9: {  	v9 =	vld.idx.msk [tilespmem:v0+s26+$0x0], $0xffff  }
0x2fa: {  	v10 =	vld.idx.msk [tilespmem:v1+s26+$0x0], $0xffff  }
0x2fb: {  	v5 =	vld.idx.msk [tilespmem:v2+s26+$0x0], $0xffff  }
0x2fc: {  	v3 =	vld.idx.msk [tilespmem:v3+s26+$0x0], $0xffff  }
0x2fd: {  	v0 =	vld.idx.msk [tilespmem:v4+s26+$0x0], $0xffff  }
0x2fe: {  	s8 =	simm.s32 $0x30C0;
	v1 =	vld.idx.msk [tilespmem:v6+s26+$0x0], $0xffff  }
0x2ff: {  	v2 =	vld.idx.msk [tilespmem:v7+s26+$0x0], $0xffff;
	[tilespmem:s8+$0x30] =	vst v9  }
0x300: {  	s9 =	simm.s32 $0x0;
	s10 =	simm.s32 $0x140;
	v4 =	vld.idx.msk [tilespmem:v8+s26+$0x0], $0xffff;
	[tilespmem:s8+$0xFFFFFFD0] =	vst v10  }
.LBB2_26:
0x301: {  	v6 =	vld [tilespmem:s10+$0x30];
	s9 =	sadd.s32 $0x80, s9;
	[tilespmem:s8+$0xFFFFFFE0] =	vst v5  }
0x302: {  	v5 =	vld [tilespmem:s10+$0xFFFFFFD0];
	p0 =	slt.u32 s9, $0xF80;
	[tilespmem:s8+$0xFFFFFFF0] =	vst v3  }
0x303: {  	v3 =	vld [tilespmem:s10+$0xFFFFFFE0];
	[tilespmem:s8+$0x0] =	vst v0  }
0x304: {  	v0 =	vld [tilespmem:s10+$0xFFFFFFF0];
	[tilespmem:s8+$0x10] =	vst v1  }
0x305: {  	v1 =	vld [tilespmem:s10+$0x0];
	[tilespmem:s8+$0x20] =	vst v2  }
0x306: {  	v2 =	vld [tilespmem:s10+$0x10];
	[tilespmem:s8+$0xFFFFFFC0] =	vst v4  }
0x307: {  	v4 =	vld [tilespmem:s10+$0x20]  }
0x308: {  	v7 =	vld [tilespmem:s10+$0xFFFFFFC0]  }
0x309: {  	v6 =	vld.idx.msk [tilespmem:v6+s26+$0x0], $0xffff  }
0x30a: {  	v8 =	vld.idx.msk [tilespmem:v5+s26+$0x0], $0xffff  }
0x30b: {  	v5 =	vld.idx.msk [tilespmem:v3+s26+$0x0], $0xffff  }
.Ltmp12:
0x30c: {  	v3 =	vld.idx.msk [tilespmem:v0+s26+$0x0], $0xffff;
	(pc) =	sbr.rel @p0 .LBB2_26-.Ltmp12, $4  }
0x30d: {  	v0 =	vld.idx.msk [tilespmem:v1+s26+$0x0], $0xffff  }
0x30e: {  	s8 =	sadd.s32 $0x80, s8;
	v1 =	vld.idx.msk [tilespmem:v2+s26+$0x0], $0xffff  }
0x30f: {  	v2 =	vld.idx.msk [tilespmem:v4+s26+$0x0], $0xffff;
	[tilespmem:s8+$0x30] =	vst v6  }
0x310: {  	s10 =	sadd.s32 $0x80, s10;
	v4 =	vld.idx.msk [tilespmem:v7+s26+$0x0], $0xffff;
	[tilespmem:s8+$0xFFFFFFD0] =	vst v8  }
0x311: {  	[tilespmem:s8+$0xFFFFFFE0] =	vst v5  }
0x312: {  	[tilespmem:s8+$0xFFFFFFF0] =	vst v3  }
0x313: {  	[tilespmem:s8+$0x0] =	vst v0  }
0x314: {  	[tilespmem:s8+$0x10] =	vst v1  }
0x315: {  	[tilespmem:s8+$0x20] =	vst v2  }
0x316: {  	[tilespmem:s8+$0xFFFFFFC0] =	vst v4  }
0x317: {  	s8 =	sld [smem:$0x7FA];
	_ =	sdelay $0x2  }
0x318: {  	[hbm4b:s8+s26] =	stream.linear.scatter [tilespmem:s31], [sflag:$0x4], $0x1000, $0x38;
	[tilespmem:$0x6080] =	vst v63  }
0x319: {  	s9 =	rddreg [dreg:$0x15]  }
0x31a: {  	[tilespmem:s25], [sflag:$0x1] =	stream.strided.gather [hbm4b:s9+s25], $0x1000, s24, s25, $0x38;
	[tilespmem:$0x6080] =	vst v63  }
0x31b: {  	_ =	swait.ge [sflag:s0], $0x1000  }
0x31c: {  	[sflag:s0] =	ssyncset.done $0x0  }
0x31d: {  	[sflag:s0] =	ssyncadd.s32 $0xFFFFF000  }
0x31e: {  	_ =	swait.ge [sflag:s5], $0x1000  }
0x31f: {  	[sflag:s5] =	ssyncset.done $0x0  }
0x320: {  	s10 =	simm.s32 $0x10C0;
	[sflag:s5] =	ssyncadd.s32 $0xFFFFF000  }
0x321: {  	v0 =	vld [tilespmem:s10+$0x30]  }
0x322: {  	v1 =	vld [tilespmem:s10+$0xFFFFFFD0]  }
0x323: {  	v2 =	vld [tilespmem:s10+$0xFFFFFFE0]  }
0x324: {  	v3 =	vld [tilespmem:s10+$0xFFFFFFF0]  }
0x325: {  	v4 =	vld [tilespmem:s10+$0x0]  }
0x326: {  	v6 =	vld [tilespmem:s10+$0x10]  }
0x327: {  	v7 =	vld [tilespmem:s10+$0x20]  }
0x328: {  	v8 =	vld [tilespmem:s10+$0xFFFFFFC0]  }
0x329: {  	v9 =	vld.idx.msk [tilespmem:v0+s26+$0x0], $0xffff  }
0x32a: {  	v10 =	vld.idx.msk [tilespmem:v1+s26+$0x0], $0xffff  }
0x32b: {  	v5 =	vld.idx.msk [tilespmem:v2+s26+$0x0], $0xffff  }
0x32c: {  	v3 =	vld.idx.msk [tilespmem:v3+s26+$0x0], $0xffff  }
0x32d: {  	v0 =	vld.idx.msk [tilespmem:v4+s26+$0x0], $0xffff  }
0x32e: {  	s8 =	simm.s32 $0x40C0;
	v1 =	vld.idx.msk [tilespmem:v6+s26+$0x0], $0xffff  }
0x32f: {  	v2 =	vld.idx.msk [tilespmem:v7+s26+$0x0], $0xffff;
	[tilespmem:s8+$0x30] =	vst v9  }
0x330: {  	s9 =	simm.s32 $0x0;
	s10 =	simm.s32 $0x1140;
	v4 =	vld.idx.msk [tilespmem:v8+s26+$0x0], $0xffff;
	[tilespmem:s8+$0xFFFFFFD0] =	vst v10  }
.LBB2_28:
0x331: {  	v6 =	vld [tilespmem:s10+$0x30];
	s9 =	sadd.s32 $0x80, s9;
	[tilespmem:s8+$0xFFFFFFE0] =	vst v5  }
0x332: {  	v5 =	vld [tilespmem:s10+$0xFFFFFFD0];
	p0 =	slt.u32 s9, $0xF80;
	[tilespmem:s8+$0xFFFFFFF0] =	vst v3  }
0x333: {  	v3 =	vld [tilespmem:s10+$0xFFFFFFE0];
	[tilespmem:s8+$0x0] =	vst v0  }
0x334: {  	v0 =	vld [tilespmem:s10+$0xFFFFFFF0];
	[tilespmem:s8+$0x10] =	vst v1  }
0x335: {  	v1 =	vld [tilespmem:s10+$0x0];
	[tilespmem:s8+$0x20] =	vst v2  }
0x336: {  	v2 =	vld [tilespmem:s10+$0x10];
	[tilespmem:s8+$0xFFFFFFC0] =	vst v4  }
0x337: {  	v4 =	vld [tilespmem:s10+$0x20]  }
0x338: {  	v7 =	vld [tilespmem:s10+$0xFFFFFFC0]  }
0x339: {  	v6 =	vld.idx.msk [tilespmem:v6+s26+$0x0], $0xffff  }
0x33a: {  	v8 =	vld.idx.msk [tilespmem:v5+s26+$0x0], $0xffff  }
0x33b: {  	v5 =	vld.idx.msk [tilespmem:v3+s26+$0x0], $0xffff  }
.Ltmp13:
0x33c: {  	v3 =	vld.idx.msk [tilespmem:v0+s26+$0x0], $0xffff;
	(pc) =	sbr.rel @p0 .LBB2_28-.Ltmp13, $4  }
0x33d: {  	v0 =	vld.idx.msk [tilespmem:v1+s26+$0x0], $0xffff  }
0x33e: {  	s8 =	sadd.s32 $0x80, s8;
	v1 =	vld.idx.msk [tilespmem:v2+s26+$0x0], $0xffff  }
0x33f: {  	v2 =	vld.idx.msk [tilespmem:v4+s26+$0x0], $0xffff;
	[tilespmem:s8+$0x30] =	vst v6  }
0x340: {  	s10 =	sadd.s32 $0x80, s10;
	v4 =	vld.idx.msk [tilespmem:v7+s26+$0x0], $0xffff;
	[tilespmem:s8+$0xFFFFFFD0] =	vst v8  }
0x341: {  	[tilespmem:s8+$0xFFFFFFE0] =	vst v5  }
0x342: {  	[tilespmem:s8+$0xFFFFFFF0] =	vst v3  }
0x343: {  	[tilespmem:s8+$0x0] =	vst v0  }
0x344: {  	[tilespmem:s8+$0x10] =	vst v1  }
0x345: {  	[tilespmem:s8+$0x20] =	vst v2  }
0x346: {  	[tilespmem:s8+$0xFFFFFFC0] =	vst v4  }
0x347: {  	s8 =	sld [smem:$0x7FB];
	_ =	sdelay $0x2  }
0x348: {  	[hbm4b:s8+s26] =	stream.linear.scatter [tilespmem:s1], [sflag:$0x5], $0x1000, $0x38;
	[tilespmem:$0x6080] =	vst v63  }
0x349: {  	s9 =	rddreg [dreg:$0x8]  }
0x34a: {  	[tilespmem:s28], [sflag:$0x2] =	stream.strided.gather [hbm4b:s9+s25], $0x1000, s24, s25, $0x38;
	[tilespmem:$0x6080] =	vst v63  }
0x34b: {  	_ =	swait.ge [sflag:s2], $0x1000  }
0x34c: {  	[sflag:s2] =	ssyncset.done $0x0  }
0x34d: {  	[sflag:s2] =	ssyncadd.s32 $0xFFFFF000  }
0x34e: {  	_ =	swait.ge [sflag:s6], $0x1000  }
0x34f: {  	[sflag:s6] =	ssyncset.done $0x0  }
0x350: {  	s10 =	simm.s32 $0x20C0;
	[sflag:s6] =	ssyncadd.s32 $0xFFFFF000  }
0x351: {  	v0 =	vld [tilespmem:s10+$0x30]  }
0x352: {  	v1 =	vld [tilespmem:s10+$0xFFFFFFD0]  }
0x353: {  	v2 =	vld [tilespmem:s10+$0xFFFFFFE0]  }
0x354: {  	v3 =	vld [tilespmem:s10+$0xFFFFFFF0]  }
0x355: {  	v4 =	vld [tilespmem:s10+$0x0]  }
0x356: {  	v6 =	vld [tilespmem:s10+$0x10]  }
0x357: {  	v7 =	vld [tilespmem:s10+$0x20]  }
0x358: {  	v8 =	vld [tilespmem:s10+$0xFFFFFFC0]  }
0x359: {  	v9 =	vld.idx.msk [tilespmem:v0+s26+$0x0], $0xffff  }
0x35a: {  	v10 =	vld.idx.msk [tilespmem:v1+s26+$0x0], $0xffff  }
0x35b: {  	v5 =	vld.idx.msk [tilespmem:v2+s26+$0x0], $0xffff  }
0x35c: {  	v3 =	vld.idx.msk [tilespmem:v3+s26+$0x0], $0xffff  }
0x35d: {  	v0 =	vld.idx.msk [tilespmem:v4+s26+$0x0], $0xffff  }
0x35e: {  	s8 =	simm.s32 $0x50C0;
	v1 =	vld.idx.msk [tilespmem:v6+s26+$0x0], $0xffff  }
0x35f: {  	v2 =	vld.idx.msk [tilespmem:v7+s26+$0x0], $0xffff;
	[tilespmem:s8+$0x30] =	vst v9  }
0x360: {  	s9 =	simm.s32 $0x0;
	s10 =	simm.s32 $0x2140;
	v4 =	vld.idx.msk [tilespmem:v8+s26+$0x0], $0xffff;
	[tilespmem:s8+$0xFFFFFFD0] =	vst v10  }
.LBB2_30:
0x361: {  	v6 =	vld [tilespmem:s10+$0x30];
	s9 =	sadd.s32 $0x80, s9;
	[tilespmem:s8+$0xFFFFFFE0] =	vst v5  }
0x362: {  	v5 =	vld [tilespmem:s10+$0xFFFFFFD0];
	p0 =	slt.u32 s9, $0xF80;
	[tilespmem:s8+$0xFFFFFFF0] =	vst v3  }
0x363: {  	v3 =	vld [tilespmem:s10+$0xFFFFFFE0];
	[tilespmem:s8+$0x0] =	vst v0  }
0x364: {  	v0 =	vld [tilespmem:s10+$0xFFFFFFF0];
	[tilespmem:s8+$0x10] =	vst v1  }
0x365: {  	v1 =	vld [tilespmem:s10+$0x0];
	[tilespmem:s8+$0x20] =	vst v2  }
0x366: {  	v2 =	vld [tilespmem:s10+$0x10];
	[tilespmem:s8+$0xFFFFFFC0] =	vst v4  }
0x367: {  	v4 =	vld [tilespmem:s10+$0x20]  }
0x368: {  	v7 =	vld [tilespmem:s10+$0xFFFFFFC0]  }
0x369: {  	v6 =	vld.idx.msk [tilespmem:v6+s26+$0x0], $0xffff  }
0x36a: {  	v8 =	vld.idx.msk [tilespmem:v5+s26+$0x0], $0xffff  }
0x36b: {  	v5 =	vld.idx.msk [tilespmem:v3+s26+$0x0], $0xffff  }
.Ltmp14:
0x36c: {  	v3 =	vld.idx.msk [tilespmem:v0+s26+$0x0], $0xffff;
	(pc) =	sbr.rel @p0 .LBB2_30-.Ltmp14, $4  }
0x36d: {  	v0 =	vld.idx.msk [tilespmem:v1+s26+$0x0], $0xffff  }
0x36e: {  	s8 =	sadd.s32 $0x80, s8;
	v1 =	vld.idx.msk [tilespmem:v2+s26+$0x0], $0xffff  }
0x36f: {  	v2 =	vld.idx.msk [tilespmem:v4+s26+$0x0], $0xffff;
	[tilespmem:s8+$0x30] =	vst v6  }
0x370: {  	s10 =	sadd.s32 $0x80, s10;
	v4 =	vld.idx.msk [tilespmem:v7+s26+$0x0], $0xffff;
	[tilespmem:s8+$0xFFFFFFD0] =	vst v8  }
0x371: {  	[tilespmem:s8+$0xFFFFFFE0] =	vst v5  }
0x372: {  	[tilespmem:s8+$0xFFFFFFF0] =	vst v3  }
0x373: {  	[tilespmem:s8+$0x0] =	vst v0  }
0x374: {  	[tilespmem:s8+$0x10] =	vst v1  }
0x375: {  	[tilespmem:s8+$0x20] =	vst v2  }
0x376: {  	[tilespmem:s8+$0xFFFFFFC0] =	vst v4  }
0x377: {  	s8 =	sld [smem:$0x7FC];
	_ =	sdelay $0x2  }
0x378: {  	[hbm4b:s8+s26] =	stream.linear.scatter [tilespmem:s3], [sflag:$0x6], $0x1000, $0x38;
	[tilespmem:$0x6080] =	vst v63  }
0x379: {  	s9 =	rddreg [dreg:$0x16]  }
0x37a: {  	[tilespmem:s29], [sflag:$0x3] =	stream.strided.gather [hbm4b:s9+s25], $0x1000, s24, s25, $0x38;
	[tilespmem:$0x6080] =	vst v63  }
0x37b: {  	_ =	swait.ge [sflag:s30], $0x1000  }
0x37c: {  	[sflag:s30] =	ssyncset.done $0x0  }
0x37d: {  	[sflag:s30] =	ssyncadd.s32 $0xFFFFF000  }
0x37e: {  	_ =	swait.ge [sflag:s4], $0x1000  }
0x37f: {  	[sflag:s4] =	ssyncset.done $0x0  }
0x380: {  	s10 =	simm.s32 $0xC0;
	[sflag:s4] =	ssyncadd.s32 $0xFFFFF000  }
0x381: {  	v0 =	vld [tilespmem:s10+$0x30]  }
0x382: {  	v1 =	vld [tilespmem:s10+$0xFFFFFFD0]  }
0x383: {  	v2 =	vld [tilespmem:s10+$0xFFFFFFE0]  }
0x384: {  	v3 =	vld [tilespmem:s10+$0xFFFFFFF0]  }
0x385: {  	v4 =	vld [tilespmem:s10+$0x0]  }
0x386: {  	v6 =	vld [tilespmem:s10+$0x10]  }
0x387: {  	v7 =	vld [tilespmem:s10+$0x20]  }
0x388: {  	v8 =	vld [tilespmem:s10+$0xFFFFFFC0]  }
0x389: {  	v9 =	vld.idx.msk [tilespmem:v0+s26+$0x0], $0xffff  }
0x38a: {  	v10 =	vld.idx.msk [tilespmem:v1+s26+$0x0], $0xffff  }
0x38b: {  	v5 =	vld.idx.msk [tilespmem:v2+s26+$0x0], $0xffff  }
0x38c: {  	v3 =	vld.idx.msk [tilespmem:v3+s26+$0x0], $0xffff  }
0x38d: {  	v0 =	vld.idx.msk [tilespmem:v4+s26+$0x0], $0xffff  }
0x38e: {  	s8 =	simm.s32 $0x30C0;
	v1 =	vld.idx.msk [tilespmem:v6+s26+$0x0], $0xffff  }
0x38f: {  	v2 =	vld.idx.msk [tilespmem:v7+s26+$0x0], $0xffff;
	[tilespmem:s8+$0x30] =	vst v9  }
0x390: {  	s9 =	simm.s32 $0x0;
	s10 =	simm.s32 $0x140;
	v4 =	vld.idx.msk [tilespmem:v8+s26+$0x0], $0xffff;
	[tilespmem:s8+$0xFFFFFFD0] =	vst v10  }
.LBB2_32:
0x391: {  	v6 =	vld [tilespmem:s10+$0x30];
	s9 =	sadd.s32 $0x80, s9;
	[tilespmem:s8+$0xFFFFFFE0] =	vst v5  }
0x392: {  	v5 =	vld [tilespmem:s10+$0xFFFFFFD0];
	p0 =	slt.u32 s9, $0xF80;
	[tilespmem:s8+$0xFFFFFFF0] =	vst v3  }
0x393: {  	v3 =	vld [tilespmem:s10+$0xFFFFFFE0];
	[tilespmem:s8+$0x0] =	vst v0  }
0x394: {  	v0 =	vld [tilespmem:s10+$0xFFFFFFF0];
	[tilespmem:s8+$0x10] =	vst v1  }
0x395: {  	v1 =	vld [tilespmem:s10+$0x0];
	[tilespmem:s8+$0x20] =	vst v2  }
0x396: {  	v2 =	vld [tilespmem:s10+$0x10];
	[tilespmem:s8+$0xFFFFFFC0] =	vst v4  }
0x397: {  	v4 =	vld [tilespmem:s10+$0x20]  }
0x398: {  	v7 =	vld [tilespmem:s10+$0xFFFFFFC0]  }
0x399: {  	v6 =	vld.idx.msk [tilespmem:v6+s26+$0x0], $0xffff  }
0x39a: {  	v8 =	vld.idx.msk [tilespmem:v5+s26+$0x0], $0xffff  }
0x39b: {  	v5 =	vld.idx.msk [tilespmem:v3+s26+$0x0], $0xffff  }
.Ltmp15:
0x39c: {  	v3 =	vld.idx.msk [tilespmem:v0+s26+$0x0], $0xffff;
	(pc) =	sbr.rel @p0 .LBB2_32-.Ltmp15, $4  }
0x39d: {  	v0 =	vld.idx.msk [tilespmem:v1+s26+$0x0], $0xffff  }
0x39e: {  	s8 =	sadd.s32 $0x80, s8;
	v1 =	vld.idx.msk [tilespmem:v2+s26+$0x0], $0xffff  }
0x39f: {  	v2 =	vld.idx.msk [tilespmem:v4+s26+$0x0], $0xffff;
	[tilespmem:s8+$0x30] =	vst v6  }
0x3a0: {  	s10 =	sadd.s32 $0x80, s10;
	v4 =	vld.idx.msk [tilespmem:v7+s26+$0x0], $0xffff;
	[tilespmem:s8+$0xFFFFFFD0] =	vst v8  }
0x3a1: {  	[tilespmem:s8+$0xFFFFFFE0] =	vst v5  }
0x3a2: {  	[tilespmem:s8+$0xFFFFFFF0] =	vst v3  }
0x3a3: {  	[tilespmem:s8+$0x0] =	vst v0  }
0x3a4: {  	[tilespmem:s8+$0x10] =	vst v1  }
0x3a5: {  	[tilespmem:s8+$0x20] =	vst v2  }
0x3a6: {  	[tilespmem:s8+$0xFFFFFFC0] =	vst v4  }
0x3a7: {  	[hbm4b:s11+s26] =	stream.linear.scatter [tilespmem:s31], [sflag:$0x4], $0x1000, $0x38;
	[tilespmem:$0x6080] =	vst v63  }
0x3a8: {  	s8 =	rddreg [dreg:$0x17]  }
0x3a9: {  	[tilespmem:s25], [sflag:$0x1] =	stream.strided.gather [hbm4b:s8+s25], $0x1000, s24, s25, $0x38;
	[tilespmem:$0x6080] =	vst v63  }
0x3aa: {  	_ =	swait.ge [sflag:s0], $0x1000  }
0x3ab: {  	[sflag:s0] =	ssyncset.done $0x0  }
0x3ac: {  	[sflag:s0] =	ssyncadd.s32 $0xFFFFF000  }
0x3ad: {  	_ =	swait.ge [sflag:s5], $0x1000  }
0x3ae: {  	[sflag:s5] =	ssyncset.done $0x0  }
0x3af: {  	s10 =	simm.s32 $0x10C0;
	[sflag:s5] =	ssyncadd.s32 $0xFFFFF000  }
0x3b0: {  	v0 =	vld [tilespmem:s10+$0x30]  }
0x3b1: {  	v1 =	vld [tilespmem:s10+$0xFFFFFFD0]  }
0x3b2: {  	v2 =	vld [tilespmem:s10+$0xFFFFFFE0]  }
0x3b3: {  	v3 =	vld [tilespmem:s10+$0xFFFFFFF0]  }
0x3b4: {  	v4 =	vld [tilespmem:s10+$0x0]  }
0x3b5: {  	v6 =	vld [tilespmem:s10+$0x10]  }
0x3b6: {  	v7 =	vld [tilespmem:s10+$0x20]  }
0x3b7: {  	v8 =	vld [tilespmem:s10+$0xFFFFFFC0]  }
0x3b8: {  	v9 =	vld.idx.msk [tilespmem:v0+s26+$0x0], $0xffff  }
0x3b9: {  	v10 =	vld.idx.msk [tilespmem:v1+s26+$0x0], $0xffff  }
0x3ba: {  	v5 =	vld.idx.msk [tilespmem:v2+s26+$0x0], $0xffff  }
0x3bb: {  	v3 =	vld.idx.msk [tilespmem:v3+s26+$0x0], $0xffff  }
0x3bc: {  	v0 =	vld.idx.msk [tilespmem:v4+s26+$0x0], $0xffff  }
0x3bd: {  	s8 =	simm.s32 $0x40C0;
	v1 =	vld.idx.msk [tilespmem:v6+s26+$0x0], $0xffff  }
0x3be: {  	v2 =	vld.idx.msk [tilespmem:v7+s26+$0x0], $0xffff;
	[tilespmem:s8+$0x30] =	vst v9  }
0x3bf: {  	s9 =	simm.s32 $0x0;
	s10 =	simm.s32 $0x1140;
	v4 =	vld.idx.msk [tilespmem:v8+s26+$0x0], $0xffff;
	[tilespmem:s8+$0xFFFFFFD0] =	vst v10  }
.LBB2_34:
0x3c0: {  	v6 =	vld [tilespmem:s10+$0x30];
	s9 =	sadd.s32 $0x80, s9;
	[tilespmem:s8+$0xFFFFFFE0] =	vst v5  }
0x3c1: {  	v5 =	vld [tilespmem:s10+$0xFFFFFFD0];
	p0 =	slt.u32 s9, $0xF80;
	[tilespmem:s8+$0xFFFFFFF0] =	vst v3  }
0x3c2: {  	v3 =	vld [tilespmem:s10+$0xFFFFFFE0];
	[tilespmem:s8+$0x0] =	vst v0  }
0x3c3: {  	v0 =	vld [tilespmem:s10+$0xFFFFFFF0];
	[tilespmem:s8+$0x10] =	vst v1  }
0x3c4: {  	v1 =	vld [tilespmem:s10+$0x0];
	[tilespmem:s8+$0x20] =	vst v2  }
0x3c5: {  	v2 =	vld [tilespmem:s10+$0x10];
	[tilespmem:s8+$0xFFFFFFC0] =	vst v4  }
0x3c6: {  	v4 =	vld [tilespmem:s10+$0x20]  }
0x3c7: {  	v7 =	vld [tilespmem:s10+$0xFFFFFFC0]  }
0x3c8: {  	v6 =	vld.idx.msk [tilespmem:v6+s26+$0x0], $0xffff  }
0x3c9: {  	v8 =	vld.idx.msk [tilespmem:v5+s26+$0x0], $0xffff  }
0x3ca: {  	v5 =	vld.idx.msk [tilespmem:v3+s26+$0x0], $0xffff  }
.Ltmp16:
0x3cb: {  	v3 =	vld.idx.msk [tilespmem:v0+s26+$0x0], $0xffff;
	(pc) =	sbr.rel @p0 .LBB2_34-.Ltmp16, $4  }
0x3cc: {  	v0 =	vld.idx.msk [tilespmem:v1+s26+$0x0], $0xffff  }
0x3cd: {  	s8 =	sadd.s32 $0x80, s8;
	v1 =	vld.idx.msk [tilespmem:v2+s26+$0x0], $0xffff  }
0x3ce: {  	v2 =	vld.idx.msk [tilespmem:v4+s26+$0x0], $0xffff;
	[tilespmem:s8+$0x30] =	vst v6  }
0x3cf: {  	s10 =	sadd.s32 $0x80, s10;
	v4 =	vld.idx.msk [tilespmem:v7+s26+$0x0], $0xffff;
	[tilespmem:s8+$0xFFFFFFD0] =	vst v8  }
0x3d0: {  	[tilespmem:s8+$0xFFFFFFE0] =	vst v5  }
0x3d1: {  	[tilespmem:s8+$0xFFFFFFF0] =	vst v3  }
0x3d2: {  	[tilespmem:s8+$0x0] =	vst v0  }
0x3d3: {  	[tilespmem:s8+$0x10] =	vst v1  }
0x3d4: {  	[tilespmem:s8+$0x20] =	vst v2  }
0x3d5: {  	[tilespmem:s8+$0xFFFFFFC0] =	vst v4  }
0x3d6: {  	[hbm4b:s12+s26] =	stream.linear.scatter [tilespmem:s1], [sflag:$0x5], $0x1000, $0x38;
	[tilespmem:$0x6080] =	vst v63  }
0x3d7: {  	s8 =	rddreg [dreg:$0x18]  }
0x3d8: {  	[tilespmem:s28], [sflag:$0x2] =	stream.strided.gather [hbm4b:s8+s25], $0x1000, s24, s25, $0x38;
	[tilespmem:$0x6080] =	vst v63  }
0x3d9: {  	_ =	swait.ge [sflag:s2], $0x1000  }
0x3da: {  	[sflag:s2] =	ssyncset.done $0x0  }
0x3db: {  	[sflag:s2] =	ssyncadd.s32 $0xFFFFF000  }
0x3dc: {  	_ =	swait.ge [sflag:s6], $0x1000  }
0x3dd: {  	[sflag:s6] =	ssyncset.done $0x0  }
0x3de: {  	s10 =	simm.s32 $0x20C0;
	[sflag:s6] =	ssyncadd.s32 $0xFFFFF000  }
0x3df: {  	v0 =	vld [tilespmem:s10+$0x30]  }
0x3e0: {  	v1 =	vld [tilespmem:s10+$0xFFFFFFD0]  }
0x3e1: {  	v2 =	vld [tilespmem:s10+$0xFFFFFFE0]  }
0x3e2: {  	v3 =	vld [tilespmem:s10+$0xFFFFFFF0]  }
0x3e3: {  	v4 =	vld [tilespmem:s10+$0x0]  }
0x3e4: {  	v6 =	vld [tilespmem:s10+$0x10]  }
0x3e5: {  	v7 =	vld [tilespmem:s10+$0x20]  }
0x3e6: {  	v8 =	vld [tilespmem:s10+$0xFFFFFFC0]  }
0x3e7: {  	v9 =	vld.idx.msk [tilespmem:v0+s26+$0x0], $0xffff  }
0x3e8: {  	v10 =	vld.idx.msk [tilespmem:v1+s26+$0x0], $0xffff  }
0x3e9: {  	v5 =	vld.idx.msk [tilespmem:v2+s26+$0x0], $0xffff  }
0x3ea: {  	v3 =	vld.idx.msk [tilespmem:v3+s26+$0x0], $0xffff  }
0x3eb: {  	v0 =	vld.idx.msk [tilespmem:v4+s26+$0x0], $0xffff  }
0x3ec: {  	s8 =	simm.s32 $0x50C0;
	v1 =	vld.idx.msk [tilespmem:v6+s26+$0x0], $0xffff  }
0x3ed: {  	v2 =	vld.idx.msk [tilespmem:v7+s26+$0x0], $0xffff;
	[tilespmem:s8+$0x30] =	vst v9  }
0x3ee: {  	s9 =	simm.s32 $0x0;
	s10 =	simm.s32 $0x2140;
	v4 =	vld.idx.msk [tilespmem:v8+s26+$0x0], $0xffff;
	[tilespmem:s8+$0xFFFFFFD0] =	vst v10  }
.LBB2_36:
0x3ef: {  	v6 =	vld [tilespmem:s10+$0x30];
	s9 =	sadd.s32 $0x80, s9;
	[tilespmem:s8+$0xFFFFFFE0] =	vst v5  }
0x3f0: {  	v5 =	vld [tilespmem:s10+$0xFFFFFFD0];
	p0 =	slt.u32 s9, $0xF80;
	[tilespmem:s8+$0xFFFFFFF0] =	vst v3  }
0x3f1: {  	v3 =	vld [tilespmem:s10+$0xFFFFFFE0];
	[tilespmem:s8+$0x0] =	vst v0  }
0x3f2: {  	v0 =	vld [tilespmem:s10+$0xFFFFFFF0];
	[tilespmem:s8+$0x10] =	vst v1  }
0x3f3: {  	v1 =	vld [tilespmem:s10+$0x0];
	[tilespmem:s8+$0x20] =	vst v2  }
0x3f4: {  	v2 =	vld [tilespmem:s10+$0x10];
	[tilespmem:s8+$0xFFFFFFC0] =	vst v4  }
0x3f5: {  	v4 =	vld [tilespmem:s10+$0x20]  }
0x3f6: {  	v7 =	vld [tilespmem:s10+$0xFFFFFFC0]  }
0x3f7: {  	v6 =	vld.idx.msk [tilespmem:v6+s26+$0x0], $0xffff  }
0x3f8: {  	v8 =	vld.idx.msk [tilespmem:v5+s26+$0x0], $0xffff  }
0x3f9: {  	v5 =	vld.idx.msk [tilespmem:v3+s26+$0x0], $0xffff  }
.Ltmp17:
0x3fa: {  	v3 =	vld.idx.msk [tilespmem:v0+s26+$0x0], $0xffff;
	(pc) =	sbr.rel @p0 .LBB2_36-.Ltmp17, $4  }
0x3fb: {  	v0 =	vld.idx.msk [tilespmem:v1+s26+$0x0], $0xffff  }
0x3fc: {  	s8 =	sadd.s32 $0x80, s8;
	v1 =	vld.idx.msk [tilespmem:v2+s26+$0x0], $0xffff  }
0x3fd: {  	v2 =	vld.idx.msk [tilespmem:v4+s26+$0x0], $0xffff;
	[tilespmem:s8+$0x30] =	vst v6  }
0x3fe: {  	s10 =	sadd.s32 $0x80, s10;
	v4 =	vld.idx.msk [tilespmem:v7+s26+$0x0], $0xffff;
	[tilespmem:s8+$0xFFFFFFD0] =	vst v8  }
0x3ff: {  	[tilespmem:s8+$0xFFFFFFE0] =	vst v5  }
0x400: {  	[tilespmem:s8+$0xFFFFFFF0] =	vst v3  }
0x401: {  	[tilespmem:s8+$0x0] =	vst v0  }
0x402: {  	[tilespmem:s8+$0x10] =	vst v1  }
0x403: {  	[tilespmem:s8+$0x20] =	vst v2  }
0x404: {  	[tilespmem:s8+$0xFFFFFFC0] =	vst v4  }
0x405: {  	[hbm4b:s13+s26] =	stream.linear.scatter [tilespmem:s3], [sflag:$0x6], $0x1000, $0x38;
	[tilespmem:$0x6080] =	vst v63  }
0x406: {  	s8 =	rddreg [dreg:$0x9]  }
0x407: {  	[tilespmem:s29], [sflag:$0x3] =	stream.strided.gather [hbm4b:s8+s25], $0x1000, s24, s25, $0x38;
	[tilespmem:$0x6080] =	vst v63  }
0x408: {  	_ =	swait.ge [sflag:s30], $0x1000  }
0x409: {  	[sflag:s30] =	ssyncset.done $0x0  }
0x40a: {  	[sflag:s30] =	ssyncadd.s32 $0xFFFFF000  }
0x40b: {  	_ =	swait.ge [sflag:s4], $0x1000  }
0x40c: {  	[sflag:s4] =	ssyncset.done $0x0  }
0x40d: {  	s10 =	simm.s32 $0xC0;
	[sflag:s4] =	ssyncadd.s32 $0xFFFFF000  }
0x40e: {  	v0 =	vld [tilespmem:s10+$0x30]  }
0x40f: {  	v1 =	vld [tilespmem:s10+$0xFFFFFFD0]  }
0x410: {  	v2 =	vld [tilespmem:s10+$0xFFFFFFE0]  }
0x411: {  	v3 =	vld [tilespmem:s10+$0xFFFFFFF0]  }
0x412: {  	v4 =	vld [tilespmem:s10+$0x0]  }
0x413: {  	v6 =	vld [tilespmem:s10+$0x10]  }
0x414: {  	v7 =	vld [tilespmem:s10+$0x20]  }
0x415: {  	v8 =	vld [tilespmem:s10+$0xFFFFFFC0]  }
0x416: {  	v9 =	vld.idx.msk [tilespmem:v0+s26+$0x0], $0xffff  }
0x417: {  	v10 =	vld.idx.msk [tilespmem:v1+s26+$0x0], $0xffff  }
0x418: {  	v5 =	vld.idx.msk [tilespmem:v2+s26+$0x0], $0xffff  }
0x419: {  	v3 =	vld.idx.msk [tilespmem:v3+s26+$0x0], $0xffff  }
0x41a: {  	v0 =	vld.idx.msk [tilespmem:v4+s26+$0x0], $0xffff  }
0x41b: {  	s8 =	simm.s32 $0x30C0;
	v1 =	vld.idx.msk [tilespmem:v6+s26+$0x0], $0xffff  }
0x41c: {  	v2 =	vld.idx.msk [tilespmem:v7+s26+$0x0], $0xffff;
	[tilespmem:s8+$0x30] =	vst v9  }
0x41d: {  	s9 =	simm.s32 $0x0;
	s10 =	simm.s32 $0x140;
	v4 =	vld.idx.msk [tilespmem:v8+s26+$0x0], $0xffff;
	[tilespmem:s8+$0xFFFFFFD0] =	vst v10  }
.LBB2_38:
0x41e: {  	v6 =	vld [tilespmem:s10+$0x30];
	s9 =	sadd.s32 $0x80, s9;
	[tilespmem:s8+$0xFFFFFFE0] =	vst v5  }
0x41f: {  	v5 =	vld [tilespmem:s10+$0xFFFFFFD0];
	p0 =	slt.u32 s9, $0xF80;
	[tilespmem:s8+$0xFFFFFFF0] =	vst v3  }
0x420: {  	v3 =	vld [tilespmem:s10+$0xFFFFFFE0];
	[tilespmem:s8+$0x0] =	vst v0  }
0x421: {  	v0 =	vld [tilespmem:s10+$0xFFFFFFF0];
	[tilespmem:s8+$0x10] =	vst v1  }
0x422: {  	v1 =	vld [tilespmem:s10+$0x0];
	[tilespmem:s8+$0x20] =	vst v2  }
0x423: {  	v2 =	vld [tilespmem:s10+$0x10];
	[tilespmem:s8+$0xFFFFFFC0] =	vst v4  }
0x424: {  	v4 =	vld [tilespmem:s10+$0x20]  }
0x425: {  	v7 =	vld [tilespmem:s10+$0xFFFFFFC0]  }
0x426: {  	v6 =	vld.idx.msk [tilespmem:v6+s26+$0x0], $0xffff  }
0x427: {  	v8 =	vld.idx.msk [tilespmem:v5+s26+$0x0], $0xffff  }
0x428: {  	v5 =	vld.idx.msk [tilespmem:v3+s26+$0x0], $0xffff  }
.Ltmp18:
0x429: {  	v3 =	vld.idx.msk [tilespmem:v0+s26+$0x0], $0xffff;
	(pc) =	sbr.rel @p0 .LBB2_38-.Ltmp18, $4  }
0x42a: {  	v0 =	vld.idx.msk [tilespmem:v1+s26+$0x0], $0xffff  }
0x42b: {  	s8 =	sadd.s32 $0x80, s8;
	v1 =	vld.idx.msk [tilespmem:v2+s26+$0x0], $0xffff  }
0x42c: {  	v2 =	vld.idx.msk [tilespmem:v4+s26+$0x0], $0xffff;
	[tilespmem:s8+$0x30] =	vst v6  }
0x42d: {  	s10 =	sadd.s32 $0x80, s10;
	v4 =	vld.idx.msk [tilespmem:v7+s26+$0x0], $0xffff;
	[tilespmem:s8+$0xFFFFFFD0] =	vst v8  }
0x42e: {  	[tilespmem:s8+$0xFFFFFFE0] =	vst v5  }
0x42f: {  	[tilespmem:s8+$0xFFFFFFF0] =	vst v3  }
0x430: {  	[tilespmem:s8+$0x0] =	vst v0  }
0x431: {  	[tilespmem:s8+$0x10] =	vst v1  }
0x432: {  	[tilespmem:s8+$0x20] =	vst v2  }
0x433: {  	[tilespmem:s8+$0xFFFFFFC0] =	vst v4  }
0x434: {  	[hbm4b:s14+s26] =	stream.linear.scatter [tilespmem:s31], [sflag:$0x4], $0x1000, $0x38;
	[tilespmem:$0x6080] =	vst v63  }
0x435: {  	s8 =	rddreg [dreg:$0x19]  }
0x436: {  	[tilespmem:s25], [sflag:$0x1] =	stream.strided.gather [hbm4b:s8+s25], $0x1000, s24, s25, $0x38;
	[tilespmem:$0x6080] =	vst v63  }
0x437: {  	_ =	swait.ge [sflag:s0], $0x1000  }
0x438: {  	[sflag:s0] =	ssyncset.done $0x0  }
0x439: {  	[sflag:s0] =	ssyncadd.s32 $0xFFFFF000  }
0x43a: {  	_ =	swait.ge [sflag:s5], $0x1000  }
0x43b: {  	[sflag:s5] =	ssyncset.done $0x0  }
0x43c: {  	s10 =	simm.s32 $0x10C0;
	[sflag:s5] =	ssyncadd.s32 $0xFFFFF000  }
0x43d: {  	v0 =	vld [tilespmem:s10+$0x30]  }
0x43e: {  	v1 =	vld [tilespmem:s10+$0xFFFFFFD0]  }
0x43f: {  	v2 =	vld [tilespmem:s10+$0xFFFFFFE0]  }
0x440: {  	v3 =	vld [tilespmem:s10+$0xFFFFFFF0]  }
0x441: {  	v4 =	vld [tilespmem:s10+$0x0]  }
0x442: {  	v6 =	vld [tilespmem:s10+$0x10]  }
0x443: {  	v7 =	vld [tilespmem:s10+$0x20]  }
0x444: {  	v8 =	vld [tilespmem:s10+$0xFFFFFFC0]  }
0x445: {  	v9 =	vld.idx.msk [tilespmem:v0+s26+$0x0], $0xffff  }
0x446: {  	v10 =	vld.idx.msk [tilespmem:v1+s26+$0x0], $0xffff  }
0x447: {  	v5 =	vld.idx.msk [tilespmem:v2+s26+$0x0], $0xffff  }
0x448: {  	v3 =	vld.idx.msk [tilespmem:v3+s26+$0x0], $0xffff  }
0x449: {  	v0 =	vld.idx.msk [tilespmem:v4+s26+$0x0], $0xffff  }
0x44a: {  	s8 =	simm.s32 $0x40C0;
	v1 =	vld.idx.msk [tilespmem:v6+s26+$0x0], $0xffff  }
0x44b: {  	v2 =	vld.idx.msk [tilespmem:v7+s26+$0x0], $0xffff;
	[tilespmem:s8+$0x30] =	vst v9  }
0x44c: {  	s9 =	simm.s32 $0x0;
	s10 =	simm.s32 $0x1140;
	v4 =	vld.idx.msk [tilespmem:v8+s26+$0x0], $0xffff;
	[tilespmem:s8+$0xFFFFFFD0] =	vst v10  }
.LBB2_40:
0x44d: {  	v6 =	vld [tilespmem:s10+$0x30];
	s9 =	sadd.s32 $0x80, s9;
	[tilespmem:s8+$0xFFFFFFE0] =	vst v5  }
0x44e: {  	v5 =	vld [tilespmem:s10+$0xFFFFFFD0];
	p0 =	slt.u32 s9, $0xF80;
	[tilespmem:s8+$0xFFFFFFF0] =	vst v3  }
0x44f: {  	v3 =	vld [tilespmem:s10+$0xFFFFFFE0];
	[tilespmem:s8+$0x0] =	vst v0  }
0x450: {  	v0 =	vld [tilespmem:s10+$0xFFFFFFF0];
	[tilespmem:s8+$0x10] =	vst v1  }
0x451: {  	v1 =	vld [tilespmem:s10+$0x0];
	[tilespmem:s8+$0x20] =	vst v2  }
0x452: {  	v2 =	vld [tilespmem:s10+$0x10];
	[tilespmem:s8+$0xFFFFFFC0] =	vst v4  }
0x453: {  	v4 =	vld [tilespmem:s10+$0x20]  }
0x454: {  	v7 =	vld [tilespmem:s10+$0xFFFFFFC0]  }
0x455: {  	v6 =	vld.idx.msk [tilespmem:v6+s26+$0x0], $0xffff  }
0x456: {  	v8 =	vld.idx.msk [tilespmem:v5+s26+$0x0], $0xffff  }
0x457: {  	v5 =	vld.idx.msk [tilespmem:v3+s26+$0x0], $0xffff  }
.Ltmp19:
0x458: {  	v3 =	vld.idx.msk [tilespmem:v0+s26+$0x0], $0xffff;
	(pc) =	sbr.rel @p0 .LBB2_40-.Ltmp19, $4  }
0x459: {  	v0 =	vld.idx.msk [tilespmem:v1+s26+$0x0], $0xffff  }
0x45a: {  	s8 =	sadd.s32 $0x80, s8;
	v1 =	vld.idx.msk [tilespmem:v2+s26+$0x0], $0xffff  }
0x45b: {  	v2 =	vld.idx.msk [tilespmem:v4+s26+$0x0], $0xffff;
	[tilespmem:s8+$0x30] =	vst v6  }
0x45c: {  	s10 =	sadd.s32 $0x80, s10;
	v4 =	vld.idx.msk [tilespmem:v7+s26+$0x0], $0xffff;
	[tilespmem:s8+$0xFFFFFFD0] =	vst v8  }
0x45d: {  	[tilespmem:s8+$0xFFFFFFE0] =	vst v5  }
0x45e: {  	[tilespmem:s8+$0xFFFFFFF0] =	vst v3  }
0x45f: {  	[tilespmem:s8+$0x0] =	vst v0  }
0x460: {  	[tilespmem:s8+$0x10] =	vst v1  }
0x461: {  	[tilespmem:s8+$0x20] =	vst v2  }
0x462: {  	[tilespmem:s8+$0xFFFFFFC0] =	vst v4  }
0x463: {  	[hbm4b:s15+s26] =	stream.linear.scatter [tilespmem:s1], [sflag:$0x5], $0x1000, $0x38;
	[tilespmem:$0x6080] =	vst v63  }
0x464: {  	s8 =	rddreg [dreg:$0x1a]  }
0x465: {  	[tilespmem:s28], [sflag:$0x2] =	stream.strided.gather [hbm4b:s8+s25], $0x1000, s24, s25, $0x38;
	[tilespmem:$0x6080] =	vst v63  }
0x466: {  	_ =	swait.ge [sflag:s2], $0x1000  }
0x467: {  	[sflag:s2] =	ssyncset.done $0x0  }
0x468: {  	[sflag:s2] =	ssyncadd.s32 $0xFFFFF000  }
0x469: {  	_ =	swait.ge [sflag:s6], $0x1000  }
0x46a: {  	[sflag:s6] =	ssyncset.done $0x0  }
0x46b: {  	s10 =	simm.s32 $0x20C0;
	[sflag:s6] =	ssyncadd.s32 $0xFFFFF000  }
0x46c: {  	v0 =	vld [tilespmem:s10+$0x30]  }
0x46d: {  	v1 =	vld [tilespmem:s10+$0xFFFFFFD0]  }
0x46e: {  	v2 =	vld [tilespmem:s10+$0xFFFFFFE0]  }
0x46f: {  	v3 =	vld [tilespmem:s10+$0xFFFFFFF0]  }
0x470: {  	v4 =	vld [tilespmem:s10+$0x0]  }
0x471: {  	v6 =	vld [tilespmem:s10+$0x10]  }
0x472: {  	v7 =	vld [tilespmem:s10+$0x20]  }
0x473: {  	v8 =	vld [tilespmem:s10+$0xFFFFFFC0]  }
0x474: {  	v9 =	vld.idx.msk [tilespmem:v0+s26+$0x0], $0xffff  }
0x475: {  	v10 =	vld.idx.msk [tilespmem:v1+s26+$0x0], $0xffff  }
0x476: {  	v5 =	vld.idx.msk [tilespmem:v2+s26+$0x0], $0xffff  }
0x477: {  	v3 =	vld.idx.msk [tilespmem:v3+s26+$0x0], $0xffff  }
0x478: {  	v0 =	vld.idx.msk [tilespmem:v4+s26+$0x0], $0xffff  }
0x479: {  	s8 =	simm.s32 $0x50C0;
	v1 =	vld.idx.msk [tilespmem:v6+s26+$0x0], $0xffff  }
0x47a: {  	v2 =	vld.idx.msk [tilespmem:v7+s26+$0x0], $0xffff;
	[tilespmem:s8+$0x30] =	vst v9  }
0x47b: {  	s9 =	simm.s32 $0x0;
	s10 =	simm.s32 $0x2140;
	v4 =	vld.idx.msk [tilespmem:v8+s26+$0x0], $0xffff;
	[tilespmem:s8+$0xFFFFFFD0] =	vst v10  }
.LBB2_42:
0x47c: {  	v6 =	vld [tilespmem:s10+$0x30];
	s9 =	sadd.s32 $0x80, s9;
	[tilespmem:s8+$0xFFFFFFE0] =	vst v5  }
0x47d: {  	v5 =	vld [tilespmem:s10+$0xFFFFFFD0];
	p0 =	slt.u32 s9, $0xF80;
	[tilespmem:s8+$0xFFFFFFF0] =	vst v3  }
0x47e: {  	v3 =	vld [tilespmem:s10+$0xFFFFFFE0];
	[tilespmem:s8+$0x0] =	vst v0  }
0x47f: {  	v0 =	vld [tilespmem:s10+$0xFFFFFFF0];
	[tilespmem:s8+$0x10] =	vst v1  }
0x480: {  	v1 =	vld [tilespmem:s10+$0x0];
	[tilespmem:s8+$0x20] =	vst v2  }
0x481: {  	v2 =	vld [tilespmem:s10+$0x10];
	[tilespmem:s8+$0xFFFFFFC0] =	vst v4  }
0x482: {  	v4 =	vld [tilespmem:s10+$0x20]  }
0x483: {  	v7 =	vld [tilespmem:s10+$0xFFFFFFC0]  }
0x484: {  	v6 =	vld.idx.msk [tilespmem:v6+s26+$0x0], $0xffff  }
0x485: {  	v8 =	vld.idx.msk [tilespmem:v5+s26+$0x0], $0xffff  }
0x486: {  	v5 =	vld.idx.msk [tilespmem:v3+s26+$0x0], $0xffff  }
.Ltmp20:
0x487: {  	v3 =	vld.idx.msk [tilespmem:v0+s26+$0x0], $0xffff;
	(pc) =	sbr.rel @p0 .LBB2_42-.Ltmp20, $4  }
0x488: {  	v0 =	vld.idx.msk [tilespmem:v1+s26+$0x0], $0xffff  }
0x489: {  	s8 =	sadd.s32 $0x80, s8;
	v1 =	vld.idx.msk [tilespmem:v2+s26+$0x0], $0xffff  }
0x48a: {  	v2 =	vld.idx.msk [tilespmem:v4+s26+$0x0], $0xffff;
	[tilespmem:s8+$0x30] =	vst v6  }
0x48b: {  	s10 =	sadd.s32 $0x80, s10;
	v4 =	vld.idx.msk [tilespmem:v7+s26+$0x0], $0xffff;
	[tilespmem:s8+$0xFFFFFFD0] =	vst v8  }
0x48c: {  	[tilespmem:s8+$0xFFFFFFE0] =	vst v5  }
0x48d: {  	[tilespmem:s8+$0xFFFFFFF0] =	vst v3  }
0x48e: {  	[tilespmem:s8+$0x0] =	vst v0  }
0x48f: {  	[tilespmem:s8+$0x10] =	vst v1  }
0x490: {  	[tilespmem:s8+$0x20] =	vst v2  }
0x491: {  	[tilespmem:s8+$0xFFFFFFC0] =	vst v4  }
0x492: {  	[hbm4b:s16+s26] =	stream.linear.scatter [tilespmem:s3], [sflag:$0x6], $0x1000, $0x38;
	[tilespmem:$0x6080] =	vst v63  }
0x493: {  	s8 =	rddreg [dreg:$0x1b]  }
0x494: {  	[tilespmem:s29], [sflag:$0x3] =	stream.strided.gather [hbm4b:s8+s25], $0x1000, s24, s25, $0x38;
	[tilespmem:$0x6080] =	vst v63  }
0x495: {  	_ =	swait.ge [sflag:s30], $0x1000  }
0x496: {  	[sflag:s30] =	ssyncset.done $0x0  }
0x497: {  	[sflag:s30] =	ssyncadd.s32 $0xFFFFF000  }
0x498: {  	_ =	swait.ge [sflag:s4], $0x1000  }
0x499: {  	[sflag:s4] =	ssyncset.done $0x0  }
0x49a: {  	s10 =	simm.s32 $0xC0;
	[sflag:s4] =	ssyncadd.s32 $0xFFFFF000  }
0x49b: {  	v0 =	vld [tilespmem:s10+$0x30]  }
0x49c: {  	v1 =	vld [tilespmem:s10+$0xFFFFFFD0]  }
0x49d: {  	v2 =	vld [tilespmem:s10+$0xFFFFFFE0]  }
0x49e: {  	v3 =	vld [tilespmem:s10+$0xFFFFFFF0]  }
0x49f: {  	v4 =	vld [tilespmem:s10+$0x0]  }
0x4a0: {  	v6 =	vld [tilespmem:s10+$0x10]  }
0x4a1: {  	v7 =	vld [tilespmem:s10+$0x20]  }
0x4a2: {  	v8 =	vld [tilespmem:s10+$0xFFFFFFC0]  }
0x4a3: {  	v9 =	vld.idx.msk [tilespmem:v0+s26+$0x0], $0xffff  }
0x4a4: {  	v10 =	vld.idx.msk [tilespmem:v1+s26+$0x0], $0xffff  }
0x4a5: {  	v5 =	vld.idx.msk [tilespmem:v2+s26+$0x0], $0xffff  }
0x4a6: {  	v3 =	vld.idx.msk [tilespmem:v3+s26+$0x0], $0xffff  }
0x4a7: {  	v0 =	vld.idx.msk [tilespmem:v4+s26+$0x0], $0xffff  }
0x4a8: {  	s8 =	simm.s32 $0x30C0;
	v1 =	vld.idx.msk [tilespmem:v6+s26+$0x0], $0xffff  }
0x4a9: {  	v2 =	vld.idx.msk [tilespmem:v7+s26+$0x0], $0xffff;
	[tilespmem:s8+$0x30] =	vst v9  }
0x4aa: {  	s9 =	simm.s32 $0x0;
	s10 =	simm.s32 $0x140;
	v4 =	vld.idx.msk [tilespmem:v8+s26+$0x0], $0xffff;
	[tilespmem:s8+$0xFFFFFFD0] =	vst v10  }
.LBB2_44:
0x4ab: {  	v6 =	vld [tilespmem:s10+$0x30];
	s9 =	sadd.s32 $0x80, s9;
	[tilespmem:s8+$0xFFFFFFE0] =	vst v5  }
0x4ac: {  	v5 =	vld [tilespmem:s10+$0xFFFFFFD0];
	p0 =	slt.u32 s9, $0xF80;
	[tilespmem:s8+$0xFFFFFFF0] =	vst v3  }
0x4ad: {  	v3 =	vld [tilespmem:s10+$0xFFFFFFE0];
	[tilespmem:s8+$0x0] =	vst v0  }
0x4ae: {  	v0 =	vld [tilespmem:s10+$0xFFFFFFF0];
	[tilespmem:s8+$0x10] =	vst v1  }
0x4af: {  	v1 =	vld [tilespmem:s10+$0x0];
	[tilespmem:s8+$0x20] =	vst v2  }
0x4b0: {  	v2 =	vld [tilespmem:s10+$0x10];
	[tilespmem:s8+$0xFFFFFFC0] =	vst v4  }
0x4b1: {  	v4 =	vld [tilespmem:s10+$0x20]  }
0x4b2: {  	v7 =	vld [tilespmem:s10+$0xFFFFFFC0]  }
0x4b3: {  	v6 =	vld.idx.msk [tilespmem:v6+s26+$0x0], $0xffff  }
0x4b4: {  	v8 =	vld.idx.msk [tilespmem:v5+s26+$0x0], $0xffff  }
0x4b5: {  	v5 =	vld.idx.msk [tilespmem:v3+s26+$0x0], $0xffff  }
.Ltmp21:
0x4b6: {  	v3 =	vld.idx.msk [tilespmem:v0+s26+$0x0], $0xffff;
	(pc) =	sbr.rel @p0 .LBB2_44-.Ltmp21, $4  }
0x4b7: {  	v0 =	vld.idx.msk [tilespmem:v1+s26+$0x0], $0xffff  }
0x4b8: {  	s8 =	sadd.s32 $0x80, s8;
	v1 =	vld.idx.msk [tilespmem:v2+s26+$0x0], $0xffff  }
0x4b9: {  	v2 =	vld.idx.msk [tilespmem:v4+s26+$0x0], $0xffff;
	[tilespmem:s8+$0x30] =	vst v6  }
0x4ba: {  	s10 =	sadd.s32 $0x80, s10;
	v4 =	vld.idx.msk [tilespmem:v7+s26+$0x0], $0xffff;
	[tilespmem:s8+$0xFFFFFFD0] =	vst v8  }
0x4bb: {  	[tilespmem:s8+$0xFFFFFFE0] =	vst v5  }
0x4bc: {  	[tilespmem:s8+$0xFFFFFFF0] =	vst v3  }
0x4bd: {  	[tilespmem:s8+$0x0] =	vst v0  }
0x4be: {  	[tilespmem:s8+$0x10] =	vst v1  }
0x4bf: {  	[tilespmem:s8+$0x20] =	vst v2  }
0x4c0: {  	[tilespmem:s8+$0xFFFFFFC0] =	vst v4  }
0x4c1: {  	[hbm4b:s17+s26] =	stream.linear.scatter [tilespmem:s31], [sflag:$0x4], $0x1000, $0x38;
	[tilespmem:$0x6080] =	vst v63  }
0x4c2: {  	s8 =	rddreg [dreg:$0x1c]  }
0x4c3: {  	[tilespmem:s25], [sflag:$0x1] =	stream.strided.gather [hbm4b:s8+s25], $0x1000, s24, s25, $0x38;
	[tilespmem:$0x6080] =	vst v63  }
0x4c4: {  	_ =	swait.ge [sflag:s0], $0x1000  }
0x4c5: {  	[sflag:s0] =	ssyncset.done $0x0  }
0x4c6: {  	[sflag:s0] =	ssyncadd.s32 $0xFFFFF000  }
0x4c7: {  	_ =	swait.ge [sflag:s5], $0x1000  }
0x4c8: {  	[sflag:s5] =	ssyncset.done $0x0  }
0x4c9: {  	s10 =	simm.s32 $0x10C0;
	[sflag:s5] =	ssyncadd.s32 $0xFFFFF000  }
0x4ca: {  	v0 =	vld [tilespmem:s10+$0x30]  }
0x4cb: {  	v1 =	vld [tilespmem:s10+$0xFFFFFFD0]  }
0x4cc: {  	v2 =	vld [tilespmem:s10+$0xFFFFFFE0]  }
0x4cd: {  	v3 =	vld [tilespmem:s10+$0xFFFFFFF0]  }
0x4ce: {  	v4 =	vld [tilespmem:s10+$0x0]  }
0x4cf: {  	v6 =	vld [tilespmem:s10+$0x10]  }
0x4d0: {  	v7 =	vld [tilespmem:s10+$0x20]  }
0x4d1: {  	v8 =	vld [tilespmem:s10+$0xFFFFFFC0]  }
0x4d2: {  	v9 =	vld.idx.msk [tilespmem:v0+s26+$0x0], $0xffff  }
0x4d3: {  	v10 =	vld.idx.msk [tilespmem:v1+s26+$0x0], $0xffff  }
0x4d4: {  	v5 =	vld.idx.msk [tilespmem:v2+s26+$0x0], $0xffff  }
0x4d5: {  	v3 =	vld.idx.msk [tilespmem:v3+s26+$0x0], $0xffff  }
0x4d6: {  	v0 =	vld.idx.msk [tilespmem:v4+s26+$0x0], $0xffff  }
0x4d7: {  	s8 =	simm.s32 $0x40C0;
	v1 =	vld.idx.msk [tilespmem:v6+s26+$0x0], $0xffff  }
0x4d8: {  	v2 =	vld.idx.msk [tilespmem:v7+s26+$0x0], $0xffff;
	[tilespmem:s8+$0x30] =	vst v9  }
0x4d9: {  	s9 =	simm.s32 $0x0;
	s10 =	simm.s32 $0x1140;
	v4 =	vld.idx.msk [tilespmem:v8+s26+$0x0], $0xffff;
	[tilespmem:s8+$0xFFFFFFD0] =	vst v10  }
.LBB2_46:
0x4da: {  	v6 =	vld [tilespmem:s10+$0x30];
	s9 =	sadd.s32 $0x80, s9;
	[tilespmem:s8+$0xFFFFFFE0] =	vst v5  }
0x4db: {  	v5 =	vld [tilespmem:s10+$0xFFFFFFD0];
	p0 =	slt.u32 s9, $0xF80;
	[tilespmem:s8+$0xFFFFFFF0] =	vst v3  }
0x4dc: {  	v3 =	vld [tilespmem:s10+$0xFFFFFFE0];
	[tilespmem:s8+$0x0] =	vst v0  }
0x4dd: {  	v0 =	vld [tilespmem:s10+$0xFFFFFFF0];
	[tilespmem:s8+$0x10] =	vst v1  }
0x4de: {  	v1 =	vld [tilespmem:s10+$0x0];
	[tilespmem:s8+$0x20] =	vst v2  }
0x4df: {  	v2 =	vld [tilespmem:s10+$0x10];
	[tilespmem:s8+$0xFFFFFFC0] =	vst v4  }
0x4e0: {  	v4 =	vld [tilespmem:s10+$0x20]  }
0x4e1: {  	v7 =	vld [tilespmem:s10+$0xFFFFFFC0]  }
0x4e2: {  	v6 =	vld.idx.msk [tilespmem:v6+s26+$0x0], $0xffff  }
0x4e3: {  	v8 =	vld.idx.msk [tilespmem:v5+s26+$0x0], $0xffff  }
0x4e4: {  	v5 =	vld.idx.msk [tilespmem:v3+s26+$0x0], $0xffff  }
.Ltmp22:
0x4e5: {  	v3 =	vld.idx.msk [tilespmem:v0+s26+$0x0], $0xffff;
	(pc) =	sbr.rel @p0 .LBB2_46-.Ltmp22, $4  }
0x4e6: {  	v0 =	vld.idx.msk [tilespmem:v1+s26+$0x0], $0xffff  }
0x4e7: {  	s8 =	sadd.s32 $0x80, s8;
	v1 =	vld.idx.msk [tilespmem:v2+s26+$0x0], $0xffff  }
0x4e8: {  	v2 =	vld.idx.msk [tilespmem:v4+s26+$0x0], $0xffff;
	[tilespmem:s8+$0x30] =	vst v6  }
0x4e9: {  	s10 =	sadd.s32 $0x80, s10;
	v4 =	vld.idx.msk [tilespmem:v7+s26+$0x0], $0xffff;
	[tilespmem:s8+$0xFFFFFFD0] =	vst v8  }
0x4ea: {  	[tilespmem:s8+$0xFFFFFFE0] =	vst v5  }
0x4eb: {  	[tilespmem:s8+$0xFFFFFFF0] =	vst v3  }
0x4ec: {  	[tilespmem:s8+$0x0] =	vst v0  }
0x4ed: {  	[tilespmem:s8+$0x10] =	vst v1  }
0x4ee: {  	[tilespmem:s8+$0x20] =	vst v2  }
0x4ef: {  	[tilespmem:s8+$0xFFFFFFC0] =	vst v4  }
0x4f0: {  	[hbm4b:s18+s26] =	stream.linear.scatter [tilespmem:s1], [sflag:$0x5], $0x1000, $0x38;
	[tilespmem:$0x6080] =	vst v63  }
0x4f1: {  	_ =	swait.ge [sflag:s2], $0x1000  }
0x4f2: {  	[sflag:s2] =	ssyncset.done $0x0  }
0x4f3: {  	[sflag:s2] =	ssyncadd.s32 $0xFFFFF000  }
0x4f4: {  	_ =	swait.ge [sflag:s6], $0x1000  }
0x4f5: {  	[sflag:s6] =	ssyncset.done $0x0  }
0x4f6: {  	s10 =	simm.s32 $0x20C0;
	[sflag:s6] =	ssyncadd.s32 $0xFFFFF000  }
0x4f7: {  	v0 =	vld [tilespmem:s10+$0x30]  }
0x4f8: {  	v1 =	vld [tilespmem:s10+$0xFFFFFFD0]  }
0x4f9: {  	v2 =	vld [tilespmem:s10+$0xFFFFFFE0]  }
0x4fa: {  	v3 =	vld [tilespmem:s10+$0xFFFFFFF0]  }
0x4fb: {  	v4 =	vld [tilespmem:s10+$0x0]  }
0x4fc: {  	v6 =	vld [tilespmem:s10+$0x10]  }
0x4fd: {  	v7 =	vld [tilespmem:s10+$0x20]  }
0x4fe: {  	v8 =	vld [tilespmem:s10+$0xFFFFFFC0]  }
0x4ff: {  	v9 =	vld.idx.msk [tilespmem:v0+s26+$0x0], $0xffff  }
0x500: {  	v10 =	vld.idx.msk [tilespmem:v1+s26+$0x0], $0xffff  }
0x501: {  	v5 =	vld.idx.msk [tilespmem:v2+s26+$0x0], $0xffff  }
0x502: {  	v3 =	vld.idx.msk [tilespmem:v3+s26+$0x0], $0xffff  }
0x503: {  	v0 =	vld.idx.msk [tilespmem:v4+s26+$0x0], $0xffff  }
0x504: {  	s8 =	simm.s32 $0x50C0;
	v1 =	vld.idx.msk [tilespmem:v6+s26+$0x0], $0xffff  }
0x505: {  	v2 =	vld.idx.msk [tilespmem:v7+s26+$0x0], $0xffff;
	[tilespmem:s8+$0x30] =	vst v9  }
0x506: {  	s9 =	simm.s32 $0x0;
	s10 =	simm.s32 $0x2140;
	v4 =	vld.idx.msk [tilespmem:v8+s26+$0x0], $0xffff;
	[tilespmem:s8+$0xFFFFFFD0] =	vst v10  }
.LBB2_48:
0x507: {  	v6 =	vld [tilespmem:s10+$0x30];
	s9 =	sadd.s32 $0x80, s9;
	[tilespmem:s8+$0xFFFFFFE0] =	vst v5  }
0x508: {  	v5 =	vld [tilespmem:s10+$0xFFFFFFD0];
	p0 =	slt.u32 s9, $0xF80;
	[tilespmem:s8+$0xFFFFFFF0] =	vst v3  }
0x509: {  	v3 =	vld [tilespmem:s10+$0xFFFFFFE0];
	[tilespmem:s8+$0x0] =	vst v0  }
0x50a: {  	v0 =	vld [tilespmem:s10+$0xFFFFFFF0];
	[tilespmem:s8+$0x10] =	vst v1  }
0x50b: {  	v1 =	vld [tilespmem:s10+$0x0];
	[tilespmem:s8+$0x20] =	vst v2  }
0x50c: {  	v2 =	vld [tilespmem:s10+$0x10];
	[tilespmem:s8+$0xFFFFFFC0] =	vst v4  }
0x50d: {  	v4 =	vld [tilespmem:s10+$0x20]  }
0x50e: {  	v7 =	vld [tilespmem:s10+$0xFFFFFFC0]  }
0x50f: {  	v6 =	vld.idx.msk [tilespmem:v6+s26+$0x0], $0xffff  }
0x510: {  	v8 =	vld.idx.msk [tilespmem:v5+s26+$0x0], $0xffff  }
0x511: {  	v5 =	vld.idx.msk [tilespmem:v3+s26+$0x0], $0xffff  }
.Ltmp23:
0x512: {  	v3 =	vld.idx.msk [tilespmem:v0+s26+$0x0], $0xffff;
	(pc) =	sbr.rel @p0 .LBB2_48-.Ltmp23, $4  }
0x513: {  	v0 =	vld.idx.msk [tilespmem:v1+s26+$0x0], $0xffff  }
0x514: {  	s8 =	sadd.s32 $0x80, s8;
	v1 =	vld.idx.msk [tilespmem:v2+s26+$0x0], $0xffff  }
0x515: {  	v2 =	vld.idx.msk [tilespmem:v4+s26+$0x0], $0xffff;
	[tilespmem:s8+$0x30] =	vst v6  }
0x516: {  	s10 =	sadd.s32 $0x80, s10;
	v4 =	vld.idx.msk [tilespmem:v7+s26+$0x0], $0xffff;
	[tilespmem:s8+$0xFFFFFFD0] =	vst v8  }
0x517: {  	[tilespmem:s8+$0xFFFFFFE0] =	vst v5  }
0x518: {  	[tilespmem:s8+$0xFFFFFFF0] =	vst v3  }
0x519: {  	[tilespmem:s8+$0x0] =	vst v0  }
0x51a: {  	[tilespmem:s8+$0x10] =	vst v1  }
0x51b: {  	[tilespmem:s8+$0x20] =	vst v2  }
0x51c: {  	[tilespmem:s8+$0xFFFFFFC0] =	vst v4  }
0x51d: {  	[hbm4b:s19+s26] =	stream.linear.scatter [tilespmem:s3], [sflag:$0x6], $0x1000, $0x38;
	[tilespmem:$0x6080] =	vst v63  }
0x51e: {  	_ =	swait.ge [sflag:s30], $0x1000  }
0x51f: {  	[sflag:s30] =	ssyncset.done $0x0  }
0x520: {  	[sflag:s30] =	ssyncadd.s32 $0xFFFFF000  }
0x521: {  	_ =	swait.ge [sflag:s4], $0x1000  }
0x522: {  	[sflag:s4] =	ssyncset.done $0x0  }
0x523: {  	s10 =	simm.s32 $0xC0;
	[sflag:s4] =	ssyncadd.s32 $0xFFFFF000  }
0x524: {  	v0 =	vld [tilespmem:s10+$0x30]  }
0x525: {  	v1 =	vld [tilespmem:s10+$0xFFFFFFD0]  }
0x526: {  	v2 =	vld [tilespmem:s10+$0xFFFFFFE0]  }
0x527: {  	v3 =	vld [tilespmem:s10+$0xFFFFFFF0]  }
0x528: {  	v4 =	vld [tilespmem:s10+$0x0]  }
0x529: {  	v6 =	vld [tilespmem:s10+$0x10]  }
0x52a: {  	v7 =	vld [tilespmem:s10+$0x20]  }
0x52b: {  	v8 =	vld [tilespmem:s10+$0xFFFFFFC0]  }
0x52c: {  	v9 =	vld.idx.msk [tilespmem:v0+s26+$0x0], $0xffff  }
0x52d: {  	v10 =	vld.idx.msk [tilespmem:v1+s26+$0x0], $0xffff  }
0x52e: {  	v5 =	vld.idx.msk [tilespmem:v2+s26+$0x0], $0xffff  }
0x52f: {  	v3 =	vld.idx.msk [tilespmem:v3+s26+$0x0], $0xffff  }
0x530: {  	v0 =	vld.idx.msk [tilespmem:v4+s26+$0x0], $0xffff  }
0x531: {  	s8 =	simm.s32 $0x30C0;
	v1 =	vld.idx.msk [tilespmem:v6+s26+$0x0], $0xffff  }
0x532: {  	v2 =	vld.idx.msk [tilespmem:v7+s26+$0x0], $0xffff;
	[tilespmem:s8+$0x30] =	vst v9  }
0x533: {  	s9 =	simm.s32 $0x0;
	s10 =	simm.s32 $0x140;
	v4 =	vld.idx.msk [tilespmem:v8+s26+$0x0], $0xffff;
	[tilespmem:s8+$0xFFFFFFD0] =	vst v10  }
.LBB2_50:
0x534: {  	v6 =	vld [tilespmem:s10+$0x30];
	s9 =	sadd.s32 $0x80, s9;
	[tilespmem:s8+$0xFFFFFFE0] =	vst v5  }
0x535: {  	v5 =	vld [tilespmem:s10+$0xFFFFFFD0];
	p0 =	slt.u32 s9, $0xF80;
	[tilespmem:s8+$0xFFFFFFF0] =	vst v3  }
0x536: {  	v3 =	vld [tilespmem:s10+$0xFFFFFFE0];
	[tilespmem:s8+$0x0] =	vst v0  }
0x537: {  	v0 =	vld [tilespmem:s10+$0xFFFFFFF0];
	[tilespmem:s8+$0x10] =	vst v1  }
0x538: {  	v1 =	vld [tilespmem:s10+$0x0];
	[tilespmem:s8+$0x20] =	vst v2  }
0x539: {  	v2 =	vld [tilespmem:s10+$0x10];
	[tilespmem:s8+$0xFFFFFFC0] =	vst v4  }
0x53a: {  	v4 =	vld [tilespmem:s10+$0x20]  }
0x53b: {  	v7 =	vld [tilespmem:s10+$0xFFFFFFC0]  }
0x53c: {  	v6 =	vld.idx.msk [tilespmem:v6+s26+$0x0], $0xffff  }
0x53d: {  	v8 =	vld.idx.msk [tilespmem:v5+s26+$0x0], $0xffff  }
0x53e: {  	v5 =	vld.idx.msk [tilespmem:v3+s26+$0x0], $0xffff  }
.Ltmp24:
0x53f: {  	v3 =	vld.idx.msk [tilespmem:v0+s26+$0x0], $0xffff;
	(pc) =	sbr.rel @p0 .LBB2_50-.Ltmp24, $4  }
0x540: {  	v0 =	vld.idx.msk [tilespmem:v1+s26+$0x0], $0xffff  }
0x541: {  	s8 =	sadd.s32 $0x80, s8;
	v1 =	vld.idx.msk [tilespmem:v2+s26+$0x0], $0xffff  }
0x542: {  	v2 =	vld.idx.msk [tilespmem:v4+s26+$0x0], $0xffff;
	[tilespmem:s8+$0x30] =	vst v6  }
0x543: {  	s10 =	sadd.s32 $0x80, s10;
	v4 =	vld.idx.msk [tilespmem:v7+s26+$0x0], $0xffff;
	[tilespmem:s8+$0xFFFFFFD0] =	vst v8  }
0x544: {  	[tilespmem:s8+$0xFFFFFFE0] =	vst v5  }
0x545: {  	[tilespmem:s8+$0xFFFFFFF0] =	vst v3  }
0x546: {  	[tilespmem:s8+$0x0] =	vst v0  }
0x547: {  	[tilespmem:s8+$0x10] =	vst v1  }
0x548: {  	[tilespmem:s8+$0x20] =	vst v2  }
0x549: {  	[tilespmem:s8+$0xFFFFFFC0] =	vst v4  }
0x54a: {  	[hbm4b:s20+s26] =	stream.linear.scatter [tilespmem:s31], [sflag:$0x4], $0x1000, $0x38;
	[tilespmem:$0x6080] =	vst v63  }
0x54b: {  	_ =	swait.ge [sflag:s4], $0x1000  }
0x54c: {  	[sflag:s4] =	ssyncset.done $0x0  }
0x54d: {  	s7 =	sadd.s32 $0x1, s7;
	[sflag:s4] =	ssyncadd.s32 $0xFFFFF000  }
0x54e: {  	p0 =	sne.s32 s7, s22;
	_ =	swait.ge [sflag:s5], $0x1000  }
.Ltmp25:
0x54f: {  	[sflag:s5] =	ssyncset.done $0x0;
	(pc) =	sbr.rel @p0 .LBB2_1-.Ltmp25, $4  }
0x550: {  	[sflag:s5] =	ssyncadd.s32 $0xFFFFF000  }
0x551: {  	_ =	swait.ge [sflag:s6], $0x1000  }
0x552: {  	[sflag:s6] =	ssyncset.done $0x0  }
0x553: {  	[sflag:s6] =	ssyncadd.s32 $0xFFFFF000  }
0x554: {  	_ =	sfence.sel $0x180000  }
0x555: {  	[bflag:$0x0] =	sbarrier.arrive $0xFFFF  }
0x556: {  	_ =	strace $0x90000047  }
0x557: {  	s0 =	stileid.u32;
	[bflag:$0x2] =	sbarrier.arrive $0xFFFF  }
0x558: {  	p0 =	sne.s32 s0, $0x0;
	s0 =	rddreg [dreg:$0x3]  }
0x559: {  	s0 =	sadd.s32 @!p0 $0x100000, s0  }
0x55a: {  	[sflag:s0] =	ssyncadd.tile.s32 @!p0 $0x1;
	_ =	shalt  }
.Lfunc_end2:
_tile_overlayer_lowered:
.L_overlay_start_2:
0x55b: {  	(tag) =	ssettag $0x2  }
0x55c: {  	s0 =	rddreg [dreg:$0x0];
	s2 =	stileid.u32  }
0x55d: {  	s1 =	rddreg [dreg:$0x1];
	p0 =	sne.s32 s2, $0x0  }
0x55e: {  	s3 =	rddreg [dreg:$0x2];
	[bflag:$0x3] =	sbarrier.arrive $0xFFFF;
	s2 =	simm.s32 @!p0 $0x1C07  }
0x55f: {  	[timem:s3], [sflag:s2] =	dma.local @!p0 [hbm:s0], s1  }
0x560: {  	s0 =	simm.s32 @!p0 $0x7  }
0x561: {  	_ =	swait.ge @!p0 [sflag:s0], s1  }
0x562: {  	s1 =	ssub.s32 @!p0 $0x0, s1;
	[sflag:s0] =	ssyncset.done @!p0 $0x0  }
0x563: {  	[sflag:s0] =	ssyncadd.s32 @!p0 s1  }
0x564: {  	[bflag:$0x3] =	sbarrier.arrive $0xFFFF  }
0x565: {  	_ =	shalt  }

</sc_bundles>
